<compile_context>
chip_gen: v7x
topology: tpu7x:2x2x1
jax: 0.10.2.dev20260603
libtpu: 0.0.44.dev20260713+nightly
codegen_flags: <defaults>
</compile_context>

<pallas_src>
import functools

import jax
import jax.numpy as jnp
from jax import lax
from jax.experimental import pallas as pl
from jax.experimental.pallas import tpu as pltpu
from jax.experimental.pallas import tpu_sc as plsc

EMBED_DIM = 32
NUM_CORES = 2
NUM_SUBCORES = 16
NUM_WORKERS = NUM_CORES * NUM_SUBCORES
NBUF = 2
SPLIT_B = 4


@jax.jit
def _gather(idx_t, table):
    S, H, B = idx_t.shape
    n_pairs = S * H
    pairs_per_w = n_pairs // NUM_WORKERS
    chunk = B // SPLIT_B
    n_chunks = pairs_per_w * SPLIT_B
    mesh = plsc.VectorSubcoreMesh(core_axis_name="c", subcore_axis_name="s")

    @functools.partial(
        pl.kernel,
        mesh=mesh,
        out_type=jax.ShapeDtypeStruct((B, S, H, EMBED_DIM), jnp.float32),
        scratch_types=[
            pltpu.VMEM((NBUF, chunk), jnp.int32),
            pltpu.VMEM((NBUF, chunk, EMBED_DIM), jnp.float32),
        ]
        + [pltpu.SemaphoreType.DMA] * (3 * NBUF),
        compiler_params=pltpu.CompilerParams(use_tc_tiling_on_sc=False),
    )
    def k(idx_hbm, table_hbm, out_hbm, idx_v, rows_v, *sems):
        isem = sems[0:NBUF]
        gsem = sems[NBUF:2 * NBUF]
        osem = sems[2 * NBUF:3 * NBUF]
        wid = lax.axis_index("s") * NUM_CORES + lax.axis_index("c")
        pair0 = wid * pairs_per_w

        def chunk_coords(c):
            p = pair0 + c // SPLIT_B
            b0 = (c % SPLIT_B) * chunk
            return p // H, p % H, b0

        idx_h, g_h, o_h = {}, {}, {}

        def idx_start(c):
            b = c % NBUF
            s, h, b0 = chunk_coords(c)
            idx_h[c] = pltpu.async_copy(
                idx_hbm.at[s, h, pl.ds(b0, chunk)], idx_v.at[b], isem[b])

        def gather_start(c):
            b = c % NBUF
            g_h[c] = pltpu.async_copy(
                table_hbm.at[idx_v.at[b]], rows_v.at[b], gsem[b])

        def out_start(c):
            b = c % NBUF
            s, h, b0 = chunk_coords(c)
            o_h[c] = pltpu.async_copy(
                rows_v.at[b], out_hbm.at[pl.ds(b0, chunk), s, h], osem[b])

        for c in range(min(NBUF, n_chunks)):
            idx_start(c)
        for c in range(n_chunks):
            if c >= NBUF:
                o_h[c - NBUF].wait()
            idx_h[c].wait()
            gather_start(c)
            g_h[c].wait()
            if c + NBUF < n_chunks:
                idx_start(c + NBUF)
            out_start(c)
        for c in range(max(0, n_chunks - NBUF), n_chunks):
            o_h[c].wait()

    return k(idx_t, table)


def kernel(indices, table):
    idx_t = jnp.transpose(indices, (1, 2, 0))
    return _gather(idx_t, table)

# --- scband reference (transcript-rebuilt; emitter-appended) ---
"""Pipeline reference for scband-multi-head-embedding-74079595921416 (READ-ONLY COPY).

The authoritative reference and input builder live on the scoring server;
editing this copy changes nothing except your own understanding.
"""

import jax, jax.numpy as jnp
import numpy as np

TOTAL_ROWS = 1000000
EMBED_DIM = 32

def setup_inputs(seed: int = 0) -> dict:
    key = jax.random.key(seed)
    k_idx, k_tab = jax.random.split(key)
    indices = jax.random.randint(k_idx, (4096, 20, 8), 0, TOTAL_ROWS, dtype=jnp.int64 if jax.config.jax_enable_x64 else jnp.int32)
    table = jax.random.normal(k_tab, (TOTAL_ROWS, EMBED_DIM), dtype=jnp.float32) * 0.02
    return {"indices": indices, "table": table}

def reference(indices, table):
    # nn.Embedding lookup: [B, S, H] -> [B, S, H, D]
    return jnp.take(table, indices, axis=0)

if __name__ == "__main__":
    import jax
    _d = setup_inputs()
    print(jax.jit(kernel)(*tuple(_d.values())))

</pallas_src>

<mosaic_0001>
#map = affine_map<(d0, d1) -> (0, 0, 0)>
#map1 = affine_map<(d0, d1) -> (0, 0)>
#map2 = affine_map<(d0, d1) -> (0, 0, 0, 0)>
module attributes {stable_mosaic.version = 14 : i64} {
  func.func @k(%arg0: i32, %arg1: i32, %arg2: memref<20x8x4096xi32, #tpu.memory_space<hbm>>, %arg3: memref<1000000x32xf32, #tpu.memory_space<hbm>>, %arg4: memref<4096x20x8x32xf32, #tpu.memory_space<hbm>>, %arg5: memref<2x1024xi32, #tpu.memory_space<vmem>>, %arg6: memref<2x1024x32xf32, #tpu.memory_space<vmem>>, %arg7: memref<!tpu.dma_semaphore, #tpu.memory_space<semaphore_mem>>, %arg8: memref<!tpu.dma_semaphore, #tpu.memory_space<semaphore_mem>>, %arg9: memref<!tpu.dma_semaphore, #tpu.memory_space<semaphore_mem>>, %arg10: memref<!tpu.dma_semaphore, #tpu.memory_space<semaphore_mem>>, %arg11: memref<!tpu.dma_semaphore, #tpu.memory_space<semaphore_mem>>, %arg12: memref<!tpu.dma_semaphore, #tpu.memory_space<semaphore_mem>>) attributes {dimension_semantics = [#tpu.dimension_semantics<core_parallel>, #tpu.dimension_semantics<subcore_parallel>], iteration_bounds = array<i64: 2, 16>, scalar_prefetch = 0 : i64, scratch_operands = 8 : i64, tpu.core_type = #tpu.core_type<sc_vector_subcore>, window_params = [{transform_indices = #map}, {transform_indices = #map1}, {transform_indices = #map2}]} {
    %mul3A = arith.constant 2 : i32
    %mul3A_0 = arith.muli %arg1, %mul3A : i32
    %add3A = arith.addi %mul3A_0, %arg0 : i32
    %mul3A_1 = arith.constant 5 : i32
    %mul3A_2 = arith.muli %add3A, %mul3A_1 : i32
    %add3A_3 = arith.constant 0 : i32
    %add3A_4 = arith.addi %mul3A_2, %add3A_3 : i32
    %jit3A = arith.constant 8 : i32
    %div3A = arith.divsi %add3A_4, %jit3A : i32
    %sign3A = arith.constant 0 : i32
    %sign3A_5 = arith.cmpi sgt, %add3A_4, %sign3A : i32
    %sign3A_6 = arith.extui %sign3A_5 : i1 to i32
    %sign3A_7 = arith.constant 0 : i32
    %sign3A_8 = arith.cmpi slt, %add3A_4, %sign3A_7 : i32
    %sign3A_9 = arith.extui %sign3A_8 : i1 to i32
    %sign3A_10 = arith.subi %sign3A_6, %sign3A_9 : i32
    %sign3A_11 = arith.constant 0 : i32
    %sign3A_12 = arith.cmpi sgt, %jit3A, %sign3A_11 : i32
    %sign3A_13 = arith.extui %sign3A_12 : i1 to i32
    %sign3A_14 = arith.constant 0 : i32
    %sign3A_15 = arith.cmpi slt, %jit3A, %sign3A_14 : i32
    %sign3A_16 = arith.extui %sign3A_15 : i1 to i32
    %sign3A_17 = arith.subi %sign3A_13, %sign3A_16 : i32
    %ne3A = arith.cmpi ne, %sign3A_10, %sign3A_17 : i32
    %rem3A = arith.remsi %add3A_4, %jit3A : i32
    %ne3A_18 = arith.constant 0 : i32
    %ne3A_19 = arith.cmpi ne, %rem3A, %ne3A_18 : i32
    %and3A = arith.andi %ne3A, %ne3A_19 : i1
    %sub3A = arith.constant 1 : i32
    %sub3A_20 = arith.subi %div3A, %sub3A : i32
    %select_n3A = arith.select %and3A, %sub3A_20, %div3A : i32
    %jit3A_21 = arith.constant 8 : i32
    %eq3A = arith.constant 0 : i32
    %eq3A_22 = arith.cmpi eq, %jit3A_21, %eq3A : i32
    %jit3A_23 = arith.constant 1 : i32
    %select_n3A_24 = arith.select %eq3A_22, %jit3A_23, %jit3A_21 : i32
    %rem3A_25 = arith.remsi %add3A_4, %select_n3A_24 : i32
    %ne3A_26 = arith.constant 0 : i32
    %ne3A_27 = arith.cmpi ne, %rem3A_25, %ne3A_26 : i32
    %lt3A = arith.constant 0 : i32
    %lt3A_28 = arith.cmpi slt, %rem3A_25, %lt3A : i32
    %lt3A_29 = arith.constant 0 : i32
    %lt3A_30 = arith.cmpi slt, %select_n3A_24, %lt3A_29 : i32
    %ne3A_31 = arith.xori %lt3A_28, %lt3A_30 : i1
    %and3A_32 = arith.andi %ne3A_31, %ne3A_27 : i1
    %add3A_33 = arith.addi %rem3A_25, %select_n3A_24 : i32
    %select_n3A_34 = arith.select %and3A_32, %add3A_33, %rem3A_25 : i32
    %dma_start3A = arith.constant 0 : i32
    %dma_start3A_35 = arith.constant 0 : i32
    %dma_start3A_36 = tpu.memref_slice %arg5[%dma_start3A, %dma_start3A_35] : memref<2x1024xi32, #tpu.memory_space<vmem>> -> memref<1x1024xi32, #tpu.memory_space<vmem>>
    %dma_start3A_37 = tpu.memref_squeeze %dma_start3A_36 : memref<1x1024xi32, #tpu.memory_space<vmem>> -> memref<1024xi32, #tpu.memory_space<vmem>>
    %dma_start3A_38 = arith.constant 0 : i32
    %dma_start3A_39 = tpu.memref_slice %arg2[%select_n3A, %select_n3A_34, %dma_start3A_38] : memref<20x8x4096xi32, #tpu.memory_space<hbm>> -> memref<1x1x1024xi32, #tpu.memory_space<hbm>>
    %dma_start3A_40 = tpu.memref_squeeze %dma_start3A_39 : memref<1x1x1024xi32, #tpu.memory_space<hbm>> -> memref<1024xi32, #tpu.memory_space<hbm>>
    %dma_start3A_41 = arith.constant 0 : i32
    %dma_start3A_42 = tpu.memref_slice %arg5[%dma_start3A, %dma_start3A_41] : memref<2x1024xi32, #tpu.memory_space<vmem>> -> memref<1x1024xi32, #tpu.memory_space<vmem>>
    %dma_start3A_43 = tpu.memref_squeeze %dma_start3A_42 : memref<1x1024xi32, #tpu.memory_space<vmem>> -> memref<1024xi32, #tpu.memory_space<vmem>>
    %dma_start3A_44 = arith.constant 0 : i32
    %dma_start3A_45 = tpu.memref_slice %arg2[%select_n3A, %select_n3A_34, %dma_start3A_44] : memref<20x8x4096xi32, #tpu.memory_space<hbm>> -> memref<1x1x1024xi32, #tpu.memory_space<hbm>>
    %dma_start3A_46 = tpu.memref_squeeze %dma_start3A_45 : memref<1x1x1024xi32, #tpu.memory_space<hbm>> -> memref<1024xi32, #tpu.memory_space<hbm>>
    tpu.enqueue_dma source(%dma_start3A_46 : memref<1024xi32, #tpu.memory_space<hbm>>) target(%dma_start3A_43 : memref<1024xi32, #tpu.memory_space<vmem>>) target_semaphore(%arg7 : memref<!tpu.dma_semaphore, #tpu.memory_space<semaphore_mem>>)
    %add3A_47 = arith.constant 0 : i32
    %add3A_48 = arith.addi %mul3A_2, %add3A_47 : i32
    %jit3A_49 = arith.constant 8 : i32
    %div3A_50 = arith.divsi %add3A_48, %jit3A_49 : i32
    %sign3A_51 = arith.constant 0 : i32
    %sign3A_52 = arith.cmpi sgt, %add3A_48, %sign3A_51 : i32
    %sign3A_53 = arith.extui %sign3A_52 : i1 to i32
    %sign3A_54 = arith.constant 0 : i32
    %sign3A_55 = arith.cmpi slt, %add3A_48, %sign3A_54 : i32
    %sign3A_56 = arith.extui %sign3A_55 : i1 to i32
    %sign3A_57 = arith.subi %sign3A_53, %sign3A_56 : i32
    %sign3A_58 = arith.constant 0 : i32
    %sign3A_59 = arith.cmpi sgt, %jit3A_49, %sign3A_58 : i32
    %sign3A_60 = arith.extui %sign3A_59 : i1 to i32
    %sign3A_61 = arith.constant 0 : i32
    %sign3A_62 = arith.cmpi slt, %jit3A_49, %sign3A_61 : i32
    %sign3A_63 = arith.extui %sign3A_62 : i1 to i32
    %sign3A_64 = arith.subi %sign3A_60, %sign3A_63 : i32
    %ne3A_65 = arith.cmpi ne, %sign3A_57, %sign3A_64 : i32
    %rem3A_66 = arith.remsi %add3A_48, %jit3A_49 : i32
    %ne3A_67 = arith.constant 0 : i32
    %ne3A_68 = arith.cmpi ne, %rem3A_66, %ne3A_67 : i32
    %and3A_69 = arith.andi %ne3A_65, %ne3A_68 : i1
    %sub3A_70 = arith.constant 1 : i32
    %sub3A_71 = arith.subi %div3A_50, %sub3A_70 : i32
    %select_n3A_72 = arith.select %and3A_69, %sub3A_71, %div3A_50 : i32
    %jit3A_73 = arith.constant 8 : i32
    %eq3A_74 = arith.constant 0 : i32
    %eq3A_75 = arith.cmpi eq, %jit3A_73, %eq3A_74 : i32
    %jit3A_76 = arith.constant 1 : i32
    %select_n3A_77 = arith.select %eq3A_75, %jit3A_76, %jit3A_73 : i32
    %rem3A_78 = arith.remsi %add3A_48, %select_n3A_77 : i32
    %ne3A_79 = arith.constant 0 : i32
    %ne3A_80 = arith.cmpi ne, %rem3A_78, %ne3A_79 : i32
    %lt3A_81 = arith.constant 0 : i32
    %lt3A_82 = arith.cmpi slt, %rem3A_78, %lt3A_81 : i32
    %lt3A_83 = arith.constant 0 : i32
    %lt3A_84 = arith.cmpi slt, %select_n3A_77, %lt3A_83 : i32
    %ne3A_85 = arith.xori %lt3A_82, %lt3A_84 : i1
    %and3A_86 = arith.andi %ne3A_85, %ne3A_80 : i1
    %add3A_87 = arith.addi %rem3A_78, %select_n3A_77 : i32
    %select_n3A_88 = arith.select %and3A_86, %add3A_87, %rem3A_78 : i32
    %dma_start3A_89 = arith.constant 1 : i32
    %dma_start3A_90 = arith.constant 0 : i32
    %dma_start3A_91 = tpu.memref_slice %arg5[%dma_start3A_89, %dma_start3A_90] : memref<2x1024xi32, #tpu.memory_space<vmem>> -> memref<1x1024xi32, #tpu.memory_space<vmem>>
    %dma_start3A_92 = tpu.memref_squeeze %dma_start3A_91 : memref<1x1024xi32, #tpu.memory_space<vmem>> -> memref<1024xi32, #tpu.memory_space<vmem>>
    %dma_start3A_93 = arith.constant 1024 : i32
    %dma_start3A_94 = tpu.memref_slice %arg2[%select_n3A_72, %select_n3A_88, %dma_start3A_93] : memref<20x8x4096xi32, #tpu.memory_space<hbm>> -> memref<1x1x1024xi32, #tpu.memory_space<hbm>>
    %dma_start3A_95 = tpu.memref_squeeze %dma_start3A_94 : memref<1x1x1024xi32, #tpu.memory_space<hbm>> -> memref<1024xi32, #tpu.memory_space<hbm>>
    %dma_start3A_96 = arith.constant 0 : i32
    %dma_start3A_97 = tpu.memref_slice %arg5[%dma_start3A_89, %dma_start3A_96] : memref<2x1024xi32, #tpu.memory_space<vmem>> -> memref<1x1024xi32, #tpu.memory_space<vmem>>
    %dma_start3A_98 = tpu.memref_squeeze %dma_start3A_97 : memref<1x1024xi32, #tpu.memory_space<vmem>> -> memref<1024xi32, #tpu.memory_space<vmem>>
    %dma_start3A_99 = arith.constant 1024 : i32
    %dma_start3A_100 = tpu.memref_slice %arg2[%select_n3A_72, %select_n3A_88, %dma_start3A_99] : memref<20x8x4096xi32, #tpu.memory_space<hbm>> -> memref<1x1x1024xi32, #tpu.memory_space<hbm>>
    %dma_start3A_101 = tpu.memref_squeeze %dma_start3A_100 : memref<1x1x1024xi32, #tpu.memory_space<hbm>> -> memref<1024xi32, #tpu.memory_space<hbm>>
    tpu.enqueue_dma source(%dma_start3A_101 : memref<1024xi32, #tpu.memory_space<hbm>>) target(%dma_start3A_98 : memref<1024xi32, #tpu.memory_space<vmem>>) target_semaphore(%arg8 : memref<!tpu.dma_semaphore, #tpu.memory_space<semaphore_mem>>)
    %dma_wait3A = arith.constant 0 : i32
    %dma_wait3A_102 = arith.constant 0 : i32
    %dma_wait3A_103 = tpu.memref_slice %arg5[%dma_wait3A, %dma_wait3A_102] : memref<2x1024xi32, #tpu.memory_space<vmem>> -> memref<1x1024xi32, #tpu.memory_space<vmem>>
    %dma_wait3A_104 = tpu.memref_squeeze %dma_wait3A_103 : memref<1x1024xi32, #tpu.memory_space<vmem>> -> memref<1024xi32, #tpu.memory_space<vmem>>
    %dma_wait3A_105 = arith.constant 0 : i32
    %dma_wait3A_106 = tpu.memref_slice %arg2[%select_n3A, %select_n3A_34, %dma_wait3A_105] : memref<20x8x4096xi32, #tpu.memory_space<hbm>> -> memref<1x1x1024xi32, #tpu.memory_space<hbm>>
    %dma_wait3A_107 = tpu.memref_squeeze %dma_wait3A_106 : memref<1x1x1024xi32, #tpu.memory_space<hbm>> -> memref<1024xi32, #tpu.memory_space<hbm>>
    %dma_wait3A_108 = arith.constant 0 : i32
    %dma_wait3A_109 = tpu.memref_slice %arg5[%dma_wait3A, %dma_wait3A_108] : memref<2x1024xi32, #tpu.memory_space<vmem>> -> memref<1x1024xi32, #tpu.memory_space<vmem>>
    %dma_wait3A_110 = tpu.memref_squeeze %dma_wait3A_109 : memref<1x1024xi32, #tpu.memory_space<vmem>> -> memref<1024xi32, #tpu.memory_space<vmem>>
    %dma_wait3A_111 = arith.constant 0 : i32
    %dma_wait3A_112 = tpu.memref_slice %arg2[%select_n3A, %select_n3A_34, %dma_wait3A_111] : memref<20x8x4096xi32, #tpu.memory_space<hbm>> -> memref<1x1x1024xi32, #tpu.memory_space<hbm>>
    %dma_wait3A_113 = tpu.memref_squeeze %dma_wait3A_112 : memref<1x1x1024xi32, #tpu.memory_space<hbm>> -> memref<1024xi32, #tpu.memory_space<hbm>>
    tpu.wait_dma2 semaphore(%arg7 : memref<!tpu.dma_semaphore, #tpu.memory_space<semaphore_mem>>) src(%dma_wait3A_113 : memref<1024xi32, #tpu.memory_space<hbm>>) dst(%dma_wait3A_110 : memref<1024xi32, #tpu.memory_space<vmem>>)
    %dma_start3A_114 = arith.constant 0 : i32
    %dma_start3A_115 = arith.constant 0 : i32
    %dma_start3A_116 = arith.constant 0 : i32
    %dma_start3A_117 = arith.constant 0 : i32
    %dma_start3A_118 = tpu.memref_slice %arg6[%dma_start3A_115, %dma_start3A_116, %dma_start3A_117] : memref<2x1024x32xf32, #tpu.memory_space<vmem>> -> memref<1x1024x32xf32, #tpu.memory_space<vmem>>
    %dma_start3A_119 = tpu.memref_squeeze %dma_start3A_118 : memref<1x1024x32xf32, #tpu.memory_space<vmem>> -> memref<1024x32xf32, #tpu.memory_space<vmem>>
    %dma_start3A_120 = arith.constant 0 : i32
    %dma_start3A_121 = tpu.memref_slice %arg5[%dma_start3A_114, %dma_start3A_120] : memref<2x1024xi32, #tpu.memory_space<vmem>> -> memref<1x1024xi32, #tpu.memory_space<vmem>>
    %dma_start3A_122 = tpu.memref_squeeze %dma_start3A_121 : memref<1x1024xi32, #tpu.memory_space<vmem>> -> memref<1024xi32, #tpu.memory_space<vmem>>
    %dma_start3A_123 = arith.constant 0 : i32
    %dma_start3A_124 = arith.constant 0 : i32
    %dma_start3A_125 = tpu.memref_slice %arg3[%dma_start3A_123, %dma_start3A_124] : memref<1000000x32xf32, #tpu.memory_space<hbm>> -> memref<1000000x32xf32, #tpu.memory_space<hbm>>
    tpu.enqueue_indirect_dma source(%dma_start3A_125 : memref<1000000x32xf32, #tpu.memory_space<hbm>>) target(%dma_start3A_119 : memref<1024x32xf32, #tpu.memory_space<vmem>>) offsets(%dma_start3A_122 : memref<1024xi32, #tpu.memory_space<vmem>>) semaphore(%arg9 : memref<!tpu.dma_semaphore, #tpu.memory_space<semaphore_mem>>)
    %dma_wait3A_126 = arith.constant 0 : i32
    %dma_wait3A_127 = arith.constant 0 : i32
    %dma_wait3A_128 = arith.constant 0 : i32
    %dma_wait3A_129 = arith.constant 0 : i32
    %dma_wait3A_130 = tpu.memref_slice %arg6[%dma_wait3A_127, %dma_wait3A_128, %dma_wait3A_129] : memref<2x1024x32xf32, #tpu.memory_space<vmem>> -> memref<1x1024x32xf32, #tpu.memory_space<vmem>>
    %dma_wait3A_131 = tpu.memref_squeeze %dma_wait3A_130 : memref<1x1024x32xf32, #tpu.memory_space<vmem>> -> memref<1024x32xf32, #tpu.memory_space<vmem>>
    %dma_wait3A_132 = arith.constant 0 : i32
    %dma_wait3A_133 = tpu.memref_slice %arg5[%dma_wait3A_126, %dma_wait3A_132] : memref<2x1024xi32, #tpu.memory_space<vmem>> -> memref<1x1024xi32, #tpu.memory_space<vmem>>
    %dma_wait3A_134 = tpu.memref_squeeze %dma_wait3A_133 : memref<1x1024xi32, #tpu.memory_space<vmem>> -> memref<1024xi32, #tpu.memory_space<vmem>>
    %dma_wait3A_135 = arith.constant 0 : i32
    %dma_wait3A_136 = arith.constant 0 : i32
    %dma_wait3A_137 = tpu.memref_slice %arg3[%dma_wait3A_135, %dma_wait3A_136] : memref<1000000x32xf32, #tpu.memory_space<hbm>> -> memref<1000000x32xf32, #tpu.memory_space<hbm>>
    tpu.wait_indirect_dma semaphore(%arg9 : memref<!tpu.dma_semaphore, #tpu.memory_space<semaphore_mem>>) src(%dma_wait3A_137 : memref<1000000x32xf32, #tpu.memory_space<hbm>>) dst(%dma_wait3A_131 : memref<1024x32xf32, #tpu.memory_space<vmem>>)
    %add3A_138 = arith.constant 0 : i32
    %add3A_139 = arith.addi %mul3A_2, %add3A_138 : i32
    %jit3A_140 = arith.constant 8 : i32
    %div3A_141 = arith.divsi %add3A_139, %jit3A_140 : i32
    %sign3A_142 = arith.constant 0 : i32
    %sign3A_143 = arith.cmpi sgt, %add3A_139, %sign3A_142 : i32
    %sign3A_144 = arith.extui %sign3A_143 : i1 to i32
    %sign3A_145 = arith.constant 0 : i32
    %sign3A_146 = arith.cmpi slt, %add3A_139, %sign3A_145 : i32
    %sign3A_147 = arith.extui %sign3A_146 : i1 to i32
    %sign3A_148 = arith.subi %sign3A_144, %sign3A_147 : i32
    %sign3A_149 = arith.constant 0 : i32
    %sign3A_150 = arith.cmpi sgt, %jit3A_140, %sign3A_149 : i32
    %sign3A_151 = arith.extui %sign3A_150 : i1 to i32
    %sign3A_152 = arith.constant 0 : i32
    %sign3A_153 = arith.cmpi slt, %jit3A_140, %sign3A_152 : i32
    %sign3A_154 = arith.extui %sign3A_153 : i1 to i32
    %sign3A_155 = arith.subi %sign3A_151, %sign3A_154 : i32
    %ne3A_156 = arith.cmpi ne, %sign3A_148, %sign3A_155 : i32
    %rem3A_157 = arith.remsi %add3A_139, %jit3A_140 : i32
    %ne3A_158 = arith.constant 0 : i32
    %ne3A_159 = arith.cmpi ne, %rem3A_157, %ne3A_158 : i32
    %and3A_160 = arith.andi %ne3A_156, %ne3A_159 : i1
    %sub3A_161 = arith.constant 1 : i32
    %sub3A_162 = arith.subi %div3A_141, %sub3A_161 : i32
    %select_n3A_163 = arith.select %and3A_160, %sub3A_162, %div3A_141 : i32
    %jit3A_164 = arith.constant 8 : i32
    %eq3A_165 = arith.constant 0 : i32
    %eq3A_166 = arith.cmpi eq, %jit3A_164, %eq3A_165 : i32
    %jit3A_167 = arith.constant 1 : i32
    %select_n3A_168 = arith.select %eq3A_166, %jit3A_167, %jit3A_164 : i32
    %rem3A_169 = arith.remsi %add3A_139, %select_n3A_168 : i32
    %ne3A_170 = arith.constant 0 : i32
    %ne3A_171 = arith.cmpi ne, %rem3A_169, %ne3A_170 : i32
    %lt3A_172 = arith.constant 0 : i32
    %lt3A_173 = arith.cmpi slt, %rem3A_169, %lt3A_172 : i32
    %lt3A_174 = arith.constant 0 : i32
    %lt3A_175 = arith.cmpi slt, %select_n3A_168, %lt3A_174 : i32
    %ne3A_176 = arith.xori %lt3A_173, %lt3A_175 : i1
    %and3A_177 = arith.andi %ne3A_176, %ne3A_171 : i1
    %add3A_178 = arith.addi %rem3A_169, %select_n3A_168 : i32
    %select_n3A_179 = arith.select %and3A_177, %add3A_178, %rem3A_169 : i32
    %dma_start3A_180 = arith.constant 0 : i32
    %dma_start3A_181 = arith.constant 0 : i32
    %dma_start3A_182 = tpu.memref_slice %arg5[%dma_start3A_180, %dma_start3A_181] : memref<2x1024xi32, #tpu.memory_space<vmem>> -> memref<1x1024xi32, #tpu.memory_space<vmem>>
    %dma_start3A_183 = tpu.memref_squeeze %dma_start3A_182 : memref<1x1024xi32, #tpu.memory_space<vmem>> -> memref<1024xi32, #tpu.memory_space<vmem>>
    %dma_start3A_184 = arith.constant 2048 : i32
    %dma_start3A_185 = tpu.memref_slice %arg2[%select_n3A_163, %select_n3A_179, %dma_start3A_184] : memref<20x8x4096xi32, #tpu.memory_space<hbm>> -> memref<1x1x1024xi32, #tpu.memory_space<hbm>>
    %dma_start3A_186 = tpu.memref_squeeze %dma_start3A_185 : memref<1x1x1024xi32, #tpu.memory_space<hbm>> -> memref<1024xi32, #tpu.memory_space<hbm>>
    %dma_start3A_187 = arith.constant 0 : i32
    %dma_start3A_188 = tpu.memref_slice %arg5[%dma_start3A_180, %dma_start3A_187] : memref<2x1024xi32, #tpu.memory_space<vmem>> -> memref<1x1024xi32, #tpu.memory_space<vmem>>
    %dma_start3A_189 = tpu.memref_squeeze %dma_start3A_188 : memref<1x1024xi32, #tpu.memory_space<vmem>> -> memref<1024xi32, #tpu.memory_space<vmem>>
    %dma_start3A_190 = arith.constant 2048 : i32
    %dma_start3A_191 = tpu.memref_slice %arg2[%select_n3A_163, %select_n3A_179, %dma_start3A_190] : memref<20x8x4096xi32, #tpu.memory_space<hbm>> -> memref<1x1x1024xi32, #tpu.memory_space<hbm>>
    %dma_start3A_192 = tpu.memref_squeeze %dma_start3A_191 : memref<1x1x1024xi32, #tpu.memory_space<hbm>> -> memref<1024xi32, #tpu.memory_space<hbm>>
    tpu.enqueue_dma source(%dma_start3A_192 : memref<1024xi32, #tpu.memory_space<hbm>>) target(%dma_start3A_189 : memref<1024xi32, #tpu.memory_space<vmem>>) target_semaphore(%arg7 : memref<!tpu.dma_semaphore, #tpu.memory_space<semaphore_mem>>)
    %add3A_193 = arith.constant 0 : i32
    %add3A_194 = arith.addi %mul3A_2, %add3A_193 : i32
    %jit3A_195 = arith.constant 8 : i32
    %div3A_196 = arith.divsi %add3A_194, %jit3A_195 : i32
    %sign3A_197 = arith.constant 0 : i32
    %sign3A_198 = arith.cmpi sgt, %add3A_194, %sign3A_197 : i32
    %sign3A_199 = arith.extui %sign3A_198 : i1 to i32
    %sign3A_200 = arith.constant 0 : i32
    %sign3A_201 = arith.cmpi slt, %add3A_194, %sign3A_200 : i32
    %sign3A_202 = arith.extui %sign3A_201 : i1 to i32
    %sign3A_203 = arith.subi %sign3A_199, %sign3A_202 : i32
    %sign3A_204 = arith.constant 0 : i32
    %sign3A_205 = arith.cmpi sgt, %jit3A_195, %sign3A_204 : i32
    %sign3A_206 = arith.extui %sign3A_205 : i1 to i32
    %sign3A_207 = arith.constant 0 : i32
    %sign3A_208 = arith.cmpi slt, %jit3A_195, %sign3A_207 : i32
    %sign3A_209 = arith.extui %sign3A_208 : i1 to i32
    %sign3A_210 = arith.subi %sign3A_206, %sign3A_209 : i32
    %ne3A_211 = arith.cmpi ne, %sign3A_203, %sign3A_210 : i32
    %rem3A_212 = arith.remsi %add3A_194, %jit3A_195 : i32
    %ne3A_213 = arith.constant 0 : i32
    %ne3A_214 = arith.cmpi ne, %rem3A_212, %ne3A_213 : i32
    %and3A_215 = arith.andi %ne3A_211, %ne3A_214 : i1
    %sub3A_216 = arith.constant 1 : i32
    %sub3A_217 = arith.subi %div3A_196, %sub3A_216 : i32
    %select_n3A_218 = arith.select %and3A_215, %sub3A_217, %div3A_196 : i32
    %jit3A_219 = arith.constant 8 : i32
    %eq3A_220 = arith.constant 0 : i32
    %eq3A_221 = arith.cmpi eq, %jit3A_219, %eq3A_220 : i32
    %jit3A_222 = arith.constant 1 : i32
    %select_n3A_223 = arith.select %eq3A_221, %jit3A_222, %jit3A_219 : i32
    %rem3A_224 = arith.remsi %add3A_194, %select_n3A_223 : i32
    %ne3A_225 = arith.constant 0 : i32
    %ne3A_226 = arith.cmpi ne, %rem3A_224, %ne3A_225 : i32
    %lt3A_227 = arith.constant 0 : i32
    %lt3A_228 = arith.cmpi slt, %rem3A_224, %lt3A_227 : i32
    %lt3A_229 = arith.constant 0 : i32
    %lt3A_230 = arith.cmpi slt, %select_n3A_223, %lt3A_229 : i32
    %ne3A_231 = arith.xori %lt3A_228, %lt3A_230 : i1
    %and3A_232 = arith.andi %ne3A_231, %ne3A_226 : i1
    %add3A_233 = arith.addi %rem3A_224, %select_n3A_223 : i32
    %select_n3A_234 = arith.select %and3A_232, %add3A_233, %rem3A_224 : i32
    %dma_start3A_235 = arith.constant 0 : i32
    %dma_start3A_236 = arith.constant 0 : i32
    %dma_start3A_237 = arith.constant 0 : i32
    %dma_start3A_238 = tpu.memref_slice %arg6[%dma_start3A_235, %dma_start3A_236, %dma_start3A_237] : memref<2x1024x32xf32, #tpu.memory_space<vmem>> -> memref<1x1024x32xf32, #tpu.memory_space<vmem>>
    %dma_start3A_239 = tpu.memref_squeeze %dma_start3A_238 : memref<1x1024x32xf32, #tpu.memory_space<vmem>> -> memref<1024x32xf32, #tpu.memory_space<vmem>>
    %dma_start3A_240 = arith.constant 0 : i32
    %dma_start3A_241 = arith.constant 0 : i32
    %dma_start3A_242 = tpu.memref_slice %arg4[%dma_start3A_240, %select_n3A_218, %select_n3A_234, %dma_start3A_241] : memref<4096x20x8x32xf32, #tpu.memory_space<hbm>> -> memref<1024x1x1x32xf32, #tpu.memory_space<hbm>>
    %dma_start3A_243 = tpu.memref_squeeze %dma_start3A_242 : memref<1024x1x1x32xf32, #tpu.memory_space<hbm>> -> memref<1024x32xf32, #tpu.memory_space<hbm>>
    %dma_start3A_244 = arith.constant 0 : i32
    %dma_start3A_245 = arith.constant 0 : i32
    %dma_start3A_246 = tpu.memref_slice %arg4[%dma_start3A_244, %select_n3A_218, %select_n3A_234, %dma_start3A_245] : memref<4096x20x8x32xf32, #tpu.memory_space<hbm>> -> memref<1024x1x1x32xf32, #tpu.memory_space<hbm>>
    %dma_start3A_247 = tpu.memref_squeeze %dma_start3A_246 : memref<1024x1x1x32xf32, #tpu.memory_space<hbm>> -> memref<1024x32xf32, #tpu.memory_space<hbm>>
    %dma_start3A_248 = arith.constant 0 : i32
    %dma_start3A_249 = arith.constant 0 : i32
    %dma_start3A_250 = tpu.memref_slice %arg6[%dma_start3A_235, %dma_start3A_248, %dma_start3A_249] : memref<2x1024x32xf32, #tpu.memory_space<vmem>> -> memref<1x1024x32xf32, #tpu.memory_space<vmem>>
    %dma_start3A_251 = tpu.memref_squeeze %dma_start3A_250 : memref<1x1024x32xf32, #tpu.memory_space<vmem>> -> memref<1024x32xf32, #tpu.memory_space<vmem>>
    tpu.enqueue_dma source(%dma_start3A_251 : memref<1024x32xf32, #tpu.memory_space<vmem>>) target(%dma_start3A_247 : memref<1024x32xf32, #tpu.memory_space<hbm>>) target_semaphore(%arg11 : memref<!tpu.dma_semaphore, #tpu.memory_space<semaphore_mem>>)
    %dma_wait3A_252 = arith.constant 1 : i32
    %dma_wait3A_253 = arith.constant 0 : i32
    %dma_wait3A_254 = tpu.memref_slice %arg5[%dma_wait3A_252, %dma_wait3A_253] : memref<2x1024xi32, #tpu.memory_space<vmem>> -> memref<1x1024xi32, #tpu.memory_space<vmem>>
    %dma_wait3A_255 = tpu.memref_squeeze %dma_wait3A_254 : memref<1x1024xi32, #tpu.memory_space<vmem>> -> memref<1024xi32, #tpu.memory_space<vmem>>
    %dma_wait3A_256 = arith.constant 1024 : i32
    %dma_wait3A_257 = tpu.memref_slice %arg2[%select_n3A_72, %select_n3A_88, %dma_wait3A_256] : memref<20x8x4096xi32, #tpu.memory_space<hbm>> -> memref<1x1x1024xi32, #tpu.memory_space<hbm>>
    %dma_wait3A_258 = tpu.memref_squeeze %dma_wait3A_257 : memref<1x1x1024xi32, #tpu.memory_space<hbm>> -> memref<1024xi32, #tpu.memory_space<hbm>>
    %dma_wait3A_259 = arith.constant 0 : i32
    %dma_wait3A_260 = tpu.memref_slice %arg5[%dma_wait3A_252, %dma_wait3A_259] : memref<2x1024xi32, #tpu.memory_space<vmem>> -> memref<1x1024xi32, #tpu.memory_space<vmem>>
    %dma_wait3A_261 = tpu.memref_squeeze %dma_wait3A_260 : memref<1x1024xi32, #tpu.memory_space<vmem>> -> memref<1024xi32, #tpu.memory_space<vmem>>
    %dma_wait3A_262 = arith.constant 1024 : i32
    %dma_wait3A_263 = tpu.memref_slice %arg2[%select_n3A_72, %select_n3A_88, %dma_wait3A_262] : memref<20x8x4096xi32, #tpu.memory_space<hbm>> -> memref<1x1x1024xi32, #tpu.memory_space<hbm>>
    %dma_wait3A_264 = tpu.memref_squeeze %dma_wait3A_263 : memref<1x1x1024xi32, #tpu.memory_space<hbm>> -> memref<1024xi32, #tpu.memory_space<hbm>>
    tpu.wait_dma2 semaphore(%arg8 : memref<!tpu.dma_semaphore, #tpu.memory_space<semaphore_mem>>) src(%dma_wait3A_264 : memref<1024xi32, #tpu.memory_space<hbm>>) dst(%dma_wait3A_261 : memref<1024xi32, #tpu.memory_space<vmem>>)
    %dma_start3A_265 = arith.constant 1 : i32
    %dma_start3A_266 = arith.constant 1 : i32
    %dma_start3A_267 = arith.constant 0 : i32
    %dma_start3A_268 = arith.constant 0 : i32
    %dma_start3A_269 = tpu.memref_slice %arg6[%dma_start3A_266, %dma_start3A_267, %dma_start3A_268] : memref<2x1024x32xf32, #tpu.memory_space<vmem>> -> memref<1x1024x32xf32, #tpu.memory_space<vmem>>
    %dma_start3A_270 = tpu.memref_squeeze %dma_start3A_269 : memref<1x1024x32xf32, #tpu.memory_space<vmem>> -> memref<1024x32xf32, #tpu.memory_space<vmem>>
    %dma_start3A_271 = arith.constant 0 : i32
    %dma_start3A_272 = tpu.memref_slice %arg5[%dma_start3A_265, %dma_start3A_271] : memref<2x1024xi32, #tpu.memory_space<vmem>> -> memref<1x1024xi32, #tpu.memory_space<vmem>>
    %dma_start3A_273 = tpu.memref_squeeze %dma_start3A_272 : memref<1x1024xi32, #tpu.memory_space<vmem>> -> memref<1024xi32, #tpu.memory_space<vmem>>
    %dma_start3A_274 = arith.constant 0 : i32
    %dma_start3A_275 = arith.constant 0 : i32
    %dma_start3A_276 = tpu.memref_slice %arg3[%dma_start3A_274, %dma_start3A_275] : memref<1000000x32xf32, #tpu.memory_space<hbm>> -> memref<1000000x32xf32, #tpu.memory_space<hbm>>
    tpu.enqueue_indirect_dma source(%dma_start3A_276 : memref<1000000x32xf32, #tpu.memory_space<hbm>>) target(%dma_start3A_270 : memref<1024x32xf32, #tpu.memory_space<vmem>>) offsets(%dma_start3A_273 : memref<1024xi32, #tpu.memory_space<vmem>>) semaphore(%arg10 : memref<!tpu.dma_semaphore, #tpu.memory_space<semaphore_mem>>)
    %dma_wait3A_277 = arith.constant 1 : i32
    %dma_wait3A_278 = arith.constant 1 : i32
    %dma_wait3A_279 = arith.constant 0 : i32
    %dma_wait3A_280 = arith.constant 0 : i32
    %dma_wait3A_281 = tpu.memref_slice %arg6[%dma_wait3A_278, %dma_wait3A_279, %dma_wait3A_280] : memref<2x1024x32xf32, #tpu.memory_space<vmem>> -> memref<1x1024x32xf32, #tpu.memory_space<vmem>>
    %dma_wait3A_282 = tpu.memref_squeeze %dma_wait3A_281 : memref<1x1024x32xf32, #tpu.memory_space<vmem>> -> memref<1024x32xf32, #tpu.memory_space<vmem>>
    %dma_wait3A_283 = arith.constant 0 : i32
    %dma_wait3A_284 = tpu.memref_slice %arg5[%dma_wait3A_277, %dma_wait3A_283] : memref<2x1024xi32, #tpu.memory_space<vmem>> -> memref<1x1024xi32, #tpu.memory_space<vmem>>
    %dma_wait3A_285 = tpu.memref_squeeze %dma_wait3A_284 : memref<1x1024xi32, #tpu.memory_space<vmem>> -> memref<1024xi32, #tpu.memory_space<vmem>>
    %dma_wait3A_286 = arith.constant 0 : i32
    %dma_wait3A_287 = arith.constant 0 : i32
    %dma_wait3A_288 = tpu.memref_slice %arg3[%dma_wait3A_286, %dma_wait3A_287] : memref<1000000x32xf32, #tpu.memory_space<hbm>> -> memref<1000000x32xf32, #tpu.memory_space<hbm>>
    tpu.wait_indirect_dma semaphore(%arg10 : memref<!tpu.dma_semaphore, #tpu.memory_space<semaphore_mem>>) src(%dma_wait3A_288 : memref<1000000x32xf32, #tpu.memory_space<hbm>>) dst(%dma_wait3A_282 : memref<1024x32xf32, #tpu.memory_space<vmem>>)
    %add3A_289 = arith.constant 0 : i32
    %add3A_290 = arith.addi %mul3A_2, %add3A_289 : i32
    %jit3A_291 = arith.constant 8 : i32
    %div3A_292 = arith.divsi %add3A_290, %jit3A_291 : i32
    %sign3A_293 = arith.constant 0 : i32
    %sign3A_294 = arith.cmpi sgt, %add3A_290, %sign3A_293 : i32
    %sign3A_295 = arith.extui %sign3A_294 : i1 to i32
    %sign3A_296 = arith.constant 0 : i32
    %sign3A_297 = arith.cmpi slt, %add3A_290, %sign3A_296 : i32
    %sign3A_298 = arith.extui %sign3A_297 : i1 to i32
    %sign3A_299 = arith.subi %sign3A_295, %sign3A_298 : i32
    %sign3A_300 = arith.constant 0 : i32
    %sign3A_301 = arith.cmpi sgt, %jit3A_291, %sign3A_300 : i32
    %sign3A_302 = arith.extui %sign3A_301 : i1 to i32
    %sign3A_303 = arith.constant 0 : i32
    %sign3A_304 = arith.cmpi slt, %jit3A_291, %sign3A_303 : i32
    %sign3A_305 = arith.extui %sign3A_304 : i1 to i32
    %sign3A_306 = arith.subi %sign3A_302, %sign3A_305 : i32
    %ne3A_307 = arith.cmpi ne, %sign3A_299, %sign3A_306 : i32
    %rem3A_308 = arith.remsi %add3A_290, %jit3A_291 : i32
    %ne3A_309 = arith.constant 0 : i32
    %ne3A_310 = arith.cmpi ne, %rem3A_308, %ne3A_309 : i32
    %and3A_311 = arith.andi %ne3A_307, %ne3A_310 : i1
    %sub3A_312 = arith.constant 1 : i32
    %sub3A_313 = arith.subi %div3A_292, %sub3A_312 : i32
    %select_n3A_314 = arith.select %and3A_311, %sub3A_313, %div3A_292 : i32
    %jit3A_315 = arith.constant 8 : i32
    %eq3A_316 = arith.constant 0 : i32
    %eq3A_317 = arith.cmpi eq, %jit3A_315, %eq3A_316 : i32
    %jit3A_318 = arith.constant 1 : i32
    %select_n3A_319 = arith.select %eq3A_317, %jit3A_318, %jit3A_315 : i32
    %rem3A_320 = arith.remsi %add3A_290, %select_n3A_319 : i32
    %ne3A_321 = arith.constant 0 : i32
    %ne3A_322 = arith.cmpi ne, %rem3A_320, %ne3A_321 : i32
    %lt3A_323 = arith.constant 0 : i32
    %lt3A_324 = arith.cmpi slt, %rem3A_320, %lt3A_323 : i32
    %lt3A_325 = arith.constant 0 : i32
    %lt3A_326 = arith.cmpi slt, %select_n3A_319, %lt3A_325 : i32
    %ne3A_327 = arith.xori %lt3A_324, %lt3A_326 : i1
    %and3A_328 = arith.andi %ne3A_327, %ne3A_322 : i1
    %add3A_329 = arith.addi %rem3A_320, %select_n3A_319 : i32
    %select_n3A_330 = arith.select %and3A_328, %add3A_329, %rem3A_320 : i32
    %dma_start3A_331 = arith.constant 1 : i32
    %dma_start3A_332 = arith.constant 0 : i32
    %dma_start3A_333 = tpu.memref_slice %arg5[%dma_start3A_331, %dma_start3A_332] : memref<2x1024xi32, #tpu.memory_space<vmem>> -> memref<1x1024xi32, #tpu.memory_space<vmem>>
    %dma_start3A_334 = tpu.memref_squeeze %dma_start3A_333 : memref<1x1024xi32, #tpu.memory_space<vmem>> -> memref<1024xi32, #tpu.memory_space<vmem>>
    %dma_start3A_335 = arith.constant 3072 : i32
    %dma_start3A_336 = tpu.memref_slice %arg2[%select_n3A_314, %select_n3A_330, %dma_start3A_335] : memref<20x8x4096xi32, #tpu.memory_space<hbm>> -> memref<1x1x1024xi32, #tpu.memory_space<hbm>>
    %dma_start3A_337 = tpu.memref_squeeze %dma_start3A_336 : memref<1x1x1024xi32, #tpu.memory_space<hbm>> -> memref<1024xi32, #tpu.memory_space<hbm>>
    %dma_start3A_338 = arith.constant 0 : i32
    %dma_start3A_339 = tpu.memref_slice %arg5[%dma_start3A_331, %dma_start3A_338] : memref<2x1024xi32, #tpu.memory_space<vmem>> -> memref<1x1024xi32, #tpu.memory_space<vmem>>
    %dma_start3A_340 = tpu.memref_squeeze %dma_start3A_339 : memref<1x1024xi32, #tpu.memory_space<vmem>> -> memref<1024xi32, #tpu.memory_space<vmem>>
    %dma_start3A_341 = arith.constant 3072 : i32
    %dma_start3A_342 = tpu.memref_slice %arg2[%select_n3A_314, %select_n3A_330, %dma_start3A_341] : memref<20x8x4096xi32, #tpu.memory_space<hbm>> -> memref<1x1x1024xi32, #tpu.memory_space<hbm>>
    %dma_start3A_343 = tpu.memref_squeeze %dma_start3A_342 : memref<1x1x1024xi32, #tpu.memory_space<hbm>> -> memref<1024xi32, #tpu.memory_space<hbm>>
    tpu.enqueue_dma source(%dma_start3A_343 : memref<1024xi32, #tpu.memory_space<hbm>>) target(%dma_start3A_340 : memref<1024xi32, #tpu.memory_space<vmem>>) target_semaphore(%arg8 : memref<!tpu.dma_semaphore, #tpu.memory_space<semaphore_mem>>)
    %add3A_344 = arith.constant 0 : i32
    %add3A_345 = arith.addi %mul3A_2, %add3A_344 : i32
    %jit3A_346 = arith.constant 8 : i32
    %div3A_347 = arith.divsi %add3A_345, %jit3A_346 : i32
    %sign3A_348 = arith.constant 0 : i32
    %sign3A_349 = arith.cmpi sgt, %add3A_345, %sign3A_348 : i32
    %sign3A_350 = arith.extui %sign3A_349 : i1 to i32
    %sign3A_351 = arith.constant 0 : i32
    %sign3A_352 = arith.cmpi slt, %add3A_345, %sign3A_351 : i32
    %sign3A_353 = arith.extui %sign3A_352 : i1 to i32
    %sign3A_354 = arith.subi %sign3A_350, %sign3A_353 : i32
    %sign3A_355 = arith.constant 0 : i32
    %sign3A_356 = arith.cmpi sgt, %jit3A_346, %sign3A_355 : i32
    %sign3A_357 = arith.extui %sign3A_356 : i1 to i32
    %sign3A_358 = arith.constant 0 : i32
    %sign3A_359 = arith.cmpi slt, %jit3A_346, %sign3A_358 : i32
    %sign3A_360 = arith.extui %sign3A_359 : i1 to i32
    %sign3A_361 = arith.subi %sign3A_357, %sign3A_360 : i32
    %ne3A_362 = arith.cmpi ne, %sign3A_354, %sign3A_361 : i32
    %rem3A_363 = arith.remsi %add3A_345, %jit3A_346 : i32
    %ne3A_364 = arith.constant 0 : i32
    %ne3A_365 = arith.cmpi ne, %rem3A_363, %ne3A_364 : i32
    %and3A_366 = arith.andi %ne3A_362, %ne3A_365 : i1
    %sub3A_367 = arith.constant 1 : i32
    %sub3A_368 = arith.subi %div3A_347, %sub3A_367 : i32
    %select_n3A_369 = arith.select %and3A_366, %sub3A_368, %div3A_347 : i32
    %jit3A_370 = arith.constant 8 : i32
    %eq3A_371 = arith.constant 0 : i32
    %eq3A_372 = arith.cmpi eq, %jit3A_370, %eq3A_371 : i32
    %jit3A_373 = arith.constant 1 : i32
    %select_n3A_374 = arith.select %eq3A_372, %jit3A_373, %jit3A_370 : i32
    %rem3A_375 = arith.remsi %add3A_345, %select_n3A_374 : i32
    %ne3A_376 = arith.constant 0 : i32
    %ne3A_377 = arith.cmpi ne, %rem3A_375, %ne3A_376 : i32
    %lt3A_378 = arith.constant 0 : i32
    %lt3A_379 = arith.cmpi slt, %rem3A_375, %lt3A_378 : i32
    %lt3A_380 = arith.constant 0 : i32
    %lt3A_381 = arith.cmpi slt, %select_n3A_374, %lt3A_380 : i32
    %ne3A_382 = arith.xori %lt3A_379, %lt3A_381 : i1
    %and3A_383 = arith.andi %ne3A_382, %ne3A_377 : i1
    %add3A_384 = arith.addi %rem3A_375, %select_n3A_374 : i32
    %select_n3A_385 = arith.select %and3A_383, %add3A_384, %rem3A_375 : i32
    %dma_start3A_386 = arith.constant 1 : i32
    %dma_start3A_387 = arith.constant 0 : i32
    %dma_start3A_388 = arith.constant 0 : i32
    %dma_start3A_389 = tpu.memref_slice %arg6[%dma_start3A_386, %dma_start3A_387, %dma_start3A_388] : memref<2x1024x32xf32, #tpu.memory_space<vmem>> -> memref<1x1024x32xf32, #tpu.memory_space<vmem>>
    %dma_start3A_390 = tpu.memref_squeeze %dma_start3A_389 : memref<1x1024x32xf32, #tpu.memory_space<vmem>> -> memref<1024x32xf32, #tpu.memory_space<vmem>>
    %dma_start3A_391 = arith.constant 1024 : i32
    %dma_start3A_392 = arith.constant 0 : i32
    %dma_start3A_393 = tpu.memref_slice %arg4[%dma_start3A_391, %select_n3A_369, %select_n3A_385, %dma_start3A_392] : memref<4096x20x8x32xf32, #tpu.memory_space<hbm>> -> memref<1024x1x1x32xf32, #tpu.memory_space<hbm>>
    %dma_start3A_394 = tpu.memref_squeeze %dma_start3A_393 : memref<1024x1x1x32xf32, #tpu.memory_space<hbm>> -> memref<1024x32xf32, #tpu.memory_space<hbm>>
    %dma_start3A_395 = arith.constant 1024 : i32
    %dma_start3A_396 = arith.constant 0 : i32
    %dma_start3A_397 = tpu.memref_slice %arg4[%dma_start3A_395, %select_n3A_369, %select_n3A_385, %dma_start3A_396] : memref<4096x20x8x32xf32, #tpu.memory_space<hbm>> -> memref<1024x1x1x32xf32, #tpu.memory_space<hbm>>
    %dma_start3A_398 = tpu.memref_squeeze %dma_start3A_397 : memref<1024x1x1x32xf32, #tpu.memory_space<hbm>> -> memref<1024x32xf32, #tpu.memory_space<hbm>>
    %dma_start3A_399 = arith.constant 0 : i32
    %dma_start3A_400 = arith.constant 0 : i32
    %dma_start3A_401 = tpu.memref_slice %arg6[%dma_start3A_386, %dma_start3A_399, %dma_start3A_400] : memref<2x1024x32xf32, #tpu.memory_space<vmem>> -> memref<1x1024x32xf32, #tpu.memory_space<vmem>>
    %dma_start3A_402 = tpu.memref_squeeze %dma_start3A_401 : memref<1x1024x32xf32, #tpu.memory_space<vmem>> -> memref<1024x32xf32, #tpu.memory_space<vmem>>
    tpu.enqueue_dma source(%dma_start3A_402 : memref<1024x32xf32, #tpu.memory_space<vmem>>) target(%dma_start3A_398 : memref<1024x32xf32, #tpu.memory_space<hbm>>) target_semaphore(%arg12 : memref<!tpu.dma_semaphore, #tpu.memory_space<semaphore_mem>>)
    %dma_wait3A_403 = arith.constant 0 : i32
    %dma_wait3A_404 = arith.constant 0 : i32
    %dma_wait3A_405 = arith.constant 0 : i32
    %dma_wait3A_406 = tpu.memref_slice %arg6[%dma_wait3A_403, %dma_wait3A_404, %dma_wait3A_405] : memref<2x1024x32xf32, #tpu.memory_space<vmem>> -> memref<1x1024x32xf32, #tpu.memory_space<vmem>>
    %dma_wait3A_407 = tpu.memref_squeeze %dma_wait3A_406 : memref<1x1024x32xf32, #tpu.memory_space<vmem>> -> memref<1024x32xf32, #tpu.memory_space<vmem>>
    %dma_wait3A_408 = arith.constant 0 : i32
    %dma_wait3A_409 = arith.constant 0 : i32
    %dma_wait3A_410 = tpu.memref_slice %arg4[%dma_wait3A_408, %select_n3A_218, %select_n3A_234, %dma_wait3A_409] : memref<4096x20x8x32xf32, #tpu.memory_space<hbm>> -> memref<1024x1x1x32xf32, #tpu.memory_space<hbm>>
    %dma_wait3A_411 = tpu.memref_squeeze %dma_wait3A_410 : memref<1024x1x1x32xf32, #tpu.memory_space<hbm>> -> memref<1024x32xf32, #tpu.memory_space<hbm>>
    %dma_wait3A_412 = arith.constant 0 : i32
    %dma_wait3A_413 = arith.constant 0 : i32
    %dma_wait3A_414 = tpu.memref_slice %arg4[%dma_wait3A_412, %select_n3A_218, %select_n3A_234, %dma_wait3A_413] : memref<4096x20x8x32xf32, #tpu.memory_space<hbm>> -> memref<1024x1x1x32xf32, #tpu.memory_space<hbm>>
    %dma_wait3A_415 = tpu.memref_squeeze %dma_wait3A_414 : memref<1024x1x1x32xf32, #tpu.memory_space<hbm>> -> memref<1024x32xf32, #tpu.memory_space<hbm>>
    %dma_wait3A_416 = arith.constant 0 : i32
    %dma_wait3A_417 = arith.constant 0 : i32
    %dma_wait3A_418 = tpu.memref_slice %arg6[%dma_wait3A_403, %dma_wait3A_416, %dma_wait3A_417] : memref<2x1024x32xf32, #tpu.memory_space<vmem>> -> memref<1x1024x32xf32, #tpu.memory_space<vmem>>
    %dma_wait3A_419 = tpu.memref_squeeze %dma_wait3A_418 : memref<1x1024x32xf32, #tpu.memory_space<vmem>> -> memref<1024x32xf32, #tpu.memory_space<vmem>>
    tpu.wait_dma2 semaphore(%arg11 : memref<!tpu.dma_semaphore, #tpu.memory_space<semaphore_mem>>) src(%dma_wait3A_419 : memref<1024x32xf32, #tpu.memory_space<vmem>>) dst(%dma_wait3A_415 : memref<1024x32xf32, #tpu.memory_space<hbm>>)
    %dma_wait3A_420 = arith.constant 0 : i32
    %dma_wait3A_421 = arith.constant 0 : i32
    %dma_wait3A_422 = tpu.memref_slice %arg5[%dma_wait3A_420, %dma_wait3A_421] : memref<2x1024xi32, #tpu.memory_space<vmem>> -> memref<1x1024xi32, #tpu.memory_space<vmem>>
    %dma_wait3A_423 = tpu.memref_squeeze %dma_wait3A_422 : memref<1x1024xi32, #tpu.memory_space<vmem>> -> memref<1024xi32, #tpu.memory_space<vmem>>
    %dma_wait3A_424 = arith.constant 2048 : i32
    %dma_wait3A_425 = tpu.memref_slice %arg2[%select_n3A_163, %select_n3A_179, %dma_wait3A_424] : memref<20x8x4096xi32, #tpu.memory_space<hbm>> -> memref<1x1x1024xi32, #tpu.memory_space<hbm>>
    %dma_wait3A_426 = tpu.memref_squeeze %dma_wait3A_425 : memref<1x1x1024xi32, #tpu.memory_space<hbm>> -> memref<1024xi32, #tpu.memory_space<hbm>>
    %dma_wait3A_427 = arith.constant 0 : i32
    %dma_wait3A_428 = tpu.memref_slice %arg5[%dma_wait3A_420, %dma_wait3A_427] : memref<2x1024xi32, #tpu.memory_space<vmem>> -> memref<1x1024xi32, #tpu.memory_space<vmem>>
    %dma_wait3A_429 = tpu.memref_squeeze %dma_wait3A_428 : memref<1x1024xi32, #tpu.memory_space<vmem>> -> memref<1024xi32, #tpu.memory_space<vmem>>
    %dma_wait3A_430 = arith.constant 2048 : i32
    %dma_wait3A_431 = tpu.memref_slice %arg2[%select_n3A_163, %select_n3A_179, %dma_wait3A_430] : memref<20x8x4096xi32, #tpu.memory_space<hbm>> -> memref<1x1x1024xi32, #tpu.memory_space<hbm>>
    %dma_wait3A_432 = tpu.memref_squeeze %dma_wait3A_431 : memref<1x1x1024xi32, #tpu.memory_space<hbm>> -> memref<1024xi32, #tpu.memory_space<hbm>>
    tpu.wait_dma2 semaphore(%arg7 : memref<!tpu.dma_semaphore, #tpu.memory_space<semaphore_mem>>) src(%dma_wait3A_432 : memref<1024xi32, #tpu.memory_space<hbm>>) dst(%dma_wait3A_429 : memref<1024xi32, #tpu.memory_space<vmem>>)
    %dma_start3A_433 = arith.constant 0 : i32
    %dma_start3A_434 = arith.constant 0 : i32
    %dma_start3A_435 = arith.constant 0 : i32
    %dma_start3A_436 = arith.constant 0 : i32
    %dma_start3A_437 = tpu.memref_slice %arg6[%dma_start3A_434, %dma_start3A_435, %dma_start3A_436] : memref<2x1024x32xf32, #tpu.memory_space<vmem>> -> memref<1x1024x32xf32, #tpu.memory_space<vmem>>
    %dma_start3A_438 = tpu.memref_squeeze %dma_start3A_437 : memref<1x1024x32xf32, #tpu.memory_space<vmem>> -> memref<1024x32xf32, #tpu.memory_space<vmem>>
    %dma_start3A_439 = arith.constant 0 : i32
    %dma_start3A_440 = tpu.memref_slice %arg5[%dma_start3A_433, %dma_start3A_439] : memref<2x1024xi32, #tpu.memory_space<vmem>> -> memref<1x1024xi32, #tpu.memory_space<vmem>>
    %dma_start3A_441 = tpu.memref_squeeze %dma_start3A_440 : memref<1x1024xi32, #tpu.memory_space<vmem>> -> memref<1024xi32, #tpu.memory_space<vmem>>
    %dma_start3A_442 = arith.constant 0 : i32
    %dma_start3A_443 = arith.constant 0 : i32
    %dma_start3A_444 = tpu.memref_slice %arg3[%dma_start3A_442, %dma_start3A_443] : memref<1000000x32xf32, #tpu.memory_space<hbm>> -> memref<1000000x32xf32, #tpu.memory_space<hbm>>
    tpu.enqueue_indirect_dma source(%dma_start3A_444 : memref<1000000x32xf32, #tpu.memory_space<hbm>>) target(%dma_start3A_438 : memref<1024x32xf32, #tpu.memory_space<vmem>>) offsets(%dma_start3A_441 : memref<1024xi32, #tpu.memory_space<vmem>>) semaphore(%arg9 : memref<!tpu.dma_semaphore, #tpu.memory_space<semaphore_mem>>)
    %dma_wait3A_445 = arith.constant 0 : i32
    %dma_wait3A_446 = arith.constant 0 : i32
    %dma_wait3A_447 = arith.constant 0 : i32
    %dma_wait3A_448 = arith.constant 0 : i32
    %dma_wait3A_449 = tpu.memref_slice %arg6[%dma_wait3A_446, %dma_wait3A_447, %dma_wait3A_448] : memref<2x1024x32xf32, #tpu.memory_space<vmem>> -> memref<1x1024x32xf32, #tpu.memory_space<vmem>>
    %dma_wait3A_450 = tpu.memref_squeeze %dma_wait3A_449 : memref<1x1024x32xf32, #tpu.memory_space<vmem>> -> memref<1024x32xf32, #tpu.memory_space<vmem>>
    %dma_wait3A_451 = arith.constant 0 : i32
    %dma_wait3A_452 = tpu.memref_slice %arg5[%dma_wait3A_445, %dma_wait3A_451] : memref<2x1024xi32, #tpu.memory_space<vmem>> -> memref<1x1024xi32, #tpu.memory_space<vmem>>
    %dma_wait3A_453 = tpu.memref_squeeze %dma_wait3A_452 : memref<1x1024xi32, #tpu.memory_space<vmem>> -> memref<1024xi32, #tpu.memory_space<vmem>>
    %dma_wait3A_454 = arith.constant 0 : i32
    %dma_wait3A_455 = arith.constant 0 : i32
    %dma_wait3A_456 = tpu.memref_slice %arg3[%dma_wait3A_454, %dma_wait3A_455] : memref<1000000x32xf32, #tpu.memory_space<hbm>> -> memref<1000000x32xf32, #tpu.memory_space<hbm>>
    tpu.wait_indirect_dma semaphore(%arg9 : memref<!tpu.dma_semaphore, #tpu.memory_space<semaphore_mem>>) src(%dma_wait3A_456 : memref<1000000x32xf32, #tpu.memory_space<hbm>>) dst(%dma_wait3A_450 : memref<1024x32xf32, #tpu.memory_space<vmem>>)
    %add3A_457 = arith.constant 1 : i32
    %add3A_458 = arith.addi %mul3A_2, %add3A_457 : i32
    %jit3A_459 = arith.constant 8 : i32
    %div3A_460 = arith.divsi %add3A_458, %jit3A_459 : i32
    %sign3A_461 = arith.constant 0 : i32
    %sign3A_462 = arith.cmpi sgt, %add3A_458, %sign3A_461 : i32
    %sign3A_463 = arith.extui %sign3A_462 : i1 to i32
    %sign3A_464 = arith.constant 0 : i32
    %sign3A_465 = arith.cmpi slt, %add3A_458, %sign3A_464 : i32
    %sign3A_466 = arith.extui %sign3A_465 : i1 to i32
    %sign3A_467 = arith.subi %sign3A_463, %sign3A_466 : i32
    %sign3A_468 = arith.constant 0 : i32
    %sign3A_469 = arith.cmpi sgt, %jit3A_459, %sign3A_468 : i32
    %sign3A_470 = arith.extui %sign3A_469 : i1 to i32
    %sign3A_471 = arith.constant 0 : i32
    %sign3A_472 = arith.cmpi slt, %jit3A_459, %sign3A_471 : i32
    %sign3A_473 = arith.extui %sign3A_472 : i1 to i32
    %sign3A_474 = arith.subi %sign3A_470, %sign3A_473 : i32
    %ne3A_475 = arith.cmpi ne, %sign3A_467, %sign3A_474 : i32
    %rem3A_476 = arith.remsi %add3A_458, %jit3A_459 : i32
    %ne3A_477 = arith.constant 0 : i32
    %ne3A_478 = arith.cmpi ne, %rem3A_476, %ne3A_477 : i32
    %and3A_479 = arith.andi %ne3A_475, %ne3A_478 : i1
    %sub3A_480 = arith.constant 1 : i32
    %sub3A_481 = arith.subi %div3A_460, %sub3A_480 : i32
    %select_n3A_482 = arith.select %and3A_479, %sub3A_481, %div3A_460 : i32
    %jit3A_483 = arith.constant 8 : i32
    %eq3A_484 = arith.constant 0 : i32
    %eq3A_485 = arith.cmpi eq, %jit3A_483, %eq3A_484 : i32
    %jit3A_486 = arith.constant 1 : i32
    %select_n3A_487 = arith.select %eq3A_485, %jit3A_486, %jit3A_483 : i32
    %rem3A_488 = arith.remsi %add3A_458, %select_n3A_487 : i32
    %ne3A_489 = arith.constant 0 : i32
    %ne3A_490 = arith.cmpi ne, %rem3A_488, %ne3A_489 : i32
    %lt3A_491 = arith.constant 0 : i32
    %lt3A_492 = arith.cmpi slt, %rem3A_488, %lt3A_491 : i32
    %lt3A_493 = arith.constant 0 : i32
    %lt3A_494 = arith.cmpi slt, %select_n3A_487, %lt3A_493 : i32
    %ne3A_495 = arith.xori %lt3A_492, %lt3A_494 : i1
    %and3A_496 = arith.andi %ne3A_495, %ne3A_490 : i1
    %add3A_497 = arith.addi %rem3A_488, %select_n3A_487 : i32
    %select_n3A_498 = arith.select %and3A_496, %add3A_497, %rem3A_488 : i32
    %dma_start3A_499 = arith.constant 0 : i32
    %dma_start3A_500 = arith.constant 0 : i32
    %dma_start3A_501 = tpu.memref_slice %arg5[%dma_start3A_499, %dma_start3A_500] : memref<2x1024xi32, #tpu.memory_space<vmem>> -> memref<1x1024xi32, #tpu.memory_space<vmem>>
    %dma_start3A_502 = tpu.memref_squeeze %dma_start3A_501 : memref<1x1024xi32, #tpu.memory_space<vmem>> -> memref<1024xi32, #tpu.memory_space<vmem>>
    %dma_start3A_503 = arith.constant 0 : i32
    %dma_start3A_504 = tpu.memref_slice %arg2[%select_n3A_482, %select_n3A_498, %dma_start3A_503] : memref<20x8x4096xi32, #tpu.memory_space<hbm>> -> memref<1x1x1024xi32, #tpu.memory_space<hbm>>
    %dma_start3A_505 = tpu.memref_squeeze %dma_start3A_504 : memref<1x1x1024xi32, #tpu.memory_space<hbm>> -> memref<1024xi32, #tpu.memory_space<hbm>>
    %dma_start3A_506 = arith.constant 0 : i32
    %dma_start3A_507 = tpu.memref_slice %arg5[%dma_start3A_499, %dma_start3A_506] : memref<2x1024xi32, #tpu.memory_space<vmem>> -> memref<1x1024xi32, #tpu.memory_space<vmem>>
    %dma_start3A_508 = tpu.memref_squeeze %dma_start3A_507 : memref<1x1024xi32, #tpu.memory_space<vmem>> -> memref<1024xi32, #tpu.memory_space<vmem>>
    %dma_start3A_509 = arith.constant 0 : i32
    %dma_start3A_510 = tpu.memref_slice %arg2[%select_n3A_482, %select_n3A_498, %dma_start3A_509] : memref<20x8x4096xi32, #tpu.memory_space<hbm>> -> memref<1x1x1024xi32, #tpu.memory_space<hbm>>
    %dma_start3A_511 = tpu.memref_squeeze %dma_start3A_510 : memref<1x1x1024xi32, #tpu.memory_space<hbm>> -> memref<1024xi32, #tpu.memory_space<hbm>>
    tpu.enqueue_dma source(%dma_start3A_511 : memref<1024xi32, #tpu.memory_space<hbm>>) target(%dma_start3A_508 : memref<1024xi32, #tpu.memory_space<vmem>>) target_semaphore(%arg7 : memref<!tpu.dma_semaphore, #tpu.memory_space<semaphore_mem>>)
    %add3A_512 = arith.constant 0 : i32
    %add3A_513 = arith.addi %mul3A_2, %add3A_512 : i32
    %jit3A_514 = arith.constant 8 : i32
    %div3A_515 = arith.divsi %add3A_513, %jit3A_514 : i32
    %sign3A_516 = arith.constant 0 : i32
    %sign3A_517 = arith.cmpi sgt, %add3A_513, %sign3A_516 : i32
    %sign3A_518 = arith.extui %sign3A_517 : i1 to i32
    %sign3A_519 = arith.constant 0 : i32
    %sign3A_520 = arith.cmpi slt, %add3A_513, %sign3A_519 : i32
    %sign3A_521 = arith.extui %sign3A_520 : i1 to i32
    %sign3A_522 = arith.subi %sign3A_518, %sign3A_521 : i32
    %sign3A_523 = arith.constant 0 : i32
    %sign3A_524 = arith.cmpi sgt, %jit3A_514, %sign3A_523 : i32
    %sign3A_525 = arith.extui %sign3A_524 : i1 to i32
    %sign3A_526 = arith.constant 0 : i32
    %sign3A_527 = arith.cmpi slt, %jit3A_514, %sign3A_526 : i32
    %sign3A_528 = arith.extui %sign3A_527 : i1 to i32
    %sign3A_529 = arith.subi %sign3A_525, %sign3A_528 : i32
    %ne3A_530 = arith.cmpi ne, %sign3A_522, %sign3A_529 : i32
    %rem3A_531 = arith.remsi %add3A_513, %jit3A_514 : i32
    %ne3A_532 = arith.constant 0 : i32
    %ne3A_533 = arith.cmpi ne, %rem3A_531, %ne3A_532 : i32
    %and3A_534 = arith.andi %ne3A_530, %ne3A_533 : i1
    %sub3A_535 = arith.constant 1 : i32
    %sub3A_536 = arith.subi %div3A_515, %sub3A_535 : i32
    %select_n3A_537 = arith.select %and3A_534, %sub3A_536, %div3A_515 : i32
    %jit3A_538 = arith.constant 8 : i32
    %eq3A_539 = arith.constant 0 : i32
    %eq3A_540 = arith.cmpi eq, %jit3A_538, %eq3A_539 : i32
    %jit3A_541 = arith.constant 1 : i32
    %select_n3A_542 = arith.select %eq3A_540, %jit3A_541, %jit3A_538 : i32
    %rem3A_543 = arith.remsi %add3A_513, %select_n3A_542 : i32
    %ne3A_544 = arith.constant 0 : i32
    %ne3A_545 = arith.cmpi ne, %rem3A_543, %ne3A_544 : i32
    %lt3A_546 = arith.constant 0 : i32
    %lt3A_547 = arith.cmpi slt, %rem3A_543, %lt3A_546 : i32
    %lt3A_548 = arith.constant 0 : i32
    %lt3A_549 = arith.cmpi slt, %select_n3A_542, %lt3A_548 : i32
    %ne3A_550 = arith.xori %lt3A_547, %lt3A_549 : i1
    %and3A_551 = arith.andi %ne3A_550, %ne3A_545 : i1
    %add3A_552 = arith.addi %rem3A_543, %select_n3A_542 : i32
    %select_n3A_553 = arith.select %and3A_551, %add3A_552, %rem3A_543 : i32
    %dma_start3A_554 = arith.constant 0 : i32
    %dma_start3A_555 = arith.constant 0 : i32
    %dma_start3A_556 = arith.constant 0 : i32
    %dma_start3A_557 = tpu.memref_slice %arg6[%dma_start3A_554, %dma_start3A_555, %dma_start3A_556] : memref<2x1024x32xf32, #tpu.memory_space<vmem>> -> memref<1x1024x32xf32, #tpu.memory_space<vmem>>
    %dma_start3A_558 = tpu.memref_squeeze %dma_start3A_557 : memref<1x1024x32xf32, #tpu.memory_space<vmem>> -> memref<1024x32xf32, #tpu.memory_space<vmem>>
    %dma_start3A_559 = arith.constant 2048 : i32
    %dma_start3A_560 = arith.constant 0 : i32
    %dma_start3A_561 = tpu.memref_slice %arg4[%dma_start3A_559, %select_n3A_537, %select_n3A_553, %dma_start3A_560] : memref<4096x20x8x32xf32, #tpu.memory_space<hbm>> -> memref<1024x1x1x32xf32, #tpu.memory_space<hbm>>
    %dma_start3A_562 = tpu.memref_squeeze %dma_start3A_561 : memref<1024x1x1x32xf32, #tpu.memory_space<hbm>> -> memref<1024x32xf32, #tpu.memory_space<hbm>>
    %dma_start3A_563 = arith.constant 2048 : i32
    %dma_start3A_564 = arith.constant 0 : i32
    %dma_start3A_565 = tpu.memref_slice %arg4[%dma_start3A_563, %select_n3A_537, %select_n3A_553, %dma_start3A_564] : memref<4096x20x8x32xf32, #tpu.memory_space<hbm>> -> memref<1024x1x1x32xf32, #tpu.memory_space<hbm>>
    %dma_start3A_566 = tpu.memref_squeeze %dma_start3A_565 : memref<1024x1x1x32xf32, #tpu.memory_space<hbm>> -> memref<1024x32xf32, #tpu.memory_space<hbm>>
    %dma_start3A_567 = arith.constant 0 : i32
    %dma_start3A_568 = arith.constant 0 : i32
    %dma_start3A_569 = tpu.memref_slice %arg6[%dma_start3A_554, %dma_start3A_567, %dma_start3A_568] : memref<2x1024x32xf32, #tpu.memory_space<vmem>> -> memref<1x1024x32xf32, #tpu.memory_space<vmem>>
    %dma_start3A_570 = tpu.memref_squeeze %dma_start3A_569 : memref<1x1024x32xf32, #tpu.memory_space<vmem>> -> memref<1024x32xf32, #tpu.memory_space<vmem>>
    tpu.enqueue_dma source(%dma_start3A_570 : memref<1024x32xf32, #tpu.memory_space<vmem>>) target(%dma_start3A_566 : memref<1024x32xf32, #tpu.memory_space<hbm>>) target_semaphore(%arg11 : memref<!tpu.dma_semaphore, #tpu.memory_space<semaphore_mem>>)
    %dma_wait3A_571 = arith.constant 1 : i32
    %dma_wait3A_572 = arith.constant 0 : i32
    %dma_wait3A_573 = arith.constant 0 : i32
    %dma_wait3A_574 = tpu.memref_slice %arg6[%dma_wait3A_571, %dma_wait3A_572, %dma_wait3A_573] : memref<2x1024x32xf32, #tpu.memory_space<vmem>> -> memref<1x1024x32xf32, #tpu.memory_space<vmem>>
    %dma_wait3A_575 = tpu.memref_squeeze %dma_wait3A_574 : memref<1x1024x32xf32, #tpu.memory_space<vmem>> -> memref<1024x32xf32, #tpu.memory_space<vmem>>
    %dma_wait3A_576 = arith.constant 1024 : i32
    %dma_wait3A_577 = arith.constant 0 : i32
    %dma_wait3A_578 = tpu.memref_slice %arg4[%dma_wait3A_576, %select_n3A_369, %select_n3A_385, %dma_wait3A_577] : memref<4096x20x8x32xf32, #tpu.memory_space<hbm>> -> memref<1024x1x1x32xf32, #tpu.memory_space<hbm>>
    %dma_wait3A_579 = tpu.memref_squeeze %dma_wait3A_578 : memref<1024x1x1x32xf32, #tpu.memory_space<hbm>> -> memref<1024x32xf32, #tpu.memory_space<hbm>>
    %dma_wait3A_580 = arith.constant 1024 : i32
    %dma_wait3A_581 = arith.constant 0 : i32
    %dma_wait3A_582 = tpu.memref_slice %arg4[%dma_wait3A_580, %select_n3A_369, %select_n3A_385, %dma_wait3A_581] : memref<4096x20x8x32xf32, #tpu.memory_space<hbm>> -> memref<1024x1x1x32xf32, #tpu.memory_space<hbm>>
    %dma_wait3A_583 = tpu.memref_squeeze %dma_wait3A_582 : memref<1024x1x1x32xf32, #tpu.memory_space<hbm>> -> memref<1024x32xf32, #tpu.memory_space<hbm>>
    %dma_wait3A_584 = arith.constant 0 : i32
    %dma_wait3A_585 = arith.constant 0 : i32
    %dma_wait3A_586 = tpu.memref_slice %arg6[%dma_wait3A_571, %dma_wait3A_584, %dma_wait3A_585] : memref<2x1024x32xf32, #tpu.memory_space<vmem>> -> memref<1x1024x32xf32, #tpu.memory_space<vmem>>
    %dma_wait3A_587 = tpu.memref_squeeze %dma_wait3A_586 : memref<1x1024x32xf32, #tpu.memory_space<vmem>> -> memref<1024x32xf32, #tpu.memory_space<vmem>>
    tpu.wait_dma2 semaphore(%arg12 : memref<!tpu.dma_semaphore, #tpu.memory_space<semaphore_mem>>) src(%dma_wait3A_587 : memref<1024x32xf32, #tpu.memory_space<vmem>>) dst(%dma_wait3A_583 : memref<1024x32xf32, #tpu.memory_space<hbm>>)
    %dma_wait3A_588 = arith.constant 1 : i32
    %dma_wait3A_589 = arith.constant 0 : i32
    %dma_wait3A_590 = tpu.memref_slice %arg5[%dma_wait3A_588, %dma_wait3A_589] : memref<2x1024xi32, #tpu.memory_space<vmem>> -> memref<1x1024xi32, #tpu.memory_space<vmem>>
    %dma_wait3A_591 = tpu.memref_squeeze %dma_wait3A_590 : memref<1x1024xi32, #tpu.memory_space<vmem>> -> memref<1024xi32, #tpu.memory_space<vmem>>
    %dma_wait3A_592 = arith.constant 3072 : i32
    %dma_wait3A_593 = tpu.memref_slice %arg2[%select_n3A_314, %select_n3A_330, %dma_wait3A_592] : memref<20x8x4096xi32, #tpu.memory_space<hbm>> -> memref<1x1x1024xi32, #tpu.memory_space<hbm>>
    %dma_wait3A_594 = tpu.memref_squeeze %dma_wait3A_593 : memref<1x1x1024xi32, #tpu.memory_space<hbm>> -> memref<1024xi32, #tpu.memory_space<hbm>>
    %dma_wait3A_595 = arith.constant 0 : i32
    %dma_wait3A_596 = tpu.memref_slice %arg5[%dma_wait3A_588, %dma_wait3A_595] : memref<2x1024xi32, #tpu.memory_space<vmem>> -> memref<1x1024xi32, #tpu.memory_space<vmem>>
    %dma_wait3A_597 = tpu.memref_squeeze %dma_wait3A_596 : memref<1x1024xi32, #tpu.memory_space<vmem>> -> memref<1024xi32, #tpu.memory_space<vmem>>
    %dma_wait3A_598 = arith.constant 3072 : i32
    %dma_wait3A_599 = tpu.memref_slice %arg2[%select_n3A_314, %select_n3A_330, %dma_wait3A_598] : memref<20x8x4096xi32, #tpu.memory_space<hbm>> -> memref<1x1x1024xi32, #tpu.memory_space<hbm>>
    %dma_wait3A_600 = tpu.memref_squeeze %dma_wait3A_599 : memref<1x1x1024xi32, #tpu.memory_space<hbm>> -> memref<1024xi32, #tpu.memory_space<hbm>>
    tpu.wait_dma2 semaphore(%arg8 : memref<!tpu.dma_semaphore, #tpu.memory_space<semaphore_mem>>) src(%dma_wait3A_600 : memref<1024xi32, #tpu.memory_space<hbm>>) dst(%dma_wait3A_597 : memref<1024xi32, #tpu.memory_space<vmem>>)
    %dma_start3A_601 = arith.constant 1 : i32
    %dma_start3A_602 = arith.constant 1 : i32
    %dma_start3A_603 = arith.constant 0 : i32
    %dma_start3A_604 = arith.constant 0 : i32
    %dma_start3A_605 = tpu.memref_slice %arg6[%dma_start3A_602, %dma_start3A_603, %dma_start3A_604] : memref<2x1024x32xf32, #tpu.memory_space<vmem>> -> memref<1x1024x32xf32, #tpu.memory_space<vmem>>
    %dma_start3A_606 = tpu.memref_squeeze %dma_start3A_605 : memref<1x1024x32xf32, #tpu.memory_space<vmem>> -> memref<1024x32xf32, #tpu.memory_space<vmem>>
    %dma_start3A_607 = arith.constant 0 : i32
    %dma_start3A_608 = tpu.memref_slice %arg5[%dma_start3A_601, %dma_start3A_607] : memref<2x1024xi32, #tpu.memory_space<vmem>> -> memref<1x1024xi32, #tpu.memory_space<vmem>>
    %dma_start3A_609 = tpu.memref_squeeze %dma_start3A_608 : memref<1x1024xi32, #tpu.memory_space<vmem>> -> memref<1024xi32, #tpu.memory_space<vmem>>
    %dma_start3A_610 = arith.constant 0 : i32
    %dma_start3A_611 = arith.constant 0 : i32
    %dma_start3A_612 = tpu.memref_slice %arg3[%dma_start3A_610, %dma_start3A_611] : memref<1000000x32xf32, #tpu.memory_space<hbm>> -> memref<1000000x32xf32, #tpu.memory_space<hbm>>
    tpu.enqueue_indirect_dma source(%dma_start3A_612 : memref<1000000x32xf32, #tpu.memory_space<hbm>>) target(%dma_start3A_606 : memref<1024x32xf32, #tpu.memory_space<vmem>>) offsets(%dma_start3A_609 : memref<1024xi32, #tpu.memory_space<vmem>>) semaphore(%arg10 : memref<!tpu.dma_semaphore, #tpu.memory_space<semaphore_mem>>)
    %dma_wait3A_613 = arith.constant 1 : i32
    %dma_wait3A_614 = arith.constant 1 : i32
    %dma_wait3A_615 = arith.constant 0 : i32
    %dma_wait3A_616 = arith.constant 0 : i32
    %dma_wait3A_617 = tpu.memref_slice %arg6[%dma_wait3A_614, %dma_wait3A_615, %dma_wait3A_616] : memref<2x1024x32xf32, #tpu.memory_space<vmem>> -> memref<1x1024x32xf32, #tpu.memory_space<vmem>>
    %dma_wait3A_618 = tpu.memref_squeeze %dma_wait3A_617 : memref<1x1024x32xf32, #tpu.memory_space<vmem>> -> memref<1024x32xf32, #tpu.memory_space<vmem>>
    %dma_wait3A_619 = arith.constant 0 : i32
    %dma_wait3A_620 = tpu.memref_slice %arg5[%dma_wait3A_613, %dma_wait3A_619] : memref<2x1024xi32, #tpu.memory_space<vmem>> -> memref<1x1024xi32, #tpu.memory_space<vmem>>
    %dma_wait3A_621 = tpu.memref_squeeze %dma_wait3A_620 : memref<1x1024xi32, #tpu.memory_space<vmem>> -> memref<1024xi32, #tpu.memory_space<vmem>>
    %dma_wait3A_622 = arith.constant 0 : i32
    %dma_wait3A_623 = arith.constant 0 : i32
    %dma_wait3A_624 = tpu.memref_slice %arg3[%dma_wait3A_622, %dma_wait3A_623] : memref<1000000x32xf32, #tpu.memory_space<hbm>> -> memref<1000000x32xf32, #tpu.memory_space<hbm>>
    tpu.wait_indirect_dma semaphore(%arg10 : memref<!tpu.dma_semaphore, #tpu.memory_space<semaphore_mem>>) src(%dma_wait3A_624 : memref<1000000x32xf32, #tpu.memory_space<hbm>>) dst(%dma_wait3A_618 : memref<1024x32xf32, #tpu.memory_space<vmem>>)
    %add3A_625 = arith.constant 1 : i32
    %add3A_626 = arith.addi %mul3A_2, %add3A_625 : i32
    %jit3A_627 = arith.constant 8 : i32
    %div3A_628 = arith.divsi %add3A_626, %jit3A_627 : i32
    %sign3A_629 = arith.constant 0 : i32
    %sign3A_630 = arith.cmpi sgt, %add3A_626, %sign3A_629 : i32
    %sign3A_631 = arith.extui %sign3A_630 : i1 to i32
    %sign3A_632 = arith.constant 0 : i32
    %sign3A_633 = arith.cmpi slt, %add3A_626, %sign3A_632 : i32
    %sign3A_634 = arith.extui %sign3A_633 : i1 to i32
    %sign3A_635 = arith.subi %sign3A_631, %sign3A_634 : i32
    %sign3A_636 = arith.constant 0 : i32
    %sign3A_637 = arith.cmpi sgt, %jit3A_627, %sign3A_636 : i32
    %sign3A_638 = arith.extui %sign3A_637 : i1 to i32
    %sign3A_639 = arith.constant 0 : i32
    %sign3A_640 = arith.cmpi slt, %jit3A_627, %sign3A_639 : i32
    %sign3A_641 = arith.extui %sign3A_640 : i1 to i32
    %sign3A_642 = arith.subi %sign3A_638, %sign3A_641 : i32
    %ne3A_643 = arith.cmpi ne, %sign3A_635, %sign3A_642 : i32
    %rem3A_644 = arith.remsi %add3A_626, %jit3A_627 : i32
    %ne3A_645 = arith.constant 0 : i32
    %ne3A_646 = arith.cmpi ne, %rem3A_644, %ne3A_645 : i32
    %and3A_647 = arith.andi %ne3A_643, %ne3A_646 : i1
    %sub3A_648 = arith.constant 1 : i32
    %sub3A_649 = arith.subi %div3A_628, %sub3A_648 : i32
    %select_n3A_650 = arith.select %and3A_647, %sub3A_649, %div3A_628 : i32
    %jit3A_651 = arith.constant 8 : i32
    %eq3A_652 = arith.constant 0 : i32
    %eq3A_653 = arith.cmpi eq, %jit3A_651, %eq3A_652 : i32
    %jit3A_654 = arith.constant 1 : i32
    %select_n3A_655 = arith.select %eq3A_653, %jit3A_654, %jit3A_651 : i32
    %rem3A_656 = arith.remsi %add3A_626, %select_n3A_655 : i32
    %ne3A_657 = arith.constant 0 : i32
    %ne3A_658 = arith.cmpi ne, %rem3A_656, %ne3A_657 : i32
    %lt3A_659 = arith.constant 0 : i32
    %lt3A_660 = arith.cmpi slt, %rem3A_656, %lt3A_659 : i32
    %lt3A_661 = arith.constant 0 : i32
    %lt3A_662 = arith.cmpi slt, %select_n3A_655, %lt3A_661 : i32
    %ne3A_663 = arith.xori %lt3A_660, %lt3A_662 : i1
    %and3A_664 = arith.andi %ne3A_663, %ne3A_658 : i1
    %add3A_665 = arith.addi %rem3A_656, %select_n3A_655 : i32
    %select_n3A_666 = arith.select %and3A_664, %add3A_665, %rem3A_656 : i32
    %dma_start3A_667 = arith.constant 1 : i32
    %dma_start3A_668 = arith.constant 0 : i32
    %dma_start3A_669 = tpu.memref_slice %arg5[%dma_start3A_667, %dma_start3A_668] : memref<2x1024xi32, #tpu.memory_space<vmem>> -> memref<1x1024xi32, #tpu.memory_space<vmem>>
    %dma_start3A_670 = tpu.memref_squeeze %dma_start3A_669 : memref<1x1024xi32, #tpu.memory_space<vmem>> -> memref<1024xi32, #tpu.memory_space<vmem>>
    %dma_start3A_671 = arith.constant 1024 : i32
    %dma_start3A_672 = tpu.memref_slice %arg2[%select_n3A_650, %select_n3A_666, %dma_start3A_671] : memref<20x8x4096xi32, #tpu.memory_space<hbm>> -> memref<1x1x1024xi32, #tpu.memory_space<hbm>>
    %dma_start3A_673 = tpu.memref_squeeze %dma_start3A_672 : memref<1x1x1024xi32, #tpu.memory_space<hbm>> -> memref<1024xi32, #tpu.memory_space<hbm>>
    %dma_start3A_674 = arith.constant 0 : i32
    %dma_start3A_675 = tpu.memref_slice %arg5[%dma_start3A_667, %dma_start3A_674] : memref<2x1024xi32, #tpu.memory_space<vmem>> -> memref<1x1024xi32, #tpu.memory_space<vmem>>
    %dma_start3A_676 = tpu.memref_squeeze %dma_start3A_675 : memref<1x1024xi32, #tpu.memory_space<vmem>> -> memref<1024xi32, #tpu.memory_space<vmem>>
    %dma_start3A_677 = arith.constant 1024 : i32
    %dma_start3A_678 = tpu.memref_slice %arg2[%select_n3A_650, %select_n3A_666, %dma_start3A_677] : memref<20x8x4096xi32, #tpu.memory_space<hbm>> -> memref<1x1x1024xi32, #tpu.memory_space<hbm>>
    %dma_start3A_679 = tpu.memref_squeeze %dma_start3A_678 : memref<1x1x1024xi32, #tpu.memory_space<hbm>> -> memref<1024xi32, #tpu.memory_space<hbm>>
    tpu.enqueue_dma source(%dma_start3A_679 : memref<1024xi32, #tpu.memory_space<hbm>>) target(%dma_start3A_676 : memref<1024xi32, #tpu.memory_space<vmem>>) target_semaphore(%arg8 : memref<!tpu.dma_semaphore, #tpu.memory_space<semaphore_mem>>)
    %add3A_680 = arith.constant 0 : i32
    %add3A_681 = arith.addi %mul3A_2, %add3A_680 : i32
    %jit3A_682 = arith.constant 8 : i32
    %div3A_683 = arith.divsi %add3A_681, %jit3A_682 : i32
    %sign3A_684 = arith.constant 0 : i32
    %sign3A_685 = arith.cmpi sgt, %add3A_681, %sign3A_684 : i32
    %sign3A_686 = arith.extui %sign3A_685 : i1 to i32
    %sign3A_687 = arith.constant 0 : i32
    %sign3A_688 = arith.cmpi slt, %add3A_681, %sign3A_687 : i32
    %sign3A_689 = arith.extui %sign3A_688 : i1 to i32
    %sign3A_690 = arith.subi %sign3A_686, %sign3A_689 : i32
    %sign3A_691 = arith.constant 0 : i32
    %sign3A_692 = arith.cmpi sgt, %jit3A_682, %sign3A_691 : i32
    %sign3A_693 = arith.extui %sign3A_692 : i1 to i32
    %sign3A_694 = arith.constant 0 : i32
    %sign3A_695 = arith.cmpi slt, %jit3A_682, %sign3A_694 : i32
    %sign3A_696 = arith.extui %sign3A_695 : i1 to i32
    %sign3A_697 = arith.subi %sign3A_693, %sign3A_696 : i32
    %ne3A_698 = arith.cmpi ne, %sign3A_690, %sign3A_697 : i32
    %rem3A_699 = arith.remsi %add3A_681, %jit3A_682 : i32
    %ne3A_700 = arith.constant 0 : i32
    %ne3A_701 = arith.cmpi ne, %rem3A_699, %ne3A_700 : i32
    %and3A_702 = arith.andi %ne3A_698, %ne3A_701 : i1
    %sub3A_703 = arith.constant 1 : i32
    %sub3A_704 = arith.subi %div3A_683, %sub3A_703 : i32
    %select_n3A_705 = arith.select %and3A_702, %sub3A_704, %div3A_683 : i32
    %jit3A_706 = arith.constant 8 : i32
    %eq3A_707 = arith.constant 0 : i32
    %eq3A_708 = arith.cmpi eq, %jit3A_706, %eq3A_707 : i32
    %jit3A_709 = arith.constant 1 : i32
    %select_n3A_710 = arith.select %eq3A_708, %jit3A_709, %jit3A_706 : i32
    %rem3A_711 = arith.remsi %add3A_681, %select_n3A_710 : i32
    %ne3A_712 = arith.constant 0 : i32
    %ne3A_713 = arith.cmpi ne, %rem3A_711, %ne3A_712 : i32
    %lt3A_714 = arith.constant 0 : i32
    %lt3A_715 = arith.cmpi slt, %rem3A_711, %lt3A_714 : i32
    %lt3A_716 = arith.constant 0 : i32
    %lt3A_717 = arith.cmpi slt, %select_n3A_710, %lt3A_716 : i32
    %ne3A_718 = arith.xori %lt3A_715, %lt3A_717 : i1
    %and3A_719 = arith.andi %ne3A_718, %ne3A_713 : i1
    %add3A_720 = arith.addi %rem3A_711, %select_n3A_710 : i32
    %select_n3A_721 = arith.select %and3A_719, %add3A_720, %rem3A_711 : i32
    %dma_start3A_722 = arith.constant 1 : i32
    %dma_start3A_723 = arith.constant 0 : i32
    %dma_start3A_724 = arith.constant 0 : i32
    %dma_start3A_725 = tpu.memref_slice %arg6[%dma_start3A_722, %dma_start3A_723, %dma_start3A_724] : memref<2x1024x32xf32, #tpu.memory_space<vmem>> -> memref<1x1024x32xf32, #tpu.memory_space<vmem>>
    %dma_start3A_726 = tpu.memref_squeeze %dma_start3A_725 : memref<1x1024x32xf32, #tpu.memory_space<vmem>> -> memref<1024x32xf32, #tpu.memory_space<vmem>>
    %dma_start3A_727 = arith.constant 3072 : i32
    %dma_start3A_728 = arith.constant 0 : i32
    %dma_start3A_729 = tpu.memref_slice %arg4[%dma_start3A_727, %select_n3A_705, %select_n3A_721, %dma_start3A_728] : memref<4096x20x8x32xf32, #tpu.memory_space<hbm>> -> memref<1024x1x1x32xf32, #tpu.memory_space<hbm>>
    %dma_start3A_730 = tpu.memref_squeeze %dma_start3A_729 : memref<1024x1x1x32xf32, #tpu.memory_space<hbm>> -> memref<1024x32xf32, #tpu.memory_space<hbm>>
    %dma_start3A_731 = arith.constant 3072 : i32
    %dma_start3A_732 = arith.constant 0 : i32
    %dma_start3A_733 = tpu.memref_slice %arg4[%dma_start3A_731, %select_n3A_705, %select_n3A_721, %dma_start3A_732] : memref<4096x20x8x32xf32, #tpu.memory_space<hbm>> -> memref<1024x1x1x32xf32, #tpu.memory_space<hbm>>
    %dma_start3A_734 = tpu.memref_squeeze %dma_start3A_733 : memref<1024x1x1x32xf32, #tpu.memory_space<hbm>> -> memref<1024x32xf32, #tpu.memory_space<hbm>>
    %dma_start3A_735 = arith.constant 0 : i32
    %dma_start3A_736 = arith.constant 0 : i32
    %dma_start3A_737 = tpu.memref_slice %arg6[%dma_start3A_722, %dma_start3A_735, %dma_start3A_736] : memref<2x1024x32xf32, #tpu.memory_space<vmem>> -> memref<1x1024x32xf32, #tpu.memory_space<vmem>>
    %dma_start3A_738 = tpu.memref_squeeze %dma_start3A_737 : memref<1x1024x32xf32, #tpu.memory_space<vmem>> -> memref<1024x32xf32, #tpu.memory_space<vmem>>
    tpu.enqueue_dma source(%dma_start3A_738 : memref<1024x32xf32, #tpu.memory_space<vmem>>) target(%dma_start3A_734 : memref<1024x32xf32, #tpu.memory_space<hbm>>) target_semaphore(%arg12 : memref<!tpu.dma_semaphore, #tpu.memory_space<semaphore_mem>>)
    %dma_wait3A_739 = arith.constant 0 : i32
    %dma_wait3A_740 = arith.constant 0 : i32
    %dma_wait3A_741 = arith.constant 0 : i32
    %dma_wait3A_742 = tpu.memref_slice %arg6[%dma_wait3A_739, %dma_wait3A_740, %dma_wait3A_741] : memref<2x1024x32xf32, #tpu.memory_space<vmem>> -> memref<1x1024x32xf32, #tpu.memory_space<vmem>>
    %dma_wait3A_743 = tpu.memref_squeeze %dma_wait3A_742 : memref<1x1024x32xf32, #tpu.memory_space<vmem>> -> memref<1024x32xf32, #tpu.memory_space<vmem>>
    %dma_wait3A_744 = arith.constant 2048 : i32
    %dma_wait3A_745 = arith.constant 0 : i32
    %dma_wait3A_746 = tpu.memref_slice %arg4[%dma_wait3A_744, %select_n3A_537, %select_n3A_553, %dma_wait3A_745] : memref<4096x20x8x32xf32, #tpu.memory_space<hbm>> -> memref<1024x1x1x32xf32, #tpu.memory_space<hbm>>
    %dma_wait3A_747 = tpu.memref_squeeze %dma_wait3A_746 : memref<1024x1x1x32xf32, #tpu.memory_space<hbm>> -> memref<1024x32xf32, #tpu.memory_space<hbm>>
    %dma_wait3A_748 = arith.constant 2048 : i32
    %dma_wait3A_749 = arith.constant 0 : i32
    %dma_wait3A_750 = tpu.memref_slice %arg4[%dma_wait3A_748, %select_n3A_537, %select_n3A_553, %dma_wait3A_749] : memref<4096x20x8x32xf32, #tpu.memory_space<hbm>> -> memref<1024x1x1x32xf32, #tpu.memory_space<hbm>>
    %dma_wait3A_751 = tpu.memref_squeeze %dma_wait3A_750 : memref<1024x1x1x32xf32, #tpu.memory_space<hbm>> -> memref<1024x32xf32, #tpu.memory_space<hbm>>
    %dma_wait3A_752 = arith.constant 0 : i32
    %dma_wait3A_753 = arith.constant 0 : i32
    %dma_wait3A_754 = tpu.memref_slice %arg6[%dma_wait3A_739, %dma_wait3A_752, %dma_wait3A_753] : memref<2x1024x32xf32, #tpu.memory_space<vmem>> -> memref<1x1024x32xf32, #tpu.memory_space<vmem>>
    %dma_wait3A_755 = tpu.memref_squeeze %dma_wait3A_754 : memref<1x1024x32xf32, #tpu.memory_space<vmem>> -> memref<1024x32xf32, #tpu.memory_space<vmem>>
    tpu.wait_dma2 semaphore(%arg11 : memref<!tpu.dma_semaphore, #tpu.memory_space<semaphore_mem>>) src(%dma_wait3A_755 : memref<1024x32xf32, #tpu.memory_space<vmem>>) dst(%dma_wait3A_751 : memref<1024x32xf32, #tpu.memory_space<hbm>>)
    %dma_wait3A_756 = arith.constant 0 : i32
    %dma_wait3A_757 = arith.constant 0 : i32
    %dma_wait3A_758 = tpu.memref_slice %arg5[%dma_wait3A_756, %dma_wait3A_757] : memref<2x1024xi32, #tpu.memory_space<vmem>> -> memref<1x1024xi32, #tpu.memory_space<vmem>>
    %dma_wait3A_759 = tpu.memref_squeeze %dma_wait3A_758 : memref<1x1024xi32, #tpu.memory_space<vmem>> -> memref<1024xi32, #tpu.memory_space<vmem>>
    %dma_wait3A_760 = arith.constant 0 : i32
    %dma_wait3A_761 = tpu.memref_slice %arg2[%select_n3A_482, %select_n3A_498, %dma_wait3A_760] : memref<20x8x4096xi32, #tpu.memory_space<hbm>> -> memref<1x1x1024xi32, #tpu.memory_space<hbm>>
    %dma_wait3A_762 = tpu.memref_squeeze %dma_wait3A_761 : memref<1x1x1024xi32, #tpu.memory_space<hbm>> -> memref<1024xi32, #tpu.memory_space<hbm>>
    %dma_wait3A_763 = arith.constant 0 : i32
    %dma_wait3A_764 = tpu.memref_slice %arg5[%dma_wait3A_756, %dma_wait3A_763] : memref<2x1024xi32, #tpu.memory_space<vmem>> -> memref<1x1024xi32, #tpu.memory_space<vmem>>
    %dma_wait3A_765 = tpu.memref_squeeze %dma_wait3A_764 : memref<1x1024xi32, #tpu.memory_space<vmem>> -> memref<1024xi32, #tpu.memory_space<vmem>>
    %dma_wait3A_766 = arith.constant 0 : i32
    %dma_wait3A_767 = tpu.memref_slice %arg2[%select_n3A_482, %select_n3A_498, %dma_wait3A_766] : memref<20x8x4096xi32, #tpu.memory_space<hbm>> -> memref<1x1x1024xi32, #tpu.memory_space<hbm>>
    %dma_wait3A_768 = tpu.memref_squeeze %dma_wait3A_767 : memref<1x1x1024xi32, #tpu.memory_space<hbm>> -> memref<1024xi32, #tpu.memory_space<hbm>>
    tpu.wait_dma2 semaphore(%arg7 : memref<!tpu.dma_semaphore, #tpu.memory_space<semaphore_mem>>) src(%dma_wait3A_768 : memref<1024xi32, #tpu.memory_space<hbm>>) dst(%dma_wait3A_765 : memref<1024xi32, #tpu.memory_space<vmem>>)
    %dma_start3A_769 = arith.constant 0 : i32
    %dma_start3A_770 = arith.constant 0 : i32
    %dma_start3A_771 = arith.constant 0 : i32
    %dma_start3A_772 = arith.constant 0 : i32
    %dma_start3A_773 = tpu.memref_slice %arg6[%dma_start3A_770, %dma_start3A_771, %dma_start3A_772] : memref<2x1024x32xf32, #tpu.memory_space<vmem>> -> memref<1x1024x32xf32, #tpu.memory_space<vmem>>
    %dma_start3A_774 = tpu.memref_squeeze %dma_start3A_773 : memref<1x1024x32xf32, #tpu.memory_space<vmem>> -> memref<1024x32xf32, #tpu.memory_space<vmem>>
    %dma_start3A_775 = arith.constant 0 : i32
    %dma_start3A_776 = tpu.memref_slice %arg5[%dma_start3A_769, %dma_start3A_775] : memref<2x1024xi32, #tpu.memory_space<vmem>> -> memref<1x1024xi32, #tpu.memory_space<vmem>>
    %dma_start3A_777 = tpu.memref_squeeze %dma_start3A_776 : memref<1x1024xi32, #tpu.memory_space<vmem>> -> memref<1024xi32, #tpu.memory_space<vmem>>
    %dma_start3A_778 = arith.constant 0 : i32
    %dma_start3A_779 = arith.constant 0 : i32
    %dma_start3A_780 = tpu.memref_slice %arg3[%dma_start3A_778, %dma_start3A_779] : memref<1000000x32xf32, #tpu.memory_space<hbm>> -> memref<1000000x32xf32, #tpu.memory_space<hbm>>
    tpu.enqueue_indirect_dma source(%dma_start3A_780 : memref<1000000x32xf32, #tpu.memory_space<hbm>>) target(%dma_start3A_774 : memref<1024x32xf32, #tpu.memory_space<vmem>>) offsets(%dma_start3A_777 : memref<1024xi32, #tpu.memory_space<vmem>>) semaphore(%arg9 : memref<!tpu.dma_semaphore, #tpu.memory_space<semaphore_mem>>)
    %dma_wait3A_781 = arith.constant 0 : i32
    %dma_wait3A_782 = arith.constant 0 : i32
    %dma_wait3A_783 = arith.constant 0 : i32
    %dma_wait3A_784 = arith.constant 0 : i32
    %dma_wait3A_785 = tpu.memref_slice %arg6[%dma_wait3A_782, %dma_wait3A_783, %dma_wait3A_784] : memref<2x1024x32xf32, #tpu.memory_space<vmem>> -> memref<1x1024x32xf32, #tpu.memory_space<vmem>>
    %dma_wait3A_786 = tpu.memref_squeeze %dma_wait3A_785 : memref<1x1024x32xf32, #tpu.memory_space<vmem>> -> memref<1024x32xf32, #tpu.memory_space<vmem>>
    %dma_wait3A_787 = arith.constant 0 : i32
    %dma_wait3A_788 = tpu.memref_slice %arg5[%dma_wait3A_781, %dma_wait3A_787] : memref<2x1024xi32, #tpu.memory_space<vmem>> -> memref<1x1024xi32, #tpu.memory_space<vmem>>
    %dma_wait3A_789 = tpu.memref_squeeze %dma_wait3A_788 : memref<1x1024xi32, #tpu.memory_space<vmem>> -> memref<1024xi32, #tpu.memory_space<vmem>>
    %dma_wait3A_790 = arith.constant 0 : i32
    %dma_wait3A_791 = arith.constant 0 : i32
    %dma_wait3A_792 = tpu.memref_slice %arg3[%dma_wait3A_790, %dma_wait3A_791] : memref<1000000x32xf32, #tpu.memory_space<hbm>> -> memref<1000000x32xf32, #tpu.memory_space<hbm>>
    tpu.wait_indirect_dma semaphore(%arg9 : memref<!tpu.dma_semaphore, #tpu.memory_space<semaphore_mem>>) src(%dma_wait3A_792 : memref<1000000x32xf32, #tpu.memory_space<hbm>>) dst(%dma_wait3A_786 : memref<1024x32xf32, #tpu.memory_space<vmem>>)
    %add3A_793 = arith.constant 1 : i32
    %add3A_794 = arith.addi %mul3A_2, %add3A_793 : i32
    %jit3A_795 = arith.constant 8 : i32
    %div3A_796 = arith.divsi %add3A_794, %jit3A_795 : i32
    %sign3A_797 = arith.constant 0 : i32
    %sign3A_798 = arith.cmpi sgt, %add3A_794, %sign3A_797 : i32
    %sign3A_799 = arith.extui %sign3A_798 : i1 to i32
    %sign3A_800 = arith.constant 0 : i32
    %sign3A_801 = arith.cmpi slt, %add3A_794, %sign3A_800 : i32
    %sign3A_802 = arith.extui %sign3A_801 : i1 to i32
    %sign3A_803 = arith.subi %sign3A_799, %sign3A_802 : i32
    %sign3A_804 = arith.constant 0 : i32
    %sign3A_805 = arith.cmpi sgt, %jit3A_795, %sign3A_804 : i32
    %sign3A_806 = arith.extui %sign3A_805 : i1 to i32
    %sign3A_807 = arith.constant 0 : i32
    %sign3A_808 = arith.cmpi slt, %jit3A_795, %sign3A_807 : i32
    %sign3A_809 = arith.extui %sign3A_808 : i1 to i32
    %sign3A_810 = arith.subi %sign3A_806, %sign3A_809 : i32
    %ne3A_811 = arith.cmpi ne, %sign3A_803, %sign3A_810 : i32
    %rem3A_812 = arith.remsi %add3A_794, %jit3A_795 : i32
    %ne3A_813 = arith.constant 0 : i32
    %ne3A_814 = arith.cmpi ne, %rem3A_812, %ne3A_813 : i32
    %and3A_815 = arith.andi %ne3A_811, %ne3A_814 : i1
    %sub3A_816 = arith.constant 1 : i32
    %sub3A_817 = arith.subi %div3A_796, %sub3A_816 : i32
    %select_n3A_818 = arith.select %and3A_815, %sub3A_817, %div3A_796 : i32
    %jit3A_819 = arith.constant 8 : i32
    %eq3A_820 = arith.constant 0 : i32
    %eq3A_821 = arith.cmpi eq, %jit3A_819, %eq3A_820 : i32
    %jit3A_822 = arith.constant 1 : i32
    %select_n3A_823 = arith.select %eq3A_821, %jit3A_822, %jit3A_819 : i32
    %rem3A_824 = arith.remsi %add3A_794, %select_n3A_823 : i32
    %ne3A_825 = arith.constant 0 : i32
    %ne3A_826 = arith.cmpi ne, %rem3A_824, %ne3A_825 : i32
    %lt3A_827 = arith.constant 0 : i32
    %lt3A_828 = arith.cmpi slt, %rem3A_824, %lt3A_827 : i32
    %lt3A_829 = arith.constant 0 : i32
    %lt3A_830 = arith.cmpi slt, %select_n3A_823, %lt3A_829 : i32
    %ne3A_831 = arith.xori %lt3A_828, %lt3A_830 : i1
    %and3A_832 = arith.andi %ne3A_831, %ne3A_826 : i1
    %add3A_833 = arith.addi %rem3A_824, %select_n3A_823 : i32
    %select_n3A_834 = arith.select %and3A_832, %add3A_833, %rem3A_824 : i32
    %dma_start3A_835 = arith.constant 0 : i32
    %dma_start3A_836 = arith.constant 0 : i32
    %dma_start3A_837 = tpu.memref_slice %arg5[%dma_start3A_835, %dma_start3A_836] : memref<2x1024xi32, #tpu.memory_space<vmem>> -> memref<1x1024xi32, #tpu.memory_space<vmem>>
    %dma_start3A_838 = tpu.memref_squeeze %dma_start3A_837 : memref<1x1024xi32, #tpu.memory_space<vmem>> -> memref<1024xi32, #tpu.memory_space<vmem>>
    %dma_start3A_839 = arith.constant 2048 : i32
    %dma_start3A_840 = tpu.memref_slice %arg2[%select_n3A_818, %select_n3A_834, %dma_start3A_839] : memref<20x8x4096xi32, #tpu.memory_space<hbm>> -> memref<1x1x1024xi32, #tpu.memory_space<hbm>>
    %dma_start3A_841 = tpu.memref_squeeze %dma_start3A_840 : memref<1x1x1024xi32, #tpu.memory_space<hbm>> -> memref<1024xi32, #tpu.memory_space<hbm>>
    %dma_start3A_842 = arith.constant 0 : i32
    %dma_start3A_843 = tpu.memref_slice %arg5[%dma_start3A_835, %dma_start3A_842] : memref<2x1024xi32, #tpu.memory_space<vmem>> -> memref<1x1024xi32, #tpu.memory_space<vmem>>
    %dma_start3A_844 = tpu.memref_squeeze %dma_start3A_843 : memref<1x1024xi32, #tpu.memory_space<vmem>> -> memref<1024xi32, #tpu.memory_space<vmem>>
    %dma_start3A_845 = arith.constant 2048 : i32
    %dma_start3A_846 = tpu.memref_slice %arg2[%select_n3A_818, %select_n3A_834, %dma_start3A_845] : memref<20x8x4096xi32, #tpu.memory_space<hbm>> -> memref<1x1x1024xi32, #tpu.memory_space<hbm>>
    %dma_start3A_847 = tpu.memref_squeeze %dma_start3A_846 : memref<1x1x1024xi32, #tpu.memory_space<hbm>> -> memref<1024xi32, #tpu.memory_space<hbm>>
    tpu.enqueue_dma source(%dma_start3A_847 : memref<1024xi32, #tpu.memory_space<hbm>>) target(%dma_start3A_844 : memref<1024xi32, #tpu.memory_space<vmem>>) target_semaphore(%arg7 : memref<!tpu.dma_semaphore, #tpu.memory_space<semaphore_mem>>)
    %add3A_848 = arith.constant 1 : i32
    %add3A_849 = arith.addi %mul3A_2, %add3A_848 : i32
    %jit3A_850 = arith.constant 8 : i32
    %div3A_851 = arith.divsi %add3A_849, %jit3A_850 : i32
    %sign3A_852 = arith.constant 0 : i32
    %sign3A_853 = arith.cmpi sgt, %add3A_849, %sign3A_852 : i32
    %sign3A_854 = arith.extui %sign3A_853 : i1 to i32
    %sign3A_855 = arith.constant 0 : i32
    %sign3A_856 = arith.cmpi slt, %add3A_849, %sign3A_855 : i32
    %sign3A_857 = arith.extui %sign3A_856 : i1 to i32
    %sign3A_858 = arith.subi %sign3A_854, %sign3A_857 : i32
    %sign3A_859 = arith.constant 0 : i32
    %sign3A_860 = arith.cmpi sgt, %jit3A_850, %sign3A_859 : i32
    %sign3A_861 = arith.extui %sign3A_860 : i1 to i32
    %sign3A_862 = arith.constant 0 : i32
    %sign3A_863 = arith.cmpi slt, %jit3A_850, %sign3A_862 : i32
    %sign3A_864 = arith.extui %sign3A_863 : i1 to i32
    %sign3A_865 = arith.subi %sign3A_861, %sign3A_864 : i32
    %ne3A_866 = arith.cmpi ne, %sign3A_858, %sign3A_865 : i32
    %rem3A_867 = arith.remsi %add3A_849, %jit3A_850 : i32
    %ne3A_868 = arith.constant 0 : i32
    %ne3A_869 = arith.cmpi ne, %rem3A_867, %ne3A_868 : i32
    %and3A_870 = arith.andi %ne3A_866, %ne3A_869 : i1
    %sub3A_871 = arith.constant 1 : i32
    %sub3A_872 = arith.subi %div3A_851, %sub3A_871 : i32
    %select_n3A_873 = arith.select %and3A_870, %sub3A_872, %div3A_851 : i32
    %jit3A_874 = arith.constant 8 : i32
    %eq3A_875 = arith.constant 0 : i32
    %eq3A_876 = arith.cmpi eq, %jit3A_874, %eq3A_875 : i32
    %jit3A_877 = arith.constant 1 : i32
    %select_n3A_878 = arith.select %eq3A_876, %jit3A_877, %jit3A_874 : i32
    %rem3A_879 = arith.remsi %add3A_849, %select_n3A_878 : i32
    %ne3A_880 = arith.constant 0 : i32
    %ne3A_881 = arith.cmpi ne, %rem3A_879, %ne3A_880 : i32
    %lt3A_882 = arith.constant 0 : i32
    %lt3A_883 = arith.cmpi slt, %rem3A_879, %lt3A_882 : i32
    %lt3A_884 = arith.constant 0 : i32
    %lt3A_885 = arith.cmpi slt, %select_n3A_878, %lt3A_884 : i32
    %ne3A_886 = arith.xori %lt3A_883, %lt3A_885 : i1
    %and3A_887 = arith.andi %ne3A_886, %ne3A_881 : i1
    %add3A_888 = arith.addi %rem3A_879, %select_n3A_878 : i32
    %select_n3A_889 = arith.select %and3A_887, %add3A_888, %rem3A_879 : i32
    %dma_start3A_890 = arith.constant 0 : i32
    %dma_start3A_891 = arith.constant 0 : i32
    %dma_start3A_892 = arith.constant 0 : i32
    %dma_start3A_893 = tpu.memref_slice %arg6[%dma_start3A_890, %dma_start3A_891, %dma_start3A_892] : memref<2x1024x32xf32, #tpu.memory_space<vmem>> -> memref<1x1024x32xf32, #tpu.memory_space<vmem>>
    %dma_start3A_894 = tpu.memref_squeeze %dma_start3A_893 : memref<1x1024x32xf32, #tpu.memory_space<vmem>> -> memref<1024x32xf32, #tpu.memory_space<vmem>>
    %dma_start3A_895 = arith.constant 0 : i32
    %dma_start3A_896 = arith.constant 0 : i32
    %dma_start3A_897 = tpu.memref_slice %arg4[%dma_start3A_895, %select_n3A_873, %select_n3A_889, %dma_start3A_896] : memref<4096x20x8x32xf32, #tpu.memory_space<hbm>> -> memref<1024x1x1x32xf32, #tpu.memory_space<hbm>>
    %dma_start3A_898 = tpu.memref_squeeze %dma_start3A_897 : memref<1024x1x1x32xf32, #tpu.memory_space<hbm>> -> memref<1024x32xf32, #tpu.memory_space<hbm>>
    %dma_start3A_899 = arith.constant 0 : i32
    %dma_start3A_900 = arith.constant 0 : i32
    %dma_start3A_901 = tpu.memref_slice %arg4[%dma_start3A_899, %select_n3A_873, %select_n3A_889, %dma_start3A_900] : memref<4096x20x8x32xf32, #tpu.memory_space<hbm>> -> memref<1024x1x1x32xf32, #tpu.memory_space<hbm>>
    %dma_start3A_902 = tpu.memref_squeeze %dma_start3A_901 : memref<1024x1x1x32xf32, #tpu.memory_space<hbm>> -> memref<1024x32xf32, #tpu.memory_space<hbm>>
    %dma_start3A_903 = arith.constant 0 : i32
    %dma_start3A_904 = arith.constant 0 : i32
    %dma_start3A_905 = tpu.memref_slice %arg6[%dma_start3A_890, %dma_start3A_903, %dma_start3A_904] : memref<2x1024x32xf32, #tpu.memory_space<vmem>> -> memref<1x1024x32xf32, #tpu.memory_space<vmem>>
    %dma_start3A_906 = tpu.memref_squeeze %dma_start3A_905 : memref<1x1024x32xf32, #tpu.memory_space<vmem>> -> memref<1024x32xf32, #tpu.memory_space<vmem>>
    tpu.enqueue_dma source(%dma_start3A_906 : memref<1024x32xf32, #tpu.memory_space<vmem>>) target(%dma_start3A_902 : memref<1024x32xf32, #tpu.memory_space<hbm>>) target_semaphore(%arg11 : memref<!tpu.dma_semaphore, #tpu.memory_space<semaphore_mem>>)
    %dma_wait3A_907 = arith.constant 1 : i32
    %dma_wait3A_908 = arith.constant 0 : i32
    %dma_wait3A_909 = arith.constant 0 : i32
    %dma_wait3A_910 = tpu.memref_slice %arg6[%dma_wait3A_907, %dma_wait3A_908, %dma_wait3A_909] : memref<2x1024x32xf32, #tpu.memory_space<vmem>> -> memref<1x1024x32xf32, #tpu.memory_space<vmem>>
    %dma_wait3A_911 = tpu.memref_squeeze %dma_wait3A_910 : memref<1x1024x32xf32, #tpu.memory_space<vmem>> -> memref<1024x32xf32, #tpu.memory_space<vmem>>
    %dma_wait3A_912 = arith.constant 3072 : i32
    %dma_wait3A_913 = arith.constant 0 : i32
    %dma_wait3A_914 = tpu.memref_slice %arg4[%dma_wait3A_912, %select_n3A_705, %select_n3A_721, %dma_wait3A_913] : memref<4096x20x8x32xf32, #tpu.memory_space<hbm>> -> memref<1024x1x1x32xf32, #tpu.memory_space<hbm>>
    %dma_wait3A_915 = tpu.memref_squeeze %dma_wait3A_914 : memref<1024x1x1x32xf32, #tpu.memory_space<hbm>> -> memref<1024x32xf32, #tpu.memory_space<hbm>>
    %dma_wait3A_916 = arith.constant 3072 : i32
    %dma_wait3A_917 = arith.constant 0 : i32
    %dma_wait3A_918 = tpu.memref_slice %arg4[%dma_wait3A_916, %select_n3A_705, %select_n3A_721, %dma_wait3A_917] : memref<4096x20x8x32xf32, #tpu.memory_space<hbm>> -> memref<1024x1x1x32xf32, #tpu.memory_space<hbm>>
    %dma_wait3A_919 = tpu.memref_squeeze %dma_wait3A_918 : memref<1024x1x1x32xf32, #tpu.memory_space<hbm>> -> memref<1024x32xf32, #tpu.memory_space<hbm>>
    %dma_wait3A_920 = arith.constant 0 : i32
    %dma_wait3A_921 = arith.constant 0 : i32
    %dma_wait3A_922 = tpu.memref_slice %arg6[%dma_wait3A_907, %dma_wait3A_920, %dma_wait3A_921] : memref<2x1024x32xf32, #tpu.memory_space<vmem>> -> memref<1x1024x32xf32, #tpu.memory_space<vmem>>
    %dma_wait3A_923 = tpu.memref_squeeze %dma_wait3A_922 : memref<1x1024x32xf32, #tpu.memory_space<vmem>> -> memref<1024x32xf32, #tpu.memory_space<vmem>>
    tpu.wait_dma2 semaphore(%arg12 : memref<!tpu.dma_semaphore, #tpu.memory_space<semaphore_mem>>) src(%dma_wait3A_923 : memref<1024x32xf32, #tpu.memory_space<vmem>>) dst(%dma_wait3A_919 : memref<1024x32xf32, #tpu.memory_space<hbm>>)
    %dma_wait3A_924 = arith.constant 1 : i32
    %dma_wait3A_925 = arith.constant 0 : i32
    %dma_wait3A_926 = tpu.memref_slice %arg5[%dma_wait3A_924, %dma_wait3A_925] : memref<2x1024xi32, #tpu.memory_space<vmem>> -> memref<1x1024xi32, #tpu.memory_space<vmem>>
    %dma_wait3A_927 = tpu.memref_squeeze %dma_wait3A_926 : memref<1x1024xi32, #tpu.memory_space<vmem>> -> memref<1024xi32, #tpu.memory_space<vmem>>
    %dma_wait3A_928 = arith.constant 1024 : i32
    %dma_wait3A_929 = tpu.memref_slice %arg2[%select_n3A_650, %select_n3A_666, %dma_wait3A_928] : memref<20x8x4096xi32, #tpu.memory_space<hbm>> -> memref<1x1x1024xi32, #tpu.memory_space<hbm>>
    %dma_wait3A_930 = tpu.memref_squeeze %dma_wait3A_929 : memref<1x1x1024xi32, #tpu.memory_space<hbm>> -> memref<1024xi32, #tpu.memory_space<hbm>>
    %dma_wait3A_931 = arith.constant 0 : i32
    %dma_wait3A_932 = tpu.memref_slice %arg5[%dma_wait3A_924, %dma_wait3A_931] : memref<2x1024xi32, #tpu.memory_space<vmem>> -> memref<1x1024xi32, #tpu.memory_space<vmem>>
    %dma_wait3A_933 = tpu.memref_squeeze %dma_wait3A_932 : memref<1x1024xi32, #tpu.memory_space<vmem>> -> memref<1024xi32, #tpu.memory_space<vmem>>
    %dma_wait3A_934 = arith.constant 1024 : i32
    %dma_wait3A_935 = tpu.memref_slice %arg2[%select_n3A_650, %select_n3A_666, %dma_wait3A_934] : memref<20x8x4096xi32, #tpu.memory_space<hbm>> -> memref<1x1x1024xi32, #tpu.memory_space<hbm>>
    %dma_wait3A_936 = tpu.memref_squeeze %dma_wait3A_935 : memref<1x1x1024xi32, #tpu.memory_space<hbm>> -> memref<1024xi32, #tpu.memory_space<hbm>>
    tpu.wait_dma2 semaphore(%arg8 : memref<!tpu.dma_semaphore, #tpu.memory_space<semaphore_mem>>) src(%dma_wait3A_936 : memref<1024xi32, #tpu.memory_space<hbm>>) dst(%dma_wait3A_933 : memref<1024xi32, #tpu.memory_space<vmem>>)
    %dma_start3A_937 = arith.constant 1 : i32
    %dma_start3A_938 = arith.constant 1 : i32
    %dma_start3A_939 = arith.constant 0 : i32
    %dma_start3A_940 = arith.constant 0 : i32
    %dma_start3A_941 = tpu.memref_slice %arg6[%dma_start3A_938, %dma_start3A_939, %dma_start3A_940] : memref<2x1024x32xf32, #tpu.memory_space<vmem>> -> memref<1x1024x32xf32, #tpu.memory_space<vmem>>
    %dma_start3A_942 = tpu.memref_squeeze %dma_start3A_941 : memref<1x1024x32xf32, #tpu.memory_space<vmem>> -> memref<1024x32xf32, #tpu.memory_space<vmem>>
    %dma_start3A_943 = arith.constant 0 : i32
    %dma_start3A_944 = tpu.memref_slice %arg5[%dma_start3A_937, %dma_start3A_943] : memref<2x1024xi32, #tpu.memory_space<vmem>> -> memref<1x1024xi32, #tpu.memory_space<vmem>>
    %dma_start3A_945 = tpu.memref_squeeze %dma_start3A_944 : memref<1x1024xi32, #tpu.memory_space<vmem>> -> memref<1024xi32, #tpu.memory_space<vmem>>
    %dma_start3A_946 = arith.constant 0 : i32
    %dma_start3A_947 = arith.constant 0 : i32
    %dma_start3A_948 = tpu.memref_slice %arg3[%dma_start3A_946, %dma_start3A_947] : memref<1000000x32xf32, #tpu.memory_space<hbm>> -> memref<1000000x32xf32, #tpu.memory_space<hbm>>
    tpu.enqueue_indirect_dma source(%dma_start3A_948 : memref<1000000x32xf32, #tpu.memory_space<hbm>>) target(%dma_start3A_942 : memref<1024x32xf32, #tpu.memory_space<vmem>>) offsets(%dma_start3A_945 : memref<1024xi32, #tpu.memory_space<vmem>>) semaphore(%arg10 : memref<!tpu.dma_semaphore, #tpu.memory_space<semaphore_mem>>)
    %dma_wait3A_949 = arith.constant 1 : i32
    %dma_wait3A_950 = arith.constant 1 : i32
    %dma_wait3A_951 = arith.constant 0 : i32
    %dma_wait3A_952 = arith.constant 0 : i32
    %dma_wait3A_953 = tpu.memref_slice %arg6[%dma_wait3A_950, %dma_wait3A_951, %dma_wait3A_952] : memref<2x1024x32xf32, #tpu.memory_space<vmem>> -> memref<1x1024x32xf32, #tpu.memory_space<vmem>>
    %dma_wait3A_954 = tpu.memref_squeeze %dma_wait3A_953 : memref<1x1024x32xf32, #tpu.memory_space<vmem>> -> memref<1024x32xf32, #tpu.memory_space<vmem>>
    %dma_wait3A_955 = arith.constant 0 : i32
    %dma_wait3A_956 = tpu.memref_slice %arg5[%dma_wait3A_949, %dma_wait3A_955] : memref<2x1024xi32, #tpu.memory_space<vmem>> -> memref<1x1024xi32, #tpu.memory_space<vmem>>
    %dma_wait3A_957 = tpu.memref_squeeze %dma_wait3A_956 : memref<1x1024xi32, #tpu.memory_space<vmem>> -> memref<1024xi32, #tpu.memory_space<vmem>>
    %dma_wait3A_958 = arith.constant 0 : i32
    %dma_wait3A_959 = arith.constant 0 : i32
    %dma_wait3A_960 = tpu.memref_slice %arg3[%dma_wait3A_958, %dma_wait3A_959] : memref<1000000x32xf32, #tpu.memory_space<hbm>> -> memref<1000000x32xf32, #tpu.memory_space<hbm>>
    tpu.wait_indirect_dma semaphore(%arg10 : memref<!tpu.dma_semaphore, #tpu.memory_space<semaphore_mem>>) src(%dma_wait3A_960 : memref<1000000x32xf32, #tpu.memory_space<hbm>>) dst(%dma_wait3A_954 : memref<1024x32xf32, #tpu.memory_space<vmem>>)
    %add3A_961 = arith.constant 1 : i32
    %add3A_962 = arith.addi %mul3A_2, %add3A_961 : i32
    %jit3A_963 = arith.constant 8 : i32
    %div3A_964 = arith.divsi %add3A_962, %jit3A_963 : i32
    %sign3A_965 = arith.constant 0 : i32
    %sign3A_966 = arith.cmpi sgt, %add3A_962, %sign3A_965 : i32
    %sign3A_967 = arith.extui %sign3A_966 : i1 to i32
    %sign3A_968 = arith.constant 0 : i32
    %sign3A_969 = arith.cmpi slt, %add3A_962, %sign3A_968 : i32
    %sign3A_970 = arith.extui %sign3A_969 : i1 to i32
    %sign3A_971 = arith.subi %sign3A_967, %sign3A_970 : i32
    %sign3A_972 = arith.constant 0 : i32
    %sign3A_973 = arith.cmpi sgt, %jit3A_963, %sign3A_972 : i32
    %sign3A_974 = arith.extui %sign3A_973 : i1 to i32
    %sign3A_975 = arith.constant 0 : i32
    %sign3A_976 = arith.cmpi slt, %jit3A_963, %sign3A_975 : i32
    %sign3A_977 = arith.extui %sign3A_976 : i1 to i32
    %sign3A_978 = arith.subi %sign3A_974, %sign3A_977 : i32
    %ne3A_979 = arith.cmpi ne, %sign3A_971, %sign3A_978 : i32
    %rem3A_980 = arith.remsi %add3A_962, %jit3A_963 : i32
    %ne3A_981 = arith.constant 0 : i32
    %ne3A_982 = arith.cmpi ne, %rem3A_980, %ne3A_981 : i32
    %and3A_983 = arith.andi %ne3A_979, %ne3A_982 : i1
    %sub3A_984 = arith.constant 1 : i32
    %sub3A_985 = arith.subi %div3A_964, %sub3A_984 : i32
    %select_n3A_986 = arith.select %and3A_983, %sub3A_985, %div3A_964 : i32
    %jit3A_987 = arith.constant 8 : i32
    %eq3A_988 = arith.constant 0 : i32
    %eq3A_989 = arith.cmpi eq, %jit3A_987, %eq3A_988 : i32
    %jit3A_990 = arith.constant 1 : i32
    %select_n3A_991 = arith.select %eq3A_989, %jit3A_990, %jit3A_987 : i32
    %rem3A_992 = arith.remsi %add3A_962, %select_n3A_991 : i32
    %ne3A_993 = arith.constant 0 : i32
    %ne3A_994 = arith.cmpi ne, %rem3A_992, %ne3A_993 : i32
    %lt3A_995 = arith.constant 0 : i32
    %lt3A_996 = arith.cmpi slt, %rem3A_992, %lt3A_995 : i32
    %lt3A_997 = arith.constant 0 : i32
    %lt3A_998 = arith.cmpi slt, %select_n3A_991, %lt3A_997 : i32
    %ne3A_999 = arith.xori %lt3A_996, %lt3A_998 : i1
    %and3A_1000 = arith.andi %ne3A_999, %ne3A_994 : i1
    %add3A_1001 = arith.addi %rem3A_992, %select_n3A_991 : i32
    %select_n3A_1002 = arith.select %and3A_1000, %add3A_1001, %rem3A_992 : i32
    %dma_start3A_1003 = arith.constant 1 : i32
    %dma_start3A_1004 = arith.constant 0 : i32
    %dma_start3A_1005 = tpu.memref_slice %arg5[%dma_start3A_1003, %dma_start3A_1004] : memref<2x1024xi32, #tpu.memory_space<vmem>> -> memref<1x1024xi32, #tpu.memory_space<vmem>>
    %dma_start3A_1006 = tpu.memref_squeeze %dma_start3A_1005 : memref<1x1024xi32, #tpu.memory_space<vmem>> -> memref<1024xi32, #tpu.memory_space<vmem>>
    %dma_start3A_1007 = arith.constant 3072 : i32
    %dma_start3A_1008 = tpu.memref_slice %arg2[%select_n3A_986, %select_n3A_1002, %dma_start3A_1007] : memref<20x8x4096xi32, #tpu.memory_space<hbm>> -> memref<1x1x1024xi32, #tpu.memory_space<hbm>>
    %dma_start3A_1009 = tpu.memref_squeeze %dma_start3A_1008 : memref<1x1x1024xi32, #tpu.memory_space<hbm>> -> memref<1024xi32, #tpu.memory_space<hbm>>
    %dma_start3A_1010 = arith.constant 0 : i32
    %dma_start3A_1011 = tpu.memref_slice %arg5[%dma_start3A_1003, %dma_start3A_1010] : memref<2x1024xi32, #tpu.memory_space<vmem>> -> memref<1x1024xi32, #tpu.memory_space<vmem>>
    %dma_start3A_1012 = tpu.memref_squeeze %dma_start3A_1011 : memref<1x1024xi32, #tpu.memory_space<vmem>> -> memref<1024xi32, #tpu.memory_space<vmem>>
    %dma_start3A_1013 = arith.constant 3072 : i32
    %dma_start3A_1014 = tpu.memref_slice %arg2[%select_n3A_986, %select_n3A_1002, %dma_start3A_1013] : memref<20x8x4096xi32, #tpu.memory_space<hbm>> -> memref<1x1x1024xi32, #tpu.memory_space<hbm>>
    %dma_start3A_1015 = tpu.memref_squeeze %dma_start3A_1014 : memref<1x1x1024xi32, #tpu.memory_space<hbm>> -> memref<1024xi32, #tpu.memory_space<hbm>>
    tpu.enqueue_dma source(%dma_start3A_1015 : memref<1024xi32, #tpu.memory_space<hbm>>) target(%dma_start3A_1012 : memref<1024xi32, #tpu.memory_space<vmem>>) target_semaphore(%arg8 : memref<!tpu.dma_semaphore, #tpu.memory_space<semaphore_mem>>)
    %add3A_1016 = arith.constant 1 : i32
    %add3A_1017 = arith.addi %mul3A_2, %add3A_1016 : i32
    %jit3A_1018 = arith.constant 8 : i32
    %div3A_1019 = arith.divsi %add3A_1017, %jit3A_1018 : i32
    %sign3A_1020 = arith.constant 0 : i32
    %sign3A_1021 = arith.cmpi sgt, %add3A_1017, %sign3A_1020 : i32
    %sign3A_1022 = arith.extui %sign3A_1021 : i1 to i32
    %sign3A_1023 = arith.constant 0 : i32
    %sign3A_1024 = arith.cmpi slt, %add3A_1017, %sign3A_1023 : i32
    %sign3A_1025 = arith.extui %sign3A_1024 : i1 to i32
    %sign3A_1026 = arith.subi %sign3A_1022, %sign3A_1025 : i32
    %sign3A_1027 = arith.constant 0 : i32
    %sign3A_1028 = arith.cmpi sgt, %jit3A_1018, %sign3A_1027 : i32
    %sign3A_1029 = arith.extui %sign3A_1028 : i1 to i32
    %sign3A_1030 = arith.constant 0 : i32
    %sign3A_1031 = arith.cmpi slt, %jit3A_1018, %sign3A_1030 : i32
    %sign3A_1032 = arith.extui %sign3A_1031 : i1 to i32
    %sign3A_1033 = arith.subi %sign3A_1029, %sign3A_1032 : i32
    %ne3A_1034 = arith.cmpi ne, %sign3A_1026, %sign3A_1033 : i32
    %rem3A_1035 = arith.remsi %add3A_1017, %jit3A_1018 : i32
    %ne3A_1036 = arith.constant 0 : i32
    %ne3A_1037 = arith.cmpi ne, %rem3A_1035, %ne3A_1036 : i32
    %and3A_1038 = arith.andi %ne3A_1034, %ne3A_1037 : i1
    %sub3A_1039 = arith.constant 1 : i32
    %sub3A_1040 = arith.subi %div3A_1019, %sub3A_1039 : i32
    %select_n3A_1041 = arith.select %and3A_1038, %sub3A_1040, %div3A_1019 : i32
    %jit3A_1042 = arith.constant 8 : i32
    %eq3A_1043 = arith.constant 0 : i32
    %eq3A_1044 = arith.cmpi eq, %jit3A_1042, %eq3A_1043 : i32
    %jit3A_1045 = arith.constant 1 : i32
    %select_n3A_1046 = arith.select %eq3A_1044, %jit3A_1045, %jit3A_1042 : i32
    %rem3A_1047 = arith.remsi %add3A_1017, %select_n3A_1046 : i32
    %ne3A_1048 = arith.constant 0 : i32
    %ne3A_1049 = arith.cmpi ne, %rem3A_1047, %ne3A_1048 : i32
    %lt3A_1050 = arith.constant 0 : i32
    %lt3A_1051 = arith.cmpi slt, %rem3A_1047, %lt3A_1050 : i32
    %lt3A_1052 = arith.constant 0 : i32
    %lt3A_1053 = arith.cmpi slt, %select_n3A_1046, %lt3A_1052 : i32
    %ne3A_1054 = arith.xori %lt3A_1051, %lt3A_1053 : i1
    %and3A_1055 = arith.andi %ne3A_1054, %ne3A_1049 : i1
    %add3A_1056 = arith.addi %rem3A_1047, %select_n3A_1046 : i32
    %select_n3A_1057 = arith.select %and3A_1055, %add3A_1056, %rem3A_1047 : i32
    %dma_start3A_1058 = arith.constant 1 : i32
    %dma_start3A_1059 = arith.constant 0 : i32
    %dma_start3A_1060 = arith.constant 0 : i32
    %dma_start3A_1061 = tpu.memref_slice %arg6[%dma_start3A_1058, %dma_start3A_1059, %dma_start3A_1060] : memref<2x1024x32xf32, #tpu.memory_space<vmem>> -> memref<1x1024x32xf32, #tpu.memory_space<vmem>>
    %dma_start3A_1062 = tpu.memref_squeeze %dma_start3A_1061 : memref<1x1024x32xf32, #tpu.memory_space<vmem>> -> memref<1024x32xf32, #tpu.memory_space<vmem>>
    %dma_start3A_1063 = arith.constant 1024 : i32
    %dma_start3A_1064 = arith.constant 0 : i32
    %dma_start3A_1065 = tpu.memref_slice %arg4[%dma_start3A_1063, %select_n3A_1041, %select_n3A_1057, %dma_start3A_1064] : memref<4096x20x8x32xf32, #tpu.memory_space<hbm>> -> memref<1024x1x1x32xf32, #tpu.memory_space<hbm>>
    %dma_start3A_1066 = tpu.memref_squeeze %dma_start3A_1065 : memref<1024x1x1x32xf32, #tpu.memory_space<hbm>> -> memref<1024x32xf32, #tpu.memory_space<hbm>>
    %dma_start3A_1067 = arith.constant 1024 : i32
    %dma_start3A_1068 = arith.constant 0 : i32
    %dma_start3A_1069 = tpu.memref_slice %arg4[%dma_start3A_1067, %select_n3A_1041, %select_n3A_1057, %dma_start3A_1068] : memref<4096x20x8x32xf32, #tpu.memory_space<hbm>> -> memref<1024x1x1x32xf32, #tpu.memory_space<hbm>>
    %dma_start3A_1070 = tpu.memref_squeeze %dma_start3A_1069 : memref<1024x1x1x32xf32, #tpu.memory_space<hbm>> -> memref<1024x32xf32, #tpu.memory_space<hbm>>
    %dma_start3A_1071 = arith.constant 0 : i32
    %dma_start3A_1072 = arith.constant 0 : i32
    %dma_start3A_1073 = tpu.memref_slice %arg6[%dma_start3A_1058, %dma_start3A_1071, %dma_start3A_1072] : memref<2x1024x32xf32, #tpu.memory_space<vmem>> -> memref<1x1024x32xf32, #tpu.memory_space<vmem>>
    %dma_start3A_1074 = tpu.memref_squeeze %dma_start3A_1073 : memref<1x1024x32xf32, #tpu.memory_space<vmem>> -> memref<1024x32xf32, #tpu.memory_space<vmem>>
    tpu.enqueue_dma source(%dma_start3A_1074 : memref<1024x32xf32, #tpu.memory_space<vmem>>) target(%dma_start3A_1070 : memref<1024x32xf32, #tpu.memory_space<hbm>>) target_semaphore(%arg12 : memref<!tpu.dma_semaphore, #tpu.memory_space<semaphore_mem>>)
    %dma_wait3A_1075 = arith.constant 0 : i32
    %dma_wait3A_1076 = arith.constant 0 : i32
    %dma_wait3A_1077 = arith.constant 0 : i32
    %dma_wait3A_1078 = tpu.memref_slice %arg6[%dma_wait3A_1075, %dma_wait3A_1076, %dma_wait3A_1077] : memref<2x1024x32xf32, #tpu.memory_space<vmem>> -> memref<1x1024x32xf32, #tpu.memory_space<vmem>>
    %dma_wait3A_1079 = tpu.memref_squeeze %dma_wait3A_1078 : memref<1x1024x32xf32, #tpu.memory_space<vmem>> -> memref<1024x32xf32, #tpu.memory_space<vmem>>
    %dma_wait3A_1080 = arith.constant 0 : i32
    %dma_wait3A_1081 = arith.constant 0 : i32
    %dma_wait3A_1082 = tpu.memref_slice %arg4[%dma_wait3A_1080, %select_n3A_873, %select_n3A_889, %dma_wait3A_1081] : memref<4096x20x8x32xf32, #tpu.memory_space<hbm>> -> memref<1024x1x1x32xf32, #tpu.memory_space<hbm>>
    %dma_wait3A_1083 = tpu.memref_squeeze %dma_wait3A_1082 : memref<1024x1x1x32xf32, #tpu.memory_space<hbm>> -> memref<1024x32xf32, #tpu.memory_space<hbm>>
    %dma_wait3A_1084 = arith.constant 0 : i32
    %dma_wait3A_1085 = arith.constant 0 : i32
    %dma_wait3A_1086 = tpu.memref_slice %arg4[%dma_wait3A_1084, %select_n3A_873, %select_n3A_889, %dma_wait3A_1085] : memref<4096x20x8x32xf32, #tpu.memory_space<hbm>> -> memref<1024x1x1x32xf32, #tpu.memory_space<hbm>>
    %dma_wait3A_1087 = tpu.memref_squeeze %dma_wait3A_1086 : memref<1024x1x1x32xf32, #tpu.memory_space<hbm>> -> memref<1024x32xf32, #tpu.memory_space<hbm>>
    %dma_wait3A_1088 = arith.constant 0 : i32
    %dma_wait3A_1089 = arith.constant 0 : i32
    %dma_wait3A_1090 = tpu.memref_slice %arg6[%dma_wait3A_1075, %dma_wait3A_1088, %dma_wait3A_1089] : memref<2x1024x32xf32, #tpu.memory_space<vmem>> -> memref<1x1024x32xf32, #tpu.memory_space<vmem>>
    %dma_wait3A_1091 = tpu.memref_squeeze %dma_wait3A_1090 : memref<1x1024x32xf32, #tpu.memory_space<vmem>> -> memref<1024x32xf32, #tpu.memory_space<vmem>>
    tpu.wait_dma2 semaphore(%arg11 : memref<!tpu.dma_semaphore, #tpu.memory_space<semaphore_mem>>) src(%dma_wait3A_1091 : memref<1024x32xf32, #tpu.memory_space<vmem>>) dst(%dma_wait3A_1087 : memref<1024x32xf32, #tpu.memory_space<hbm>>)
    %dma_wait3A_1092 = arith.constant 0 : i32
    %dma_wait3A_1093 = arith.constant 0 : i32
    %dma_wait3A_1094 = tpu.memref_slice %arg5[%dma_wait3A_1092, %dma_wait3A_1093] : memref<2x1024xi32, #tpu.memory_space<vmem>> -> memref<1x1024xi32, #tpu.memory_space<vmem>>
    %dma_wait3A_1095 = tpu.memref_squeeze %dma_wait3A_1094 : memref<1x1024xi32, #tpu.memory_space<vmem>> -> memref<1024xi32, #tpu.memory_space<vmem>>
    %dma_wait3A_1096 = arith.constant 2048 : i32
    %dma_wait3A_1097 = tpu.memref_slice %arg2[%select_n3A_818, %select_n3A_834, %dma_wait3A_1096] : memref<20x8x4096xi32, #tpu.memory_space<hbm>> -> memref<1x1x1024xi32, #tpu.memory_space<hbm>>
    %dma_wait3A_1098 = tpu.memref_squeeze %dma_wait3A_1097 : memref<1x1x1024xi32, #tpu.memory_space<hbm>> -> memref<1024xi32, #tpu.memory_space<hbm>>
    %dma_wait3A_1099 = arith.constant 0 : i32
    %dma_wait3A_1100 = tpu.memref_slice %arg5[%dma_wait3A_1092, %dma_wait3A_1099] : memref<2x1024xi32, #tpu.memory_space<vmem>> -> memref<1x1024xi32, #tpu.memory_space<vmem>>
    %dma_wait3A_1101 = tpu.memref_squeeze %dma_wait3A_1100 : memref<1x1024xi32, #tpu.memory_space<vmem>> -> memref<1024xi32, #tpu.memory_space<vmem>>
    %dma_wait3A_1102 = arith.constant 2048 : i32
    %dma_wait3A_1103 = tpu.memref_slice %arg2[%select_n3A_818, %select_n3A_834, %dma_wait3A_1102] : memref<20x8x4096xi32, #tpu.memory_space<hbm>> -> memref<1x1x1024xi32, #tpu.memory_space<hbm>>
    %dma_wait3A_1104 = tpu.memref_squeeze %dma_wait3A_1103 : memref<1x1x1024xi32, #tpu.memory_space<hbm>> -> memref<1024xi32, #tpu.memory_space<hbm>>
    tpu.wait_dma2 semaphore(%arg7 : memref<!tpu.dma_semaphore, #tpu.memory_space<semaphore_mem>>) src(%dma_wait3A_1104 : memref<1024xi32, #tpu.memory_space<hbm>>) dst(%dma_wait3A_1101 : memref<1024xi32, #tpu.memory_space<vmem>>)
    %dma_start3A_1105 = arith.constant 0 : i32
    %dma_start3A_1106 = arith.constant 0 : i32
    %dma_start3A_1107 = arith.constant 0 : i32
    %dma_start3A_1108 = arith.constant 0 : i32
    %dma_start3A_1109 = tpu.memref_slice %arg6[%dma_start3A_1106, %dma_start3A_1107, %dma_start3A_1108] : memref<2x1024x32xf32, #tpu.memory_space<vmem>> -> memref<1x1024x32xf32, #tpu.memory_space<vmem>>
    %dma_start3A_1110 = tpu.memref_squeeze %dma_start3A_1109 : memref<1x1024x32xf32, #tpu.memory_space<vmem>> -> memref<1024x32xf32, #tpu.memory_space<vmem>>
    %dma_start3A_1111 = arith.constant 0 : i32
    %dma_start3A_1112 = tpu.memref_slice %arg5[%dma_start3A_1105, %dma_start3A_1111] : memref<2x1024xi32, #tpu.memory_space<vmem>> -> memref<1x1024xi32, #tpu.memory_space<vmem>>
    %dma_start3A_1113 = tpu.memref_squeeze %dma_start3A_1112 : memref<1x1024xi32, #tpu.memory_space<vmem>> -> memref<1024xi32, #tpu.memory_space<vmem>>
    %dma_start3A_1114 = arith.constant 0 : i32
    %dma_start3A_1115 = arith.constant 0 : i32
    %dma_start3A_1116 = tpu.memref_slice %arg3[%dma_start3A_1114, %dma_start3A_1115] : memref<1000000x32xf32, #tpu.memory_space<hbm>> -> memref<1000000x32xf32, #tpu.memory_space<hbm>>
    tpu.enqueue_indirect_dma source(%dma_start3A_1116 : memref<1000000x32xf32, #tpu.memory_space<hbm>>) target(%dma_start3A_1110 : memref<1024x32xf32, #tpu.memory_space<vmem>>) offsets(%dma_start3A_1113 : memref<1024xi32, #tpu.memory_space<vmem>>) semaphore(%arg9 : memref<!tpu.dma_semaphore, #tpu.memory_space<semaphore_mem>>)
    %dma_wait3A_1117 = arith.constant 0 : i32
    %dma_wait3A_1118 = arith.constant 0 : i32
    %dma_wait3A_1119 = arith.constant 0 : i32
    %dma_wait3A_1120 = arith.constant 0 : i32
    %dma_wait3A_1121 = tpu.memref_slice %arg6[%dma_wait3A_1118, %dma_wait3A_1119, %dma_wait3A_1120] : memref<2x1024x32xf32, #tpu.memory_space<vmem>> -> memref<1x1024x32xf32, #tpu.memory_space<vmem>>
    %dma_wait3A_1122 = tpu.memref_squeeze %dma_wait3A_1121 : memref<1x1024x32xf32, #tpu.memory_space<vmem>> -> memref<1024x32xf32, #tpu.memory_space<vmem>>
    %dma_wait3A_1123 = arith.constant 0 : i32
    %dma_wait3A_1124 = tpu.memref_slice %arg5[%dma_wait3A_1117, %dma_wait3A_1123] : memref<2x1024xi32, #tpu.memory_space<vmem>> -> memref<1x1024xi32, #tpu.memory_space<vmem>>
    %dma_wait3A_1125 = tpu.memref_squeeze %dma_wait3A_1124 : memref<1x1024xi32, #tpu.memory_space<vmem>> -> memref<1024xi32, #tpu.memory_space<vmem>>
    %dma_wait3A_1126 = arith.constant 0 : i32
    %dma_wait3A_1127 = arith.constant 0 : i32
    %dma_wait3A_1128 = tpu.memref_slice %arg3[%dma_wait3A_1126, %dma_wait3A_1127] : memref<1000000x32xf32, #tpu.memory_space<hbm>> -> memref<1000000x32xf32, #tpu.memory_space<hbm>>
    tpu.wait_indirect_dma semaphore(%arg9 : memref<!tpu.dma_semaphore, #tpu.memory_space<semaphore_mem>>) src(%dma_wait3A_1128 : memref<1000000x32xf32, #tpu.memory_space<hbm>>) dst(%dma_wait3A_1122 : memref<1024x32xf32, #tpu.memory_space<vmem>>)
    %add3A_1129 = arith.constant 2 : i32
    %add3A_1130 = arith.addi %mul3A_2, %add3A_1129 : i32
    %jit3A_1131 = arith.constant 8 : i32
    %div3A_1132 = arith.divsi %add3A_1130, %jit3A_1131 : i32
    %sign3A_1133 = arith.constant 0 : i32
    %sign3A_1134 = arith.cmpi sgt, %add3A_1130, %sign3A_1133 : i32
    %sign3A_1135 = arith.extui %sign3A_1134 : i1 to i32
    %sign3A_1136 = arith.constant 0 : i32
    %sign3A_1137 = arith.cmpi slt, %add3A_1130, %sign3A_1136 : i32
    %sign3A_1138 = arith.extui %sign3A_1137 : i1 to i32
    %sign3A_1139 = arith.subi %sign3A_1135, %sign3A_1138 : i32
    %sign3A_1140 = arith.constant 0 : i32
    %sign3A_1141 = arith.cmpi sgt, %jit3A_1131, %sign3A_1140 : i32
    %sign3A_1142 = arith.extui %sign3A_1141 : i1 to i32
    %sign3A_1143 = arith.constant 0 : i32
    %sign3A_1144 = arith.cmpi slt, %jit3A_1131, %sign3A_1143 : i32
    %sign3A_1145 = arith.extui %sign3A_1144 : i1 to i32
    %sign3A_1146 = arith.subi %sign3A_1142, %sign3A_1145 : i32
    %ne3A_1147 = arith.cmpi ne, %sign3A_1139, %sign3A_1146 : i32
    %rem3A_1148 = arith.remsi %add3A_1130, %jit3A_1131 : i32
    %ne3A_1149 = arith.constant 0 : i32
    %ne3A_1150 = arith.cmpi ne, %rem3A_1148, %ne3A_1149 : i32
    %and3A_1151 = arith.andi %ne3A_1147, %ne3A_1150 : i1
    %sub3A_1152 = arith.constant 1 : i32
    %sub3A_1153 = arith.subi %div3A_1132, %sub3A_1152 : i32
    %select_n3A_1154 = arith.select %and3A_1151, %sub3A_1153, %div3A_1132 : i32
    %jit3A_1155 = arith.constant 8 : i32
    %eq3A_1156 = arith.constant 0 : i32
    %eq3A_1157 = arith.cmpi eq, %jit3A_1155, %eq3A_1156 : i32
    %jit3A_1158 = arith.constant 1 : i32
    %select_n3A_1159 = arith.select %eq3A_1157, %jit3A_1158, %jit3A_1155 : i32
    %rem3A_1160 = arith.remsi %add3A_1130, %select_n3A_1159 : i32
    %ne3A_1161 = arith.constant 0 : i32
    %ne3A_1162 = arith.cmpi ne, %rem3A_1160, %ne3A_1161 : i32
    %lt3A_1163 = arith.constant 0 : i32
    %lt3A_1164 = arith.cmpi slt, %rem3A_1160, %lt3A_1163 : i32
    %lt3A_1165 = arith.constant 0 : i32
    %lt3A_1166 = arith.cmpi slt, %select_n3A_1159, %lt3A_1165 : i32
    %ne3A_1167 = arith.xori %lt3A_1164, %lt3A_1166 : i1
    %and3A_1168 = arith.andi %ne3A_1167, %ne3A_1162 : i1
    %add3A_1169 = arith.addi %rem3A_1160, %select_n3A_1159 : i32
    %select_n3A_1170 = arith.select %and3A_1168, %add3A_1169, %rem3A_1160 : i32
    %dma_start3A_1171 = arith.constant 0 : i32
    %dma_start3A_1172 = arith.constant 0 : i32
    %dma_start3A_1173 = tpu.memref_slice %arg5[%dma_start3A_1171, %dma_start3A_1172] : memref<2x1024xi32, #tpu.memory_space<vmem>> -> memref<1x1024xi32, #tpu.memory_space<vmem>>
    %dma_start3A_1174 = tpu.memref_squeeze %dma_start3A_1173 : memref<1x1024xi32, #tpu.memory_space<vmem>> -> memref<1024xi32, #tpu.memory_space<vmem>>
    %dma_start3A_1175 = arith.constant 0 : i32
    %dma_start3A_1176 = tpu.memref_slice %arg2[%select_n3A_1154, %select_n3A_1170, %dma_start3A_1175] : memref<20x8x4096xi32, #tpu.memory_space<hbm>> -> memref<1x1x1024xi32, #tpu.memory_space<hbm>>
    %dma_start3A_1177 = tpu.memref_squeeze %dma_start3A_1176 : memref<1x1x1024xi32, #tpu.memory_space<hbm>> -> memref<1024xi32, #tpu.memory_space<hbm>>
    %dma_start3A_1178 = arith.constant 0 : i32
    %dma_start3A_1179 = tpu.memref_slice %arg5[%dma_start3A_1171, %dma_start3A_1178] : memref<2x1024xi32, #tpu.memory_space<vmem>> -> memref<1x1024xi32, #tpu.memory_space<vmem>>
    %dma_start3A_1180 = tpu.memref_squeeze %dma_start3A_1179 : memref<1x1024xi32, #tpu.memory_space<vmem>> -> memref<1024xi32, #tpu.memory_space<vmem>>
    %dma_start3A_1181 = arith.constant 0 : i32
    %dma_start3A_1182 = tpu.memref_slice %arg2[%select_n3A_1154, %select_n3A_1170, %dma_start3A_1181] : memref<20x8x4096xi32, #tpu.memory_space<hbm>> -> memref<1x1x1024xi32, #tpu.memory_space<hbm>>
    %dma_start3A_1183 = tpu.memref_squeeze %dma_start3A_1182 : memref<1x1x1024xi32, #tpu.memory_space<hbm>> -> memref<1024xi32, #tpu.memory_space<hbm>>
    tpu.enqueue_dma source(%dma_start3A_1183 : memref<1024xi32, #tpu.memory_space<hbm>>) target(%dma_start3A_1180 : memref<1024xi32, #tpu.memory_space<vmem>>) target_semaphore(%arg7 : memref<!tpu.dma_semaphore, #tpu.memory_space<semaphore_mem>>)
    %add3A_1184 = arith.constant 1 : i32
    %add3A_1185 = arith.addi %mul3A_2, %add3A_1184 : i32
    %jit3A_1186 = arith.constant 8 : i32
    %div3A_1187 = arith.divsi %add3A_1185, %jit3A_1186 : i32
    %sign3A_1188 = arith.constant 0 : i32
    %sign3A_1189 = arith.cmpi sgt, %add3A_1185, %sign3A_1188 : i32
    %sign3A_1190 = arith.extui %sign3A_1189 : i1 to i32
    %sign3A_1191 = arith.constant 0 : i32
    %sign3A_1192 = arith.cmpi slt, %add3A_1185, %sign3A_1191 : i32
    %sign3A_1193 = arith.extui %sign3A_1192 : i1 to i32
    %sign3A_1194 = arith.subi %sign3A_1190, %sign3A_1193 : i32
    %sign3A_1195 = arith.constant 0 : i32
    %sign3A_1196 = arith.cmpi sgt, %jit3A_1186, %sign3A_1195 : i32
    %sign3A_1197 = arith.extui %sign3A_1196 : i1 to i32
    %sign3A_1198 = arith.constant 0 : i32
    %sign3A_1199 = arith.cmpi slt, %jit3A_1186, %sign3A_1198 : i32
    %sign3A_1200 = arith.extui %sign3A_1199 : i1 to i32
    %sign3A_1201 = arith.subi %sign3A_1197, %sign3A_1200 : i32
    %ne3A_1202 = arith.cmpi ne, %sign3A_1194, %sign3A_1201 : i32
    %rem3A_1203 = arith.remsi %add3A_1185, %jit3A_1186 : i32
    %ne3A_1204 = arith.constant 0 : i32
    %ne3A_1205 = arith.cmpi ne, %rem3A_1203, %ne3A_1204 : i32
    %and3A_1206 = arith.andi %ne3A_1202, %ne3A_1205 : i1
    %sub3A_1207 = arith.constant 1 : i32
    %sub3A_1208 = arith.subi %div3A_1187, %sub3A_1207 : i32
    %select_n3A_1209 = arith.select %and3A_1206, %sub3A_1208, %div3A_1187 : i32
    %jit3A_1210 = arith.constant 8 : i32
    %eq3A_1211 = arith.constant 0 : i32
    %eq3A_1212 = arith.cmpi eq, %jit3A_1210, %eq3A_1211 : i32
    %jit3A_1213 = arith.constant 1 : i32
    %select_n3A_1214 = arith.select %eq3A_1212, %jit3A_1213, %jit3A_1210 : i32
    %rem3A_1215 = arith.remsi %add3A_1185, %select_n3A_1214 : i32
    %ne3A_1216 = arith.constant 0 : i32
    %ne3A_1217 = arith.cmpi ne, %rem3A_1215, %ne3A_1216 : i32
    %lt3A_1218 = arith.constant 0 : i32
    %lt3A_1219 = arith.cmpi slt, %rem3A_1215, %lt3A_1218 : i32
    %lt3A_1220 = arith.constant 0 : i32
    %lt3A_1221 = arith.cmpi slt, %select_n3A_1214, %lt3A_1220 : i32
    %ne3A_1222 = arith.xori %lt3A_1219, %lt3A_1221 : i1
    %and3A_1223 = arith.andi %ne3A_1222, %ne3A_1217 : i1
    %add3A_1224 = arith.addi %rem3A_1215, %select_n3A_1214 : i32
    %select_n3A_1225 = arith.select %and3A_1223, %add3A_1224, %rem3A_1215 : i32
    %dma_start3A_1226 = arith.constant 0 : i32
    %dma_start3A_1227 = arith.constant 0 : i32
    %dma_start3A_1228 = arith.constant 0 : i32
    %dma_start3A_1229 = tpu.memref_slice %arg6[%dma_start3A_1226, %dma_start3A_1227, %dma_start3A_1228] : memref<2x1024x32xf32, #tpu.memory_space<vmem>> -> memref<1x1024x32xf32, #tpu.memory_space<vmem>>
    %dma_start3A_1230 = tpu.memref_squeeze %dma_start3A_1229 : memref<1x1024x32xf32, #tpu.memory_space<vmem>> -> memref<1024x32xf32, #tpu.memory_space<vmem>>
    %dma_start3A_1231 = arith.constant 2048 : i32
    %dma_start3A_1232 = arith.constant 0 : i32
    %dma_start3A_1233 = tpu.memref_slice %arg4[%dma_start3A_1231, %select_n3A_1209, %select_n3A_1225, %dma_start3A_1232] : memref<4096x20x8x32xf32, #tpu.memory_space<hbm>> -> memref<1024x1x1x32xf32, #tpu.memory_space<hbm>>
    %dma_start3A_1234 = tpu.memref_squeeze %dma_start3A_1233 : memref<1024x1x1x32xf32, #tpu.memory_space<hbm>> -> memref<1024x32xf32, #tpu.memory_space<hbm>>
    %dma_start3A_1235 = arith.constant 2048 : i32
    %dma_start3A_1236 = arith.constant 0 : i32
    %dma_start3A_1237 = tpu.memref_slice %arg4[%dma_start3A_1235, %select_n3A_1209, %select_n3A_1225, %dma_start3A_1236] : memref<4096x20x8x32xf32, #tpu.memory_space<hbm>> -> memref<1024x1x1x32xf32, #tpu.memory_space<hbm>>
    %dma_start3A_1238 = tpu.memref_squeeze %dma_start3A_1237 : memref<1024x1x1x32xf32, #tpu.memory_space<hbm>> -> memref<1024x32xf32, #tpu.memory_space<hbm>>
    %dma_start3A_1239 = arith.constant 0 : i32
    %dma_start3A_1240 = arith.constant 0 : i32
    %dma_start3A_1241 = tpu.memref_slice %arg6[%dma_start3A_1226, %dma_start3A_1239, %dma_start3A_1240] : memref<2x1024x32xf32, #tpu.memory_space<vmem>> -> memref<1x1024x32xf32, #tpu.memory_space<vmem>>
    %dma_start3A_1242 = tpu.memref_squeeze %dma_start3A_1241 : memref<1x1024x32xf32, #tpu.memory_space<vmem>> -> memref<1024x32xf32, #tpu.memory_space<vmem>>
    tpu.enqueue_dma source(%dma_start3A_1242 : memref<1024x32xf32, #tpu.memory_space<vmem>>) target(%dma_start3A_1238 : memref<1024x32xf32, #tpu.memory_space<hbm>>) target_semaphore(%arg11 : memref<!tpu.dma_semaphore, #tpu.memory_space<semaphore_mem>>)
    %dma_wait3A_1243 = arith.constant 1 : i32
    %dma_wait3A_1244 = arith.constant 0 : i32
    %dma_wait3A_1245 = arith.constant 0 : i32
    %dma_wait3A_1246 = tpu.memref_slice %arg6[%dma_wait3A_1243, %dma_wait3A_1244, %dma_wait3A_1245] : memref<2x1024x32xf32, #tpu.memory_space<vmem>> -> memref<1x1024x32xf32, #tpu.memory_space<vmem>>
    %dma_wait3A_1247 = tpu.memref_squeeze %dma_wait3A_1246 : memref<1x1024x32xf32, #tpu.memory_space<vmem>> -> memref<1024x32xf32, #tpu.memory_space<vmem>>
    %dma_wait3A_1248 = arith.constant 1024 : i32
    %dma_wait3A_1249 = arith.constant 0 : i32
    %dma_wait3A_1250 = tpu.memref_slice %arg4[%dma_wait3A_1248, %select_n3A_1041, %select_n3A_1057, %dma_wait3A_1249] : memref<4096x20x8x32xf32, #tpu.memory_space<hbm>> -> memref<1024x1x1x32xf32, #tpu.memory_space<hbm>>
    %dma_wait3A_1251 = tpu.memref_squeeze %dma_wait3A_1250 : memref<1024x1x1x32xf32, #tpu.memory_space<hbm>> -> memref<1024x32xf32, #tpu.memory_space<hbm>>
    %dma_wait3A_1252 = arith.constant 1024 : i32
    %dma_wait3A_1253 = arith.constant 0 : i32
    %dma_wait3A_1254 = tpu.memref_slice %arg4[%dma_wait3A_1252, %select_n3A_1041, %select_n3A_1057, %dma_wait3A_1253] : memref<4096x20x8x32xf32, #tpu.memory_space<hbm>> -> memref<1024x1x1x32xf32, #tpu.memory_space<hbm>>
    %dma_wait3A_1255 = tpu.memref_squeeze %dma_wait3A_1254 : memref<1024x1x1x32xf32, #tpu.memory_space<hbm>> -> memref<1024x32xf32, #tpu.memory_space<hbm>>
    %dma_wait3A_1256 = arith.constant 0 : i32
    %dma_wait3A_1257 = arith.constant 0 : i32
    %dma_wait3A_1258 = tpu.memref_slice %arg6[%dma_wait3A_1243, %dma_wait3A_1256, %dma_wait3A_1257] : memref<2x1024x32xf32, #tpu.memory_space<vmem>> -> memref<1x1024x32xf32, #tpu.memory_space<vmem>>
    %dma_wait3A_1259 = tpu.memref_squeeze %dma_wait3A_1258 : memref<1x1024x32xf32, #tpu.memory_space<vmem>> -> memref<1024x32xf32, #tpu.memory_space<vmem>>
    tpu.wait_dma2 semaphore(%arg12 : memref<!tpu.dma_semaphore, #tpu.memory_space<semaphore_mem>>) src(%dma_wait3A_1259 : memref<1024x32xf32, #tpu.memory_space<vmem>>) dst(%dma_wait3A_1255 : memref<1024x32xf32, #tpu.memory_space<hbm>>)
    %dma_wait3A_1260 = arith.constant 1 : i32
    %dma_wait3A_1261 = arith.constant 0 : i32
    %dma_wait3A_1262 = tpu.memref_slice %arg5[%dma_wait3A_1260, %dma_wait3A_1261] : memref<2x1024xi32, #tpu.memory_space<vmem>> -> memref<1x1024xi32, #tpu.memory_space<vmem>>
    %dma_wait3A_1263 = tpu.memref_squeeze %dma_wait3A_1262 : memref<1x1024xi32, #tpu.memory_space<vmem>> -> memref<1024xi32, #tpu.memory_space<vmem>>
    %dma_wait3A_1264 = arith.constant 3072 : i32
    %dma_wait3A_1265 = tpu.memref_slice %arg2[%select_n3A_986, %select_n3A_1002, %dma_wait3A_1264] : memref<20x8x4096xi32, #tpu.memory_space<hbm>> -> memref<1x1x1024xi32, #tpu.memory_space<hbm>>
    %dma_wait3A_1266 = tpu.memref_squeeze %dma_wait3A_1265 : memref<1x1x1024xi32, #tpu.memory_space<hbm>> -> memref<1024xi32, #tpu.memory_space<hbm>>
    %dma_wait3A_1267 = arith.constant 0 : i32
    %dma_wait3A_1268 = tpu.memref_slice %arg5[%dma_wait3A_1260, %dma_wait3A_1267] : memref<2x1024xi32, #tpu.memory_space<vmem>> -> memref<1x1024xi32, #tpu.memory_space<vmem>>
    %dma_wait3A_1269 = tpu.memref_squeeze %dma_wait3A_1268 : memref<1x1024xi32, #tpu.memory_space<vmem>> -> memref<1024xi32, #tpu.memory_space<vmem>>
    %dma_wait3A_1270 = arith.constant 3072 : i32
    %dma_wait3A_1271 = tpu.memref_slice %arg2[%select_n3A_986, %select_n3A_1002, %dma_wait3A_1270] : memref<20x8x4096xi32, #tpu.memory_space<hbm>> -> memref<1x1x1024xi32, #tpu.memory_space<hbm>>
    %dma_wait3A_1272 = tpu.memref_squeeze %dma_wait3A_1271 : memref<1x1x1024xi32, #tpu.memory_space<hbm>> -> memref<1024xi32, #tpu.memory_space<hbm>>
    tpu.wait_dma2 semaphore(%arg8 : memref<!tpu.dma_semaphore, #tpu.memory_space<semaphore_mem>>) src(%dma_wait3A_1272 : memref<1024xi32, #tpu.memory_space<hbm>>) dst(%dma_wait3A_1269 : memref<1024xi32, #tpu.memory_space<vmem>>)
    %dma_start3A_1273 = arith.constant 1 : i32
    %dma_start3A_1274 = arith.constant 1 : i32
    %dma_start3A_1275 = arith.constant 0 : i32
    %dma_start3A_1276 = arith.constant 0 : i32
    %dma_start3A_1277 = tpu.memref_slice %arg6[%dma_start3A_1274, %dma_start3A_1275, %dma_start3A_1276] : memref<2x1024x32xf32, #tpu.memory_space<vmem>> -> memref<1x1024x32xf32, #tpu.memory_space<vmem>>
    %dma_start3A_1278 = tpu.memref_squeeze %dma_start3A_1277 : memref<1x1024x32xf32, #tpu.memory_space<vmem>> -> memref<1024x32xf32, #tpu.memory_space<vmem>>
    %dma_start3A_1279 = arith.constant 0 : i32
    %dma_start3A_1280 = tpu.memref_slice %arg5[%dma_start3A_1273, %dma_start3A_1279] : memref<2x1024xi32, #tpu.memory_space<vmem>> -> memref<1x1024xi32, #tpu.memory_space<vmem>>
    %dma_start3A_1281 = tpu.memref_squeeze %dma_start3A_1280 : memref<1x1024xi32, #tpu.memory_space<vmem>> -> memref<1024xi32, #tpu.memory_space<vmem>>
    %dma_start3A_1282 = arith.constant 0 : i32
    %dma_start3A_1283 = arith.constant 0 : i32
    %dma_start3A_1284 = tpu.memref_slice %arg3[%dma_start3A_1282, %dma_start3A_1283] : memref<1000000x32xf32, #tpu.memory_space<hbm>> -> memref<1000000x32xf32, #tpu.memory_space<hbm>>
    tpu.enqueue_indirect_dma source(%dma_start3A_1284 : memref<1000000x32xf32, #tpu.memory_space<hbm>>) target(%dma_start3A_1278 : memref<1024x32xf32, #tpu.memory_space<vmem>>) offsets(%dma_start3A_1281 : memref<1024xi32, #tpu.memory_space<vmem>>) semaphore(%arg10 : memref<!tpu.dma_semaphore, #tpu.memory_space<semaphore_mem>>)
    %dma_wait3A_1285 = arith.constant 1 : i32
    %dma_wait3A_1286 = arith.constant 1 : i32
    %dma_wait3A_1287 = arith.constant 0 : i32
    %dma_wait3A_1288 = arith.constant 0 : i32
    %dma_wait3A_1289 = tpu.memref_slice %arg6[%dma_wait3A_1286, %dma_wait3A_1287, %dma_wait3A_1288] : memref<2x1024x32xf32, #tpu.memory_space<vmem>> -> memref<1x1024x32xf32, #tpu.memory_space<vmem>>
    %dma_wait3A_1290 = tpu.memref_squeeze %dma_wait3A_1289 : memref<1x1024x32xf32, #tpu.memory_space<vmem>> -> memref<1024x32xf32, #tpu.memory_space<vmem>>
    %dma_wait3A_1291 = arith.constant 0 : i32
    %dma_wait3A_1292 = tpu.memref_slice %arg5[%dma_wait3A_1285, %dma_wait3A_1291] : memref<2x1024xi32, #tpu.memory_space<vmem>> -> memref<1x1024xi32, #tpu.memory_space<vmem>>
    %dma_wait3A_1293 = tpu.memref_squeeze %dma_wait3A_1292 : memref<1x1024xi32, #tpu.memory_space<vmem>> -> memref<1024xi32, #tpu.memory_space<vmem>>
    %dma_wait3A_1294 = arith.constant 0 : i32
    %dma_wait3A_1295 = arith.constant 0 : i32
    %dma_wait3A_1296 = tpu.memref_slice %arg3[%dma_wait3A_1294, %dma_wait3A_1295] : memref<1000000x32xf32, #tpu.memory_space<hbm>> -> memref<1000000x32xf32, #tpu.memory_space<hbm>>
    tpu.wait_indirect_dma semaphore(%arg10 : memref<!tpu.dma_semaphore, #tpu.memory_space<semaphore_mem>>) src(%dma_wait3A_1296 : memref<1000000x32xf32, #tpu.memory_space<hbm>>) dst(%dma_wait3A_1290 : memref<1024x32xf32, #tpu.memory_space<vmem>>)
    %add3A_1297 = arith.constant 2 : i32
    %add3A_1298 = arith.addi %mul3A_2, %add3A_1297 : i32
    %jit3A_1299 = arith.constant 8 : i32
    %div3A_1300 = arith.divsi %add3A_1298, %jit3A_1299 : i32
    %sign3A_1301 = arith.constant 0 : i32
    %sign3A_1302 = arith.cmpi sgt, %add3A_1298, %sign3A_1301 : i32
    %sign3A_1303 = arith.extui %sign3A_1302 : i1 to i32
    %sign3A_1304 = arith.constant 0 : i32
    %sign3A_1305 = arith.cmpi slt, %add3A_1298, %sign3A_1304 : i32
    %sign3A_1306 = arith.extui %sign3A_1305 : i1 to i32
    %sign3A_1307 = arith.subi %sign3A_1303, %sign3A_1306 : i32
    %sign3A_1308 = arith.constant 0 : i32
    %sign3A_1309 = arith.cmpi sgt, %jit3A_1299, %sign3A_1308 : i32
    %sign3A_1310 = arith.extui %sign3A_1309 : i1 to i32
    %sign3A_1311 = arith.constant 0 : i32
    %sign3A_1312 = arith.cmpi slt, %jit3A_1299, %sign3A_1311 : i32
    %sign3A_1313 = arith.extui %sign3A_1312 : i1 to i32
    %sign3A_1314 = arith.subi %sign3A_1310, %sign3A_1313 : i32
    %ne3A_1315 = arith.cmpi ne, %sign3A_1307, %sign3A_1314 : i32
    %rem3A_1316 = arith.remsi %add3A_1298, %jit3A_1299 : i32
    %ne3A_1317 = arith.constant 0 : i32
    %ne3A_1318 = arith.cmpi ne, %rem3A_1316, %ne3A_1317 : i32
    %and3A_1319 = arith.andi %ne3A_1315, %ne3A_1318 : i1
    %sub3A_1320 = arith.constant 1 : i32
    %sub3A_1321 = arith.subi %div3A_1300, %sub3A_1320 : i32
    %select_n3A_1322 = arith.select %and3A_1319, %sub3A_1321, %div3A_1300 : i32
    %jit3A_1323 = arith.constant 8 : i32
    %eq3A_1324 = arith.constant 0 : i32
    %eq3A_1325 = arith.cmpi eq, %jit3A_1323, %eq3A_1324 : i32
    %jit3A_1326 = arith.constant 1 : i32
    %select_n3A_1327 = arith.select %eq3A_1325, %jit3A_1326, %jit3A_1323 : i32
    %rem3A_1328 = arith.remsi %add3A_1298, %select_n3A_1327 : i32
    %ne3A_1329 = arith.constant 0 : i32
    %ne3A_1330 = arith.cmpi ne, %rem3A_1328, %ne3A_1329 : i32
    %lt3A_1331 = arith.constant 0 : i32
    %lt3A_1332 = arith.cmpi slt, %rem3A_1328, %lt3A_1331 : i32
    %lt3A_1333 = arith.constant 0 : i32
    %lt3A_1334 = arith.cmpi slt, %select_n3A_1327, %lt3A_1333 : i32
    %ne3A_1335 = arith.xori %lt3A_1332, %lt3A_1334 : i1
    %and3A_1336 = arith.andi %ne3A_1335, %ne3A_1330 : i1
    %add3A_1337 = arith.addi %rem3A_1328, %select_n3A_1327 : i32
    %select_n3A_1338 = arith.select %and3A_1336, %add3A_1337, %rem3A_1328 : i32
    %dma_start3A_1339 = arith.constant 1 : i32
    %dma_start3A_1340 = arith.constant 0 : i32
    %dma_start3A_1341 = tpu.memref_slice %arg5[%dma_start3A_1339, %dma_start3A_1340] : memref<2x1024xi32, #tpu.memory_space<vmem>> -> memref<1x1024xi32, #tpu.memory_space<vmem>>
    %dma_start3A_1342 = tpu.memref_squeeze %dma_start3A_1341 : memref<1x1024xi32, #tpu.memory_space<vmem>> -> memref<1024xi32, #tpu.memory_space<vmem>>
    %dma_start3A_1343 = arith.constant 1024 : i32
    %dma_start3A_1344 = tpu.memref_slice %arg2[%select_n3A_1322, %select_n3A_1338, %dma_start3A_1343] : memref<20x8x4096xi32, #tpu.memory_space<hbm>> -> memref<1x1x1024xi32, #tpu.memory_space<hbm>>
    %dma_start3A_1345 = tpu.memref_squeeze %dma_start3A_1344 : memref<1x1x1024xi32, #tpu.memory_space<hbm>> -> memref<1024xi32, #tpu.memory_space<hbm>>
    %dma_start3A_1346 = arith.constant 0 : i32
    %dma_start3A_1347 = tpu.memref_slice %arg5[%dma_start3A_1339, %dma_start3A_1346] : memref<2x1024xi32, #tpu.memory_space<vmem>> -> memref<1x1024xi32, #tpu.memory_space<vmem>>
    %dma_start3A_1348 = tpu.memref_squeeze %dma_start3A_1347 : memref<1x1024xi32, #tpu.memory_space<vmem>> -> memref<1024xi32, #tpu.memory_space<vmem>>
    %dma_start3A_1349 = arith.constant 1024 : i32
    %dma_start3A_1350 = tpu.memref_slice %arg2[%select_n3A_1322, %select_n3A_1338, %dma_start3A_1349] : memref<20x8x4096xi32, #tpu.memory_space<hbm>> -> memref<1x1x1024xi32, #tpu.memory_space<hbm>>
    %dma_start3A_1351 = tpu.memref_squeeze %dma_start3A_1350 : memref<1x1x1024xi32, #tpu.memory_space<hbm>> -> memref<1024xi32, #tpu.memory_space<hbm>>
    tpu.enqueue_dma source(%dma_start3A_1351 : memref<1024xi32, #tpu.memory_space<hbm>>) target(%dma_start3A_1348 : memref<1024xi32, #tpu.memory_space<vmem>>) target_semaphore(%arg8 : memref<!tpu.dma_semaphore, #tpu.memory_space<semaphore_mem>>)
    %add3A_1352 = arith.constant 1 : i32
    %add3A_1353 = arith.addi %mul3A_2, %add3A_1352 : i32
    %jit3A_1354 = arith.constant 8 : i32
    %div3A_1355 = arith.divsi %add3A_1353, %jit3A_1354 : i32
    %sign3A_1356 = arith.constant 0 : i32
    %sign3A_1357 = arith.cmpi sgt, %add3A_1353, %sign3A_1356 : i32
    %sign3A_1358 = arith.extui %sign3A_1357 : i1 to i32
    %sign3A_1359 = arith.constant 0 : i32
    %sign3A_1360 = arith.cmpi slt, %add3A_1353, %sign3A_1359 : i32
    %sign3A_1361 = arith.extui %sign3A_1360 : i1 to i32
    %sign3A_1362 = arith.subi %sign3A_1358, %sign3A_1361 : i32
    %sign3A_1363 = arith.constant 0 : i32
    %sign3A_1364 = arith.cmpi sgt, %jit3A_1354, %sign3A_1363 : i32
    %sign3A_1365 = arith.extui %sign3A_1364 : i1 to i32
    %sign3A_1366 = arith.constant 0 : i32
    %sign3A_1367 = arith.cmpi slt, %jit3A_1354, %sign3A_1366 : i32
    %sign3A_1368 = arith.extui %sign3A_1367 : i1 to i32
    %sign3A_1369 = arith.subi %sign3A_1365, %sign3A_1368 : i32
    %ne3A_1370 = arith.cmpi ne, %sign3A_1362, %sign3A_1369 : i32
    %rem3A_1371 = arith.remsi %add3A_1353, %jit3A_1354 : i32
    %ne3A_1372 = arith.constant 0 : i32
    %ne3A_1373 = arith.cmpi ne, %rem3A_1371, %ne3A_1372 : i32
    %and3A_1374 = arith.andi %ne3A_1370, %ne3A_1373 : i1
    %sub3A_1375 = arith.constant 1 : i32
    %sub3A_1376 = arith.subi %div3A_1355, %sub3A_1375 : i32
    %select_n3A_1377 = arith.select %and3A_1374, %sub3A_1376, %div3A_1355 : i32
    %jit3A_1378 = arith.constant 8 : i32
    %eq3A_1379 = arith.constant 0 : i32
    %eq3A_1380 = arith.cmpi eq, %jit3A_1378, %eq3A_1379 : i32
    %jit3A_1381 = arith.constant 1 : i32
    %select_n3A_1382 = arith.select %eq3A_1380, %jit3A_1381, %jit3A_1378 : i32
    %rem3A_1383 = arith.remsi %add3A_1353, %select_n3A_1382 : i32
    %ne3A_1384 = arith.constant 0 : i32
    %ne3A_1385 = arith.cmpi ne, %rem3A_1383, %ne3A_1384 : i32
    %lt3A_1386 = arith.constant 0 : i32
    %lt3A_1387 = arith.cmpi slt, %rem3A_1383, %lt3A_1386 : i32
    %lt3A_1388 = arith.constant 0 : i32
    %lt3A_1389 = arith.cmpi slt, %select_n3A_1382, %lt3A_1388 : i32
    %ne3A_1390 = arith.xori %lt3A_1387, %lt3A_1389 : i1
    %and3A_1391 = arith.andi %ne3A_1390, %ne3A_1385 : i1
    %add3A_1392 = arith.addi %rem3A_1383, %select_n3A_1382 : i32
    %select_n3A_1393 = arith.select %and3A_1391, %add3A_1392, %rem3A_1383 : i32
    %dma_start3A_1394 = arith.constant 1 : i32
    %dma_start3A_1395 = arith.constant 0 : i32
    %dma_start3A_1396 = arith.constant 0 : i32
    %dma_start3A_1397 = tpu.memref_slice %arg6[%dma_start3A_1394, %dma_start3A_1395, %dma_start3A_1396] : memref<2x1024x32xf32, #tpu.memory_space<vmem>> -> memref<1x1024x32xf32, #tpu.memory_space<vmem>>
    %dma_start3A_1398 = tpu.memref_squeeze %dma_start3A_1397 : memref<1x1024x32xf32, #tpu.memory_space<vmem>> -> memref<1024x32xf32, #tpu.memory_space<vmem>>
    %dma_start3A_1399 = arith.constant 3072 : i32
    %dma_start3A_1400 = arith.constant 0 : i32
    %dma_start3A_1401 = tpu.memref_slice %arg4[%dma_start3A_1399, %select_n3A_1377, %select_n3A_1393, %dma_start3A_1400] : memref<4096x20x8x32xf32, #tpu.memory_space<hbm>> -> memref<1024x1x1x32xf32, #tpu.memory_space<hbm>>
    %dma_start3A_1402 = tpu.memref_squeeze %dma_start3A_1401 : memref<1024x1x1x32xf32, #tpu.memory_space<hbm>> -> memref<1024x32xf32, #tpu.memory_space<hbm>>
    %dma_start3A_1403 = arith.constant 3072 : i32
    %dma_start3A_1404 = arith.constant 0 : i32
    %dma_start3A_1405 = tpu.memref_slice %arg4[%dma_start3A_1403, %select_n3A_1377, %select_n3A_1393, %dma_start3A_1404] : memref<4096x20x8x32xf32, #tpu.memory_space<hbm>> -> memref<1024x1x1x32xf32, #tpu.memory_space<hbm>>
    %dma_start3A_1406 = tpu.memref_squeeze %dma_start3A_1405 : memref<1024x1x1x32xf32, #tpu.memory_space<hbm>> -> memref<1024x32xf32, #tpu.memory_space<hbm>>
    %dma_start3A_1407 = arith.constant 0 : i32
    %dma_start3A_1408 = arith.constant 0 : i32
    %dma_start3A_1409 = tpu.memref_slice %arg6[%dma_start3A_1394, %dma_start3A_1407, %dma_start3A_1408] : memref<2x1024x32xf32, #tpu.memory_space<vmem>> -> memref<1x1024x32xf32, #tpu.memory_space<vmem>>
    %dma_start3A_1410 = tpu.memref_squeeze %dma_start3A_1409 : memref<1x1024x32xf32, #tpu.memory_space<vmem>> -> memref<1024x32xf32, #tpu.memory_space<vmem>>
    tpu.enqueue_dma source(%dma_start3A_1410 : memref<1024x32xf32, #tpu.memory_space<vmem>>) target(%dma_start3A_1406 : memref<1024x32xf32, #tpu.memory_space<hbm>>) target_semaphore(%arg12 : memref<!tpu.dma_semaphore, #tpu.memory_space<semaphore_mem>>)
    %dma_wait3A_1411 = arith.constant 0 : i32
    %dma_wait3A_1412 = arith.constant 0 : i32
    %dma_wait3A_1413 = arith.constant 0 : i32
    %dma_wait3A_1414 = tpu.memref_slice %arg6[%dma_wait3A_1411, %dma_wait3A_1412, %dma_wait3A_1413] : memref<2x1024x32xf32, #tpu.memory_space<vmem>> -> memref<1x1024x32xf32, #tpu.memory_space<vmem>>
    %dma_wait3A_1415 = tpu.memref_squeeze %dma_wait3A_1414 : memref<1x1024x32xf32, #tpu.memory_space<vmem>> -> memref<1024x32xf32, #tpu.memory_space<vmem>>
    %dma_wait3A_1416 = arith.constant 2048 : i32
    %dma_wait3A_1417 = arith.constant 0 : i32
    %dma_wait3A_1418 = tpu.memref_slice %arg4[%dma_wait3A_1416, %select_n3A_1209, %select_n3A_1225, %dma_wait3A_1417] : memref<4096x20x8x32xf32, #tpu.memory_space<hbm>> -> memref<1024x1x1x32xf32, #tpu.memory_space<hbm>>
    %dma_wait3A_1419 = tpu.memref_squeeze %dma_wait3A_1418 : memref<1024x1x1x32xf32, #tpu.memory_space<hbm>> -> memref<1024x32xf32, #tpu.memory_space<hbm>>
    %dma_wait3A_1420 = arith.constant 2048 : i32
    %dma_wait3A_1421 = arith.constant 0 : i32
    %dma_wait3A_1422 = tpu.memref_slice %arg4[%dma_wait3A_1420, %select_n3A_1209, %select_n3A_1225, %dma_wait3A_1421] : memref<4096x20x8x32xf32, #tpu.memory_space<hbm>> -> memref<1024x1x1x32xf32, #tpu.memory_space<hbm>>
    %dma_wait3A_1423 = tpu.memref_squeeze %dma_wait3A_1422 : memref<1024x1x1x32xf32, #tpu.memory_space<hbm>> -> memref<1024x32xf32, #tpu.memory_space<hbm>>
    %dma_wait3A_1424 = arith.constant 0 : i32
    %dma_wait3A_1425 = arith.constant 0 : i32
    %dma_wait3A_1426 = tpu.memref_slice %arg6[%dma_wait3A_1411, %dma_wait3A_1424, %dma_wait3A_1425] : memref<2x1024x32xf32, #tpu.memory_space<vmem>> -> memref<1x1024x32xf32, #tpu.memory_space<vmem>>
    %dma_wait3A_1427 = tpu.memref_squeeze %dma_wait3A_1426 : memref<1x1024x32xf32, #tpu.memory_space<vmem>> -> memref<1024x32xf32, #tpu.memory_space<vmem>>
    tpu.wait_dma2 semaphore(%arg11 : memref<!tpu.dma_semaphore, #tpu.memory_space<semaphore_mem>>) src(%dma_wait3A_1427 : memref<1024x32xf32, #tpu.memory_space<vmem>>) dst(%dma_wait3A_1423 : memref<1024x32xf32, #tpu.memory_space<hbm>>)
    %dma_wait3A_1428 = arith.constant 0 : i32
    %dma_wait3A_1429 = arith.constant 0 : i32
    %dma_wait3A_1430 = tpu.memref_slice %arg5[%dma_wait3A_1428, %dma_wait3A_1429] : memref<2x1024xi32, #tpu.memory_space<vmem>> -> memref<1x1024xi32, #tpu.memory_space<vmem>>
    %dma_wait3A_1431 = tpu.memref_squeeze %dma_wait3A_1430 : memref<1x1024xi32, #tpu.memory_space<vmem>> -> memref<1024xi32, #tpu.memory_space<vmem>>
    %dma_wait3A_1432 = arith.constant 0 : i32
    %dma_wait3A_1433 = tpu.memref_slice %arg2[%select_n3A_1154, %select_n3A_1170, %dma_wait3A_1432] : memref<20x8x4096xi32, #tpu.memory_space<hbm>> -> memref<1x1x1024xi32, #tpu.memory_space<hbm>>
    %dma_wait3A_1434 = tpu.memref_squeeze %dma_wait3A_1433 : memref<1x1x1024xi32, #tpu.memory_space<hbm>> -> memref<1024xi32, #tpu.memory_space<hbm>>
    %dma_wait3A_1435 = arith.constant 0 : i32
    %dma_wait3A_1436 = tpu.memref_slice %arg5[%dma_wait3A_1428, %dma_wait3A_1435] : memref<2x1024xi32, #tpu.memory_space<vmem>> -> memref<1x1024xi32, #tpu.memory_space<vmem>>
    %dma_wait3A_1437 = tpu.memref_squeeze %dma_wait3A_1436 : memref<1x1024xi32, #tpu.memory_space<vmem>> -> memref<1024xi32, #tpu.memory_space<vmem>>
    %dma_wait3A_1438 = arith.constant 0 : i32
    %dma_wait3A_1439 = tpu.memref_slice %arg2[%select_n3A_1154, %select_n3A_1170, %dma_wait3A_1438] : memref<20x8x4096xi32, #tpu.memory_space<hbm>> -> memref<1x1x1024xi32, #tpu.memory_space<hbm>>
    %dma_wait3A_1440 = tpu.memref_squeeze %dma_wait3A_1439 : memref<1x1x1024xi32, #tpu.memory_space<hbm>> -> memref<1024xi32, #tpu.memory_space<hbm>>
    tpu.wait_dma2 semaphore(%arg7 : memref<!tpu.dma_semaphore, #tpu.memory_space<semaphore_mem>>) src(%dma_wait3A_1440 : memref<1024xi32, #tpu.memory_space<hbm>>) dst(%dma_wait3A_1437 : memref<1024xi32, #tpu.memory_space<vmem>>)
    %dma_start3A_1441 = arith.constant 0 : i32
    %dma_start3A_1442 = arith.constant 0 : i32
    %dma_start3A_1443 = arith.constant 0 : i32
    %dma_start3A_1444 = arith.constant 0 : i32
    %dma_start3A_1445 = tpu.memref_slice %arg6[%dma_start3A_1442, %dma_start3A_1443, %dma_start3A_1444] : memref<2x1024x32xf32, #tpu.memory_space<vmem>> -> memref<1x1024x32xf32, #tpu.memory_space<vmem>>
    %dma_start3A_1446 = tpu.memref_squeeze %dma_start3A_1445 : memref<1x1024x32xf32, #tpu.memory_space<vmem>> -> memref<1024x32xf32, #tpu.memory_space<vmem>>
    %dma_start3A_1447 = arith.constant 0 : i32
    %dma_start3A_1448 = tpu.memref_slice %arg5[%dma_start3A_1441, %dma_start3A_1447] : memref<2x1024xi32, #tpu.memory_space<vmem>> -> memref<1x1024xi32, #tpu.memory_space<vmem>>
    %dma_start3A_1449 = tpu.memref_squeeze %dma_start3A_1448 : memref<1x1024xi32, #tpu.memory_space<vmem>> -> memref<1024xi32, #tpu.memory_space<vmem>>
    %dma_start3A_1450 = arith.constant 0 : i32
    %dma_start3A_1451 = arith.constant 0 : i32
    %dma_start3A_1452 = tpu.memref_slice %arg3[%dma_start3A_1450, %dma_start3A_1451] : memref<1000000x32xf32, #tpu.memory_space<hbm>> -> memref<1000000x32xf32, #tpu.memory_space<hbm>>
    tpu.enqueue_indirect_dma source(%dma_start3A_1452 : memref<1000000x32xf32, #tpu.memory_space<hbm>>) target(%dma_start3A_1446 : memref<1024x32xf32, #tpu.memory_space<vmem>>) offsets(%dma_start3A_1449 : memref<1024xi32, #tpu.memory_space<vmem>>) semaphore(%arg9 : memref<!tpu.dma_semaphore, #tpu.memory_space<semaphore_mem>>)
    %dma_wait3A_1453 = arith.constant 0 : i32
    %dma_wait3A_1454 = arith.constant 0 : i32
    %dma_wait3A_1455 = arith.constant 0 : i32
    %dma_wait3A_1456 = arith.constant 0 : i32
    %dma_wait3A_1457 = tpu.memref_slice %arg6[%dma_wait3A_1454, %dma_wait3A_1455, %dma_wait3A_1456] : memref<2x1024x32xf32, #tpu.memory_space<vmem>> -> memref<1x1024x32xf32, #tpu.memory_space<vmem>>
    %dma_wait3A_1458 = tpu.memref_squeeze %dma_wait3A_1457 : memref<1x1024x32xf32, #tpu.memory_space<vmem>> -> memref<1024x32xf32, #tpu.memory_space<vmem>>
    %dma_wait3A_1459 = arith.constant 0 : i32
    %dma_wait3A_1460 = tpu.memref_slice %arg5[%dma_wait3A_1453, %dma_wait3A_1459] : memref<2x1024xi32, #tpu.memory_space<vmem>> -> memref<1x1024xi32, #tpu.memory_space<vmem>>
    %dma_wait3A_1461 = tpu.memref_squeeze %dma_wait3A_1460 : memref<1x1024xi32, #tpu.memory_space<vmem>> -> memref<1024xi32, #tpu.memory_space<vmem>>
    %dma_wait3A_1462 = arith.constant 0 : i32
    %dma_wait3A_1463 = arith.constant 0 : i32
    %dma_wait3A_1464 = tpu.memref_slice %arg3[%dma_wait3A_1462, %dma_wait3A_1463] : memref<1000000x32xf32, #tpu.memory_space<hbm>> -> memref<1000000x32xf32, #tpu.memory_space<hbm>>
    tpu.wait_indirect_dma semaphore(%arg9 : memref<!tpu.dma_semaphore, #tpu.memory_space<semaphore_mem>>) src(%dma_wait3A_1464 : memref<1000000x32xf32, #tpu.memory_space<hbm>>) dst(%dma_wait3A_1458 : memref<1024x32xf32, #tpu.memory_space<vmem>>)
    %add3A_1465 = arith.constant 2 : i32
    %add3A_1466 = arith.addi %mul3A_2, %add3A_1465 : i32
    %jit3A_1467 = arith.constant 8 : i32
    %div3A_1468 = arith.divsi %add3A_1466, %jit3A_1467 : i32
    %sign3A_1469 = arith.constant 0 : i32
    %sign3A_1470 = arith.cmpi sgt, %add3A_1466, %sign3A_1469 : i32
    %sign3A_1471 = arith.extui %sign3A_1470 : i1 to i32
    %sign3A_1472 = arith.constant 0 : i32
    %sign3A_1473 = arith.cmpi slt, %add3A_1466, %sign3A_1472 : i32
    %sign3A_1474 = arith.extui %sign3A_1473 : i1 to i32
    %sign3A_1475 = arith.subi %sign3A_1471, %sign3A_1474 : i32
    %sign3A_1476 = arith.constant 0 : i32
    %sign3A_1477 = arith.cmpi sgt, %jit3A_1467, %sign3A_1476 : i32
    %sign3A_1478 = arith.extui %sign3A_1477 : i1 to i32
    %sign3A_1479 = arith.constant 0 : i32
    %sign3A_1480 = arith.cmpi slt, %jit3A_1467, %sign3A_1479 : i32
    %sign3A_1481 = arith.extui %sign3A_1480 : i1 to i32
    %sign3A_1482 = arith.subi %sign3A_1478, %sign3A_1481 : i32
    %ne3A_1483 = arith.cmpi ne, %sign3A_1475, %sign3A_1482 : i32
    %rem3A_1484 = arith.remsi %add3A_1466, %jit3A_1467 : i32
    %ne3A_1485 = arith.constant 0 : i32
    %ne3A_1486 = arith.cmpi ne, %rem3A_1484, %ne3A_1485 : i32
    %and3A_1487 = arith.andi %ne3A_1483, %ne3A_1486 : i1
    %sub3A_1488 = arith.constant 1 : i32
    %sub3A_1489 = arith.subi %div3A_1468, %sub3A_1488 : i32
    %select_n3A_1490 = arith.select %and3A_1487, %sub3A_1489, %div3A_1468 : i32
    %jit3A_1491 = arith.constant 8 : i32
    %eq3A_1492 = arith.constant 0 : i32
    %eq3A_1493 = arith.cmpi eq, %jit3A_1491, %eq3A_1492 : i32
    %jit3A_1494 = arith.constant 1 : i32
    %select_n3A_1495 = arith.select %eq3A_1493, %jit3A_1494, %jit3A_1491 : i32
    %rem3A_1496 = arith.remsi %add3A_1466, %select_n3A_1495 : i32
    %ne3A_1497 = arith.constant 0 : i32
    %ne3A_1498 = arith.cmpi ne, %rem3A_1496, %ne3A_1497 : i32
    %lt3A_1499 = arith.constant 0 : i32
    %lt3A_1500 = arith.cmpi slt, %rem3A_1496, %lt3A_1499 : i32
    %lt3A_1501 = arith.constant 0 : i32
    %lt3A_1502 = arith.cmpi slt, %select_n3A_1495, %lt3A_1501 : i32
    %ne3A_1503 = arith.xori %lt3A_1500, %lt3A_1502 : i1
    %and3A_1504 = arith.andi %ne3A_1503, %ne3A_1498 : i1
    %add3A_1505 = arith.addi %rem3A_1496, %select_n3A_1495 : i32
    %select_n3A_1506 = arith.select %and3A_1504, %add3A_1505, %rem3A_1496 : i32
    %dma_start3A_1507 = arith.constant 0 : i32
    %dma_start3A_1508 = arith.constant 0 : i32
    %dma_start3A_1509 = tpu.memref_slice %arg5[%dma_start3A_1507, %dma_start3A_1508] : memref<2x1024xi32, #tpu.memory_space<vmem>> -> memref<1x1024xi32, #tpu.memory_space<vmem>>
    %dma_start3A_1510 = tpu.memref_squeeze %dma_start3A_1509 : memref<1x1024xi32, #tpu.memory_space<vmem>> -> memref<1024xi32, #tpu.memory_space<vmem>>
    %dma_start3A_1511 = arith.constant 2048 : i32
    %dma_start3A_1512 = tpu.memref_slice %arg2[%select_n3A_1490, %select_n3A_1506, %dma_start3A_1511] : memref<20x8x4096xi32, #tpu.memory_space<hbm>> -> memref<1x1x1024xi32, #tpu.memory_space<hbm>>
    %dma_start3A_1513 = tpu.memref_squeeze %dma_start3A_1512 : memref<1x1x1024xi32, #tpu.memory_space<hbm>> -> memref<1024xi32, #tpu.memory_space<hbm>>
    %dma_start3A_1514 = arith.constant 0 : i32
    %dma_start3A_1515 = tpu.memref_slice %arg5[%dma_start3A_1507, %dma_start3A_1514] : memref<2x1024xi32, #tpu.memory_space<vmem>> -> memref<1x1024xi32, #tpu.memory_space<vmem>>
    %dma_start3A_1516 = tpu.memref_squeeze %dma_start3A_1515 : memref<1x1024xi32, #tpu.memory_space<vmem>> -> memref<1024xi32, #tpu.memory_space<vmem>>
    %dma_start3A_1517 = arith.constant 2048 : i32
    %dma_start3A_1518 = tpu.memref_slice %arg2[%select_n3A_1490, %select_n3A_1506, %dma_start3A_1517] : memref<20x8x4096xi32, #tpu.memory_space<hbm>> -> memref<1x1x1024xi32, #tpu.memory_space<hbm>>
    %dma_start3A_1519 = tpu.memref_squeeze %dma_start3A_1518 : memref<1x1x1024xi32, #tpu.memory_space<hbm>> -> memref<1024xi32, #tpu.memory_space<hbm>>
    tpu.enqueue_dma source(%dma_start3A_1519 : memref<1024xi32, #tpu.memory_space<hbm>>) target(%dma_start3A_1516 : memref<1024xi32, #tpu.memory_space<vmem>>) target_semaphore(%arg7 : memref<!tpu.dma_semaphore, #tpu.memory_space<semaphore_mem>>)
    %add3A_1520 = arith.constant 2 : i32
    %add3A_1521 = arith.addi %mul3A_2, %add3A_1520 : i32
    %jit3A_1522 = arith.constant 8 : i32
    %div3A_1523 = arith.divsi %add3A_1521, %jit3A_1522 : i32
    %sign3A_1524 = arith.constant 0 : i32
    %sign3A_1525 = arith.cmpi sgt, %add3A_1521, %sign3A_1524 : i32
    %sign3A_1526 = arith.extui %sign3A_1525 : i1 to i32
    %sign3A_1527 = arith.constant 0 : i32
    %sign3A_1528 = arith.cmpi slt, %add3A_1521, %sign3A_1527 : i32
    %sign3A_1529 = arith.extui %sign3A_1528 : i1 to i32
    %sign3A_1530 = arith.subi %sign3A_1526, %sign3A_1529 : i32
    %sign3A_1531 = arith.constant 0 : i32
    %sign3A_1532 = arith.cmpi sgt, %jit3A_1522, %sign3A_1531 : i32
    %sign3A_1533 = arith.extui %sign3A_1532 : i1 to i32
    %sign3A_1534 = arith.constant 0 : i32
    %sign3A_1535 = arith.cmpi slt, %jit3A_1522, %sign3A_1534 : i32
    %sign3A_1536 = arith.extui %sign3A_1535 : i1 to i32
    %sign3A_1537 = arith.subi %sign3A_1533, %sign3A_1536 : i32
    %ne3A_1538 = arith.cmpi ne, %sign3A_1530, %sign3A_1537 : i32
    %rem3A_1539 = arith.remsi %add3A_1521, %jit3A_1522 : i32
    %ne3A_1540 = arith.constant 0 : i32
    %ne3A_1541 = arith.cmpi ne, %rem3A_1539, %ne3A_1540 : i32
    %and3A_1542 = arith.andi %ne3A_1538, %ne3A_1541 : i1
    %sub3A_1543 = arith.constant 1 : i32
    %sub3A_1544 = arith.subi %div3A_1523, %sub3A_1543 : i32
    %select_n3A_1545 = arith.select %and3A_1542, %sub3A_1544, %div3A_1523 : i32
    %jit3A_1546 = arith.constant 8 : i32
    %eq3A_1547 = arith.constant 0 : i32
    %eq3A_1548 = arith.cmpi eq, %jit3A_1546, %eq3A_1547 : i32
    %jit3A_1549 = arith.constant 1 : i32
    %select_n3A_1550 = arith.select %eq3A_1548, %jit3A_1549, %jit3A_1546 : i32
    %rem3A_1551 = arith.remsi %add3A_1521, %select_n3A_1550 : i32
    %ne3A_1552 = arith.constant 0 : i32
    %ne3A_1553 = arith.cmpi ne, %rem3A_1551, %ne3A_1552 : i32
    %lt3A_1554 = arith.constant 0 : i32
    %lt3A_1555 = arith.cmpi slt, %rem3A_1551, %lt3A_1554 : i32
    %lt3A_1556 = arith.constant 0 : i32
    %lt3A_1557 = arith.cmpi slt, %select_n3A_1550, %lt3A_1556 : i32
    %ne3A_1558 = arith.xori %lt3A_1555, %lt3A_1557 : i1
    %and3A_1559 = arith.andi %ne3A_1558, %ne3A_1553 : i1
    %add3A_1560 = arith.addi %rem3A_1551, %select_n3A_1550 : i32
    %select_n3A_1561 = arith.select %and3A_1559, %add3A_1560, %rem3A_1551 : i32
    %dma_start3A_1562 = arith.constant 0 : i32
    %dma_start3A_1563 = arith.constant 0 : i32
    %dma_start3A_1564 = arith.constant 0 : i32
    %dma_start3A_1565 = tpu.memref_slice %arg6[%dma_start3A_1562, %dma_start3A_1563, %dma_start3A_1564] : memref<2x1024x32xf32, #tpu.memory_space<vmem>> -> memref<1x1024x32xf32, #tpu.memory_space<vmem>>
    %dma_start3A_1566 = tpu.memref_squeeze %dma_start3A_1565 : memref<1x1024x32xf32, #tpu.memory_space<vmem>> -> memref<1024x32xf32, #tpu.memory_space<vmem>>
    %dma_start3A_1567 = arith.constant 0 : i32
    %dma_start3A_1568 = arith.constant 0 : i32
    %dma_start3A_1569 = tpu.memref_slice %arg4[%dma_start3A_1567, %select_n3A_1545, %select_n3A_1561, %dma_start3A_1568] : memref<4096x20x8x32xf32, #tpu.memory_space<hbm>> -> memref<1024x1x1x32xf32, #tpu.memory_space<hbm>>
    %dma_start3A_1570 = tpu.memref_squeeze %dma_start3A_1569 : memref<1024x1x1x32xf32, #tpu.memory_space<hbm>> -> memref<1024x32xf32, #tpu.memory_space<hbm>>
    %dma_start3A_1571 = arith.constant 0 : i32
    %dma_start3A_1572 = arith.constant 0 : i32
    %dma_start3A_1573 = tpu.memref_slice %arg4[%dma_start3A_1571, %select_n3A_1545, %select_n3A_1561, %dma_start3A_1572] : memref<4096x20x8x32xf32, #tpu.memory_space<hbm>> -> memref<1024x1x1x32xf32, #tpu.memory_space<hbm>>
    %dma_start3A_1574 = tpu.memref_squeeze %dma_start3A_1573 : memref<1024x1x1x32xf32, #tpu.memory_space<hbm>> -> memref<1024x32xf32, #tpu.memory_space<hbm>>
    %dma_start3A_1575 = arith.constant 0 : i32
    %dma_start3A_1576 = arith.constant 0 : i32
    %dma_start3A_1577 = tpu.memref_slice %arg6[%dma_start3A_1562, %dma_start3A_1575, %dma_start3A_1576] : memref<2x1024x32xf32, #tpu.memory_space<vmem>> -> memref<1x1024x32xf32, #tpu.memory_space<vmem>>
    %dma_start3A_1578 = tpu.memref_squeeze %dma_start3A_1577 : memref<1x1024x32xf32, #tpu.memory_space<vmem>> -> memref<1024x32xf32, #tpu.memory_space<vmem>>
    tpu.enqueue_dma source(%dma_start3A_1578 : memref<1024x32xf32, #tpu.memory_space<vmem>>) target(%dma_start3A_1574 : memref<1024x32xf32, #tpu.memory_space<hbm>>) target_semaphore(%arg11 : memref<!tpu.dma_semaphore, #tpu.memory_space<semaphore_mem>>)
    %dma_wait3A_1579 = arith.constant 1 : i32
    %dma_wait3A_1580 = arith.constant 0 : i32
    %dma_wait3A_1581 = arith.constant 0 : i32
    %dma_wait3A_1582 = tpu.memref_slice %arg6[%dma_wait3A_1579, %dma_wait3A_1580, %dma_wait3A_1581] : memref<2x1024x32xf32, #tpu.memory_space<vmem>> -> memref<1x1024x32xf32, #tpu.memory_space<vmem>>
    %dma_wait3A_1583 = tpu.memref_squeeze %dma_wait3A_1582 : memref<1x1024x32xf32, #tpu.memory_space<vmem>> -> memref<1024x32xf32, #tpu.memory_space<vmem>>
    %dma_wait3A_1584 = arith.constant 3072 : i32
    %dma_wait3A_1585 = arith.constant 0 : i32
    %dma_wait3A_1586 = tpu.memref_slice %arg4[%dma_wait3A_1584, %select_n3A_1377, %select_n3A_1393, %dma_wait3A_1585] : memref<4096x20x8x32xf32, #tpu.memory_space<hbm>> -> memref<1024x1x1x32xf32, #tpu.memory_space<hbm>>
    %dma_wait3A_1587 = tpu.memref_squeeze %dma_wait3A_1586 : memref<1024x1x1x32xf32, #tpu.memory_space<hbm>> -> memref<1024x32xf32, #tpu.memory_space<hbm>>
    %dma_wait3A_1588 = arith.constant 3072 : i32
    %dma_wait3A_1589 = arith.constant 0 : i32
    %dma_wait3A_1590 = tpu.memref_slice %arg4[%dma_wait3A_1588, %select_n3A_1377, %select_n3A_1393, %dma_wait3A_1589] : memref<4096x20x8x32xf32, #tpu.memory_space<hbm>> -> memref<1024x1x1x32xf32, #tpu.memory_space<hbm>>
    %dma_wait3A_1591 = tpu.memref_squeeze %dma_wait3A_1590 : memref<1024x1x1x32xf32, #tpu.memory_space<hbm>> -> memref<1024x32xf32, #tpu.memory_space<hbm>>
    %dma_wait3A_1592 = arith.constant 0 : i32
    %dma_wait3A_1593 = arith.constant 0 : i32
    %dma_wait3A_1594 = tpu.memref_slice %arg6[%dma_wait3A_1579, %dma_wait3A_1592, %dma_wait3A_1593] : memref<2x1024x32xf32, #tpu.memory_space<vmem>> -> memref<1x1024x32xf32, #tpu.memory_space<vmem>>
    %dma_wait3A_1595 = tpu.memref_squeeze %dma_wait3A_1594 : memref<1x1024x32xf32, #tpu.memory_space<vmem>> -> memref<1024x32xf32, #tpu.memory_space<vmem>>
    tpu.wait_dma2 semaphore(%arg12 : memref<!tpu.dma_semaphore, #tpu.memory_space<semaphore_mem>>) src(%dma_wait3A_1595 : memref<1024x32xf32, #tpu.memory_space<vmem>>) dst(%dma_wait3A_1591 : memref<1024x32xf32, #tpu.memory_space<hbm>>)
    %dma_wait3A_1596 = arith.constant 1 : i32
    %dma_wait3A_1597 = arith.constant 0 : i32
    %dma_wait3A_1598 = tpu.memref_slice %arg5[%dma_wait3A_1596, %dma_wait3A_1597] : memref<2x1024xi32, #tpu.memory_space<vmem>> -> memref<1x1024xi32, #tpu.memory_space<vmem>>
    %dma_wait3A_1599 = tpu.memref_squeeze %dma_wait3A_1598 : memref<1x1024xi32, #tpu.memory_space<vmem>> -> memref<1024xi32, #tpu.memory_space<vmem>>
    %dma_wait3A_1600 = arith.constant 1024 : i32
    %dma_wait3A_1601 = tpu.memref_slice %arg2[%select_n3A_1322, %select_n3A_1338, %dma_wait3A_1600] : memref<20x8x4096xi32, #tpu.memory_space<hbm>> -> memref<1x1x1024xi32, #tpu.memory_space<hbm>>
    %dma_wait3A_1602 = tpu.memref_squeeze %dma_wait3A_1601 : memref<1x1x1024xi32, #tpu.memory_space<hbm>> -> memref<1024xi32, #tpu.memory_space<hbm>>
    %dma_wait3A_1603 = arith.constant 0 : i32
    %dma_wait3A_1604 = tpu.memref_slice %arg5[%dma_wait3A_1596, %dma_wait3A_1603] : memref<2x1024xi32, #tpu.memory_space<vmem>> -> memref<1x1024xi32, #tpu.memory_space<vmem>>
    %dma_wait3A_1605 = tpu.memref_squeeze %dma_wait3A_1604 : memref<1x1024xi32, #tpu.memory_space<vmem>> -> memref<1024xi32, #tpu.memory_space<vmem>>
    %dma_wait3A_1606 = arith.constant 1024 : i32
    %dma_wait3A_1607 = tpu.memref_slice %arg2[%select_n3A_1322, %select_n3A_1338, %dma_wait3A_1606] : memref<20x8x4096xi32, #tpu.memory_space<hbm>> -> memref<1x1x1024xi32, #tpu.memory_space<hbm>>
    %dma_wait3A_1608 = tpu.memref_squeeze %dma_wait3A_1607 : memref<1x1x1024xi32, #tpu.memory_space<hbm>> -> memref<1024xi32, #tpu.memory_space<hbm>>
    tpu.wait_dma2 semaphore(%arg8 : memref<!tpu.dma_semaphore, #tpu.memory_space<semaphore_mem>>) src(%dma_wait3A_1608 : memref<1024xi32, #tpu.memory_space<hbm>>) dst(%dma_wait3A_1605 : memref<1024xi32, #tpu.memory_space<vmem>>)
    %dma_start3A_1609 = arith.constant 1 : i32
    %dma_start3A_1610 = arith.constant 1 : i32
    %dma_start3A_1611 = arith.constant 0 : i32
    %dma_start3A_1612 = arith.constant 0 : i32
    %dma_start3A_1613 = tpu.memref_slice %arg6[%dma_start3A_1610, %dma_start3A_1611, %dma_start3A_1612] : memref<2x1024x32xf32, #tpu.memory_space<vmem>> -> memref<1x1024x32xf32, #tpu.memory_space<vmem>>
    %dma_start3A_1614 = tpu.memref_squeeze %dma_start3A_1613 : memref<1x1024x32xf32, #tpu.memory_space<vmem>> -> memref<1024x32xf32, #tpu.memory_space<vmem>>
    %dma_start3A_1615 = arith.constant 0 : i32
    %dma_start3A_1616 = tpu.memref_slice %arg5[%dma_start3A_1609, %dma_start3A_1615] : memref<2x1024xi32, #tpu.memory_space<vmem>> -> memref<1x1024xi32, #tpu.memory_space<vmem>>
    %dma_start3A_1617 = tpu.memref_squeeze %dma_start3A_1616 : memref<1x1024xi32, #tpu.memory_space<vmem>> -> memref<1024xi32, #tpu.memory_space<vmem>>
    %dma_start3A_1618 = arith.constant 0 : i32
    %dma_start3A_1619 = arith.constant 0 : i32
    %dma_start3A_1620 = tpu.memref_slice %arg3[%dma_start3A_1618, %dma_start3A_1619] : memref<1000000x32xf32, #tpu.memory_space<hbm>> -> memref<1000000x32xf32, #tpu.memory_space<hbm>>
    tpu.enqueue_indirect_dma source(%dma_start3A_1620 : memref<1000000x32xf32, #tpu.memory_space<hbm>>) target(%dma_start3A_1614 : memref<1024x32xf32, #tpu.memory_space<vmem>>) offsets(%dma_start3A_1617 : memref<1024xi32, #tpu.memory_space<vmem>>) semaphore(%arg10 : memref<!tpu.dma_semaphore, #tpu.memory_space<semaphore_mem>>)
    %dma_wait3A_1621 = arith.constant 1 : i32
    %dma_wait3A_1622 = arith.constant 1 : i32
    %dma_wait3A_1623 = arith.constant 0 : i32
    %dma_wait3A_1624 = arith.constant 0 : i32
    %dma_wait3A_1625 = tpu.memref_slice %arg6[%dma_wait3A_1622, %dma_wait3A_1623, %dma_wait3A_1624] : memref<2x1024x32xf32, #tpu.memory_space<vmem>> -> memref<1x1024x32xf32, #tpu.memory_space<vmem>>
    %dma_wait3A_1626 = tpu.memref_squeeze %dma_wait3A_1625 : memref<1x1024x32xf32, #tpu.memory_space<vmem>> -> memref<1024x32xf32, #tpu.memory_space<vmem>>
    %dma_wait3A_1627 = arith.constant 0 : i32
    %dma_wait3A_1628 = tpu.memref_slice %arg5[%dma_wait3A_1621, %dma_wait3A_1627] : memref<2x1024xi32, #tpu.memory_space<vmem>> -> memref<1x1024xi32, #tpu.memory_space<vmem>>
    %dma_wait3A_1629 = tpu.memref_squeeze %dma_wait3A_1628 : memref<1x1024xi32, #tpu.memory_space<vmem>> -> memref<1024xi32, #tpu.memory_space<vmem>>
    %dma_wait3A_1630 = arith.constant 0 : i32
    %dma_wait3A_1631 = arith.constant 0 : i32
    %dma_wait3A_1632 = tpu.memref_slice %arg3[%dma_wait3A_1630, %dma_wait3A_1631] : memref<1000000x32xf32, #tpu.memory_space<hbm>> -> memref<1000000x32xf32, #tpu.memory_space<hbm>>
    tpu.wait_indirect_dma semaphore(%arg10 : memref<!tpu.dma_semaphore, #tpu.memory_space<semaphore_mem>>) src(%dma_wait3A_1632 : memref<1000000x32xf32, #tpu.memory_space<hbm>>) dst(%dma_wait3A_1626 : memref<1024x32xf32, #tpu.memory_space<vmem>>)
    %add3A_1633 = arith.constant 2 : i32
    %add3A_1634 = arith.addi %mul3A_2, %add3A_1633 : i32
    %jit3A_1635 = arith.constant 8 : i32
    %div3A_1636 = arith.divsi %add3A_1634, %jit3A_1635 : i32
    %sign3A_1637 = arith.constant 0 : i32
    %sign3A_1638 = arith.cmpi sgt, %add3A_1634, %sign3A_1637 : i32
    %sign3A_1639 = arith.extui %sign3A_1638 : i1 to i32
    %sign3A_1640 = arith.constant 0 : i32
    %sign3A_1641 = arith.cmpi slt, %add3A_1634, %sign3A_1640 : i32
    %sign3A_1642 = arith.extui %sign3A_1641 : i1 to i32
    %sign3A_1643 = arith.subi %sign3A_1639, %sign3A_1642 : i32
    %sign3A_1644 = arith.constant 0 : i32
    %sign3A_1645 = arith.cmpi sgt, %jit3A_1635, %sign3A_1644 : i32
    %sign3A_1646 = arith.extui %sign3A_1645 : i1 to i32
    %sign3A_1647 = arith.constant 0 : i32
    %sign3A_1648 = arith.cmpi slt, %jit3A_1635, %sign3A_1647 : i32
    %sign3A_1649 = arith.extui %sign3A_1648 : i1 to i32
    %sign3A_1650 = arith.subi %sign3A_1646, %sign3A_1649 : i32
    %ne3A_1651 = arith.cmpi ne, %sign3A_1643, %sign3A_1650 : i32
    %rem3A_1652 = arith.remsi %add3A_1634, %jit3A_1635 : i32
    %ne3A_1653 = arith.constant 0 : i32
    %ne3A_1654 = arith.cmpi ne, %rem3A_1652, %ne3A_1653 : i32
    %and3A_1655 = arith.andi %ne3A_1651, %ne3A_1654 : i1
    %sub3A_1656 = arith.constant 1 : i32
    %sub3A_1657 = arith.subi %div3A_1636, %sub3A_1656 : i32
    %select_n3A_1658 = arith.select %and3A_1655, %sub3A_1657, %div3A_1636 : i32
    %jit3A_1659 = arith.constant 8 : i32
    %eq3A_1660 = arith.constant 0 : i32
    %eq3A_1661 = arith.cmpi eq, %jit3A_1659, %eq3A_1660 : i32
    %jit3A_1662 = arith.constant 1 : i32
    %select_n3A_1663 = arith.select %eq3A_1661, %jit3A_1662, %jit3A_1659 : i32
    %rem3A_1664 = arith.remsi %add3A_1634, %select_n3A_1663 : i32
    %ne3A_1665 = arith.constant 0 : i32
    %ne3A_1666 = arith.cmpi ne, %rem3A_1664, %ne3A_1665 : i32
    %lt3A_1667 = arith.constant 0 : i32
    %lt3A_1668 = arith.cmpi slt, %rem3A_1664, %lt3A_1667 : i32
    %lt3A_1669 = arith.constant 0 : i32
    %lt3A_1670 = arith.cmpi slt, %select_n3A_1663, %lt3A_1669 : i32
    %ne3A_1671 = arith.xori %lt3A_1668, %lt3A_1670 : i1
    %and3A_1672 = arith.andi %ne3A_1671, %ne3A_1666 : i1
    %add3A_1673 = arith.addi %rem3A_1664, %select_n3A_1663 : i32
    %select_n3A_1674 = arith.select %and3A_1672, %add3A_1673, %rem3A_1664 : i32
    %dma_start3A_1675 = arith.constant 1 : i32
    %dma_start3A_1676 = arith.constant 0 : i32
    %dma_start3A_1677 = tpu.memref_slice %arg5[%dma_start3A_1675, %dma_start3A_1676] : memref<2x1024xi32, #tpu.memory_space<vmem>> -> memref<1x1024xi32, #tpu.memory_space<vmem>>
    %dma_start3A_1678 = tpu.memref_squeeze %dma_start3A_1677 : memref<1x1024xi32, #tpu.memory_space<vmem>> -> memref<1024xi32, #tpu.memory_space<vmem>>
    %dma_start3A_1679 = arith.constant 3072 : i32
    %dma_start3A_1680 = tpu.memref_slice %arg2[%select_n3A_1658, %select_n3A_1674, %dma_start3A_1679] : memref<20x8x4096xi32, #tpu.memory_space<hbm>> -> memref<1x1x1024xi32, #tpu.memory_space<hbm>>
    %dma_start3A_1681 = tpu.memref_squeeze %dma_start3A_1680 : memref<1x1x1024xi32, #tpu.memory_space<hbm>> -> memref<1024xi32, #tpu.memory_space<hbm>>
    %dma_start3A_1682 = arith.constant 0 : i32
    %dma_start3A_1683 = tpu.memref_slice %arg5[%dma_start3A_1675, %dma_start3A_1682] : memref<2x1024xi32, #tpu.memory_space<vmem>> -> memref<1x1024xi32, #tpu.memory_space<vmem>>
    %dma_start3A_1684 = tpu.memref_squeeze %dma_start3A_1683 : memref<1x1024xi32, #tpu.memory_space<vmem>> -> memref<1024xi32, #tpu.memory_space<vmem>>
    %dma_start3A_1685 = arith.constant 3072 : i32
    %dma_start3A_1686 = tpu.memref_slice %arg2[%select_n3A_1658, %select_n3A_1674, %dma_start3A_1685] : memref<20x8x4096xi32, #tpu.memory_space<hbm>> -> memref<1x1x1024xi32, #tpu.memory_space<hbm>>
    %dma_start3A_1687 = tpu.memref_squeeze %dma_start3A_1686 : memref<1x1x1024xi32, #tpu.memory_space<hbm>> -> memref<1024xi32, #tpu.memory_space<hbm>>
    tpu.enqueue_dma source(%dma_start3A_1687 : memref<1024xi32, #tpu.memory_space<hbm>>) target(%dma_start3A_1684 : memref<1024xi32, #tpu.memory_space<vmem>>) target_semaphore(%arg8 : memref<!tpu.dma_semaphore, #tpu.memory_space<semaphore_mem>>)
    %add3A_1688 = arith.constant 2 : i32
    %add3A_1689 = arith.addi %mul3A_2, %add3A_1688 : i32
    %jit3A_1690 = arith.constant 8 : i32
    %div3A_1691 = arith.divsi %add3A_1689, %jit3A_1690 : i32
    %sign3A_1692 = arith.constant 0 : i32
    %sign3A_1693 = arith.cmpi sgt, %add3A_1689, %sign3A_1692 : i32
    %sign3A_1694 = arith.extui %sign3A_1693 : i1 to i32
    %sign3A_1695 = arith.constant 0 : i32
    %sign3A_1696 = arith.cmpi slt, %add3A_1689, %sign3A_1695 : i32
    %sign3A_1697 = arith.extui %sign3A_1696 : i1 to i32
    %sign3A_1698 = arith.subi %sign3A_1694, %sign3A_1697 : i32
    %sign3A_1699 = arith.constant 0 : i32
    %sign3A_1700 = arith.cmpi sgt, %jit3A_1690, %sign3A_1699 : i32
    %sign3A_1701 = arith.extui %sign3A_1700 : i1 to i32
    %sign3A_1702 = arith.constant 0 : i32
    %sign3A_1703 = arith.cmpi slt, %jit3A_1690, %sign3A_1702 : i32
    %sign3A_1704 = arith.extui %sign3A_1703 : i1 to i32
    %sign3A_1705 = arith.subi %sign3A_1701, %sign3A_1704 : i32
    %ne3A_1706 = arith.cmpi ne, %sign3A_1698, %sign3A_1705 : i32
    %rem3A_1707 = arith.remsi %add3A_1689, %jit3A_1690 : i32
    %ne3A_1708 = arith.constant 0 : i32
    %ne3A_1709 = arith.cmpi ne, %rem3A_1707, %ne3A_1708 : i32
    %and3A_1710 = arith.andi %ne3A_1706, %ne3A_1709 : i1
    %sub3A_1711 = arith.constant 1 : i32
    %sub3A_1712 = arith.subi %div3A_1691, %sub3A_1711 : i32
    %select_n3A_1713 = arith.select %and3A_1710, %sub3A_1712, %div3A_1691 : i32
    %jit3A_1714 = arith.constant 8 : i32
    %eq3A_1715 = arith.constant 0 : i32
    %eq3A_1716 = arith.cmpi eq, %jit3A_1714, %eq3A_1715 : i32
    %jit3A_1717 = arith.constant 1 : i32
    %select_n3A_1718 = arith.select %eq3A_1716, %jit3A_1717, %jit3A_1714 : i32
    %rem3A_1719 = arith.remsi %add3A_1689, %select_n3A_1718 : i32
    %ne3A_1720 = arith.constant 0 : i32
    %ne3A_1721 = arith.cmpi ne, %rem3A_1719, %ne3A_1720 : i32
    %lt3A_1722 = arith.constant 0 : i32
    %lt3A_1723 = arith.cmpi slt, %rem3A_1719, %lt3A_1722 : i32
    %lt3A_1724 = arith.constant 0 : i32
    %lt3A_1725 = arith.cmpi slt, %select_n3A_1718, %lt3A_1724 : i32
    %ne3A_1726 = arith.xori %lt3A_1723, %lt3A_1725 : i1
    %and3A_1727 = arith.andi %ne3A_1726, %ne3A_1721 : i1
    %add3A_1728 = arith.addi %rem3A_1719, %select_n3A_1718 : i32
    %select_n3A_1729 = arith.select %and3A_1727, %add3A_1728, %rem3A_1719 : i32
    %dma_start3A_1730 = arith.constant 1 : i32
    %dma_start3A_1731 = arith.constant 0 : i32
    %dma_start3A_1732 = arith.constant 0 : i32
    %dma_start3A_1733 = tpu.memref_slice %arg6[%dma_start3A_1730, %dma_start3A_1731, %dma_start3A_1732] : memref<2x1024x32xf32, #tpu.memory_space<vmem>> -> memref<1x1024x32xf32, #tpu.memory_space<vmem>>
    %dma_start3A_1734 = tpu.memref_squeeze %dma_start3A_1733 : memref<1x1024x32xf32, #tpu.memory_space<vmem>> -> memref<1024x32xf32, #tpu.memory_space<vmem>>
    %dma_start3A_1735 = arith.constant 1024 : i32
    %dma_start3A_1736 = arith.constant 0 : i32
    %dma_start3A_1737 = tpu.memref_slice %arg4[%dma_start3A_1735, %select_n3A_1713, %select_n3A_1729, %dma_start3A_1736] : memref<4096x20x8x32xf32, #tpu.memory_space<hbm>> -> memref<1024x1x1x32xf32, #tpu.memory_space<hbm>>
    %dma_start3A_1738 = tpu.memref_squeeze %dma_start3A_1737 : memref<1024x1x1x32xf32, #tpu.memory_space<hbm>> -> memref<1024x32xf32, #tpu.memory_space<hbm>>
    %dma_start3A_1739 = arith.constant 1024 : i32
    %dma_start3A_1740 = arith.constant 0 : i32
    %dma_start3A_1741 = tpu.memref_slice %arg4[%dma_start3A_1739, %select_n3A_1713, %select_n3A_1729, %dma_start3A_1740] : memref<4096x20x8x32xf32, #tpu.memory_space<hbm>> -> memref<1024x1x1x32xf32, #tpu.memory_space<hbm>>
    %dma_start3A_1742 = tpu.memref_squeeze %dma_start3A_1741 : memref<1024x1x1x32xf32, #tpu.memory_space<hbm>> -> memref<1024x32xf32, #tpu.memory_space<hbm>>
    %dma_start3A_1743 = arith.constant 0 : i32
    %dma_start3A_1744 = arith.constant 0 : i32
    %dma_start3A_1745 = tpu.memref_slice %arg6[%dma_start3A_1730, %dma_start3A_1743, %dma_start3A_1744] : memref<2x1024x32xf32, #tpu.memory_space<vmem>> -> memref<1x1024x32xf32, #tpu.memory_space<vmem>>
    %dma_start3A_1746 = tpu.memref_squeeze %dma_start3A_1745 : memref<1x1024x32xf32, #tpu.memory_space<vmem>> -> memref<1024x32xf32, #tpu.memory_space<vmem>>
    tpu.enqueue_dma source(%dma_start3A_1746 : memref<1024x32xf32, #tpu.memory_space<vmem>>) target(%dma_start3A_1742 : memref<1024x32xf32, #tpu.memory_space<hbm>>) target_semaphore(%arg12 : memref<!tpu.dma_semaphore, #tpu.memory_space<semaphore_mem>>)
    %dma_wait3A_1747 = arith.constant 0 : i32
    %dma_wait3A_1748 = arith.constant 0 : i32
    %dma_wait3A_1749 = arith.constant 0 : i32
    %dma_wait3A_1750 = tpu.memref_slice %arg6[%dma_wait3A_1747, %dma_wait3A_1748, %dma_wait3A_1749] : memref<2x1024x32xf32, #tpu.memory_space<vmem>> -> memref<1x1024x32xf32, #tpu.memory_space<vmem>>
    %dma_wait3A_1751 = tpu.memref_squeeze %dma_wait3A_1750 : memref<1x1024x32xf32, #tpu.memory_space<vmem>> -> memref<1024x32xf32, #tpu.memory_space<vmem>>
    %dma_wait3A_1752 = arith.constant 0 : i32
    %dma_wait3A_1753 = arith.constant 0 : i32
    %dma_wait3A_1754 = tpu.memref_slice %arg4[%dma_wait3A_1752, %select_n3A_1545, %select_n3A_1561, %dma_wait3A_1753] : memref<4096x20x8x32xf32, #tpu.memory_space<hbm>> -> memref<1024x1x1x32xf32, #tpu.memory_space<hbm>>
    %dma_wait3A_1755 = tpu.memref_squeeze %dma_wait3A_1754 : memref<1024x1x1x32xf32, #tpu.memory_space<hbm>> -> memref<1024x32xf32, #tpu.memory_space<hbm>>
    %dma_wait3A_1756 = arith.constant 0 : i32
    %dma_wait3A_1757 = arith.constant 0 : i32
    %dma_wait3A_1758 = tpu.memref_slice %arg4[%dma_wait3A_1756, %select_n3A_1545, %select_n3A_1561, %dma_wait3A_1757] : memref<4096x20x8x32xf32, #tpu.memory_space<hbm>> -> memref<1024x1x1x32xf32, #tpu.memory_space<hbm>>
    %dma_wait3A_1759 = tpu.memref_squeeze %dma_wait3A_1758 : memref<1024x1x1x32xf32, #tpu.memory_space<hbm>> -> memref<1024x32xf32, #tpu.memory_space<hbm>>
    %dma_wait3A_1760 = arith.constant 0 : i32
    %dma_wait3A_1761 = arith.constant 0 : i32
    %dma_wait3A_1762 = tpu.memref_slice %arg6[%dma_wait3A_1747, %dma_wait3A_1760, %dma_wait3A_1761] : memref<2x1024x32xf32, #tpu.memory_space<vmem>> -> memref<1x1024x32xf32, #tpu.memory_space<vmem>>
    %dma_wait3A_1763 = tpu.memref_squeeze %dma_wait3A_1762 : memref<1x1024x32xf32, #tpu.memory_space<vmem>> -> memref<1024x32xf32, #tpu.memory_space<vmem>>
    tpu.wait_dma2 semaphore(%arg11 : memref<!tpu.dma_semaphore, #tpu.memory_space<semaphore_mem>>) src(%dma_wait3A_1763 : memref<1024x32xf32, #tpu.memory_space<vmem>>) dst(%dma_wait3A_1759 : memref<1024x32xf32, #tpu.memory_space<hbm>>)
    %dma_wait3A_1764 = arith.constant 0 : i32
    %dma_wait3A_1765 = arith.constant 0 : i32
    %dma_wait3A_1766 = tpu.memref_slice %arg5[%dma_wait3A_1764, %dma_wait3A_1765] : memref<2x1024xi32, #tpu.memory_space<vmem>> -> memref<1x1024xi32, #tpu.memory_space<vmem>>
    %dma_wait3A_1767 = tpu.memref_squeeze %dma_wait3A_1766 : memref<1x1024xi32, #tpu.memory_space<vmem>> -> memref<1024xi32, #tpu.memory_space<vmem>>
    %dma_wait3A_1768 = arith.constant 2048 : i32
    %dma_wait3A_1769 = tpu.memref_slice %arg2[%select_n3A_1490, %select_n3A_1506, %dma_wait3A_1768] : memref<20x8x4096xi32, #tpu.memory_space<hbm>> -> memref<1x1x1024xi32, #tpu.memory_space<hbm>>
    %dma_wait3A_1770 = tpu.memref_squeeze %dma_wait3A_1769 : memref<1x1x1024xi32, #tpu.memory_space<hbm>> -> memref<1024xi32, #tpu.memory_space<hbm>>
    %dma_wait3A_1771 = arith.constant 0 : i32
    %dma_wait3A_1772 = tpu.memref_slice %arg5[%dma_wait3A_1764, %dma_wait3A_1771] : memref<2x1024xi32, #tpu.memory_space<vmem>> -> memref<1x1024xi32, #tpu.memory_space<vmem>>
    %dma_wait3A_1773 = tpu.memref_squeeze %dma_wait3A_1772 : memref<1x1024xi32, #tpu.memory_space<vmem>> -> memref<1024xi32, #tpu.memory_space<vmem>>
    %dma_wait3A_1774 = arith.constant 2048 : i32
    %dma_wait3A_1775 = tpu.memref_slice %arg2[%select_n3A_1490, %select_n3A_1506, %dma_wait3A_1774] : memref<20x8x4096xi32, #tpu.memory_space<hbm>> -> memref<1x1x1024xi32, #tpu.memory_space<hbm>>
    %dma_wait3A_1776 = tpu.memref_squeeze %dma_wait3A_1775 : memref<1x1x1024xi32, #tpu.memory_space<hbm>> -> memref<1024xi32, #tpu.memory_space<hbm>>
    tpu.wait_dma2 semaphore(%arg7 : memref<!tpu.dma_semaphore, #tpu.memory_space<semaphore_mem>>) src(%dma_wait3A_1776 : memref<1024xi32, #tpu.memory_space<hbm>>) dst(%dma_wait3A_1773 : memref<1024xi32, #tpu.memory_space<vmem>>)
    %dma_start3A_1777 = arith.constant 0 : i32
    %dma_start3A_1778 = arith.constant 0 : i32
    %dma_start3A_1779 = arith.constant 0 : i32
    %dma_start3A_1780 = arith.constant 0 : i32
    %dma_start3A_1781 = tpu.memref_slice %arg6[%dma_start3A_1778, %dma_start3A_1779, %dma_start3A_1780] : memref<2x1024x32xf32, #tpu.memory_space<vmem>> -> memref<1x1024x32xf32, #tpu.memory_space<vmem>>
    %dma_start3A_1782 = tpu.memref_squeeze %dma_start3A_1781 : memref<1x1024x32xf32, #tpu.memory_space<vmem>> -> memref<1024x32xf32, #tpu.memory_space<vmem>>
    %dma_start3A_1783 = arith.constant 0 : i32
    %dma_start3A_1784 = tpu.memref_slice %arg5[%dma_start3A_1777, %dma_start3A_1783] : memref<2x1024xi32, #tpu.memory_space<vmem>> -> memref<1x1024xi32, #tpu.memory_space<vmem>>
    %dma_start3A_1785 = tpu.memref_squeeze %dma_start3A_1784 : memref<1x1024xi32, #tpu.memory_space<vmem>> -> memref<1024xi32, #tpu.memory_space<vmem>>
    %dma_start3A_1786 = arith.constant 0 : i32
    %dma_start3A_1787 = arith.constant 0 : i32
    %dma_start3A_1788 = tpu.memref_slice %arg3[%dma_start3A_1786, %dma_start3A_1787] : memref<1000000x32xf32, #tpu.memory_space<hbm>> -> memref<1000000x32xf32, #tpu.memory_space<hbm>>
    tpu.enqueue_indirect_dma source(%dma_start3A_1788 : memref<1000000x32xf32, #tpu.memory_space<hbm>>) target(%dma_start3A_1782 : memref<1024x32xf32, #tpu.memory_space<vmem>>) offsets(%dma_start3A_1785 : memref<1024xi32, #tpu.memory_space<vmem>>) semaphore(%arg9 : memref<!tpu.dma_semaphore, #tpu.memory_space<semaphore_mem>>)
    %dma_wait3A_1789 = arith.constant 0 : i32
    %dma_wait3A_1790 = arith.constant 0 : i32
    %dma_wait3A_1791 = arith.constant 0 : i32
    %dma_wait3A_1792 = arith.constant 0 : i32
    %dma_wait3A_1793 = tpu.memref_slice %arg6[%dma_wait3A_1790, %dma_wait3A_1791, %dma_wait3A_1792] : memref<2x1024x32xf32, #tpu.memory_space<vmem>> -> memref<1x1024x32xf32, #tpu.memory_space<vmem>>
    %dma_wait3A_1794 = tpu.memref_squeeze %dma_wait3A_1793 : memref<1x1024x32xf32, #tpu.memory_space<vmem>> -> memref<1024x32xf32, #tpu.memory_space<vmem>>
    %dma_wait3A_1795 = arith.constant 0 : i32
    %dma_wait3A_1796 = tpu.memref_slice %arg5[%dma_wait3A_1789, %dma_wait3A_1795] : memref<2x1024xi32, #tpu.memory_space<vmem>> -> memref<1x1024xi32, #tpu.memory_space<vmem>>
    %dma_wait3A_1797 = tpu.memref_squeeze %dma_wait3A_1796 : memref<1x1024xi32, #tpu.memory_space<vmem>> -> memref<1024xi32, #tpu.memory_space<vmem>>
    %dma_wait3A_1798 = arith.constant 0 : i32
    %dma_wait3A_1799 = arith.constant 0 : i32
    %dma_wait3A_1800 = tpu.memref_slice %arg3[%dma_wait3A_1798, %dma_wait3A_1799] : memref<1000000x32xf32, #tpu.memory_space<hbm>> -> memref<1000000x32xf32, #tpu.memory_space<hbm>>
    tpu.wait_indirect_dma semaphore(%arg9 : memref<!tpu.dma_semaphore, #tpu.memory_space<semaphore_mem>>) src(%dma_wait3A_1800 : memref<1000000x32xf32, #tpu.memory_space<hbm>>) dst(%dma_wait3A_1794 : memref<1024x32xf32, #tpu.memory_space<vmem>>)
    %add3A_1801 = arith.constant 3 : i32
    %add3A_1802 = arith.addi %mul3A_2, %add3A_1801 : i32
    %jit3A_1803 = arith.constant 8 : i32
    %div3A_1804 = arith.divsi %add3A_1802, %jit3A_1803 : i32
    %sign3A_1805 = arith.constant 0 : i32
    %sign3A_1806 = arith.cmpi sgt, %add3A_1802, %sign3A_1805 : i32
    %sign3A_1807 = arith.extui %sign3A_1806 : i1 to i32
    %sign3A_1808 = arith.constant 0 : i32
    %sign3A_1809 = arith.cmpi slt, %add3A_1802, %sign3A_1808 : i32
    %sign3A_1810 = arith.extui %sign3A_1809 : i1 to i32
    %sign3A_1811 = arith.subi %sign3A_1807, %sign3A_1810 : i32
    %sign3A_1812 = arith.constant 0 : i32
    %sign3A_1813 = arith.cmpi sgt, %jit3A_1803, %sign3A_1812 : i32
    %sign3A_1814 = arith.extui %sign3A_1813 : i1 to i32
    %sign3A_1815 = arith.constant 0 : i32
    %sign3A_1816 = arith.cmpi slt, %jit3A_1803, %sign3A_1815 : i32
    %sign3A_1817 = arith.extui %sign3A_1816 : i1 to i32
    %sign3A_1818 = arith.subi %sign3A_1814, %sign3A_1817 : i32
    %ne3A_1819 = arith.cmpi ne, %sign3A_1811, %sign3A_1818 : i32
    %rem3A_1820 = arith.remsi %add3A_1802, %jit3A_1803 : i32
    %ne3A_1821 = arith.constant 0 : i32
    %ne3A_1822 = arith.cmpi ne, %rem3A_1820, %ne3A_1821 : i32
    %and3A_1823 = arith.andi %ne3A_1819, %ne3A_1822 : i1
    %sub3A_1824 = arith.constant 1 : i32
    %sub3A_1825 = arith.subi %div3A_1804, %sub3A_1824 : i32
    %select_n3A_1826 = arith.select %and3A_1823, %sub3A_1825, %div3A_1804 : i32
    %jit3A_1827 = arith.constant 8 : i32
    %eq3A_1828 = arith.constant 0 : i32
    %eq3A_1829 = arith.cmpi eq, %jit3A_1827, %eq3A_1828 : i32
    %jit3A_1830 = arith.constant 1 : i32
    %select_n3A_1831 = arith.select %eq3A_1829, %jit3A_1830, %jit3A_1827 : i32
    %rem3A_1832 = arith.remsi %add3A_1802, %select_n3A_1831 : i32
    %ne3A_1833 = arith.constant 0 : i32
    %ne3A_1834 = arith.cmpi ne, %rem3A_1832, %ne3A_1833 : i32
    %lt3A_1835 = arith.constant 0 : i32
    %lt3A_1836 = arith.cmpi slt, %rem3A_1832, %lt3A_1835 : i32
    %lt3A_1837 = arith.constant 0 : i32
    %lt3A_1838 = arith.cmpi slt, %select_n3A_1831, %lt3A_1837 : i32
    %ne3A_1839 = arith.xori %lt3A_1836, %lt3A_1838 : i1
    %and3A_1840 = arith.andi %ne3A_1839, %ne3A_1834 : i1
    %add3A_1841 = arith.addi %rem3A_1832, %select_n3A_1831 : i32
    %select_n3A_1842 = arith.select %and3A_1840, %add3A_1841, %rem3A_1832 : i32
    %dma_start3A_1843 = arith.constant 0 : i32
    %dma_start3A_1844 = arith.constant 0 : i32
    %dma_start3A_1845 = tpu.memref_slice %arg5[%dma_start3A_1843, %dma_start3A_1844] : memref<2x1024xi32, #tpu.memory_space<vmem>> -> memref<1x1024xi32, #tpu.memory_space<vmem>>
    %dma_start3A_1846 = tpu.memref_squeeze %dma_start3A_1845 : memref<1x1024xi32, #tpu.memory_space<vmem>> -> memref<1024xi32, #tpu.memory_space<vmem>>
    %dma_start3A_1847 = arith.constant 0 : i32
    %dma_start3A_1848 = tpu.memref_slice %arg2[%select_n3A_1826, %select_n3A_1842, %dma_start3A_1847] : memref<20x8x4096xi32, #tpu.memory_space<hbm>> -> memref<1x1x1024xi32, #tpu.memory_space<hbm>>
    %dma_start3A_1849 = tpu.memref_squeeze %dma_start3A_1848 : memref<1x1x1024xi32, #tpu.memory_space<hbm>> -> memref<1024xi32, #tpu.memory_space<hbm>>
    %dma_start3A_1850 = arith.constant 0 : i32
    %dma_start3A_1851 = tpu.memref_slice %arg5[%dma_start3A_1843, %dma_start3A_1850] : memref<2x1024xi32, #tpu.memory_space<vmem>> -> memref<1x1024xi32, #tpu.memory_space<vmem>>
    %dma_start3A_1852 = tpu.memref_squeeze %dma_start3A_1851 : memref<1x1024xi32, #tpu.memory_space<vmem>> -> memref<1024xi32, #tpu.memory_space<vmem>>
    %dma_start3A_1853 = arith.constant 0 : i32
    %dma_start3A_1854 = tpu.memref_slice %arg2[%select_n3A_1826, %select_n3A_1842, %dma_start3A_1853] : memref<20x8x4096xi32, #tpu.memory_space<hbm>> -> memref<1x1x1024xi32, #tpu.memory_space<hbm>>
    %dma_start3A_1855 = tpu.memref_squeeze %dma_start3A_1854 : memref<1x1x1024xi32, #tpu.memory_space<hbm>> -> memref<1024xi32, #tpu.memory_space<hbm>>
    tpu.enqueue_dma source(%dma_start3A_1855 : memref<1024xi32, #tpu.memory_space<hbm>>) target(%dma_start3A_1852 : memref<1024xi32, #tpu.memory_space<vmem>>) target_semaphore(%arg7 : memref<!tpu.dma_semaphore, #tpu.memory_space<semaphore_mem>>)
    %add3A_1856 = arith.constant 2 : i32
    %add3A_1857 = arith.addi %mul3A_2, %add3A_1856 : i32
    %jit3A_1858 = arith.constant 8 : i32
    %div3A_1859 = arith.divsi %add3A_1857, %jit3A_1858 : i32
    %sign3A_1860 = arith.constant 0 : i32
    %sign3A_1861 = arith.cmpi sgt, %add3A_1857, %sign3A_1860 : i32
    %sign3A_1862 = arith.extui %sign3A_1861 : i1 to i32
    %sign3A_1863 = arith.constant 0 : i32
    %sign3A_1864 = arith.cmpi slt, %add3A_1857, %sign3A_1863 : i32
    %sign3A_1865 = arith.extui %sign3A_1864 : i1 to i32
    %sign3A_1866 = arith.subi %sign3A_1862, %sign3A_1865 : i32
    %sign3A_1867 = arith.constant 0 : i32
    %sign3A_1868 = arith.cmpi sgt, %jit3A_1858, %sign3A_1867 : i32
    %sign3A_1869 = arith.extui %sign3A_1868 : i1 to i32
    %sign3A_1870 = arith.constant 0 : i32
    %sign3A_1871 = arith.cmpi slt, %jit3A_1858, %sign3A_1870 : i32
    %sign3A_1872 = arith.extui %sign3A_1871 : i1 to i32
    %sign3A_1873 = arith.subi %sign3A_1869, %sign3A_1872 : i32
    %ne3A_1874 = arith.cmpi ne, %sign3A_1866, %sign3A_1873 : i32
    %rem3A_1875 = arith.remsi %add3A_1857, %jit3A_1858 : i32
    %ne3A_1876 = arith.constant 0 : i32
    %ne3A_1877 = arith.cmpi ne, %rem3A_1875, %ne3A_1876 : i32
    %and3A_1878 = arith.andi %ne3A_1874, %ne3A_1877 : i1
    %sub3A_1879 = arith.constant 1 : i32
    %sub3A_1880 = arith.subi %div3A_1859, %sub3A_1879 : i32
    %select_n3A_1881 = arith.select %and3A_1878, %sub3A_1880, %div3A_1859 : i32
    %jit3A_1882 = arith.constant 8 : i32
    %eq3A_1883 = arith.constant 0 : i32
    %eq3A_1884 = arith.cmpi eq, %jit3A_1882, %eq3A_1883 : i32
    %jit3A_1885 = arith.constant 1 : i32
    %select_n3A_1886 = arith.select %eq3A_1884, %jit3A_1885, %jit3A_1882 : i32
    %rem3A_1887 = arith.remsi %add3A_1857, %select_n3A_1886 : i32
    %ne3A_1888 = arith.constant 0 : i32
    %ne3A_1889 = arith.cmpi ne, %rem3A_1887, %ne3A_1888 : i32
    %lt3A_1890 = arith.constant 0 : i32
    %lt3A_1891 = arith.cmpi slt, %rem3A_1887, %lt3A_1890 : i32
    %lt3A_1892 = arith.constant 0 : i32
    %lt3A_1893 = arith.cmpi slt, %select_n3A_1886, %lt3A_1892 : i32
    %ne3A_1894 = arith.xori %lt3A_1891, %lt3A_1893 : i1
    %and3A_1895 = arith.andi %ne3A_1894, %ne3A_1889 : i1
    %add3A_1896 = arith.addi %rem3A_1887, %select_n3A_1886 : i32
    %select_n3A_1897 = arith.select %and3A_1895, %add3A_1896, %rem3A_1887 : i32
    %dma_start3A_1898 = arith.constant 0 : i32
    %dma_start3A_1899 = arith.constant 0 : i32
    %dma_start3A_1900 = arith.constant 0 : i32
    %dma_start3A_1901 = tpu.memref_slice %arg6[%dma_start3A_1898, %dma_start3A_1899, %dma_start3A_1900] : memref<2x1024x32xf32, #tpu.memory_space<vmem>> -> memref<1x1024x32xf32, #tpu.memory_space<vmem>>
    %dma_start3A_1902 = tpu.memref_squeeze %dma_start3A_1901 : memref<1x1024x32xf32, #tpu.memory_space<vmem>> -> memref<1024x32xf32, #tpu.memory_space<vmem>>
    %dma_start3A_1903 = arith.constant 2048 : i32
    %dma_start3A_1904 = arith.constant 0 : i32
    %dma_start3A_1905 = tpu.memref_slice %arg4[%dma_start3A_1903, %select_n3A_1881, %select_n3A_1897, %dma_start3A_1904] : memref<4096x20x8x32xf32, #tpu.memory_space<hbm>> -> memref<1024x1x1x32xf32, #tpu.memory_space<hbm>>
    %dma_start3A_1906 = tpu.memref_squeeze %dma_start3A_1905 : memref<1024x1x1x32xf32, #tpu.memory_space<hbm>> -> memref<1024x32xf32, #tpu.memory_space<hbm>>
    %dma_start3A_1907 = arith.constant 2048 : i32
    %dma_start3A_1908 = arith.constant 0 : i32
    %dma_start3A_1909 = tpu.memref_slice %arg4[%dma_start3A_1907, %select_n3A_1881, %select_n3A_1897, %dma_start3A_1908] : memref<4096x20x8x32xf32, #tpu.memory_space<hbm>> -> memref<1024x1x1x32xf32, #tpu.memory_space<hbm>>
    %dma_start3A_1910 = tpu.memref_squeeze %dma_start3A_1909 : memref<1024x1x1x32xf32, #tpu.memory_space<hbm>> -> memref<1024x32xf32, #tpu.memory_space<hbm>>
    %dma_start3A_1911 = arith.constant 0 : i32
    %dma_start3A_1912 = arith.constant 0 : i32
    %dma_start3A_1913 = tpu.memref_slice %arg6[%dma_start3A_1898, %dma_start3A_1911, %dma_start3A_1912] : memref<2x1024x32xf32, #tpu.memory_space<vmem>> -> memref<1x1024x32xf32, #tpu.memory_space<vmem>>
    %dma_start3A_1914 = tpu.memref_squeeze %dma_start3A_1913 : memref<1x1024x32xf32, #tpu.memory_space<vmem>> -> memref<1024x32xf32, #tpu.memory_space<vmem>>
    tpu.enqueue_dma source(%dma_start3A_1914 : memref<1024x32xf32, #tpu.memory_space<vmem>>) target(%dma_start3A_1910 : memref<1024x32xf32, #tpu.memory_space<hbm>>) target_semaphore(%arg11 : memref<!tpu.dma_semaphore, #tpu.memory_space<semaphore_mem>>)
    %dma_wait3A_1915 = arith.constant 1 : i32
    %dma_wait3A_1916 = arith.constant 0 : i32
    %dma_wait3A_1917 = arith.constant 0 : i32
    %dma_wait3A_1918 = tpu.memref_slice %arg6[%dma_wait3A_1915, %dma_wait3A_1916, %dma_wait3A_1917] : memref<2x1024x32xf32, #tpu.memory_space<vmem>> -> memref<1x1024x32xf32, #tpu.memory_space<vmem>>
    %dma_wait3A_1919 = tpu.memref_squeeze %dma_wait3A_1918 : memref<1x1024x32xf32, #tpu.memory_space<vmem>> -> memref<1024x32xf32, #tpu.memory_space<vmem>>
    %dma_wait3A_1920 = arith.constant 1024 : i32
    %dma_wait3A_1921 = arith.constant 0 : i32
    %dma_wait3A_1922 = tpu.memref_slice %arg4[%dma_wait3A_1920, %select_n3A_1713, %select_n3A_1729, %dma_wait3A_1921] : memref<4096x20x8x32xf32, #tpu.memory_space<hbm>> -> memref<1024x1x1x32xf32, #tpu.memory_space<hbm>>
    %dma_wait3A_1923 = tpu.memref_squeeze %dma_wait3A_1922 : memref<1024x1x1x32xf32, #tpu.memory_space<hbm>> -> memref<1024x32xf32, #tpu.memory_space<hbm>>
    %dma_wait3A_1924 = arith.constant 1024 : i32
    %dma_wait3A_1925 = arith.constant 0 : i32
    %dma_wait3A_1926 = tpu.memref_slice %arg4[%dma_wait3A_1924, %select_n3A_1713, %select_n3A_1729, %dma_wait3A_1925] : memref<4096x20x8x32xf32, #tpu.memory_space<hbm>> -> memref<1024x1x1x32xf32, #tpu.memory_space<hbm>>
    %dma_wait3A_1927 = tpu.memref_squeeze %dma_wait3A_1926 : memref<1024x1x1x32xf32, #tpu.memory_space<hbm>> -> memref<1024x32xf32, #tpu.memory_space<hbm>>
    %dma_wait3A_1928 = arith.constant 0 : i32
    %dma_wait3A_1929 = arith.constant 0 : i32
    %dma_wait3A_1930 = tpu.memref_slice %arg6[%dma_wait3A_1915, %dma_wait3A_1928, %dma_wait3A_1929] : memref<2x1024x32xf32, #tpu.memory_space<vmem>> -> memref<1x1024x32xf32, #tpu.memory_space<vmem>>
    %dma_wait3A_1931 = tpu.memref_squeeze %dma_wait3A_1930 : memref<1x1024x32xf32, #tpu.memory_space<vmem>> -> memref<1024x32xf32, #tpu.memory_space<vmem>>
    tpu.wait_dma2 semaphore(%arg12 : memref<!tpu.dma_semaphore, #tpu.memory_space<semaphore_mem>>) src(%dma_wait3A_1931 : memref<1024x32xf32, #tpu.memory_space<vmem>>) dst(%dma_wait3A_1927 : memref<1024x32xf32, #tpu.memory_space<hbm>>)
    %dma_wait3A_1932 = arith.constant 1 : i32
    %dma_wait3A_1933 = arith.constant 0 : i32
    %dma_wait3A_1934 = tpu.memref_slice %arg5[%dma_wait3A_1932, %dma_wait3A_1933] : memref<2x1024xi32, #tpu.memory_space<vmem>> -> memref<1x1024xi32, #tpu.memory_space<vmem>>
    %dma_wait3A_1935 = tpu.memref_squeeze %dma_wait3A_1934 : memref<1x1024xi32, #tpu.memory_space<vmem>> -> memref<1024xi32, #tpu.memory_space<vmem>>
    %dma_wait3A_1936 = arith.constant 3072 : i32
    %dma_wait3A_1937 = tpu.memref_slice %arg2[%select_n3A_1658, %select_n3A_1674, %dma_wait3A_1936] : memref<20x8x4096xi32, #tpu.memory_space<hbm>> -> memref<1x1x1024xi32, #tpu.memory_space<hbm>>
    %dma_wait3A_1938 = tpu.memref_squeeze %dma_wait3A_1937 : memref<1x1x1024xi32, #tpu.memory_space<hbm>> -> memref<1024xi32, #tpu.memory_space<hbm>>
    %dma_wait3A_1939 = arith.constant 0 : i32
    %dma_wait3A_1940 = tpu.memref_slice %arg5[%dma_wait3A_1932, %dma_wait3A_1939] : memref<2x1024xi32, #tpu.memory_space<vmem>> -> memref<1x1024xi32, #tpu.memory_space<vmem>>
    %dma_wait3A_1941 = tpu.memref_squeeze %dma_wait3A_1940 : memref<1x1024xi32, #tpu.memory_space<vmem>> -> memref<1024xi32, #tpu.memory_space<vmem>>
    %dma_wait3A_1942 = arith.constant 3072 : i32
    %dma_wait3A_1943 = tpu.memref_slice %arg2[%select_n3A_1658, %select_n3A_1674, %dma_wait3A_1942] : memref<20x8x4096xi32, #tpu.memory_space<hbm>> -> memref<1x1x1024xi32, #tpu.memory_space<hbm>>
    %dma_wait3A_1944 = tpu.memref_squeeze %dma_wait3A_1943 : memref<1x1x1024xi32, #tpu.memory_space<hbm>> -> memref<1024xi32, #tpu.memory_space<hbm>>
    tpu.wait_dma2 semaphore(%arg8 : memref<!tpu.dma_semaphore, #tpu.memory_space<semaphore_mem>>) src(%dma_wait3A_1944 : memref<1024xi32, #tpu.memory_space<hbm>>) dst(%dma_wait3A_1941 : memref<1024xi32, #tpu.memory_space<vmem>>)
    %dma_start3A_1945 = arith.constant 1 : i32
    %dma_start3A_1946 = arith.constant 1 : i32
    %dma_start3A_1947 = arith.constant 0 : i32
    %dma_start3A_1948 = arith.constant 0 : i32
    %dma_start3A_1949 = tpu.memref_slice %arg6[%dma_start3A_1946, %dma_start3A_1947, %dma_start3A_1948] : memref<2x1024x32xf32, #tpu.memory_space<vmem>> -> memref<1x1024x32xf32, #tpu.memory_space<vmem>>
    %dma_start3A_1950 = tpu.memref_squeeze %dma_start3A_1949 : memref<1x1024x32xf32, #tpu.memory_space<vmem>> -> memref<1024x32xf32, #tpu.memory_space<vmem>>
    %dma_start3A_1951 = arith.constant 0 : i32
    %dma_start3A_1952 = tpu.memref_slice %arg5[%dma_start3A_1945, %dma_start3A_1951] : memref<2x1024xi32, #tpu.memory_space<vmem>> -> memref<1x1024xi32, #tpu.memory_space<vmem>>
    %dma_start3A_1953 = tpu.memref_squeeze %dma_start3A_1952 : memref<1x1024xi32, #tpu.memory_space<vmem>> -> memref<1024xi32, #tpu.memory_space<vmem>>
    %dma_start3A_1954 = arith.constant 0 : i32
    %dma_start3A_1955 = arith.constant 0 : i32
    %dma_start3A_1956 = tpu.memref_slice %arg3[%dma_start3A_1954, %dma_start3A_1955] : memref<1000000x32xf32, #tpu.memory_space<hbm>> -> memref<1000000x32xf32, #tpu.memory_space<hbm>>
    tpu.enqueue_indirect_dma source(%dma_start3A_1956 : memref<1000000x32xf32, #tpu.memory_space<hbm>>) target(%dma_start3A_1950 : memref<1024x32xf32, #tpu.memory_space<vmem>>) offsets(%dma_start3A_1953 : memref<1024xi32, #tpu.memory_space<vmem>>) semaphore(%arg10 : memref<!tpu.dma_semaphore, #tpu.memory_space<semaphore_mem>>)
    %dma_wait3A_1957 = arith.constant 1 : i32
    %dma_wait3A_1958 = arith.constant 1 : i32
    %dma_wait3A_1959 = arith.constant 0 : i32
    %dma_wait3A_1960 = arith.constant 0 : i32
    %dma_wait3A_1961 = tpu.memref_slice %arg6[%dma_wait3A_1958, %dma_wait3A_1959, %dma_wait3A_1960] : memref<2x1024x32xf32, #tpu.memory_space<vmem>> -> memref<1x1024x32xf32, #tpu.memory_space<vmem>>
    %dma_wait3A_1962 = tpu.memref_squeeze %dma_wait3A_1961 : memref<1x1024x32xf32, #tpu.memory_space<vmem>> -> memref<1024x32xf32, #tpu.memory_space<vmem>>
    %dma_wait3A_1963 = arith.constant 0 : i32
    %dma_wait3A_1964 = tpu.memref_slice %arg5[%dma_wait3A_1957, %dma_wait3A_1963] : memref<2x1024xi32, #tpu.memory_space<vmem>> -> memref<1x1024xi32, #tpu.memory_space<vmem>>
    %dma_wait3A_1965 = tpu.memref_squeeze %dma_wait3A_1964 : memref<1x1024xi32, #tpu.memory_space<vmem>> -> memref<1024xi32, #tpu.memory_space<vmem>>
    %dma_wait3A_1966 = arith.constant 0 : i32
    %dma_wait3A_1967 = arith.constant 0 : i32
    %dma_wait3A_1968 = tpu.memref_slice %arg3[%dma_wait3A_1966, %dma_wait3A_1967] : memref<1000000x32xf32, #tpu.memory_space<hbm>> -> memref<1000000x32xf32, #tpu.memory_space<hbm>>
    tpu.wait_indirect_dma semaphore(%arg10 : memref<!tpu.dma_semaphore, #tpu.memory_space<semaphore_mem>>) src(%dma_wait3A_1968 : memref<1000000x32xf32, #tpu.memory_space<hbm>>) dst(%dma_wait3A_1962 : memref<1024x32xf32, #tpu.memory_space<vmem>>)
    %add3A_1969 = arith.constant 3 : i32
    %add3A_1970 = arith.addi %mul3A_2, %add3A_1969 : i32
    %jit3A_1971 = arith.constant 8 : i32
    %div3A_1972 = arith.divsi %add3A_1970, %jit3A_1971 : i32
    %sign3A_1973 = arith.constant 0 : i32
    %sign3A_1974 = arith.cmpi sgt, %add3A_1970, %sign3A_1973 : i32
    %sign3A_1975 = arith.extui %sign3A_1974 : i1 to i32
    %sign3A_1976 = arith.constant 0 : i32
    %sign3A_1977 = arith.cmpi slt, %add3A_1970, %sign3A_1976 : i32
    %sign3A_1978 = arith.extui %sign3A_1977 : i1 to i32
    %sign3A_1979 = arith.subi %sign3A_1975, %sign3A_1978 : i32
    %sign3A_1980 = arith.constant 0 : i32
    %sign3A_1981 = arith.cmpi sgt, %jit3A_1971, %sign3A_1980 : i32
    %sign3A_1982 = arith.extui %sign3A_1981 : i1 to i32
    %sign3A_1983 = arith.constant 0 : i32
    %sign3A_1984 = arith.cmpi slt, %jit3A_1971, %sign3A_1983 : i32
    %sign3A_1985 = arith.extui %sign3A_1984 : i1 to i32
    %sign3A_1986 = arith.subi %sign3A_1982, %sign3A_1985 : i32
    %ne3A_1987 = arith.cmpi ne, %sign3A_1979, %sign3A_1986 : i32
    %rem3A_1988 = arith.remsi %add3A_1970, %jit3A_1971 : i32
    %ne3A_1989 = arith.constant 0 : i32
    %ne3A_1990 = arith.cmpi ne, %rem3A_1988, %ne3A_1989 : i32
    %and3A_1991 = arith.andi %ne3A_1987, %ne3A_1990 : i1
    %sub3A_1992 = arith.constant 1 : i32
    %sub3A_1993 = arith.subi %div3A_1972, %sub3A_1992 : i32
    %select_n3A_1994 = arith.select %and3A_1991, %sub3A_1993, %div3A_1972 : i32
    %jit3A_1995 = arith.constant 8 : i32
    %eq3A_1996 = arith.constant 0 : i32
    %eq3A_1997 = arith.cmpi eq, %jit3A_1995, %eq3A_1996 : i32
    %jit3A_1998 = arith.constant 1 : i32
    %select_n3A_1999 = arith.select %eq3A_1997, %jit3A_1998, %jit3A_1995 : i32
    %rem3A_2000 = arith.remsi %add3A_1970, %select_n3A_1999 : i32
    %ne3A_2001 = arith.constant 0 : i32
    %ne3A_2002 = arith.cmpi ne, %rem3A_2000, %ne3A_2001 : i32
    %lt3A_2003 = arith.constant 0 : i32
    %lt3A_2004 = arith.cmpi slt, %rem3A_2000, %lt3A_2003 : i32
    %lt3A_2005 = arith.constant 0 : i32
    %lt3A_2006 = arith.cmpi slt, %select_n3A_1999, %lt3A_2005 : i32
    %ne3A_2007 = arith.xori %lt3A_2004, %lt3A_2006 : i1
    %and3A_2008 = arith.andi %ne3A_2007, %ne3A_2002 : i1
    %add3A_2009 = arith.addi %rem3A_2000, %select_n3A_1999 : i32
    %select_n3A_2010 = arith.select %and3A_2008, %add3A_2009, %rem3A_2000 : i32
    %dma_start3A_2011 = arith.constant 1 : i32
    %dma_start3A_2012 = arith.constant 0 : i32
    %dma_start3A_2013 = tpu.memref_slice %arg5[%dma_start3A_2011, %dma_start3A_2012] : memref<2x1024xi32, #tpu.memory_space<vmem>> -> memref<1x1024xi32, #tpu.memory_space<vmem>>
    %dma_start3A_2014 = tpu.memref_squeeze %dma_start3A_2013 : memref<1x1024xi32, #tpu.memory_space<vmem>> -> memref<1024xi32, #tpu.memory_space<vmem>>
    %dma_start3A_2015 = arith.constant 1024 : i32
    %dma_start3A_2016 = tpu.memref_slice %arg2[%select_n3A_1994, %select_n3A_2010, %dma_start3A_2015] : memref<20x8x4096xi32, #tpu.memory_space<hbm>> -> memref<1x1x1024xi32, #tpu.memory_space<hbm>>
    %dma_start3A_2017 = tpu.memref_squeeze %dma_start3A_2016 : memref<1x1x1024xi32, #tpu.memory_space<hbm>> -> memref<1024xi32, #tpu.memory_space<hbm>>
    %dma_start3A_2018 = arith.constant 0 : i32
    %dma_start3A_2019 = tpu.memref_slice %arg5[%dma_start3A_2011, %dma_start3A_2018] : memref<2x1024xi32, #tpu.memory_space<vmem>> -> memref<1x1024xi32, #tpu.memory_space<vmem>>
    %dma_start3A_2020 = tpu.memref_squeeze %dma_start3A_2019 : memref<1x1024xi32, #tpu.memory_space<vmem>> -> memref<1024xi32, #tpu.memory_space<vmem>>
    %dma_start3A_2021 = arith.constant 1024 : i32
    %dma_start3A_2022 = tpu.memref_slice %arg2[%select_n3A_1994, %select_n3A_2010, %dma_start3A_2021] : memref<20x8x4096xi32, #tpu.memory_space<hbm>> -> memref<1x1x1024xi32, #tpu.memory_space<hbm>>
    %dma_start3A_2023 = tpu.memref_squeeze %dma_start3A_2022 : memref<1x1x1024xi32, #tpu.memory_space<hbm>> -> memref<1024xi32, #tpu.memory_space<hbm>>
    tpu.enqueue_dma source(%dma_start3A_2023 : memref<1024xi32, #tpu.memory_space<hbm>>) target(%dma_start3A_2020 : memref<1024xi32, #tpu.memory_space<vmem>>) target_semaphore(%arg8 : memref<!tpu.dma_semaphore, #tpu.memory_space<semaphore_mem>>)
    %add3A_2024 = arith.constant 2 : i32
    %add3A_2025 = arith.addi %mul3A_2, %add3A_2024 : i32
    %jit3A_2026 = arith.constant 8 : i32
    %div3A_2027 = arith.divsi %add3A_2025, %jit3A_2026 : i32
    %sign3A_2028 = arith.constant 0 : i32
    %sign3A_2029 = arith.cmpi sgt, %add3A_2025, %sign3A_2028 : i32
    %sign3A_2030 = arith.extui %sign3A_2029 : i1 to i32
    %sign3A_2031 = arith.constant 0 : i32
    %sign3A_2032 = arith.cmpi slt, %add3A_2025, %sign3A_2031 : i32
    %sign3A_2033 = arith.extui %sign3A_2032 : i1 to i32
    %sign3A_2034 = arith.subi %sign3A_2030, %sign3A_2033 : i32
    %sign3A_2035 = arith.constant 0 : i32
    %sign3A_2036 = arith.cmpi sgt, %jit3A_2026, %sign3A_2035 : i32
    %sign3A_2037 = arith.extui %sign3A_2036 : i1 to i32
    %sign3A_2038 = arith.constant 0 : i32
    %sign3A_2039 = arith.cmpi slt, %jit3A_2026, %sign3A_2038 : i32
    %sign3A_2040 = arith.extui %sign3A_2039 : i1 to i32
    %sign3A_2041 = arith.subi %sign3A_2037, %sign3A_2040 : i32
    %ne3A_2042 = arith.cmpi ne, %sign3A_2034, %sign3A_2041 : i32
    %rem3A_2043 = arith.remsi %add3A_2025, %jit3A_2026 : i32
    %ne3A_2044 = arith.constant 0 : i32
    %ne3A_2045 = arith.cmpi ne, %rem3A_2043, %ne3A_2044 : i32
    %and3A_2046 = arith.andi %ne3A_2042, %ne3A_2045 : i1
    %sub3A_2047 = arith.constant 1 : i32
    %sub3A_2048 = arith.subi %div3A_2027, %sub3A_2047 : i32
    %select_n3A_2049 = arith.select %and3A_2046, %sub3A_2048, %div3A_2027 : i32
    %jit3A_2050 = arith.constant 8 : i32
    %eq3A_2051 = arith.constant 0 : i32
    %eq3A_2052 = arith.cmpi eq, %jit3A_2050, %eq3A_2051 : i32
    %jit3A_2053 = arith.constant 1 : i32
    %select_n3A_2054 = arith.select %eq3A_2052, %jit3A_2053, %jit3A_2050 : i32
    %rem3A_2055 = arith.remsi %add3A_2025, %select_n3A_2054 : i32
    %ne3A_2056 = arith.constant 0 : i32
    %ne3A_2057 = arith.cmpi ne, %rem3A_2055, %ne3A_2056 : i32
    %lt3A_2058 = arith.constant 0 : i32
    %lt3A_2059 = arith.cmpi slt, %rem3A_2055, %lt3A_2058 : i32
    %lt3A_2060 = arith.constant 0 : i32
    %lt3A_2061 = arith.cmpi slt, %select_n3A_2054, %lt3A_2060 : i32
    %ne3A_2062 = arith.xori %lt3A_2059, %lt3A_2061 : i1
    %and3A_2063 = arith.andi %ne3A_2062, %ne3A_2057 : i1
    %add3A_2064 = arith.addi %rem3A_2055, %select_n3A_2054 : i32
    %select_n3A_2065 = arith.select %and3A_2063, %add3A_2064, %rem3A_2055 : i32
    %dma_start3A_2066 = arith.constant 1 : i32
    %dma_start3A_2067 = arith.constant 0 : i32
    %dma_start3A_2068 = arith.constant 0 : i32
    %dma_start3A_2069 = tpu.memref_slice %arg6[%dma_start3A_2066, %dma_start3A_2067, %dma_start3A_2068] : memref<2x1024x32xf32, #tpu.memory_space<vmem>> -> memref<1x1024x32xf32, #tpu.memory_space<vmem>>
    %dma_start3A_2070 = tpu.memref_squeeze %dma_start3A_2069 : memref<1x1024x32xf32, #tpu.memory_space<vmem>> -> memref<1024x32xf32, #tpu.memory_space<vmem>>
    %dma_start3A_2071 = arith.constant 3072 : i32
    %dma_start3A_2072 = arith.constant 0 : i32
    %dma_start3A_2073 = tpu.memref_slice %arg4[%dma_start3A_2071, %select_n3A_2049, %select_n3A_2065, %dma_start3A_2072] : memref<4096x20x8x32xf32, #tpu.memory_space<hbm>> -> memref<1024x1x1x32xf32, #tpu.memory_space<hbm>>
    %dma_start3A_2074 = tpu.memref_squeeze %dma_start3A_2073 : memref<1024x1x1x32xf32, #tpu.memory_space<hbm>> -> memref<1024x32xf32, #tpu.memory_space<hbm>>
    %dma_start3A_2075 = arith.constant 3072 : i32
    %dma_start3A_2076 = arith.constant 0 : i32
    %dma_start3A_2077 = tpu.memref_slice %arg4[%dma_start3A_2075, %select_n3A_2049, %select_n3A_2065, %dma_start3A_2076] : memref<4096x20x8x32xf32, #tpu.memory_space<hbm>> -> memref<1024x1x1x32xf32, #tpu.memory_space<hbm>>
    %dma_start3A_2078 = tpu.memref_squeeze %dma_start3A_2077 : memref<1024x1x1x32xf32, #tpu.memory_space<hbm>> -> memref<1024x32xf32, #tpu.memory_space<hbm>>
    %dma_start3A_2079 = arith.constant 0 : i32
    %dma_start3A_2080 = arith.constant 0 : i32
    %dma_start3A_2081 = tpu.memref_slice %arg6[%dma_start3A_2066, %dma_start3A_2079, %dma_start3A_2080] : memref<2x1024x32xf32, #tpu.memory_space<vmem>> -> memref<1x1024x32xf32, #tpu.memory_space<vmem>>
    %dma_start3A_2082 = tpu.memref_squeeze %dma_start3A_2081 : memref<1x1024x32xf32, #tpu.memory_space<vmem>> -> memref<1024x32xf32, #tpu.memory_space<vmem>>
    tpu.enqueue_dma source(%dma_start3A_2082 : memref<1024x32xf32, #tpu.memory_space<vmem>>) target(%dma_start3A_2078 : memref<1024x32xf32, #tpu.memory_space<hbm>>) target_semaphore(%arg12 : memref<!tpu.dma_semaphore, #tpu.memory_space<semaphore_mem>>)
    %dma_wait3A_2083 = arith.constant 0 : i32
    %dma_wait3A_2084 = arith.constant 0 : i32
    %dma_wait3A_2085 = arith.constant 0 : i32
    %dma_wait3A_2086 = tpu.memref_slice %arg6[%dma_wait3A_2083, %dma_wait3A_2084, %dma_wait3A_2085] : memref<2x1024x32xf32, #tpu.memory_space<vmem>> -> memref<1x1024x32xf32, #tpu.memory_space<vmem>>
    %dma_wait3A_2087 = tpu.memref_squeeze %dma_wait3A_2086 : memref<1x1024x32xf32, #tpu.memory_space<vmem>> -> memref<1024x32xf32, #tpu.memory_space<vmem>>
    %dma_wait3A_2088 = arith.constant 2048 : i32
    %dma_wait3A_2089 = arith.constant 0 : i32
    %dma_wait3A_2090 = tpu.memref_slice %arg4[%dma_wait3A_2088, %select_n3A_1881, %select_n3A_1897, %dma_wait3A_2089] : memref<4096x20x8x32xf32, #tpu.memory_space<hbm>> -> memref<1024x1x1x32xf32, #tpu.memory_space<hbm>>
    %dma_wait3A_2091 = tpu.memref_squeeze %dma_wait3A_2090 : memref<1024x1x1x32xf32, #tpu.memory_space<hbm>> -> memref<1024x32xf32, #tpu.memory_space<hbm>>
    %dma_wait3A_2092 = arith.constant 2048 : i32
    %dma_wait3A_2093 = arith.constant 0 : i32
    %dma_wait3A_2094 = tpu.memref_slice %arg4[%dma_wait3A_2092, %select_n3A_1881, %select_n3A_1897, %dma_wait3A_2093] : memref<4096x20x8x32xf32, #tpu.memory_space<hbm>> -> memref<1024x1x1x32xf32, #tpu.memory_space<hbm>>
    %dma_wait3A_2095 = tpu.memref_squeeze %dma_wait3A_2094 : memref<1024x1x1x32xf32, #tpu.memory_space<hbm>> -> memref<1024x32xf32, #tpu.memory_space<hbm>>
    %dma_wait3A_2096 = arith.constant 0 : i32
    %dma_wait3A_2097 = arith.constant 0 : i32
    %dma_wait3A_2098 = tpu.memref_slice %arg6[%dma_wait3A_2083, %dma_wait3A_2096, %dma_wait3A_2097] : memref<2x1024x32xf32, #tpu.memory_space<vmem>> -> memref<1x1024x32xf32, #tpu.memory_space<vmem>>
    %dma_wait3A_2099 = tpu.memref_squeeze %dma_wait3A_2098 : memref<1x1024x32xf32, #tpu.memory_space<vmem>> -> memref<1024x32xf32, #tpu.memory_space<vmem>>
    tpu.wait_dma2 semaphore(%arg11 : memref<!tpu.dma_semaphore, #tpu.memory_space<semaphore_mem>>) src(%dma_wait3A_2099 : memref<1024x32xf32, #tpu.memory_space<vmem>>) dst(%dma_wait3A_2095 : memref<1024x32xf32, #tpu.memory_space<hbm>>)
    %dma_wait3A_2100 = arith.constant 0 : i32
    %dma_wait3A_2101 = arith.constant 0 : i32
    %dma_wait3A_2102 = tpu.memref_slice %arg5[%dma_wait3A_2100, %dma_wait3A_2101] : memref<2x1024xi32, #tpu.memory_space<vmem>> -> memref<1x1024xi32, #tpu.memory_space<vmem>>
    %dma_wait3A_2103 = tpu.memref_squeeze %dma_wait3A_2102 : memref<1x1024xi32, #tpu.memory_space<vmem>> -> memref<1024xi32, #tpu.memory_space<vmem>>
    %dma_wait3A_2104 = arith.constant 0 : i32
    %dma_wait3A_2105 = tpu.memref_slice %arg2[%select_n3A_1826, %select_n3A_1842, %dma_wait3A_2104] : memref<20x8x4096xi32, #tpu.memory_space<hbm>> -> memref<1x1x1024xi32, #tpu.memory_space<hbm>>
    %dma_wait3A_2106 = tpu.memref_squeeze %dma_wait3A_2105 : memref<1x1x1024xi32, #tpu.memory_space<hbm>> -> memref<1024xi32, #tpu.memory_space<hbm>>
    %dma_wait3A_2107 = arith.constant 0 : i32
    %dma_wait3A_2108 = tpu.memref_slice %arg5[%dma_wait3A_2100, %dma_wait3A_2107] : memref<2x1024xi32, #tpu.memory_space<vmem>> -> memref<1x1024xi32, #tpu.memory_space<vmem>>
    %dma_wait3A_2109 = tpu.memref_squeeze %dma_wait3A_2108 : memref<1x1024xi32, #tpu.memory_space<vmem>> -> memref<1024xi32, #tpu.memory_space<vmem>>
    %dma_wait3A_2110 = arith.constant 0 : i32
    %dma_wait3A_2111 = tpu.memref_slice %arg2[%select_n3A_1826, %select_n3A_1842, %dma_wait3A_2110] : memref<20x8x4096xi32, #tpu.memory_space<hbm>> -> memref<1x1x1024xi32, #tpu.memory_space<hbm>>
    %dma_wait3A_2112 = tpu.memref_squeeze %dma_wait3A_2111 : memref<1x1x1024xi32, #tpu.memory_space<hbm>> -> memref<1024xi32, #tpu.memory_space<hbm>>
    tpu.wait_dma2 semaphore(%arg7 : memref<!tpu.dma_semaphore, #tpu.memory_space<semaphore_mem>>) src(%dma_wait3A_2112 : memref<1024xi32, #tpu.memory_space<hbm>>) dst(%dma_wait3A_2109 : memref<1024xi32, #tpu.memory_space<vmem>>)
    %dma_start3A_2113 = arith.constant 0 : i32
    %dma_start3A_2114 = arith.constant 0 : i32
    %dma_start3A_2115 = arith.constant 0 : i32
    %dma_start3A_2116 = arith.constant 0 : i32
    %dma_start3A_2117 = tpu.memref_slice %arg6[%dma_start3A_2114, %dma_start3A_2115, %dma_start3A_2116] : memref<2x1024x32xf32, #tpu.memory_space<vmem>> -> memref<1x1024x32xf32, #tpu.memory_space<vmem>>
    %dma_start3A_2118 = tpu.memref_squeeze %dma_start3A_2117 : memref<1x1024x32xf32, #tpu.memory_space<vmem>> -> memref<1024x32xf32, #tpu.memory_space<vmem>>
    %dma_start3A_2119 = arith.constant 0 : i32
    %dma_start3A_2120 = tpu.memref_slice %arg5[%dma_start3A_2113, %dma_start3A_2119] : memref<2x1024xi32, #tpu.memory_space<vmem>> -> memref<1x1024xi32, #tpu.memory_space<vmem>>
    %dma_start3A_2121 = tpu.memref_squeeze %dma_start3A_2120 : memref<1x1024xi32, #tpu.memory_space<vmem>> -> memref<1024xi32, #tpu.memory_space<vmem>>
    %dma_start3A_2122 = arith.constant 0 : i32
    %dma_start3A_2123 = arith.constant 0 : i32
    %dma_start3A_2124 = tpu.memref_slice %arg3[%dma_start3A_2122, %dma_start3A_2123] : memref<1000000x32xf32, #tpu.memory_space<hbm>> -> memref<1000000x32xf32, #tpu.memory_space<hbm>>
    tpu.enqueue_indirect_dma source(%dma_start3A_2124 : memref<1000000x32xf32, #tpu.memory_space<hbm>>) target(%dma_start3A_2118 : memref<1024x32xf32, #tpu.memory_space<vmem>>) offsets(%dma_start3A_2121 : memref<1024xi32, #tpu.memory_space<vmem>>) semaphore(%arg9 : memref<!tpu.dma_semaphore, #tpu.memory_space<semaphore_mem>>)
    %dma_wait3A_2125 = arith.constant 0 : i32
    %dma_wait3A_2126 = arith.constant 0 : i32
    %dma_wait3A_2127 = arith.constant 0 : i32
    %dma_wait3A_2128 = arith.constant 0 : i32
    %dma_wait3A_2129 = tpu.memref_slice %arg6[%dma_wait3A_2126, %dma_wait3A_2127, %dma_wait3A_2128] : memref<2x1024x32xf32, #tpu.memory_space<vmem>> -> memref<1x1024x32xf32, #tpu.memory_space<vmem>>
    %dma_wait3A_2130 = tpu.memref_squeeze %dma_wait3A_2129 : memref<1x1024x32xf32, #tpu.memory_space<vmem>> -> memref<1024x32xf32, #tpu.memory_space<vmem>>
    %dma_wait3A_2131 = arith.constant 0 : i32
    %dma_wait3A_2132 = tpu.memref_slice %arg5[%dma_wait3A_2125, %dma_wait3A_2131] : memref<2x1024xi32, #tpu.memory_space<vmem>> -> memref<1x1024xi32, #tpu.memory_space<vmem>>
    %dma_wait3A_2133 = tpu.memref_squeeze %dma_wait3A_2132 : memref<1x1024xi32, #tpu.memory_space<vmem>> -> memref<1024xi32, #tpu.memory_space<vmem>>
    %dma_wait3A_2134 = arith.constant 0 : i32
    %dma_wait3A_2135 = arith.constant 0 : i32
    %dma_wait3A_2136 = tpu.memref_slice %arg3[%dma_wait3A_2134, %dma_wait3A_2135] : memref<1000000x32xf32, #tpu.memory_space<hbm>> -> memref<1000000x32xf32, #tpu.memory_space<hbm>>
    tpu.wait_indirect_dma semaphore(%arg9 : memref<!tpu.dma_semaphore, #tpu.memory_space<semaphore_mem>>) src(%dma_wait3A_2136 : memref<1000000x32xf32, #tpu.memory_space<hbm>>) dst(%dma_wait3A_2130 : memref<1024x32xf32, #tpu.memory_space<vmem>>)
    %add3A_2137 = arith.constant 3 : i32
    %add3A_2138 = arith.addi %mul3A_2, %add3A_2137 : i32
    %jit3A_2139 = arith.constant 8 : i32
    %div3A_2140 = arith.divsi %add3A_2138, %jit3A_2139 : i32
    %sign3A_2141 = arith.constant 0 : i32
    %sign3A_2142 = arith.cmpi sgt, %add3A_2138, %sign3A_2141 : i32
    %sign3A_2143 = arith.extui %sign3A_2142 : i1 to i32
    %sign3A_2144 = arith.constant 0 : i32
    %sign3A_2145 = arith.cmpi slt, %add3A_2138, %sign3A_2144 : i32
    %sign3A_2146 = arith.extui %sign3A_2145 : i1 to i32
    %sign3A_2147 = arith.subi %sign3A_2143, %sign3A_2146 : i32
    %sign3A_2148 = arith.constant 0 : i32
    %sign3A_2149 = arith.cmpi sgt, %jit3A_2139, %sign3A_2148 : i32
    %sign3A_2150 = arith.extui %sign3A_2149 : i1 to i32
    %sign3A_2151 = arith.constant 0 : i32
    %sign3A_2152 = arith.cmpi slt, %jit3A_2139, %sign3A_2151 : i32
    %sign3A_2153 = arith.extui %sign3A_2152 : i1 to i32
    %sign3A_2154 = arith.subi %sign3A_2150, %sign3A_2153 : i32
    %ne3A_2155 = arith.cmpi ne, %sign3A_2147, %sign3A_2154 : i32
    %rem3A_2156 = arith.remsi %add3A_2138, %jit3A_2139 : i32
    %ne3A_2157 = arith.constant 0 : i32
    %ne3A_2158 = arith.cmpi ne, %rem3A_2156, %ne3A_2157 : i32
    %and3A_2159 = arith.andi %ne3A_2155, %ne3A_2158 : i1
    %sub3A_2160 = arith.constant 1 : i32
    %sub3A_2161 = arith.subi %div3A_2140, %sub3A_2160 : i32
    %select_n3A_2162 = arith.select %and3A_2159, %sub3A_2161, %div3A_2140 : i32
    %jit3A_2163 = arith.constant 8 : i32
    %eq3A_2164 = arith.constant 0 : i32
    %eq3A_2165 = arith.cmpi eq, %jit3A_2163, %eq3A_2164 : i32
    %jit3A_2166 = arith.constant 1 : i32
    %select_n3A_2167 = arith.select %eq3A_2165, %jit3A_2166, %jit3A_2163 : i32
    %rem3A_2168 = arith.remsi %add3A_2138, %select_n3A_2167 : i32
    %ne3A_2169 = arith.constant 0 : i32
    %ne3A_2170 = arith.cmpi ne, %rem3A_2168, %ne3A_2169 : i32
    %lt3A_2171 = arith.constant 0 : i32
    %lt3A_2172 = arith.cmpi slt, %rem3A_2168, %lt3A_2171 : i32
    %lt3A_2173 = arith.constant 0 : i32
    %lt3A_2174 = arith.cmpi slt, %select_n3A_2167, %lt3A_2173 : i32
    %ne3A_2175 = arith.xori %lt3A_2172, %lt3A_2174 : i1
    %and3A_2176 = arith.andi %ne3A_2175, %ne3A_2170 : i1
    %add3A_2177 = arith.addi %rem3A_2168, %select_n3A_2167 : i32
    %select_n3A_2178 = arith.select %and3A_2176, %add3A_2177, %rem3A_2168 : i32
    %dma_start3A_2179 = arith.constant 0 : i32
    %dma_start3A_2180 = arith.constant 0 : i32
    %dma_start3A_2181 = tpu.memref_slice %arg5[%dma_start3A_2179, %dma_start3A_2180] : memref<2x1024xi32, #tpu.memory_space<vmem>> -> memref<1x1024xi32, #tpu.memory_space<vmem>>
    %dma_start3A_2182 = tpu.memref_squeeze %dma_start3A_2181 : memref<1x1024xi32, #tpu.memory_space<vmem>> -> memref<1024xi32, #tpu.memory_space<vmem>>
    %dma_start3A_2183 = arith.constant 2048 : i32
    %dma_start3A_2184 = tpu.memref_slice %arg2[%select_n3A_2162, %select_n3A_2178, %dma_start3A_2183] : memref<20x8x4096xi32, #tpu.memory_space<hbm>> -> memref<1x1x1024xi32, #tpu.memory_space<hbm>>
    %dma_start3A_2185 = tpu.memref_squeeze %dma_start3A_2184 : memref<1x1x1024xi32, #tpu.memory_space<hbm>> -> memref<1024xi32, #tpu.memory_space<hbm>>
    %dma_start3A_2186 = arith.constant 0 : i32
    %dma_start3A_2187 = tpu.memref_slice %arg5[%dma_start3A_2179, %dma_start3A_2186] : memref<2x1024xi32, #tpu.memory_space<vmem>> -> memref<1x1024xi32, #tpu.memory_space<vmem>>
    %dma_start3A_2188 = tpu.memref_squeeze %dma_start3A_2187 : memref<1x1024xi32, #tpu.memory_space<vmem>> -> memref<1024xi32, #tpu.memory_space<vmem>>
    %dma_start3A_2189 = arith.constant 2048 : i32
    %dma_start3A_2190 = tpu.memref_slice %arg2[%select_n3A_2162, %select_n3A_2178, %dma_start3A_2189] : memref<20x8x4096xi32, #tpu.memory_space<hbm>> -> memref<1x1x1024xi32, #tpu.memory_space<hbm>>
    %dma_start3A_2191 = tpu.memref_squeeze %dma_start3A_2190 : memref<1x1x1024xi32, #tpu.memory_space<hbm>> -> memref<1024xi32, #tpu.memory_space<hbm>>
    tpu.enqueue_dma source(%dma_start3A_2191 : memref<1024xi32, #tpu.memory_space<hbm>>) target(%dma_start3A_2188 : memref<1024xi32, #tpu.memory_space<vmem>>) target_semaphore(%arg7 : memref<!tpu.dma_semaphore, #tpu.memory_space<semaphore_mem>>)
    %add3A_2192 = arith.constant 3 : i32
    %add3A_2193 = arith.addi %mul3A_2, %add3A_2192 : i32
    %jit3A_2194 = arith.constant 8 : i32
    %div3A_2195 = arith.divsi %add3A_2193, %jit3A_2194 : i32
    %sign3A_2196 = arith.constant 0 : i32
    %sign3A_2197 = arith.cmpi sgt, %add3A_2193, %sign3A_2196 : i32
    %sign3A_2198 = arith.extui %sign3A_2197 : i1 to i32
    %sign3A_2199 = arith.constant 0 : i32
    %sign3A_2200 = arith.cmpi slt, %add3A_2193, %sign3A_2199 : i32
    %sign3A_2201 = arith.extui %sign3A_2200 : i1 to i32
    %sign3A_2202 = arith.subi %sign3A_2198, %sign3A_2201 : i32
    %sign3A_2203 = arith.constant 0 : i32
    %sign3A_2204 = arith.cmpi sgt, %jit3A_2194, %sign3A_2203 : i32
    %sign3A_2205 = arith.extui %sign3A_2204 : i1 to i32
    %sign3A_2206 = arith.constant 0 : i32
    %sign3A_2207 = arith.cmpi slt, %jit3A_2194, %sign3A_2206 : i32
    %sign3A_2208 = arith.extui %sign3A_2207 : i1 to i32
    %sign3A_2209 = arith.subi %sign3A_2205, %sign3A_2208 : i32
    %ne3A_2210 = arith.cmpi ne, %sign3A_2202, %sign3A_2209 : i32
    %rem3A_2211 = arith.remsi %add3A_2193, %jit3A_2194 : i32
    %ne3A_2212 = arith.constant 0 : i32
    %ne3A_2213 = arith.cmpi ne, %rem3A_2211, %ne3A_2212 : i32
    %and3A_2214 = arith.andi %ne3A_2210, %ne3A_2213 : i1
    %sub3A_2215 = arith.constant 1 : i32
    %sub3A_2216 = arith.subi %div3A_2195, %sub3A_2215 : i32
    %select_n3A_2217 = arith.select %and3A_2214, %sub3A_2216, %div3A_2195 : i32
    %jit3A_2218 = arith.constant 8 : i32
    %eq3A_2219 = arith.constant 0 : i32
    %eq3A_2220 = arith.cmpi eq, %jit3A_2218, %eq3A_2219 : i32
    %jit3A_2221 = arith.constant 1 : i32
    %select_n3A_2222 = arith.select %eq3A_2220, %jit3A_2221, %jit3A_2218 : i32
    %rem3A_2223 = arith.remsi %add3A_2193, %select_n3A_2222 : i32
    %ne3A_2224 = arith.constant 0 : i32
    %ne3A_2225 = arith.cmpi ne, %rem3A_2223, %ne3A_2224 : i32
    %lt3A_2226 = arith.constant 0 : i32
    %lt3A_2227 = arith.cmpi slt, %rem3A_2223, %lt3A_2226 : i32
    %lt3A_2228 = arith.constant 0 : i32
    %lt3A_2229 = arith.cmpi slt, %select_n3A_2222, %lt3A_2228 : i32
    %ne3A_2230 = arith.xori %lt3A_2227, %lt3A_2229 : i1
    %and3A_2231 = arith.andi %ne3A_2230, %ne3A_2225 : i1
    %add3A_2232 = arith.addi %rem3A_2223, %select_n3A_2222 : i32
    %select_n3A_2233 = arith.select %and3A_2231, %add3A_2232, %rem3A_2223 : i32
    %dma_start3A_2234 = arith.constant 0 : i32
    %dma_start3A_2235 = arith.constant 0 : i32
    %dma_start3A_2236 = arith.constant 0 : i32
    %dma_start3A_2237 = tpu.memref_slice %arg6[%dma_start3A_2234, %dma_start3A_2235, %dma_start3A_2236] : memref<2x1024x32xf32, #tpu.memory_space<vmem>> -> memref<1x1024x32xf32, #tpu.memory_space<vmem>>
    %dma_start3A_2238 = tpu.memref_squeeze %dma_start3A_2237 : memref<1x1024x32xf32, #tpu.memory_space<vmem>> -> memref<1024x32xf32, #tpu.memory_space<vmem>>
    %dma_start3A_2239 = arith.constant 0 : i32
    %dma_start3A_2240 = arith.constant 0 : i32
    %dma_start3A_2241 = tpu.memref_slice %arg4[%dma_start3A_2239, %select_n3A_2217, %select_n3A_2233, %dma_start3A_2240] : memref<4096x20x8x32xf32, #tpu.memory_space<hbm>> -> memref<1024x1x1x32xf32, #tpu.memory_space<hbm>>
    %dma_start3A_2242 = tpu.memref_squeeze %dma_start3A_2241 : memref<1024x1x1x32xf32, #tpu.memory_space<hbm>> -> memref<1024x32xf32, #tpu.memory_space<hbm>>
    %dma_start3A_2243 = arith.constant 0 : i32
    %dma_start3A_2244 = arith.constant 0 : i32
    %dma_start3A_2245 = tpu.memref_slice %arg4[%dma_start3A_2243, %select_n3A_2217, %select_n3A_2233, %dma_start3A_2244] : memref<4096x20x8x32xf32, #tpu.memory_space<hbm>> -> memref<1024x1x1x32xf32, #tpu.memory_space<hbm>>
    %dma_start3A_2246 = tpu.memref_squeeze %dma_start3A_2245 : memref<1024x1x1x32xf32, #tpu.memory_space<hbm>> -> memref<1024x32xf32, #tpu.memory_space<hbm>>
    %dma_start3A_2247 = arith.constant 0 : i32
    %dma_start3A_2248 = arith.constant 0 : i32
    %dma_start3A_2249 = tpu.memref_slice %arg6[%dma_start3A_2234, %dma_start3A_2247, %dma_start3A_2248] : memref<2x1024x32xf32, #tpu.memory_space<vmem>> -> memref<1x1024x32xf32, #tpu.memory_space<vmem>>
    %dma_start3A_2250 = tpu.memref_squeeze %dma_start3A_2249 : memref<1x1024x32xf32, #tpu.memory_space<vmem>> -> memref<1024x32xf32, #tpu.memory_space<vmem>>
    tpu.enqueue_dma source(%dma_start3A_2250 : memref<1024x32xf32, #tpu.memory_space<vmem>>) target(%dma_start3A_2246 : memref<1024x32xf32, #tpu.memory_space<hbm>>) target_semaphore(%arg11 : memref<!tpu.dma_semaphore, #tpu.memory_space<semaphore_mem>>)
    %dma_wait3A_2251 = arith.constant 1 : i32
    %dma_wait3A_2252 = arith.constant 0 : i32
    %dma_wait3A_2253 = arith.constant 0 : i32
    %dma_wait3A_2254 = tpu.memref_slice %arg6[%dma_wait3A_2251, %dma_wait3A_2252, %dma_wait3A_2253] : memref<2x1024x32xf32, #tpu.memory_space<vmem>> -> memref<1x1024x32xf32, #tpu.memory_space<vmem>>
    %dma_wait3A_2255 = tpu.memref_squeeze %dma_wait3A_2254 : memref<1x1024x32xf32, #tpu.memory_space<vmem>> -> memref<1024x32xf32, #tpu.memory_space<vmem>>
    %dma_wait3A_2256 = arith.constant 3072 : i32
    %dma_wait3A_2257 = arith.constant 0 : i32
    %dma_wait3A_2258 = tpu.memref_slice %arg4[%dma_wait3A_2256, %select_n3A_2049, %select_n3A_2065, %dma_wait3A_2257] : memref<4096x20x8x32xf32, #tpu.memory_space<hbm>> -> memref<1024x1x1x32xf32, #tpu.memory_space<hbm>>
    %dma_wait3A_2259 = tpu.memref_squeeze %dma_wait3A_2258 : memref<1024x1x1x32xf32, #tpu.memory_space<hbm>> -> memref<1024x32xf32, #tpu.memory_space<hbm>>
    %dma_wait3A_2260 = arith.constant 3072 : i32
    %dma_wait3A_2261 = arith.constant 0 : i32
    %dma_wait3A_2262 = tpu.memref_slice %arg4[%dma_wait3A_2260, %select_n3A_2049, %select_n3A_2065, %dma_wait3A_2261] : memref<4096x20x8x32xf32, #tpu.memory_space<hbm>> -> memref<1024x1x1x32xf32, #tpu.memory_space<hbm>>
    %dma_wait3A_2263 = tpu.memref_squeeze %dma_wait3A_2262 : memref<1024x1x1x32xf32, #tpu.memory_space<hbm>> -> memref<1024x32xf32, #tpu.memory_space<hbm>>
    %dma_wait3A_2264 = arith.constant 0 : i32
    %dma_wait3A_2265 = arith.constant 0 : i32
    %dma_wait3A_2266 = tpu.memref_slice %arg6[%dma_wait3A_2251, %dma_wait3A_2264, %dma_wait3A_2265] : memref<2x1024x32xf32, #tpu.memory_space<vmem>> -> memref<1x1024x32xf32, #tpu.memory_space<vmem>>
    %dma_wait3A_2267 = tpu.memref_squeeze %dma_wait3A_2266 : memref<1x1024x32xf32, #tpu.memory_space<vmem>> -> memref<1024x32xf32, #tpu.memory_space<vmem>>
    tpu.wait_dma2 semaphore(%arg12 : memref<!tpu.dma_semaphore, #tpu.memory_space<semaphore_mem>>) src(%dma_wait3A_2267 : memref<1024x32xf32, #tpu.memory_space<vmem>>) dst(%dma_wait3A_2263 : memref<1024x32xf32, #tpu.memory_space<hbm>>)
    %dma_wait3A_2268 = arith.constant 1 : i32
    %dma_wait3A_2269 = arith.constant 0 : i32
    %dma_wait3A_2270 = tpu.memref_slice %arg5[%dma_wait3A_2268, %dma_wait3A_2269] : memref<2x1024xi32, #tpu.memory_space<vmem>> -> memref<1x1024xi32, #tpu.memory_space<vmem>>
    %dma_wait3A_2271 = tpu.memref_squeeze %dma_wait3A_2270 : memref<1x1024xi32, #tpu.memory_space<vmem>> -> memref<1024xi32, #tpu.memory_space<vmem>>
    %dma_wait3A_2272 = arith.constant 1024 : i32
    %dma_wait3A_2273 = tpu.memref_slice %arg2[%select_n3A_1994, %select_n3A_2010, %dma_wait3A_2272] : memref<20x8x4096xi32, #tpu.memory_space<hbm>> -> memref<1x1x1024xi32, #tpu.memory_space<hbm>>
    %dma_wait3A_2274 = tpu.memref_squeeze %dma_wait3A_2273 : memref<1x1x1024xi32, #tpu.memory_space<hbm>> -> memref<1024xi32, #tpu.memory_space<hbm>>
    %dma_wait3A_2275 = arith.constant 0 : i32
    %dma_wait3A_2276 = tpu.memref_slice %arg5[%dma_wait3A_2268, %dma_wait3A_2275] : memref<2x1024xi32, #tpu.memory_space<vmem>> -> memref<1x1024xi32, #tpu.memory_space<vmem>>
    %dma_wait3A_2277 = tpu.memref_squeeze %dma_wait3A_2276 : memref<1x1024xi32, #tpu.memory_space<vmem>> -> memref<1024xi32, #tpu.memory_space<vmem>>
    %dma_wait3A_2278 = arith.constant 1024 : i32
    %dma_wait3A_2279 = tpu.memref_slice %arg2[%select_n3A_1994, %select_n3A_2010, %dma_wait3A_2278] : memref<20x8x4096xi32, #tpu.memory_space<hbm>> -> memref<1x1x1024xi32, #tpu.memory_space<hbm>>
    %dma_wait3A_2280 = tpu.memref_squeeze %dma_wait3A_2279 : memref<1x1x1024xi32, #tpu.memory_space<hbm>> -> memref<1024xi32, #tpu.memory_space<hbm>>
    tpu.wait_dma2 semaphore(%arg8 : memref<!tpu.dma_semaphore, #tpu.memory_space<semaphore_mem>>) src(%dma_wait3A_2280 : memref<1024xi32, #tpu.memory_space<hbm>>) dst(%dma_wait3A_2277 : memref<1024xi32, #tpu.memory_space<vmem>>)
    %dma_start3A_2281 = arith.constant 1 : i32
    %dma_start3A_2282 = arith.constant 1 : i32
    %dma_start3A_2283 = arith.constant 0 : i32
    %dma_start3A_2284 = arith.constant 0 : i32
    %dma_start3A_2285 = tpu.memref_slice %arg6[%dma_start3A_2282, %dma_start3A_2283, %dma_start3A_2284] : memref<2x1024x32xf32, #tpu.memory_space<vmem>> -> memref<1x1024x32xf32, #tpu.memory_space<vmem>>
    %dma_start3A_2286 = tpu.memref_squeeze %dma_start3A_2285 : memref<1x1024x32xf32, #tpu.memory_space<vmem>> -> memref<1024x32xf32, #tpu.memory_space<vmem>>
    %dma_start3A_2287 = arith.constant 0 : i32
    %dma_start3A_2288 = tpu.memref_slice %arg5[%dma_start3A_2281, %dma_start3A_2287] : memref<2x1024xi32, #tpu.memory_space<vmem>> -> memref<1x1024xi32, #tpu.memory_space<vmem>>
    %dma_start3A_2289 = tpu.memref_squeeze %dma_start3A_2288 : memref<1x1024xi32, #tpu.memory_space<vmem>> -> memref<1024xi32, #tpu.memory_space<vmem>>
    %dma_start3A_2290 = arith.constant 0 : i32
    %dma_start3A_2291 = arith.constant 0 : i32
    %dma_start3A_2292 = tpu.memref_slice %arg3[%dma_start3A_2290, %dma_start3A_2291] : memref<1000000x32xf32, #tpu.memory_space<hbm>> -> memref<1000000x32xf32, #tpu.memory_space<hbm>>
    tpu.enqueue_indirect_dma source(%dma_start3A_2292 : memref<1000000x32xf32, #tpu.memory_space<hbm>>) target(%dma_start3A_2286 : memref<1024x32xf32, #tpu.memory_space<vmem>>) offsets(%dma_start3A_2289 : memref<1024xi32, #tpu.memory_space<vmem>>) semaphore(%arg10 : memref<!tpu.dma_semaphore, #tpu.memory_space<semaphore_mem>>)
    %dma_wait3A_2293 = arith.constant 1 : i32
    %dma_wait3A_2294 = arith.constant 1 : i32
    %dma_wait3A_2295 = arith.constant 0 : i32
    %dma_wait3A_2296 = arith.constant 0 : i32
    %dma_wait3A_2297 = tpu.memref_slice %arg6[%dma_wait3A_2294, %dma_wait3A_2295, %dma_wait3A_2296] : memref<2x1024x32xf32, #tpu.memory_space<vmem>> -> memref<1x1024x32xf32, #tpu.memory_space<vmem>>
    %dma_wait3A_2298 = tpu.memref_squeeze %dma_wait3A_2297 : memref<1x1024x32xf32, #tpu.memory_space<vmem>> -> memref<1024x32xf32, #tpu.memory_space<vmem>>
    %dma_wait3A_2299 = arith.constant 0 : i32
    %dma_wait3A_2300 = tpu.memref_slice %arg5[%dma_wait3A_2293, %dma_wait3A_2299] : memref<2x1024xi32, #tpu.memory_space<vmem>> -> memref<1x1024xi32, #tpu.memory_space<vmem>>
    %dma_wait3A_2301 = tpu.memref_squeeze %dma_wait3A_2300 : memref<1x1024xi32, #tpu.memory_space<vmem>> -> memref<1024xi32, #tpu.memory_space<vmem>>
    %dma_wait3A_2302 = arith.constant 0 : i32
    %dma_wait3A_2303 = arith.constant 0 : i32
    %dma_wait3A_2304 = tpu.memref_slice %arg3[%dma_wait3A_2302, %dma_wait3A_2303] : memref<1000000x32xf32, #tpu.memory_space<hbm>> -> memref<1000000x32xf32, #tpu.memory_space<hbm>>
    tpu.wait_indirect_dma semaphore(%arg10 : memref<!tpu.dma_semaphore, #tpu.memory_space<semaphore_mem>>) src(%dma_wait3A_2304 : memref<1000000x32xf32, #tpu.memory_space<hbm>>) dst(%dma_wait3A_2298 : memref<1024x32xf32, #tpu.memory_space<vmem>>)
    %add3A_2305 = arith.constant 3 : i32
    %add3A_2306 = arith.addi %mul3A_2, %add3A_2305 : i32
    %jit3A_2307 = arith.constant 8 : i32
    %div3A_2308 = arith.divsi %add3A_2306, %jit3A_2307 : i32
    %sign3A_2309 = arith.constant 0 : i32
    %sign3A_2310 = arith.cmpi sgt, %add3A_2306, %sign3A_2309 : i32
    %sign3A_2311 = arith.extui %sign3A_2310 : i1 to i32
    %sign3A_2312 = arith.constant 0 : i32
    %sign3A_2313 = arith.cmpi slt, %add3A_2306, %sign3A_2312 : i32
    %sign3A_2314 = arith.extui %sign3A_2313 : i1 to i32
    %sign3A_2315 = arith.subi %sign3A_2311, %sign3A_2314 : i32
    %sign3A_2316 = arith.constant 0 : i32
    %sign3A_2317 = arith.cmpi sgt, %jit3A_2307, %sign3A_2316 : i32
    %sign3A_2318 = arith.extui %sign3A_2317 : i1 to i32
    %sign3A_2319 = arith.constant 0 : i32
    %sign3A_2320 = arith.cmpi slt, %jit3A_2307, %sign3A_2319 : i32
    %sign3A_2321 = arith.extui %sign3A_2320 : i1 to i32
    %sign3A_2322 = arith.subi %sign3A_2318, %sign3A_2321 : i32
    %ne3A_2323 = arith.cmpi ne, %sign3A_2315, %sign3A_2322 : i32
    %rem3A_2324 = arith.remsi %add3A_2306, %jit3A_2307 : i32
    %ne3A_2325 = arith.constant 0 : i32
    %ne3A_2326 = arith.cmpi ne, %rem3A_2324, %ne3A_2325 : i32
    %and3A_2327 = arith.andi %ne3A_2323, %ne3A_2326 : i1
    %sub3A_2328 = arith.constant 1 : i32
    %sub3A_2329 = arith.subi %div3A_2308, %sub3A_2328 : i32
    %select_n3A_2330 = arith.select %and3A_2327, %sub3A_2329, %div3A_2308 : i32
    %jit3A_2331 = arith.constant 8 : i32
    %eq3A_2332 = arith.constant 0 : i32
    %eq3A_2333 = arith.cmpi eq, %jit3A_2331, %eq3A_2332 : i32
    %jit3A_2334 = arith.constant 1 : i32
    %select_n3A_2335 = arith.select %eq3A_2333, %jit3A_2334, %jit3A_2331 : i32
    %rem3A_2336 = arith.remsi %add3A_2306, %select_n3A_2335 : i32
    %ne3A_2337 = arith.constant 0 : i32
    %ne3A_2338 = arith.cmpi ne, %rem3A_2336, %ne3A_2337 : i32
    %lt3A_2339 = arith.constant 0 : i32
    %lt3A_2340 = arith.cmpi slt, %rem3A_2336, %lt3A_2339 : i32
    %lt3A_2341 = arith.constant 0 : i32
    %lt3A_2342 = arith.cmpi slt, %select_n3A_2335, %lt3A_2341 : i32
    %ne3A_2343 = arith.xori %lt3A_2340, %lt3A_2342 : i1
    %and3A_2344 = arith.andi %ne3A_2343, %ne3A_2338 : i1
    %add3A_2345 = arith.addi %rem3A_2336, %select_n3A_2335 : i32
    %select_n3A_2346 = arith.select %and3A_2344, %add3A_2345, %rem3A_2336 : i32
    %dma_start3A_2347 = arith.constant 1 : i32
    %dma_start3A_2348 = arith.constant 0 : i32
    %dma_start3A_2349 = tpu.memref_slice %arg5[%dma_start3A_2347, %dma_start3A_2348] : memref<2x1024xi32, #tpu.memory_space<vmem>> -> memref<1x1024xi32, #tpu.memory_space<vmem>>
    %dma_start3A_2350 = tpu.memref_squeeze %dma_start3A_2349 : memref<1x1024xi32, #tpu.memory_space<vmem>> -> memref<1024xi32, #tpu.memory_space<vmem>>
    %dma_start3A_2351 = arith.constant 3072 : i32
    %dma_start3A_2352 = tpu.memref_slice %arg2[%select_n3A_2330, %select_n3A_2346, %dma_start3A_2351] : memref<20x8x4096xi32, #tpu.memory_space<hbm>> -> memref<1x1x1024xi32, #tpu.memory_space<hbm>>
    %dma_start3A_2353 = tpu.memref_squeeze %dma_start3A_2352 : memref<1x1x1024xi32, #tpu.memory_space<hbm>> -> memref<1024xi32, #tpu.memory_space<hbm>>
    %dma_start3A_2354 = arith.constant 0 : i32
    %dma_start3A_2355 = tpu.memref_slice %arg5[%dma_start3A_2347, %dma_start3A_2354] : memref<2x1024xi32, #tpu.memory_space<vmem>> -> memref<1x1024xi32, #tpu.memory_space<vmem>>
    %dma_start3A_2356 = tpu.memref_squeeze %dma_start3A_2355 : memref<1x1024xi32, #tpu.memory_space<vmem>> -> memref<1024xi32, #tpu.memory_space<vmem>>
    %dma_start3A_2357 = arith.constant 3072 : i32
    %dma_start3A_2358 = tpu.memref_slice %arg2[%select_n3A_2330, %select_n3A_2346, %dma_start3A_2357] : memref<20x8x4096xi32, #tpu.memory_space<hbm>> -> memref<1x1x1024xi32, #tpu.memory_space<hbm>>
    %dma_start3A_2359 = tpu.memref_squeeze %dma_start3A_2358 : memref<1x1x1024xi32, #tpu.memory_space<hbm>> -> memref<1024xi32, #tpu.memory_space<hbm>>
    tpu.enqueue_dma source(%dma_start3A_2359 : memref<1024xi32, #tpu.memory_space<hbm>>) target(%dma_start3A_2356 : memref<1024xi32, #tpu.memory_space<vmem>>) target_semaphore(%arg8 : memref<!tpu.dma_semaphore, #tpu.memory_space<semaphore_mem>>)
    %add3A_2360 = arith.constant 3 : i32
    %add3A_2361 = arith.addi %mul3A_2, %add3A_2360 : i32
    %jit3A_2362 = arith.constant 8 : i32
    %div3A_2363 = arith.divsi %add3A_2361, %jit3A_2362 : i32
    %sign3A_2364 = arith.constant 0 : i32
    %sign3A_2365 = arith.cmpi sgt, %add3A_2361, %sign3A_2364 : i32
    %sign3A_2366 = arith.extui %sign3A_2365 : i1 to i32
    %sign3A_2367 = arith.constant 0 : i32
    %sign3A_2368 = arith.cmpi slt, %add3A_2361, %sign3A_2367 : i32
    %sign3A_2369 = arith.extui %sign3A_2368 : i1 to i32
    %sign3A_2370 = arith.subi %sign3A_2366, %sign3A_2369 : i32
    %sign3A_2371 = arith.constant 0 : i32
    %sign3A_2372 = arith.cmpi sgt, %jit3A_2362, %sign3A_2371 : i32
    %sign3A_2373 = arith.extui %sign3A_2372 : i1 to i32
    %sign3A_2374 = arith.constant 0 : i32
    %sign3A_2375 = arith.cmpi slt, %jit3A_2362, %sign3A_2374 : i32
    %sign3A_2376 = arith.extui %sign3A_2375 : i1 to i32
    %sign3A_2377 = arith.subi %sign3A_2373, %sign3A_2376 : i32
    %ne3A_2378 = arith.cmpi ne, %sign3A_2370, %sign3A_2377 : i32
    %rem3A_2379 = arith.remsi %add3A_2361, %jit3A_2362 : i32
    %ne3A_2380 = arith.constant 0 : i32
    %ne3A_2381 = arith.cmpi ne, %rem3A_2379, %ne3A_2380 : i32
    %and3A_2382 = arith.andi %ne3A_2378, %ne3A_2381 : i1
    %sub3A_2383 = arith.constant 1 : i32
    %sub3A_2384 = arith.subi %div3A_2363, %sub3A_2383 : i32
    %select_n3A_2385 = arith.select %and3A_2382, %sub3A_2384, %div3A_2363 : i32
    %jit3A_2386 = arith.constant 8 : i32
    %eq3A_2387 = arith.constant 0 : i32
    %eq3A_2388 = arith.cmpi eq, %jit3A_2386, %eq3A_2387 : i32
    %jit3A_2389 = arith.constant 1 : i32
    %select_n3A_2390 = arith.select %eq3A_2388, %jit3A_2389, %jit3A_2386 : i32
    %rem3A_2391 = arith.remsi %add3A_2361, %select_n3A_2390 : i32
    %ne3A_2392 = arith.constant 0 : i32
    %ne3A_2393 = arith.cmpi ne, %rem3A_2391, %ne3A_2392 : i32
    %lt3A_2394 = arith.constant 0 : i32
    %lt3A_2395 = arith.cmpi slt, %rem3A_2391, %lt3A_2394 : i32
    %lt3A_2396 = arith.constant 0 : i32
    %lt3A_2397 = arith.cmpi slt, %select_n3A_2390, %lt3A_2396 : i32
    %ne3A_2398 = arith.xori %lt3A_2395, %lt3A_2397 : i1
    %and3A_2399 = arith.andi %ne3A_2398, %ne3A_2393 : i1
    %add3A_2400 = arith.addi %rem3A_2391, %select_n3A_2390 : i32
    %select_n3A_2401 = arith.select %and3A_2399, %add3A_2400, %rem3A_2391 : i32
    %dma_start3A_2402 = arith.constant 1 : i32
    %dma_start3A_2403 = arith.constant 0 : i32
    %dma_start3A_2404 = arith.constant 0 : i32
    %dma_start3A_2405 = tpu.memref_slice %arg6[%dma_start3A_2402, %dma_start3A_2403, %dma_start3A_2404] : memref<2x1024x32xf32, #tpu.memory_space<vmem>> -> memref<1x1024x32xf32, #tpu.memory_space<vmem>>
    %dma_start3A_2406 = tpu.memref_squeeze %dma_start3A_2405 : memref<1x1024x32xf32, #tpu.memory_space<vmem>> -> memref<1024x32xf32, #tpu.memory_space<vmem>>
    %dma_start3A_2407 = arith.constant 1024 : i32
    %dma_start3A_2408 = arith.constant 0 : i32
    %dma_start3A_2409 = tpu.memref_slice %arg4[%dma_start3A_2407, %select_n3A_2385, %select_n3A_2401, %dma_start3A_2408] : memref<4096x20x8x32xf32, #tpu.memory_space<hbm>> -> memref<1024x1x1x32xf32, #tpu.memory_space<hbm>>
    %dma_start3A_2410 = tpu.memref_squeeze %dma_start3A_2409 : memref<1024x1x1x32xf32, #tpu.memory_space<hbm>> -> memref<1024x32xf32, #tpu.memory_space<hbm>>
    %dma_start3A_2411 = arith.constant 1024 : i32
    %dma_start3A_2412 = arith.constant 0 : i32
    %dma_start3A_2413 = tpu.memref_slice %arg4[%dma_start3A_2411, %select_n3A_2385, %select_n3A_2401, %dma_start3A_2412] : memref<4096x20x8x32xf32, #tpu.memory_space<hbm>> -> memref<1024x1x1x32xf32, #tpu.memory_space<hbm>>
    %dma_start3A_2414 = tpu.memref_squeeze %dma_start3A_2413 : memref<1024x1x1x32xf32, #tpu.memory_space<hbm>> -> memref<1024x32xf32, #tpu.memory_space<hbm>>
    %dma_start3A_2415 = arith.constant 0 : i32
    %dma_start3A_2416 = arith.constant 0 : i32
    %dma_start3A_2417 = tpu.memref_slice %arg6[%dma_start3A_2402, %dma_start3A_2415, %dma_start3A_2416] : memref<2x1024x32xf32, #tpu.memory_space<vmem>> -> memref<1x1024x32xf32, #tpu.memory_space<vmem>>
    %dma_start3A_2418 = tpu.memref_squeeze %dma_start3A_2417 : memref<1x1024x32xf32, #tpu.memory_space<vmem>> -> memref<1024x32xf32, #tpu.memory_space<vmem>>
    tpu.enqueue_dma source(%dma_start3A_2418 : memref<1024x32xf32, #tpu.memory_space<vmem>>) target(%dma_start3A_2414 : memref<1024x32xf32, #tpu.memory_space<hbm>>) target_semaphore(%arg12 : memref<!tpu.dma_semaphore, #tpu.memory_space<semaphore_mem>>)
    %dma_wait3A_2419 = arith.constant 0 : i32
    %dma_wait3A_2420 = arith.constant 0 : i32
    %dma_wait3A_2421 = arith.constant 0 : i32
    %dma_wait3A_2422 = tpu.memref_slice %arg6[%dma_wait3A_2419, %dma_wait3A_2420, %dma_wait3A_2421] : memref<2x1024x32xf32, #tpu.memory_space<vmem>> -> memref<1x1024x32xf32, #tpu.memory_space<vmem>>
    %dma_wait3A_2423 = tpu.memref_squeeze %dma_wait3A_2422 : memref<1x1024x32xf32, #tpu.memory_space<vmem>> -> memref<1024x32xf32, #tpu.memory_space<vmem>>
    %dma_wait3A_2424 = arith.constant 0 : i32
    %dma_wait3A_2425 = arith.constant 0 : i32
    %dma_wait3A_2426 = tpu.memref_slice %arg4[%dma_wait3A_2424, %select_n3A_2217, %select_n3A_2233, %dma_wait3A_2425] : memref<4096x20x8x32xf32, #tpu.memory_space<hbm>> -> memref<1024x1x1x32xf32, #tpu.memory_space<hbm>>
    %dma_wait3A_2427 = tpu.memref_squeeze %dma_wait3A_2426 : memref<1024x1x1x32xf32, #tpu.memory_space<hbm>> -> memref<1024x32xf32, #tpu.memory_space<hbm>>
    %dma_wait3A_2428 = arith.constant 0 : i32
    %dma_wait3A_2429 = arith.constant 0 : i32
    %dma_wait3A_2430 = tpu.memref_slice %arg4[%dma_wait3A_2428, %select_n3A_2217, %select_n3A_2233, %dma_wait3A_2429] : memref<4096x20x8x32xf32, #tpu.memory_space<hbm>> -> memref<1024x1x1x32xf32, #tpu.memory_space<hbm>>
    %dma_wait3A_2431 = tpu.memref_squeeze %dma_wait3A_2430 : memref<1024x1x1x32xf32, #tpu.memory_space<hbm>> -> memref<1024x32xf32, #tpu.memory_space<hbm>>
    %dma_wait3A_2432 = arith.constant 0 : i32
    %dma_wait3A_2433 = arith.constant 0 : i32
    %dma_wait3A_2434 = tpu.memref_slice %arg6[%dma_wait3A_2419, %dma_wait3A_2432, %dma_wait3A_2433] : memref<2x1024x32xf32, #tpu.memory_space<vmem>> -> memref<1x1024x32xf32, #tpu.memory_space<vmem>>
    %dma_wait3A_2435 = tpu.memref_squeeze %dma_wait3A_2434 : memref<1x1024x32xf32, #tpu.memory_space<vmem>> -> memref<1024x32xf32, #tpu.memory_space<vmem>>
    tpu.wait_dma2 semaphore(%arg11 : memref<!tpu.dma_semaphore, #tpu.memory_space<semaphore_mem>>) src(%dma_wait3A_2435 : memref<1024x32xf32, #tpu.memory_space<vmem>>) dst(%dma_wait3A_2431 : memref<1024x32xf32, #tpu.memory_space<hbm>>)
    %dma_wait3A_2436 = arith.constant 0 : i32
    %dma_wait3A_2437 = arith.constant 0 : i32
    %dma_wait3A_2438 = tpu.memref_slice %arg5[%dma_wait3A_2436, %dma_wait3A_2437] : memref<2x1024xi32, #tpu.memory_space<vmem>> -> memref<1x1024xi32, #tpu.memory_space<vmem>>
    %dma_wait3A_2439 = tpu.memref_squeeze %dma_wait3A_2438 : memref<1x1024xi32, #tpu.memory_space<vmem>> -> memref<1024xi32, #tpu.memory_space<vmem>>
    %dma_wait3A_2440 = arith.constant 2048 : i32
    %dma_wait3A_2441 = tpu.memref_slice %arg2[%select_n3A_2162, %select_n3A_2178, %dma_wait3A_2440] : memref<20x8x4096xi32, #tpu.memory_space<hbm>> -> memref<1x1x1024xi32, #tpu.memory_space<hbm>>
    %dma_wait3A_2442 = tpu.memref_squeeze %dma_wait3A_2441 : memref<1x1x1024xi32, #tpu.memory_space<hbm>> -> memref<1024xi32, #tpu.memory_space<hbm>>
    %dma_wait3A_2443 = arith.constant 0 : i32
    %dma_wait3A_2444 = tpu.memref_slice %arg5[%dma_wait3A_2436, %dma_wait3A_2443] : memref<2x1024xi32, #tpu.memory_space<vmem>> -> memref<1x1024xi32, #tpu.memory_space<vmem>>
    %dma_wait3A_2445 = tpu.memref_squeeze %dma_wait3A_2444 : memref<1x1024xi32, #tpu.memory_space<vmem>> -> memref<1024xi32, #tpu.memory_space<vmem>>
    %dma_wait3A_2446 = arith.constant 2048 : i32
    %dma_wait3A_2447 = tpu.memref_slice %arg2[%select_n3A_2162, %select_n3A_2178, %dma_wait3A_2446] : memref<20x8x4096xi32, #tpu.memory_space<hbm>> -> memref<1x1x1024xi32, #tpu.memory_space<hbm>>
    %dma_wait3A_2448 = tpu.memref_squeeze %dma_wait3A_2447 : memref<1x1x1024xi32, #tpu.memory_space<hbm>> -> memref<1024xi32, #tpu.memory_space<hbm>>
    tpu.wait_dma2 semaphore(%arg7 : memref<!tpu.dma_semaphore, #tpu.memory_space<semaphore_mem>>) src(%dma_wait3A_2448 : memref<1024xi32, #tpu.memory_space<hbm>>) dst(%dma_wait3A_2445 : memref<1024xi32, #tpu.memory_space<vmem>>)
    %dma_start3A_2449 = arith.constant 0 : i32
    %dma_start3A_2450 = arith.constant 0 : i32
    %dma_start3A_2451 = arith.constant 0 : i32
    %dma_start3A_2452 = arith.constant 0 : i32
    %dma_start3A_2453 = tpu.memref_slice %arg6[%dma_start3A_2450, %dma_start3A_2451, %dma_start3A_2452] : memref<2x1024x32xf32, #tpu.memory_space<vmem>> -> memref<1x1024x32xf32, #tpu.memory_space<vmem>>
    %dma_start3A_2454 = tpu.memref_squeeze %dma_start3A_2453 : memref<1x1024x32xf32, #tpu.memory_space<vmem>> -> memref<1024x32xf32, #tpu.memory_space<vmem>>
    %dma_start3A_2455 = arith.constant 0 : i32
    %dma_start3A_2456 = tpu.memref_slice %arg5[%dma_start3A_2449, %dma_start3A_2455] : memref<2x1024xi32, #tpu.memory_space<vmem>> -> memref<1x1024xi32, #tpu.memory_space<vmem>>
    %dma_start3A_2457 = tpu.memref_squeeze %dma_start3A_2456 : memref<1x1024xi32, #tpu.memory_space<vmem>> -> memref<1024xi32, #tpu.memory_space<vmem>>
    %dma_start3A_2458 = arith.constant 0 : i32
    %dma_start3A_2459 = arith.constant 0 : i32
    %dma_start3A_2460 = tpu.memref_slice %arg3[%dma_start3A_2458, %dma_start3A_2459] : memref<1000000x32xf32, #tpu.memory_space<hbm>> -> memref<1000000x32xf32, #tpu.memory_space<hbm>>
    tpu.enqueue_indirect_dma source(%dma_start3A_2460 : memref<1000000x32xf32, #tpu.memory_space<hbm>>) target(%dma_start3A_2454 : memref<1024x32xf32, #tpu.memory_space<vmem>>) offsets(%dma_start3A_2457 : memref<1024xi32, #tpu.memory_space<vmem>>) semaphore(%arg9 : memref<!tpu.dma_semaphore, #tpu.memory_space<semaphore_mem>>)
    %dma_wait3A_2461 = arith.constant 0 : i32
    %dma_wait3A_2462 = arith.constant 0 : i32
    %dma_wait3A_2463 = arith.constant 0 : i32
    %dma_wait3A_2464 = arith.constant 0 : i32
    %dma_wait3A_2465 = tpu.memref_slice %arg6[%dma_wait3A_2462, %dma_wait3A_2463, %dma_wait3A_2464] : memref<2x1024x32xf32, #tpu.memory_space<vmem>> -> memref<1x1024x32xf32, #tpu.memory_space<vmem>>
    %dma_wait3A_2466 = tpu.memref_squeeze %dma_wait3A_2465 : memref<1x1024x32xf32, #tpu.memory_space<vmem>> -> memref<1024x32xf32, #tpu.memory_space<vmem>>
    %dma_wait3A_2467 = arith.constant 0 : i32
    %dma_wait3A_2468 = tpu.memref_slice %arg5[%dma_wait3A_2461, %dma_wait3A_2467] : memref<2x1024xi32, #tpu.memory_space<vmem>> -> memref<1x1024xi32, #tpu.memory_space<vmem>>
    %dma_wait3A_2469 = tpu.memref_squeeze %dma_wait3A_2468 : memref<1x1024xi32, #tpu.memory_space<vmem>> -> memref<1024xi32, #tpu.memory_space<vmem>>
    %dma_wait3A_2470 = arith.constant 0 : i32
    %dma_wait3A_2471 = arith.constant 0 : i32
    %dma_wait3A_2472 = tpu.memref_slice %arg3[%dma_wait3A_2470, %dma_wait3A_2471] : memref<1000000x32xf32, #tpu.memory_space<hbm>> -> memref<1000000x32xf32, #tpu.memory_space<hbm>>
    tpu.wait_indirect_dma semaphore(%arg9 : memref<!tpu.dma_semaphore, #tpu.memory_space<semaphore_mem>>) src(%dma_wait3A_2472 : memref<1000000x32xf32, #tpu.memory_space<hbm>>) dst(%dma_wait3A_2466 : memref<1024x32xf32, #tpu.memory_space<vmem>>)
    %add3A_2473 = arith.constant 4 : i32
    %add3A_2474 = arith.addi %mul3A_2, %add3A_2473 : i32
    %jit3A_2475 = arith.constant 8 : i32
    %div3A_2476 = arith.divsi %add3A_2474, %jit3A_2475 : i32
    %sign3A_2477 = arith.constant 0 : i32
    %sign3A_2478 = arith.cmpi sgt, %add3A_2474, %sign3A_2477 : i32
    %sign3A_2479 = arith.extui %sign3A_2478 : i1 to i32
    %sign3A_2480 = arith.constant 0 : i32
    %sign3A_2481 = arith.cmpi slt, %add3A_2474, %sign3A_2480 : i32
    %sign3A_2482 = arith.extui %sign3A_2481 : i1 to i32
    %sign3A_2483 = arith.subi %sign3A_2479, %sign3A_2482 : i32
    %sign3A_2484 = arith.constant 0 : i32
    %sign3A_2485 = arith.cmpi sgt, %jit3A_2475, %sign3A_2484 : i32
    %sign3A_2486 = arith.extui %sign3A_2485 : i1 to i32
    %sign3A_2487 = arith.constant 0 : i32
    %sign3A_2488 = arith.cmpi slt, %jit3A_2475, %sign3A_2487 : i32
    %sign3A_2489 = arith.extui %sign3A_2488 : i1 to i32
    %sign3A_2490 = arith.subi %sign3A_2486, %sign3A_2489 : i32
    %ne3A_2491 = arith.cmpi ne, %sign3A_2483, %sign3A_2490 : i32
    %rem3A_2492 = arith.remsi %add3A_2474, %jit3A_2475 : i32
    %ne3A_2493 = arith.constant 0 : i32
    %ne3A_2494 = arith.cmpi ne, %rem3A_2492, %ne3A_2493 : i32
    %and3A_2495 = arith.andi %ne3A_2491, %ne3A_2494 : i1
    %sub3A_2496 = arith.constant 1 : i32
    %sub3A_2497 = arith.subi %div3A_2476, %sub3A_2496 : i32
    %select_n3A_2498 = arith.select %and3A_2495, %sub3A_2497, %div3A_2476 : i32
    %jit3A_2499 = arith.constant 8 : i32
    %eq3A_2500 = arith.constant 0 : i32
    %eq3A_2501 = arith.cmpi eq, %jit3A_2499, %eq3A_2500 : i32
    %jit3A_2502 = arith.constant 1 : i32
    %select_n3A_2503 = arith.select %eq3A_2501, %jit3A_2502, %jit3A_2499 : i32
    %rem3A_2504 = arith.remsi %add3A_2474, %select_n3A_2503 : i32
    %ne3A_2505 = arith.constant 0 : i32
    %ne3A_2506 = arith.cmpi ne, %rem3A_2504, %ne3A_2505 : i32
    %lt3A_2507 = arith.constant 0 : i32
    %lt3A_2508 = arith.cmpi slt, %rem3A_2504, %lt3A_2507 : i32
    %lt3A_2509 = arith.constant 0 : i32
    %lt3A_2510 = arith.cmpi slt, %select_n3A_2503, %lt3A_2509 : i32
    %ne3A_2511 = arith.xori %lt3A_2508, %lt3A_2510 : i1
    %and3A_2512 = arith.andi %ne3A_2511, %ne3A_2506 : i1
    %add3A_2513 = arith.addi %rem3A_2504, %select_n3A_2503 : i32
    %select_n3A_2514 = arith.select %and3A_2512, %add3A_2513, %rem3A_2504 : i32
    %dma_start3A_2515 = arith.constant 0 : i32
    %dma_start3A_2516 = arith.constant 0 : i32
    %dma_start3A_2517 = tpu.memref_slice %arg5[%dma_start3A_2515, %dma_start3A_2516] : memref<2x1024xi32, #tpu.memory_space<vmem>> -> memref<1x1024xi32, #tpu.memory_space<vmem>>
    %dma_start3A_2518 = tpu.memref_squeeze %dma_start3A_2517 : memref<1x1024xi32, #tpu.memory_space<vmem>> -> memref<1024xi32, #tpu.memory_space<vmem>>
    %dma_start3A_2519 = arith.constant 0 : i32
    %dma_start3A_2520 = tpu.memref_slice %arg2[%select_n3A_2498, %select_n3A_2514, %dma_start3A_2519] : memref<20x8x4096xi32, #tpu.memory_space<hbm>> -> memref<1x1x1024xi32, #tpu.memory_space<hbm>>
    %dma_start3A_2521 = tpu.memref_squeeze %dma_start3A_2520 : memref<1x1x1024xi32, #tpu.memory_space<hbm>> -> memref<1024xi32, #tpu.memory_space<hbm>>
    %dma_start3A_2522 = arith.constant 0 : i32
    %dma_start3A_2523 = tpu.memref_slice %arg5[%dma_start3A_2515, %dma_start3A_2522] : memref<2x1024xi32, #tpu.memory_space<vmem>> -> memref<1x1024xi32, #tpu.memory_space<vmem>>
    %dma_start3A_2524 = tpu.memref_squeeze %dma_start3A_2523 : memref<1x1024xi32, #tpu.memory_space<vmem>> -> memref<1024xi32, #tpu.memory_space<vmem>>
    %dma_start3A_2525 = arith.constant 0 : i32
    %dma_start3A_2526 = tpu.memref_slice %arg2[%select_n3A_2498, %select_n3A_2514, %dma_start3A_2525] : memref<20x8x4096xi32, #tpu.memory_space<hbm>> -> memref<1x1x1024xi32, #tpu.memory_space<hbm>>
    %dma_start3A_2527 = tpu.memref_squeeze %dma_start3A_2526 : memref<1x1x1024xi32, #tpu.memory_space<hbm>> -> memref<1024xi32, #tpu.memory_space<hbm>>
    tpu.enqueue_dma source(%dma_start3A_2527 : memref<1024xi32, #tpu.memory_space<hbm>>) target(%dma_start3A_2524 : memref<1024xi32, #tpu.memory_space<vmem>>) target_semaphore(%arg7 : memref<!tpu.dma_semaphore, #tpu.memory_space<semaphore_mem>>)
    %add3A_2528 = arith.constant 3 : i32
    %add3A_2529 = arith.addi %mul3A_2, %add3A_2528 : i32
    %jit3A_2530 = arith.constant 8 : i32
    %div3A_2531 = arith.divsi %add3A_2529, %jit3A_2530 : i32
    %sign3A_2532 = arith.constant 0 : i32
    %sign3A_2533 = arith.cmpi sgt, %add3A_2529, %sign3A_2532 : i32
    %sign3A_2534 = arith.extui %sign3A_2533 : i1 to i32
    %sign3A_2535 = arith.constant 0 : i32
    %sign3A_2536 = arith.cmpi slt, %add3A_2529, %sign3A_2535 : i32
    %sign3A_2537 = arith.extui %sign3A_2536 : i1 to i32
    %sign3A_2538 = arith.subi %sign3A_2534, %sign3A_2537 : i32
    %sign3A_2539 = arith.constant 0 : i32
    %sign3A_2540 = arith.cmpi sgt, %jit3A_2530, %sign3A_2539 : i32
    %sign3A_2541 = arith.extui %sign3A_2540 : i1 to i32
    %sign3A_2542 = arith.constant 0 : i32
    %sign3A_2543 = arith.cmpi slt, %jit3A_2530, %sign3A_2542 : i32
    %sign3A_2544 = arith.extui %sign3A_2543 : i1 to i32
    %sign3A_2545 = arith.subi %sign3A_2541, %sign3A_2544 : i32
    %ne3A_2546 = arith.cmpi ne, %sign3A_2538, %sign3A_2545 : i32
    %rem3A_2547 = arith.remsi %add3A_2529, %jit3A_2530 : i32
    %ne3A_2548 = arith.constant 0 : i32
    %ne3A_2549 = arith.cmpi ne, %rem3A_2547, %ne3A_2548 : i32
    %and3A_2550 = arith.andi %ne3A_2546, %ne3A_2549 : i1
    %sub3A_2551 = arith.constant 1 : i32
    %sub3A_2552 = arith.subi %div3A_2531, %sub3A_2551 : i32
    %select_n3A_2553 = arith.select %and3A_2550, %sub3A_2552, %div3A_2531 : i32
    %jit3A_2554 = arith.constant 8 : i32
    %eq3A_2555 = arith.constant 0 : i32
    %eq3A_2556 = arith.cmpi eq, %jit3A_2554, %eq3A_2555 : i32
    %jit3A_2557 = arith.constant 1 : i32
    %select_n3A_2558 = arith.select %eq3A_2556, %jit3A_2557, %jit3A_2554 : i32
    %rem3A_2559 = arith.remsi %add3A_2529, %select_n3A_2558 : i32
    %ne3A_2560 = arith.constant 0 : i32
    %ne3A_2561 = arith.cmpi ne, %rem3A_2559, %ne3A_2560 : i32
    %lt3A_2562 = arith.constant 0 : i32
    %lt3A_2563 = arith.cmpi slt, %rem3A_2559, %lt3A_2562 : i32
    %lt3A_2564 = arith.constant 0 : i32
    %lt3A_2565 = arith.cmpi slt, %select_n3A_2558, %lt3A_2564 : i32
    %ne3A_2566 = arith.xori %lt3A_2563, %lt3A_2565 : i1
    %and3A_2567 = arith.andi %ne3A_2566, %ne3A_2561 : i1
    %add3A_2568 = arith.addi %rem3A_2559, %select_n3A_2558 : i32
    %select_n3A_2569 = arith.select %and3A_2567, %add3A_2568, %rem3A_2559 : i32
    %dma_start3A_2570 = arith.constant 0 : i32
    %dma_start3A_2571 = arith.constant 0 : i32
    %dma_start3A_2572 = arith.constant 0 : i32
    %dma_start3A_2573 = tpu.memref_slice %arg6[%dma_start3A_2570, %dma_start3A_2571, %dma_start3A_2572] : memref<2x1024x32xf32, #tpu.memory_space<vmem>> -> memref<1x1024x32xf32, #tpu.memory_space<vmem>>
    %dma_start3A_2574 = tpu.memref_squeeze %dma_start3A_2573 : memref<1x1024x32xf32, #tpu.memory_space<vmem>> -> memref<1024x32xf32, #tpu.memory_space<vmem>>
    %dma_start3A_2575 = arith.constant 2048 : i32
    %dma_start3A_2576 = arith.constant 0 : i32
    %dma_start3A_2577 = tpu.memref_slice %arg4[%dma_start3A_2575, %select_n3A_2553, %select_n3A_2569, %dma_start3A_2576] : memref<4096x20x8x32xf32, #tpu.memory_space<hbm>> -> memref<1024x1x1x32xf32, #tpu.memory_space<hbm>>
    %dma_start3A_2578 = tpu.memref_squeeze %dma_start3A_2577 : memref<1024x1x1x32xf32, #tpu.memory_space<hbm>> -> memref<1024x32xf32, #tpu.memory_space<hbm>>
    %dma_start3A_2579 = arith.constant 2048 : i32
    %dma_start3A_2580 = arith.constant 0 : i32
    %dma_start3A_2581 = tpu.memref_slice %arg4[%dma_start3A_2579, %select_n3A_2553, %select_n3A_2569, %dma_start3A_2580] : memref<4096x20x8x32xf32, #tpu.memory_space<hbm>> -> memref<1024x1x1x32xf32, #tpu.memory_space<hbm>>
    %dma_start3A_2582 = tpu.memref_squeeze %dma_start3A_2581 : memref<1024x1x1x32xf32, #tpu.memory_space<hbm>> -> memref<1024x32xf32, #tpu.memory_space<hbm>>
    %dma_start3A_2583 = arith.constant 0 : i32
    %dma_start3A_2584 = arith.constant 0 : i32
    %dma_start3A_2585 = tpu.memref_slice %arg6[%dma_start3A_2570, %dma_start3A_2583, %dma_start3A_2584] : memref<2x1024x32xf32, #tpu.memory_space<vmem>> -> memref<1x1024x32xf32, #tpu.memory_space<vmem>>
    %dma_start3A_2586 = tpu.memref_squeeze %dma_start3A_2585 : memref<1x1024x32xf32, #tpu.memory_space<vmem>> -> memref<1024x32xf32, #tpu.memory_space<vmem>>
    tpu.enqueue_dma source(%dma_start3A_2586 : memref<1024x32xf32, #tpu.memory_space<vmem>>) target(%dma_start3A_2582 : memref<1024x32xf32, #tpu.memory_space<hbm>>) target_semaphore(%arg11 : memref<!tpu.dma_semaphore, #tpu.memory_space<semaphore_mem>>)
    %dma_wait3A_2587 = arith.constant 1 : i32
    %dma_wait3A_2588 = arith.constant 0 : i32
    %dma_wait3A_2589 = arith.constant 0 : i32
    %dma_wait3A_2590 = tpu.memref_slice %arg6[%dma_wait3A_2587, %dma_wait3A_2588, %dma_wait3A_2589] : memref<2x1024x32xf32, #tpu.memory_space<vmem>> -> memref<1x1024x32xf32, #tpu.memory_space<vmem>>
    %dma_wait3A_2591 = tpu.memref_squeeze %dma_wait3A_2590 : memref<1x1024x32xf32, #tpu.memory_space<vmem>> -> memref<1024x32xf32, #tpu.memory_space<vmem>>
    %dma_wait3A_2592 = arith.constant 1024 : i32
    %dma_wait3A_2593 = arith.constant 0 : i32
    %dma_wait3A_2594 = tpu.memref_slice %arg4[%dma_wait3A_2592, %select_n3A_2385, %select_n3A_2401, %dma_wait3A_2593] : memref<4096x20x8x32xf32, #tpu.memory_space<hbm>> -> memref<1024x1x1x32xf32, #tpu.memory_space<hbm>>
    %dma_wait3A_2595 = tpu.memref_squeeze %dma_wait3A_2594 : memref<1024x1x1x32xf32, #tpu.memory_space<hbm>> -> memref<1024x32xf32, #tpu.memory_space<hbm>>
    %dma_wait3A_2596 = arith.constant 1024 : i32
    %dma_wait3A_2597 = arith.constant 0 : i32
    %dma_wait3A_2598 = tpu.memref_slice %arg4[%dma_wait3A_2596, %select_n3A_2385, %select_n3A_2401, %dma_wait3A_2597] : memref<4096x20x8x32xf32, #tpu.memory_space<hbm>> -> memref<1024x1x1x32xf32, #tpu.memory_space<hbm>>
    %dma_wait3A_2599 = tpu.memref_squeeze %dma_wait3A_2598 : memref<1024x1x1x32xf32, #tpu.memory_space<hbm>> -> memref<1024x32xf32, #tpu.memory_space<hbm>>
    %dma_wait3A_2600 = arith.constant 0 : i32
    %dma_wait3A_2601 = arith.constant 0 : i32
    %dma_wait3A_2602 = tpu.memref_slice %arg6[%dma_wait3A_2587, %dma_wait3A_2600, %dma_wait3A_2601] : memref<2x1024x32xf32, #tpu.memory_space<vmem>> -> memref<1x1024x32xf32, #tpu.memory_space<vmem>>
    %dma_wait3A_2603 = tpu.memref_squeeze %dma_wait3A_2602 : memref<1x1024x32xf32, #tpu.memory_space<vmem>> -> memref<1024x32xf32, #tpu.memory_space<vmem>>
    tpu.wait_dma2 semaphore(%arg12 : memref<!tpu.dma_semaphore, #tpu.memory_space<semaphore_mem>>) src(%dma_wait3A_2603 : memref<1024x32xf32, #tpu.memory_space<vmem>>) dst(%dma_wait3A_2599 : memref<1024x32xf32, #tpu.memory_space<hbm>>)
    %dma_wait3A_2604 = arith.constant 1 : i32
    %dma_wait3A_2605 = arith.constant 0 : i32
    %dma_wait3A_2606 = tpu.memref_slice %arg5[%dma_wait3A_2604, %dma_wait3A_2605] : memref<2x1024xi32, #tpu.memory_space<vmem>> -> memref<1x1024xi32, #tpu.memory_space<vmem>>
    %dma_wait3A_2607 = tpu.memref_squeeze %dma_wait3A_2606 : memref<1x1024xi32, #tpu.memory_space<vmem>> -> memref<1024xi32, #tpu.memory_space<vmem>>
    %dma_wait3A_2608 = arith.constant 3072 : i32
    %dma_wait3A_2609 = tpu.memref_slice %arg2[%select_n3A_2330, %select_n3A_2346, %dma_wait3A_2608] : memref<20x8x4096xi32, #tpu.memory_space<hbm>> -> memref<1x1x1024xi32, #tpu.memory_space<hbm>>
    %dma_wait3A_2610 = tpu.memref_squeeze %dma_wait3A_2609 : memref<1x1x1024xi32, #tpu.memory_space<hbm>> -> memref<1024xi32, #tpu.memory_space<hbm>>
    %dma_wait3A_2611 = arith.constant 0 : i32
    %dma_wait3A_2612 = tpu.memref_slice %arg5[%dma_wait3A_2604, %dma_wait3A_2611] : memref<2x1024xi32, #tpu.memory_space<vmem>> -> memref<1x1024xi32, #tpu.memory_space<vmem>>
    %dma_wait3A_2613 = tpu.memref_squeeze %dma_wait3A_2612 : memref<1x1024xi32, #tpu.memory_space<vmem>> -> memref<1024xi32, #tpu.memory_space<vmem>>
    %dma_wait3A_2614 = arith.constant 3072 : i32
    %dma_wait3A_2615 = tpu.memref_slice %arg2[%select_n3A_2330, %select_n3A_2346, %dma_wait3A_2614] : memref<20x8x4096xi32, #tpu.memory_space<hbm>> -> memref<1x1x1024xi32, #tpu.memory_space<hbm>>
    %dma_wait3A_2616 = tpu.memref_squeeze %dma_wait3A_2615 : memref<1x1x1024xi32, #tpu.memory_space<hbm>> -> memref<1024xi32, #tpu.memory_space<hbm>>
    tpu.wait_dma2 semaphore(%arg8 : memref<!tpu.dma_semaphore, #tpu.memory_space<semaphore_mem>>) src(%dma_wait3A_2616 : memref<1024xi32, #tpu.memory_space<hbm>>) dst(%dma_wait3A_2613 : memref<1024xi32, #tpu.memory_space<vmem>>)
    %dma_start3A_2617 = arith.constant 1 : i32
    %dma_start3A_2618 = arith.constant 1 : i32
    %dma_start3A_2619 = arith.constant 0 : i32
    %dma_start3A_2620 = arith.constant 0 : i32
    %dma_start3A_2621 = tpu.memref_slice %arg6[%dma_start3A_2618, %dma_start3A_2619, %dma_start3A_2620] : memref<2x1024x32xf32, #tpu.memory_space<vmem>> -> memref<1x1024x32xf32, #tpu.memory_space<vmem>>
    %dma_start3A_2622 = tpu.memref_squeeze %dma_start3A_2621 : memref<1x1024x32xf32, #tpu.memory_space<vmem>> -> memref<1024x32xf32, #tpu.memory_space<vmem>>
    %dma_start3A_2623 = arith.constant 0 : i32
    %dma_start3A_2624 = tpu.memref_slice %arg5[%dma_start3A_2617, %dma_start3A_2623] : memref<2x1024xi32, #tpu.memory_space<vmem>> -> memref<1x1024xi32, #tpu.memory_space<vmem>>
    %dma_start3A_2625 = tpu.memref_squeeze %dma_start3A_2624 : memref<1x1024xi32, #tpu.memory_space<vmem>> -> memref<1024xi32, #tpu.memory_space<vmem>>
    %dma_start3A_2626 = arith.constant 0 : i32
    %dma_start3A_2627 = arith.constant 0 : i32
    %dma_start3A_2628 = tpu.memref_slice %arg3[%dma_start3A_2626, %dma_start3A_2627] : memref<1000000x32xf32, #tpu.memory_space<hbm>> -> memref<1000000x32xf32, #tpu.memory_space<hbm>>
    tpu.enqueue_indirect_dma source(%dma_start3A_2628 : memref<1000000x32xf32, #tpu.memory_space<hbm>>) target(%dma_start3A_2622 : memref<1024x32xf32, #tpu.memory_space<vmem>>) offsets(%dma_start3A_2625 : memref<1024xi32, #tpu.memory_space<vmem>>) semaphore(%arg10 : memref<!tpu.dma_semaphore, #tpu.memory_space<semaphore_mem>>)
    %dma_wait3A_2629 = arith.constant 1 : i32
    %dma_wait3A_2630 = arith.constant 1 : i32
    %dma_wait3A_2631 = arith.constant 0 : i32
    %dma_wait3A_2632 = arith.constant 0 : i32
    %dma_wait3A_2633 = tpu.memref_slice %arg6[%dma_wait3A_2630, %dma_wait3A_2631, %dma_wait3A_2632] : memref<2x1024x32xf32, #tpu.memory_space<vmem>> -> memref<1x1024x32xf32, #tpu.memory_space<vmem>>
    %dma_wait3A_2634 = tpu.memref_squeeze %dma_wait3A_2633 : memref<1x1024x32xf32, #tpu.memory_space<vmem>> -> memref<1024x32xf32, #tpu.memory_space<vmem>>
    %dma_wait3A_2635 = arith.constant 0 : i32
    %dma_wait3A_2636 = tpu.memref_slice %arg5[%dma_wait3A_2629, %dma_wait3A_2635] : memref<2x1024xi32, #tpu.memory_space<vmem>> -> memref<1x1024xi32, #tpu.memory_space<vmem>>
    %dma_wait3A_2637 = tpu.memref_squeeze %dma_wait3A_2636 : memref<1x1024xi32, #tpu.memory_space<vmem>> -> memref<1024xi32, #tpu.memory_space<vmem>>
    %dma_wait3A_2638 = arith.constant 0 : i32
    %dma_wait3A_2639 = arith.constant 0 : i32
    %dma_wait3A_2640 = tpu.memref_slice %arg3[%dma_wait3A_2638, %dma_wait3A_2639] : memref<1000000x32xf32, #tpu.memory_space<hbm>> -> memref<1000000x32xf32, #tpu.memory_space<hbm>>
    tpu.wait_indirect_dma semaphore(%arg10 : memref<!tpu.dma_semaphore, #tpu.memory_space<semaphore_mem>>) src(%dma_wait3A_2640 : memref<1000000x32xf32, #tpu.memory_space<hbm>>) dst(%dma_wait3A_2634 : memref<1024x32xf32, #tpu.memory_space<vmem>>)
    %add3A_2641 = arith.constant 4 : i32
    %add3A_2642 = arith.addi %mul3A_2, %add3A_2641 : i32
    %jit3A_2643 = arith.constant 8 : i32
    %div3A_2644 = arith.divsi %add3A_2642, %jit3A_2643 : i32
    %sign3A_2645 = arith.constant 0 : i32
    %sign3A_2646 = arith.cmpi sgt, %add3A_2642, %sign3A_2645 : i32
    %sign3A_2647 = arith.extui %sign3A_2646 : i1 to i32
    %sign3A_2648 = arith.constant 0 : i32
    %sign3A_2649 = arith.cmpi slt, %add3A_2642, %sign3A_2648 : i32
    %sign3A_2650 = arith.extui %sign3A_2649 : i1 to i32
    %sign3A_2651 = arith.subi %sign3A_2647, %sign3A_2650 : i32
    %sign3A_2652 = arith.constant 0 : i32
    %sign3A_2653 = arith.cmpi sgt, %jit3A_2643, %sign3A_2652 : i32
    %sign3A_2654 = arith.extui %sign3A_2653 : i1 to i32
    %sign3A_2655 = arith.constant 0 : i32
    %sign3A_2656 = arith.cmpi slt, %jit3A_2643, %sign3A_2655 : i32
    %sign3A_2657 = arith.extui %sign3A_2656 : i1 to i32
    %sign3A_2658 = arith.subi %sign3A_2654, %sign3A_2657 : i32
    %ne3A_2659 = arith.cmpi ne, %sign3A_2651, %sign3A_2658 : i32
    %rem3A_2660 = arith.remsi %add3A_2642, %jit3A_2643 : i32
    %ne3A_2661 = arith.constant 0 : i32
    %ne3A_2662 = arith.cmpi ne, %rem3A_2660, %ne3A_2661 : i32
    %and3A_2663 = arith.andi %ne3A_2659, %ne3A_2662 : i1
    %sub3A_2664 = arith.constant 1 : i32
    %sub3A_2665 = arith.subi %div3A_2644, %sub3A_2664 : i32
    %select_n3A_2666 = arith.select %and3A_2663, %sub3A_2665, %div3A_2644 : i32
    %jit3A_2667 = arith.constant 8 : i32
    %eq3A_2668 = arith.constant 0 : i32
    %eq3A_2669 = arith.cmpi eq, %jit3A_2667, %eq3A_2668 : i32
    %jit3A_2670 = arith.constant 1 : i32
    %select_n3A_2671 = arith.select %eq3A_2669, %jit3A_2670, %jit3A_2667 : i32
    %rem3A_2672 = arith.remsi %add3A_2642, %select_n3A_2671 : i32
    %ne3A_2673 = arith.constant 0 : i32
    %ne3A_2674 = arith.cmpi ne, %rem3A_2672, %ne3A_2673 : i32
    %lt3A_2675 = arith.constant 0 : i32
    %lt3A_2676 = arith.cmpi slt, %rem3A_2672, %lt3A_2675 : i32
    %lt3A_2677 = arith.constant 0 : i32
    %lt3A_2678 = arith.cmpi slt, %select_n3A_2671, %lt3A_2677 : i32
    %ne3A_2679 = arith.xori %lt3A_2676, %lt3A_2678 : i1
    %and3A_2680 = arith.andi %ne3A_2679, %ne3A_2674 : i1
    %add3A_2681 = arith.addi %rem3A_2672, %select_n3A_2671 : i32
    %select_n3A_2682 = arith.select %and3A_2680, %add3A_2681, %rem3A_2672 : i32
    %dma_start3A_2683 = arith.constant 1 : i32
    %dma_start3A_2684 = arith.constant 0 : i32
    %dma_start3A_2685 = tpu.memref_slice %arg5[%dma_start3A_2683, %dma_start3A_2684] : memref<2x1024xi32, #tpu.memory_space<vmem>> -> memref<1x1024xi32, #tpu.memory_space<vmem>>
    %dma_start3A_2686 = tpu.memref_squeeze %dma_start3A_2685 : memref<1x1024xi32, #tpu.memory_space<vmem>> -> memref<1024xi32, #tpu.memory_space<vmem>>
    %dma_start3A_2687 = arith.constant 1024 : i32
    %dma_start3A_2688 = tpu.memref_slice %arg2[%select_n3A_2666, %select_n3A_2682, %dma_start3A_2687] : memref<20x8x4096xi32, #tpu.memory_space<hbm>> -> memref<1x1x1024xi32, #tpu.memory_space<hbm>>
    %dma_start3A_2689 = tpu.memref_squeeze %dma_start3A_2688 : memref<1x1x1024xi32, #tpu.memory_space<hbm>> -> memref<1024xi32, #tpu.memory_space<hbm>>
    %dma_start3A_2690 = arith.constant 0 : i32
    %dma_start3A_2691 = tpu.memref_slice %arg5[%dma_start3A_2683, %dma_start3A_2690] : memref<2x1024xi32, #tpu.memory_space<vmem>> -> memref<1x1024xi32, #tpu.memory_space<vmem>>
    %dma_start3A_2692 = tpu.memref_squeeze %dma_start3A_2691 : memref<1x1024xi32, #tpu.memory_space<vmem>> -> memref<1024xi32, #tpu.memory_space<vmem>>
    %dma_start3A_2693 = arith.constant 1024 : i32
    %dma_start3A_2694 = tpu.memref_slice %arg2[%select_n3A_2666, %select_n3A_2682, %dma_start3A_2693] : memref<20x8x4096xi32, #tpu.memory_space<hbm>> -> memref<1x1x1024xi32, #tpu.memory_space<hbm>>
    %dma_start3A_2695 = tpu.memref_squeeze %dma_start3A_2694 : memref<1x1x1024xi32, #tpu.memory_space<hbm>> -> memref<1024xi32, #tpu.memory_space<hbm>>
    tpu.enqueue_dma source(%dma_start3A_2695 : memref<1024xi32, #tpu.memory_space<hbm>>) target(%dma_start3A_2692 : memref<1024xi32, #tpu.memory_space<vmem>>) target_semaphore(%arg8 : memref<!tpu.dma_semaphore, #tpu.memory_space<semaphore_mem>>)
    %add3A_2696 = arith.constant 3 : i32
    %add3A_2697 = arith.addi %mul3A_2, %add3A_2696 : i32
    %jit3A_2698 = arith.constant 8 : i32
    %div3A_2699 = arith.divsi %add3A_2697, %jit3A_2698 : i32
    %sign3A_2700 = arith.constant 0 : i32
    %sign3A_2701 = arith.cmpi sgt, %add3A_2697, %sign3A_2700 : i32
    %sign3A_2702 = arith.extui %sign3A_2701 : i1 to i32
    %sign3A_2703 = arith.constant 0 : i32
    %sign3A_2704 = arith.cmpi slt, %add3A_2697, %sign3A_2703 : i32
    %sign3A_2705 = arith.extui %sign3A_2704 : i1 to i32
    %sign3A_2706 = arith.subi %sign3A_2702, %sign3A_2705 : i32
    %sign3A_2707 = arith.constant 0 : i32
    %sign3A_2708 = arith.cmpi sgt, %jit3A_2698, %sign3A_2707 : i32
    %sign3A_2709 = arith.extui %sign3A_2708 : i1 to i32
    %sign3A_2710 = arith.constant 0 : i32
    %sign3A_2711 = arith.cmpi slt, %jit3A_2698, %sign3A_2710 : i32
    %sign3A_2712 = arith.extui %sign3A_2711 : i1 to i32
    %sign3A_2713 = arith.subi %sign3A_2709, %sign3A_2712 : i32
    %ne3A_2714 = arith.cmpi ne, %sign3A_2706, %sign3A_2713 : i32
    %rem3A_2715 = arith.remsi %add3A_2697, %jit3A_2698 : i32
    %ne3A_2716 = arith.constant 0 : i32
    %ne3A_2717 = arith.cmpi ne, %rem3A_2715, %ne3A_2716 : i32
    %and3A_2718 = arith.andi %ne3A_2714, %ne3A_2717 : i1
    %sub3A_2719 = arith.constant 1 : i32
    %sub3A_2720 = arith.subi %div3A_2699, %sub3A_2719 : i32
    %select_n3A_2721 = arith.select %and3A_2718, %sub3A_2720, %div3A_2699 : i32
    %jit3A_2722 = arith.constant 8 : i32
    %eq3A_2723 = arith.constant 0 : i32
    %eq3A_2724 = arith.cmpi eq, %jit3A_2722, %eq3A_2723 : i32
    %jit3A_2725 = arith.constant 1 : i32
    %select_n3A_2726 = arith.select %eq3A_2724, %jit3A_2725, %jit3A_2722 : i32
    %rem3A_2727 = arith.remsi %add3A_2697, %select_n3A_2726 : i32
    %ne3A_2728 = arith.constant 0 : i32
    %ne3A_2729 = arith.cmpi ne, %rem3A_2727, %ne3A_2728 : i32
    %lt3A_2730 = arith.constant 0 : i32
    %lt3A_2731 = arith.cmpi slt, %rem3A_2727, %lt3A_2730 : i32
    %lt3A_2732 = arith.constant 0 : i32
    %lt3A_2733 = arith.cmpi slt, %select_n3A_2726, %lt3A_2732 : i32
    %ne3A_2734 = arith.xori %lt3A_2731, %lt3A_2733 : i1
    %and3A_2735 = arith.andi %ne3A_2734, %ne3A_2729 : i1
    %add3A_2736 = arith.addi %rem3A_2727, %select_n3A_2726 : i32
    %select_n3A_2737 = arith.select %and3A_2735, %add3A_2736, %rem3A_2727 : i32
    %dma_start3A_2738 = arith.constant 1 : i32
    %dma_start3A_2739 = arith.constant 0 : i32
    %dma_start3A_2740 = arith.constant 0 : i32
    %dma_start3A_2741 = tpu.memref_slice %arg6[%dma_start3A_2738, %dma_start3A_2739, %dma_start3A_2740] : memref<2x1024x32xf32, #tpu.memory_space<vmem>> -> memref<1x1024x32xf32, #tpu.memory_space<vmem>>
    %dma_start3A_2742 = tpu.memref_squeeze %dma_start3A_2741 : memref<1x1024x32xf32, #tpu.memory_space<vmem>> -> memref<1024x32xf32, #tpu.memory_space<vmem>>
    %dma_start3A_2743 = arith.constant 3072 : i32
    %dma_start3A_2744 = arith.constant 0 : i32
    %dma_start3A_2745 = tpu.memref_slice %arg4[%dma_start3A_2743, %select_n3A_2721, %select_n3A_2737, %dma_start3A_2744] : memref<4096x20x8x32xf32, #tpu.memory_space<hbm>> -> memref<1024x1x1x32xf32, #tpu.memory_space<hbm>>
    %dma_start3A_2746 = tpu.memref_squeeze %dma_start3A_2745 : memref<1024x1x1x32xf32, #tpu.memory_space<hbm>> -> memref<1024x32xf32, #tpu.memory_space<hbm>>
    %dma_start3A_2747 = arith.constant 3072 : i32
    %dma_start3A_2748 = arith.constant 0 : i32
    %dma_start3A_2749 = tpu.memref_slice %arg4[%dma_start3A_2747, %select_n3A_2721, %select_n3A_2737, %dma_start3A_2748] : memref<4096x20x8x32xf32, #tpu.memory_space<hbm>> -> memref<1024x1x1x32xf32, #tpu.memory_space<hbm>>
    %dma_start3A_2750 = tpu.memref_squeeze %dma_start3A_2749 : memref<1024x1x1x32xf32, #tpu.memory_space<hbm>> -> memref<1024x32xf32, #tpu.memory_space<hbm>>
    %dma_start3A_2751 = arith.constant 0 : i32
    %dma_start3A_2752 = arith.constant 0 : i32
    %dma_start3A_2753 = tpu.memref_slice %arg6[%dma_start3A_2738, %dma_start3A_2751, %dma_start3A_2752] : memref<2x1024x32xf32, #tpu.memory_space<vmem>> -> memref<1x1024x32xf32, #tpu.memory_space<vmem>>
    %dma_start3A_2754 = tpu.memref_squeeze %dma_start3A_2753 : memref<1x1024x32xf32, #tpu.memory_space<vmem>> -> memref<1024x32xf32, #tpu.memory_space<vmem>>
    tpu.enqueue_dma source(%dma_start3A_2754 : memref<1024x32xf32, #tpu.memory_space<vmem>>) target(%dma_start3A_2750 : memref<1024x32xf32, #tpu.memory_space<hbm>>) target_semaphore(%arg12 : memref<!tpu.dma_semaphore, #tpu.memory_space<semaphore_mem>>)
    %dma_wait3A_2755 = arith.constant 0 : i32
    %dma_wait3A_2756 = arith.constant 0 : i32
    %dma_wait3A_2757 = arith.constant 0 : i32
    %dma_wait3A_2758 = tpu.memref_slice %arg6[%dma_wait3A_2755, %dma_wait3A_2756, %dma_wait3A_2757] : memref<2x1024x32xf32, #tpu.memory_space<vmem>> -> memref<1x1024x32xf32, #tpu.memory_space<vmem>>
    %dma_wait3A_2759 = tpu.memref_squeeze %dma_wait3A_2758 : memref<1x1024x32xf32, #tpu.memory_space<vmem>> -> memref<1024x32xf32, #tpu.memory_space<vmem>>
    %dma_wait3A_2760 = arith.constant 2048 : i32
    %dma_wait3A_2761 = arith.constant 0 : i32
    %dma_wait3A_2762 = tpu.memref_slice %arg4[%dma_wait3A_2760, %select_n3A_2553, %select_n3A_2569, %dma_wait3A_2761] : memref<4096x20x8x32xf32, #tpu.memory_space<hbm>> -> memref<1024x1x1x32xf32, #tpu.memory_space<hbm>>
    %dma_wait3A_2763 = tpu.memref_squeeze %dma_wait3A_2762 : memref<1024x1x1x32xf32, #tpu.memory_space<hbm>> -> memref<1024x32xf32, #tpu.memory_space<hbm>>
    %dma_wait3A_2764 = arith.constant 2048 : i32
    %dma_wait3A_2765 = arith.constant 0 : i32
    %dma_wait3A_2766 = tpu.memref_slice %arg4[%dma_wait3A_2764, %select_n3A_2553, %select_n3A_2569, %dma_wait3A_2765] : memref<4096x20x8x32xf32, #tpu.memory_space<hbm>> -> memref<1024x1x1x32xf32, #tpu.memory_space<hbm>>
    %dma_wait3A_2767 = tpu.memref_squeeze %dma_wait3A_2766 : memref<1024x1x1x32xf32, #tpu.memory_space<hbm>> -> memref<1024x32xf32, #tpu.memory_space<hbm>>
    %dma_wait3A_2768 = arith.constant 0 : i32
    %dma_wait3A_2769 = arith.constant 0 : i32
    %dma_wait3A_2770 = tpu.memref_slice %arg6[%dma_wait3A_2755, %dma_wait3A_2768, %dma_wait3A_2769] : memref<2x1024x32xf32, #tpu.memory_space<vmem>> -> memref<1x1024x32xf32, #tpu.memory_space<vmem>>
    %dma_wait3A_2771 = tpu.memref_squeeze %dma_wait3A_2770 : memref<1x1024x32xf32, #tpu.memory_space<vmem>> -> memref<1024x32xf32, #tpu.memory_space<vmem>>
    tpu.wait_dma2 semaphore(%arg11 : memref<!tpu.dma_semaphore, #tpu.memory_space<semaphore_mem>>) src(%dma_wait3A_2771 : memref<1024x32xf32, #tpu.memory_space<vmem>>) dst(%dma_wait3A_2767 : memref<1024x32xf32, #tpu.memory_space<hbm>>)
    %dma_wait3A_2772 = arith.constant 0 : i32
    %dma_wait3A_2773 = arith.constant 0 : i32
    %dma_wait3A_2774 = tpu.memref_slice %arg5[%dma_wait3A_2772, %dma_wait3A_2773] : memref<2x1024xi32, #tpu.memory_space<vmem>> -> memref<1x1024xi32, #tpu.memory_space<vmem>>
    %dma_wait3A_2775 = tpu.memref_squeeze %dma_wait3A_2774 : memref<1x1024xi32, #tpu.memory_space<vmem>> -> memref<1024xi32, #tpu.memory_space<vmem>>
    %dma_wait3A_2776 = arith.constant 0 : i32
    %dma_wait3A_2777 = tpu.memref_slice %arg2[%select_n3A_2498, %select_n3A_2514, %dma_wait3A_2776] : memref<20x8x4096xi32, #tpu.memory_space<hbm>> -> memref<1x1x1024xi32, #tpu.memory_space<hbm>>
    %dma_wait3A_2778 = tpu.memref_squeeze %dma_wait3A_2777 : memref<1x1x1024xi32, #tpu.memory_space<hbm>> -> memref<1024xi32, #tpu.memory_space<hbm>>
    %dma_wait3A_2779 = arith.constant 0 : i32
    %dma_wait3A_2780 = tpu.memref_slice %arg5[%dma_wait3A_2772, %dma_wait3A_2779] : memref<2x1024xi32, #tpu.memory_space<vmem>> -> memref<1x1024xi32, #tpu.memory_space<vmem>>
    %dma_wait3A_2781 = tpu.memref_squeeze %dma_wait3A_2780 : memref<1x1024xi32, #tpu.memory_space<vmem>> -> memref<1024xi32, #tpu.memory_space<vmem>>
    %dma_wait3A_2782 = arith.constant 0 : i32
    %dma_wait3A_2783 = tpu.memref_slice %arg2[%select_n3A_2498, %select_n3A_2514, %dma_wait3A_2782] : memref<20x8x4096xi32, #tpu.memory_space<hbm>> -> memref<1x1x1024xi32, #tpu.memory_space<hbm>>
    %dma_wait3A_2784 = tpu.memref_squeeze %dma_wait3A_2783 : memref<1x1x1024xi32, #tpu.memory_space<hbm>> -> memref<1024xi32, #tpu.memory_space<hbm>>
    tpu.wait_dma2 semaphore(%arg7 : memref<!tpu.dma_semaphore, #tpu.memory_space<semaphore_mem>>) src(%dma_wait3A_2784 : memref<1024xi32, #tpu.memory_space<hbm>>) dst(%dma_wait3A_2781 : memref<1024xi32, #tpu.memory_space<vmem>>)
    %dma_start3A_2785 = arith.constant 0 : i32
    %dma_start3A_2786 = arith.constant 0 : i32
    %dma_start3A_2787 = arith.constant 0 : i32
    %dma_start3A_2788 = arith.constant 0 : i32
    %dma_start3A_2789 = tpu.memref_slice %arg6[%dma_start3A_2786, %dma_start3A_2787, %dma_start3A_2788] : memref<2x1024x32xf32, #tpu.memory_space<vmem>> -> memref<1x1024x32xf32, #tpu.memory_space<vmem>>
    %dma_start3A_2790 = tpu.memref_squeeze %dma_start3A_2789 : memref<1x1024x32xf32, #tpu.memory_space<vmem>> -> memref<1024x32xf32, #tpu.memory_space<vmem>>
    %dma_start3A_2791 = arith.constant 0 : i32
    %dma_start3A_2792 = tpu.memref_slice %arg5[%dma_start3A_2785, %dma_start3A_2791] : memref<2x1024xi32, #tpu.memory_space<vmem>> -> memref<1x1024xi32, #tpu.memory_space<vmem>>
    %dma_start3A_2793 = tpu.memref_squeeze %dma_start3A_2792 : memref<1x1024xi32, #tpu.memory_space<vmem>> -> memref<1024xi32, #tpu.memory_space<vmem>>
    %dma_start3A_2794 = arith.constant 0 : i32
    %dma_start3A_2795 = arith.constant 0 : i32
    %dma_start3A_2796 = tpu.memref_slice %arg3[%dma_start3A_2794, %dma_start3A_2795] : memref<1000000x32xf32, #tpu.memory_space<hbm>> -> memref<1000000x32xf32, #tpu.memory_space<hbm>>
    tpu.enqueue_indirect_dma source(%dma_start3A_2796 : memref<1000000x32xf32, #tpu.memory_space<hbm>>) target(%dma_start3A_2790 : memref<1024x32xf32, #tpu.memory_space<vmem>>) offsets(%dma_start3A_2793 : memref<1024xi32, #tpu.memory_space<vmem>>) semaphore(%arg9 : memref<!tpu.dma_semaphore, #tpu.memory_space<semaphore_mem>>)
    %dma_wait3A_2797 = arith.constant 0 : i32
    %dma_wait3A_2798 = arith.constant 0 : i32
    %dma_wait3A_2799 = arith.constant 0 : i32
    %dma_wait3A_2800 = arith.constant 0 : i32
    %dma_wait3A_2801 = tpu.memref_slice %arg6[%dma_wait3A_2798, %dma_wait3A_2799, %dma_wait3A_2800] : memref<2x1024x32xf32, #tpu.memory_space<vmem>> -> memref<1x1024x32xf32, #tpu.memory_space<vmem>>
    %dma_wait3A_2802 = tpu.memref_squeeze %dma_wait3A_2801 : memref<1x1024x32xf32, #tpu.memory_space<vmem>> -> memref<1024x32xf32, #tpu.memory_space<vmem>>
    %dma_wait3A_2803 = arith.constant 0 : i32
    %dma_wait3A_2804 = tpu.memref_slice %arg5[%dma_wait3A_2797, %dma_wait3A_2803] : memref<2x1024xi32, #tpu.memory_space<vmem>> -> memref<1x1024xi32, #tpu.memory_space<vmem>>
    %dma_wait3A_2805 = tpu.memref_squeeze %dma_wait3A_2804 : memref<1x1024xi32, #tpu.memory_space<vmem>> -> memref<1024xi32, #tpu.memory_space<vmem>>
    %dma_wait3A_2806 = arith.constant 0 : i32
    %dma_wait3A_2807 = arith.constant 0 : i32
    %dma_wait3A_2808 = tpu.memref_slice %arg3[%dma_wait3A_2806, %dma_wait3A_2807] : memref<1000000x32xf32, #tpu.memory_space<hbm>> -> memref<1000000x32xf32, #tpu.memory_space<hbm>>
    tpu.wait_indirect_dma semaphore(%arg9 : memref<!tpu.dma_semaphore, #tpu.memory_space<semaphore_mem>>) src(%dma_wait3A_2808 : memref<1000000x32xf32, #tpu.memory_space<hbm>>) dst(%dma_wait3A_2802 : memref<1024x32xf32, #tpu.memory_space<vmem>>)
    %add3A_2809 = arith.constant 4 : i32
    %add3A_2810 = arith.addi %mul3A_2, %add3A_2809 : i32
    %jit3A_2811 = arith.constant 8 : i32
    %div3A_2812 = arith.divsi %add3A_2810, %jit3A_2811 : i32
    %sign3A_2813 = arith.constant 0 : i32
    %sign3A_2814 = arith.cmpi sgt, %add3A_2810, %sign3A_2813 : i32
    %sign3A_2815 = arith.extui %sign3A_2814 : i1 to i32
    %sign3A_2816 = arith.constant 0 : i32
    %sign3A_2817 = arith.cmpi slt, %add3A_2810, %sign3A_2816 : i32
    %sign3A_2818 = arith.extui %sign3A_2817 : i1 to i32
    %sign3A_2819 = arith.subi %sign3A_2815, %sign3A_2818 : i32
    %sign3A_2820 = arith.constant 0 : i32
    %sign3A_2821 = arith.cmpi sgt, %jit3A_2811, %sign3A_2820 : i32
    %sign3A_2822 = arith.extui %sign3A_2821 : i1 to i32
    %sign3A_2823 = arith.constant 0 : i32
    %sign3A_2824 = arith.cmpi slt, %jit3A_2811, %sign3A_2823 : i32
    %sign3A_2825 = arith.extui %sign3A_2824 : i1 to i32
    %sign3A_2826 = arith.subi %sign3A_2822, %sign3A_2825 : i32
    %ne3A_2827 = arith.cmpi ne, %sign3A_2819, %sign3A_2826 : i32
    %rem3A_2828 = arith.remsi %add3A_2810, %jit3A_2811 : i32
    %ne3A_2829 = arith.constant 0 : i32
    %ne3A_2830 = arith.cmpi ne, %rem3A_2828, %ne3A_2829 : i32
    %and3A_2831 = arith.andi %ne3A_2827, %ne3A_2830 : i1
    %sub3A_2832 = arith.constant 1 : i32
    %sub3A_2833 = arith.subi %div3A_2812, %sub3A_2832 : i32
    %select_n3A_2834 = arith.select %and3A_2831, %sub3A_2833, %div3A_2812 : i32
    %jit3A_2835 = arith.constant 8 : i32
    %eq3A_2836 = arith.constant 0 : i32
    %eq3A_2837 = arith.cmpi eq, %jit3A_2835, %eq3A_2836 : i32
    %jit3A_2838 = arith.constant 1 : i32
    %select_n3A_2839 = arith.select %eq3A_2837, %jit3A_2838, %jit3A_2835 : i32
    %rem3A_2840 = arith.remsi %add3A_2810, %select_n3A_2839 : i32
    %ne3A_2841 = arith.constant 0 : i32
    %ne3A_2842 = arith.cmpi ne, %rem3A_2840, %ne3A_2841 : i32
    %lt3A_2843 = arith.constant 0 : i32
    %lt3A_2844 = arith.cmpi slt, %rem3A_2840, %lt3A_2843 : i32
    %lt3A_2845 = arith.constant 0 : i32
    %lt3A_2846 = arith.cmpi slt, %select_n3A_2839, %lt3A_2845 : i32
    %ne3A_2847 = arith.xori %lt3A_2844, %lt3A_2846 : i1
    %and3A_2848 = arith.andi %ne3A_2847, %ne3A_2842 : i1
    %add3A_2849 = arith.addi %rem3A_2840, %select_n3A_2839 : i32
    %select_n3A_2850 = arith.select %and3A_2848, %add3A_2849, %rem3A_2840 : i32
    %dma_start3A_2851 = arith.constant 0 : i32
    %dma_start3A_2852 = arith.constant 0 : i32
    %dma_start3A_2853 = tpu.memref_slice %arg5[%dma_start3A_2851, %dma_start3A_2852] : memref<2x1024xi32, #tpu.memory_space<vmem>> -> memref<1x1024xi32, #tpu.memory_space<vmem>>
    %dma_start3A_2854 = tpu.memref_squeeze %dma_start3A_2853 : memref<1x1024xi32, #tpu.memory_space<vmem>> -> memref<1024xi32, #tpu.memory_space<vmem>>
    %dma_start3A_2855 = arith.constant 2048 : i32
    %dma_start3A_2856 = tpu.memref_slice %arg2[%select_n3A_2834, %select_n3A_2850, %dma_start3A_2855] : memref<20x8x4096xi32, #tpu.memory_space<hbm>> -> memref<1x1x1024xi32, #tpu.memory_space<hbm>>
    %dma_start3A_2857 = tpu.memref_squeeze %dma_start3A_2856 : memref<1x1x1024xi32, #tpu.memory_space<hbm>> -> memref<1024xi32, #tpu.memory_space<hbm>>
    %dma_start3A_2858 = arith.constant 0 : i32
    %dma_start3A_2859 = tpu.memref_slice %arg5[%dma_start3A_2851, %dma_start3A_2858] : memref<2x1024xi32, #tpu.memory_space<vmem>> -> memref<1x1024xi32, #tpu.memory_space<vmem>>
    %dma_start3A_2860 = tpu.memref_squeeze %dma_start3A_2859 : memref<1x1024xi32, #tpu.memory_space<vmem>> -> memref<1024xi32, #tpu.memory_space<vmem>>
    %dma_start3A_2861 = arith.constant 2048 : i32
    %dma_start3A_2862 = tpu.memref_slice %arg2[%select_n3A_2834, %select_n3A_2850, %dma_start3A_2861] : memref<20x8x4096xi32, #tpu.memory_space<hbm>> -> memref<1x1x1024xi32, #tpu.memory_space<hbm>>
    %dma_start3A_2863 = tpu.memref_squeeze %dma_start3A_2862 : memref<1x1x1024xi32, #tpu.memory_space<hbm>> -> memref<1024xi32, #tpu.memory_space<hbm>>
    tpu.enqueue_dma source(%dma_start3A_2863 : memref<1024xi32, #tpu.memory_space<hbm>>) target(%dma_start3A_2860 : memref<1024xi32, #tpu.memory_space<vmem>>) target_semaphore(%arg7 : memref<!tpu.dma_semaphore, #tpu.memory_space<semaphore_mem>>)
    %add3A_2864 = arith.constant 4 : i32
    %add3A_2865 = arith.addi %mul3A_2, %add3A_2864 : i32
    %jit3A_2866 = arith.constant 8 : i32
    %div3A_2867 = arith.divsi %add3A_2865, %jit3A_2866 : i32
    %sign3A_2868 = arith.constant 0 : i32
    %sign3A_2869 = arith.cmpi sgt, %add3A_2865, %sign3A_2868 : i32
    %sign3A_2870 = arith.extui %sign3A_2869 : i1 to i32
    %sign3A_2871 = arith.constant 0 : i32
    %sign3A_2872 = arith.cmpi slt, %add3A_2865, %sign3A_2871 : i32
    %sign3A_2873 = arith.extui %sign3A_2872 : i1 to i32
    %sign3A_2874 = arith.subi %sign3A_2870, %sign3A_2873 : i32
    %sign3A_2875 = arith.constant 0 : i32
    %sign3A_2876 = arith.cmpi sgt, %jit3A_2866, %sign3A_2875 : i32
    %sign3A_2877 = arith.extui %sign3A_2876 : i1 to i32
    %sign3A_2878 = arith.constant 0 : i32
    %sign3A_2879 = arith.cmpi slt, %jit3A_2866, %sign3A_2878 : i32
    %sign3A_2880 = arith.extui %sign3A_2879 : i1 to i32
    %sign3A_2881 = arith.subi %sign3A_2877, %sign3A_2880 : i32
    %ne3A_2882 = arith.cmpi ne, %sign3A_2874, %sign3A_2881 : i32
    %rem3A_2883 = arith.remsi %add3A_2865, %jit3A_2866 : i32
    %ne3A_2884 = arith.constant 0 : i32
    %ne3A_2885 = arith.cmpi ne, %rem3A_2883, %ne3A_2884 : i32
    %and3A_2886 = arith.andi %ne3A_2882, %ne3A_2885 : i1
    %sub3A_2887 = arith.constant 1 : i32
    %sub3A_2888 = arith.subi %div3A_2867, %sub3A_2887 : i32
    %select_n3A_2889 = arith.select %and3A_2886, %sub3A_2888, %div3A_2867 : i32
    %jit3A_2890 = arith.constant 8 : i32
    %eq3A_2891 = arith.constant 0 : i32
    %eq3A_2892 = arith.cmpi eq, %jit3A_2890, %eq3A_2891 : i32
    %jit3A_2893 = arith.constant 1 : i32
    %select_n3A_2894 = arith.select %eq3A_2892, %jit3A_2893, %jit3A_2890 : i32
    %rem3A_2895 = arith.remsi %add3A_2865, %select_n3A_2894 : i32
    %ne3A_2896 = arith.constant 0 : i32
    %ne3A_2897 = arith.cmpi ne, %rem3A_2895, %ne3A_2896 : i32
    %lt3A_2898 = arith.constant 0 : i32
    %lt3A_2899 = arith.cmpi slt, %rem3A_2895, %lt3A_2898 : i32
    %lt3A_2900 = arith.constant 0 : i32
    %lt3A_2901 = arith.cmpi slt, %select_n3A_2894, %lt3A_2900 : i32
    %ne3A_2902 = arith.xori %lt3A_2899, %lt3A_2901 : i1
    %and3A_2903 = arith.andi %ne3A_2902, %ne3A_2897 : i1
    %add3A_2904 = arith.addi %rem3A_2895, %select_n3A_2894 : i32
    %select_n3A_2905 = arith.select %and3A_2903, %add3A_2904, %rem3A_2895 : i32
    %dma_start3A_2906 = arith.constant 0 : i32
    %dma_start3A_2907 = arith.constant 0 : i32
    %dma_start3A_2908 = arith.constant 0 : i32
    %dma_start3A_2909 = tpu.memref_slice %arg6[%dma_start3A_2906, %dma_start3A_2907, %dma_start3A_2908] : memref<2x1024x32xf32, #tpu.memory_space<vmem>> -> memref<1x1024x32xf32, #tpu.memory_space<vmem>>
    %dma_start3A_2910 = tpu.memref_squeeze %dma_start3A_2909 : memref<1x1024x32xf32, #tpu.memory_space<vmem>> -> memref<1024x32xf32, #tpu.memory_space<vmem>>
    %dma_start3A_2911 = arith.constant 0 : i32
    %dma_start3A_2912 = arith.constant 0 : i32
    %dma_start3A_2913 = tpu.memref_slice %arg4[%dma_start3A_2911, %select_n3A_2889, %select_n3A_2905, %dma_start3A_2912] : memref<4096x20x8x32xf32, #tpu.memory_space<hbm>> -> memref<1024x1x1x32xf32, #tpu.memory_space<hbm>>
    %dma_start3A_2914 = tpu.memref_squeeze %dma_start3A_2913 : memref<1024x1x1x32xf32, #tpu.memory_space<hbm>> -> memref<1024x32xf32, #tpu.memory_space<hbm>>
    %dma_start3A_2915 = arith.constant 0 : i32
    %dma_start3A_2916 = arith.constant 0 : i32
    %dma_start3A_2917 = tpu.memref_slice %arg4[%dma_start3A_2915, %select_n3A_2889, %select_n3A_2905, %dma_start3A_2916] : memref<4096x20x8x32xf32, #tpu.memory_space<hbm>> -> memref<1024x1x1x32xf32, #tpu.memory_space<hbm>>
    %dma_start3A_2918 = tpu.memref_squeeze %dma_start3A_2917 : memref<1024x1x1x32xf32, #tpu.memory_space<hbm>> -> memref<1024x32xf32, #tpu.memory_space<hbm>>
    %dma_start3A_2919 = arith.constant 0 : i32
    %dma_start3A_2920 = arith.constant 0 : i32
    %dma_start3A_2921 = tpu.memref_slice %arg6[%dma_start3A_2906, %dma_start3A_2919, %dma_start3A_2920] : memref<2x1024x32xf32, #tpu.memory_space<vmem>> -> memref<1x1024x32xf32, #tpu.memory_space<vmem>>
    %dma_start3A_2922 = tpu.memref_squeeze %dma_start3A_2921 : memref<1x1024x32xf32, #tpu.memory_space<vmem>> -> memref<1024x32xf32, #tpu.memory_space<vmem>>
    tpu.enqueue_dma source(%dma_start3A_2922 : memref<1024x32xf32, #tpu.memory_space<vmem>>) target(%dma_start3A_2918 : memref<1024x32xf32, #tpu.memory_space<hbm>>) target_semaphore(%arg11 : memref<!tpu.dma_semaphore, #tpu.memory_space<semaphore_mem>>)
    %dma_wait3A_2923 = arith.constant 1 : i32
    %dma_wait3A_2924 = arith.constant 0 : i32
    %dma_wait3A_2925 = arith.constant 0 : i32
    %dma_wait3A_2926 = tpu.memref_slice %arg6[%dma_wait3A_2923, %dma_wait3A_2924, %dma_wait3A_2925] : memref<2x1024x32xf32, #tpu.memory_space<vmem>> -> memref<1x1024x32xf32, #tpu.memory_space<vmem>>
    %dma_wait3A_2927 = tpu.memref_squeeze %dma_wait3A_2926 : memref<1x1024x32xf32, #tpu.memory_space<vmem>> -> memref<1024x32xf32, #tpu.memory_space<vmem>>
    %dma_wait3A_2928 = arith.constant 3072 : i32
    %dma_wait3A_2929 = arith.constant 0 : i32
    %dma_wait3A_2930 = tpu.memref_slice %arg4[%dma_wait3A_2928, %select_n3A_2721, %select_n3A_2737, %dma_wait3A_2929] : memref<4096x20x8x32xf32, #tpu.memory_space<hbm>> -> memref<1024x1x1x32xf32, #tpu.memory_space<hbm>>
    %dma_wait3A_2931 = tpu.memref_squeeze %dma_wait3A_2930 : memref<1024x1x1x32xf32, #tpu.memory_space<hbm>> -> memref<1024x32xf32, #tpu.memory_space<hbm>>
    %dma_wait3A_2932 = arith.constant 3072 : i32
    %dma_wait3A_2933 = arith.constant 0 : i32
    %dma_wait3A_2934 = tpu.memref_slice %arg4[%dma_wait3A_2932, %select_n3A_2721, %select_n3A_2737, %dma_wait3A_2933] : memref<4096x20x8x32xf32, #tpu.memory_space<hbm>> -> memref<1024x1x1x32xf32, #tpu.memory_space<hbm>>
    %dma_wait3A_2935 = tpu.memref_squeeze %dma_wait3A_2934 : memref<1024x1x1x32xf32, #tpu.memory_space<hbm>> -> memref<1024x32xf32, #tpu.memory_space<hbm>>
    %dma_wait3A_2936 = arith.constant 0 : i32
    %dma_wait3A_2937 = arith.constant 0 : i32
    %dma_wait3A_2938 = tpu.memref_slice %arg6[%dma_wait3A_2923, %dma_wait3A_2936, %dma_wait3A_2937] : memref<2x1024x32xf32, #tpu.memory_space<vmem>> -> memref<1x1024x32xf32, #tpu.memory_space<vmem>>
    %dma_wait3A_2939 = tpu.memref_squeeze %dma_wait3A_2938 : memref<1x1024x32xf32, #tpu.memory_space<vmem>> -> memref<1024x32xf32, #tpu.memory_space<vmem>>
    tpu.wait_dma2 semaphore(%arg12 : memref<!tpu.dma_semaphore, #tpu.memory_space<semaphore_mem>>) src(%dma_wait3A_2939 : memref<1024x32xf32, #tpu.memory_space<vmem>>) dst(%dma_wait3A_2935 : memref<1024x32xf32, #tpu.memory_space<hbm>>)
    %dma_wait3A_2940 = arith.constant 1 : i32
    %dma_wait3A_2941 = arith.constant 0 : i32
    %dma_wait3A_2942 = tpu.memref_slice %arg5[%dma_wait3A_2940, %dma_wait3A_2941] : memref<2x1024xi32, #tpu.memory_space<vmem>> -> memref<1x1024xi32, #tpu.memory_space<vmem>>
    %dma_wait3A_2943 = tpu.memref_squeeze %dma_wait3A_2942 : memref<1x1024xi32, #tpu.memory_space<vmem>> -> memref<1024xi32, #tpu.memory_space<vmem>>
    %dma_wait3A_2944 = arith.constant 1024 : i32
    %dma_wait3A_2945 = tpu.memref_slice %arg2[%select_n3A_2666, %select_n3A_2682, %dma_wait3A_2944] : memref<20x8x4096xi32, #tpu.memory_space<hbm>> -> memref<1x1x1024xi32, #tpu.memory_space<hbm>>
    %dma_wait3A_2946 = tpu.memref_squeeze %dma_wait3A_2945 : memref<1x1x1024xi32, #tpu.memory_space<hbm>> -> memref<1024xi32, #tpu.memory_space<hbm>>
    %dma_wait3A_2947 = arith.constant 0 : i32
    %dma_wait3A_2948 = tpu.memref_slice %arg5[%dma_wait3A_2940, %dma_wait3A_2947] : memref<2x1024xi32, #tpu.memory_space<vmem>> -> memref<1x1024xi32, #tpu.memory_space<vmem>>
    %dma_wait3A_2949 = tpu.memref_squeeze %dma_wait3A_2948 : memref<1x1024xi32, #tpu.memory_space<vmem>> -> memref<1024xi32, #tpu.memory_space<vmem>>
    %dma_wait3A_2950 = arith.constant 1024 : i32
    %dma_wait3A_2951 = tpu.memref_slice %arg2[%select_n3A_2666, %select_n3A_2682, %dma_wait3A_2950] : memref<20x8x4096xi32, #tpu.memory_space<hbm>> -> memref<1x1x1024xi32, #tpu.memory_space<hbm>>
    %dma_wait3A_2952 = tpu.memref_squeeze %dma_wait3A_2951 : memref<1x1x1024xi32, #tpu.memory_space<hbm>> -> memref<1024xi32, #tpu.memory_space<hbm>>
    tpu.wait_dma2 semaphore(%arg8 : memref<!tpu.dma_semaphore, #tpu.memory_space<semaphore_mem>>) src(%dma_wait3A_2952 : memref<1024xi32, #tpu.memory_space<hbm>>) dst(%dma_wait3A_2949 : memref<1024xi32, #tpu.memory_space<vmem>>)
    %dma_start3A_2953 = arith.constant 1 : i32
    %dma_start3A_2954 = arith.constant 1 : i32
    %dma_start3A_2955 = arith.constant 0 : i32
    %dma_start3A_2956 = arith.constant 0 : i32
    %dma_start3A_2957 = tpu.memref_slice %arg6[%dma_start3A_2954, %dma_start3A_2955, %dma_start3A_2956] : memref<2x1024x32xf32, #tpu.memory_space<vmem>> -> memref<1x1024x32xf32, #tpu.memory_space<vmem>>
    %dma_start3A_2958 = tpu.memref_squeeze %dma_start3A_2957 : memref<1x1024x32xf32, #tpu.memory_space<vmem>> -> memref<1024x32xf32, #tpu.memory_space<vmem>>
    %dma_start3A_2959 = arith.constant 0 : i32
    %dma_start3A_2960 = tpu.memref_slice %arg5[%dma_start3A_2953, %dma_start3A_2959] : memref<2x1024xi32, #tpu.memory_space<vmem>> -> memref<1x1024xi32, #tpu.memory_space<vmem>>
    %dma_start3A_2961 = tpu.memref_squeeze %dma_start3A_2960 : memref<1x1024xi32, #tpu.memory_space<vmem>> -> memref<1024xi32, #tpu.memory_space<vmem>>
    %dma_start3A_2962 = arith.constant 0 : i32
    %dma_start3A_2963 = arith.constant 0 : i32
    %dma_start3A_2964 = tpu.memref_slice %arg3[%dma_start3A_2962, %dma_start3A_2963] : memref<1000000x32xf32, #tpu.memory_space<hbm>> -> memref<1000000x32xf32, #tpu.memory_space<hbm>>
    tpu.enqueue_indirect_dma source(%dma_start3A_2964 : memref<1000000x32xf32, #tpu.memory_space<hbm>>) target(%dma_start3A_2958 : memref<1024x32xf32, #tpu.memory_space<vmem>>) offsets(%dma_start3A_2961 : memref<1024xi32, #tpu.memory_space<vmem>>) semaphore(%arg10 : memref<!tpu.dma_semaphore, #tpu.memory_space<semaphore_mem>>)
    %dma_wait3A_2965 = arith.constant 1 : i32
    %dma_wait3A_2966 = arith.constant 1 : i32
    %dma_wait3A_2967 = arith.constant 0 : i32
    %dma_wait3A_2968 = arith.constant 0 : i32
    %dma_wait3A_2969 = tpu.memref_slice %arg6[%dma_wait3A_2966, %dma_wait3A_2967, %dma_wait3A_2968] : memref<2x1024x32xf32, #tpu.memory_space<vmem>> -> memref<1x1024x32xf32, #tpu.memory_space<vmem>>
    %dma_wait3A_2970 = tpu.memref_squeeze %dma_wait3A_2969 : memref<1x1024x32xf32, #tpu.memory_space<vmem>> -> memref<1024x32xf32, #tpu.memory_space<vmem>>
    %dma_wait3A_2971 = arith.constant 0 : i32
    %dma_wait3A_2972 = tpu.memref_slice %arg5[%dma_wait3A_2965, %dma_wait3A_2971] : memref<2x1024xi32, #tpu.memory_space<vmem>> -> memref<1x1024xi32, #tpu.memory_space<vmem>>
    %dma_wait3A_2973 = tpu.memref_squeeze %dma_wait3A_2972 : memref<1x1024xi32, #tpu.memory_space<vmem>> -> memref<1024xi32, #tpu.memory_space<vmem>>
    %dma_wait3A_2974 = arith.constant 0 : i32
    %dma_wait3A_2975 = arith.constant 0 : i32
    %dma_wait3A_2976 = tpu.memref_slice %arg3[%dma_wait3A_2974, %dma_wait3A_2975] : memref<1000000x32xf32, #tpu.memory_space<hbm>> -> memref<1000000x32xf32, #tpu.memory_space<hbm>>
    tpu.wait_indirect_dma semaphore(%arg10 : memref<!tpu.dma_semaphore, #tpu.memory_space<semaphore_mem>>) src(%dma_wait3A_2976 : memref<1000000x32xf32, #tpu.memory_space<hbm>>) dst(%dma_wait3A_2970 : memref<1024x32xf32, #tpu.memory_space<vmem>>)
    %add3A_2977 = arith.constant 4 : i32
    %add3A_2978 = arith.addi %mul3A_2, %add3A_2977 : i32
    %jit3A_2979 = arith.constant 8 : i32
    %div3A_2980 = arith.divsi %add3A_2978, %jit3A_2979 : i32
    %sign3A_2981 = arith.constant 0 : i32
    %sign3A_2982 = arith.cmpi sgt, %add3A_2978, %sign3A_2981 : i32
    %sign3A_2983 = arith.extui %sign3A_2982 : i1 to i32
    %sign3A_2984 = arith.constant 0 : i32
    %sign3A_2985 = arith.cmpi slt, %add3A_2978, %sign3A_2984 : i32
    %sign3A_2986 = arith.extui %sign3A_2985 : i1 to i32
    %sign3A_2987 = arith.subi %sign3A_2983, %sign3A_2986 : i32
    %sign3A_2988 = arith.constant 0 : i32
    %sign3A_2989 = arith.cmpi sgt, %jit3A_2979, %sign3A_2988 : i32
    %sign3A_2990 = arith.extui %sign3A_2989 : i1 to i32
    %sign3A_2991 = arith.constant 0 : i32
    %sign3A_2992 = arith.cmpi slt, %jit3A_2979, %sign3A_2991 : i32
    %sign3A_2993 = arith.extui %sign3A_2992 : i1 to i32
    %sign3A_2994 = arith.subi %sign3A_2990, %sign3A_2993 : i32
    %ne3A_2995 = arith.cmpi ne, %sign3A_2987, %sign3A_2994 : i32
    %rem3A_2996 = arith.remsi %add3A_2978, %jit3A_2979 : i32
    %ne3A_2997 = arith.constant 0 : i32
    %ne3A_2998 = arith.cmpi ne, %rem3A_2996, %ne3A_2997 : i32
    %and3A_2999 = arith.andi %ne3A_2995, %ne3A_2998 : i1
    %sub3A_3000 = arith.constant 1 : i32
    %sub3A_3001 = arith.subi %div3A_2980, %sub3A_3000 : i32
    %select_n3A_3002 = arith.select %and3A_2999, %sub3A_3001, %div3A_2980 : i32
    %jit3A_3003 = arith.constant 8 : i32
    %eq3A_3004 = arith.constant 0 : i32
    %eq3A_3005 = arith.cmpi eq, %jit3A_3003, %eq3A_3004 : i32
    %jit3A_3006 = arith.constant 1 : i32
    %select_n3A_3007 = arith.select %eq3A_3005, %jit3A_3006, %jit3A_3003 : i32
    %rem3A_3008 = arith.remsi %add3A_2978, %select_n3A_3007 : i32
    %ne3A_3009 = arith.constant 0 : i32
    %ne3A_3010 = arith.cmpi ne, %rem3A_3008, %ne3A_3009 : i32
    %lt3A_3011 = arith.constant 0 : i32
    %lt3A_3012 = arith.cmpi slt, %rem3A_3008, %lt3A_3011 : i32
    %lt3A_3013 = arith.constant 0 : i32
    %lt3A_3014 = arith.cmpi slt, %select_n3A_3007, %lt3A_3013 : i32
    %ne3A_3015 = arith.xori %lt3A_3012, %lt3A_3014 : i1
    %and3A_3016 = arith.andi %ne3A_3015, %ne3A_3010 : i1
    %add3A_3017 = arith.addi %rem3A_3008, %select_n3A_3007 : i32
    %select_n3A_3018 = arith.select %and3A_3016, %add3A_3017, %rem3A_3008 : i32
    %dma_start3A_3019 = arith.constant 1 : i32
    %dma_start3A_3020 = arith.constant 0 : i32
    %dma_start3A_3021 = tpu.memref_slice %arg5[%dma_start3A_3019, %dma_start3A_3020] : memref<2x1024xi32, #tpu.memory_space<vmem>> -> memref<1x1024xi32, #tpu.memory_space<vmem>>
    %dma_start3A_3022 = tpu.memref_squeeze %dma_start3A_3021 : memref<1x1024xi32, #tpu.memory_space<vmem>> -> memref<1024xi32, #tpu.memory_space<vmem>>
    %dma_start3A_3023 = arith.constant 3072 : i32
    %dma_start3A_3024 = tpu.memref_slice %arg2[%select_n3A_3002, %select_n3A_3018, %dma_start3A_3023] : memref<20x8x4096xi32, #tpu.memory_space<hbm>> -> memref<1x1x1024xi32, #tpu.memory_space<hbm>>
    %dma_start3A_3025 = tpu.memref_squeeze %dma_start3A_3024 : memref<1x1x1024xi32, #tpu.memory_space<hbm>> -> memref<1024xi32, #tpu.memory_space<hbm>>
    %dma_start3A_3026 = arith.constant 0 : i32
    %dma_start3A_3027 = tpu.memref_slice %arg5[%dma_start3A_3019, %dma_start3A_3026] : memref<2x1024xi32, #tpu.memory_space<vmem>> -> memref<1x1024xi32, #tpu.memory_space<vmem>>
    %dma_start3A_3028 = tpu.memref_squeeze %dma_start3A_3027 : memref<1x1024xi32, #tpu.memory_space<vmem>> -> memref<1024xi32, #tpu.memory_space<vmem>>
    %dma_start3A_3029 = arith.constant 3072 : i32
    %dma_start3A_3030 = tpu.memref_slice %arg2[%select_n3A_3002, %select_n3A_3018, %dma_start3A_3029] : memref<20x8x4096xi32, #tpu.memory_space<hbm>> -> memref<1x1x1024xi32, #tpu.memory_space<hbm>>
    %dma_start3A_3031 = tpu.memref_squeeze %dma_start3A_3030 : memref<1x1x1024xi32, #tpu.memory_space<hbm>> -> memref<1024xi32, #tpu.memory_space<hbm>>
    tpu.enqueue_dma source(%dma_start3A_3031 : memref<1024xi32, #tpu.memory_space<hbm>>) target(%dma_start3A_3028 : memref<1024xi32, #tpu.memory_space<vmem>>) target_semaphore(%arg8 : memref<!tpu.dma_semaphore, #tpu.memory_space<semaphore_mem>>)
    %add3A_3032 = arith.constant 4 : i32
    %add3A_3033 = arith.addi %mul3A_2, %add3A_3032 : i32
    %jit3A_3034 = arith.constant 8 : i32
    %div3A_3035 = arith.divsi %add3A_3033, %jit3A_3034 : i32
    %sign3A_3036 = arith.constant 0 : i32
    %sign3A_3037 = arith.cmpi sgt, %add3A_3033, %sign3A_3036 : i32
    %sign3A_3038 = arith.extui %sign3A_3037 : i1 to i32
    %sign3A_3039 = arith.constant 0 : i32
    %sign3A_3040 = arith.cmpi slt, %add3A_3033, %sign3A_3039 : i32
    %sign3A_3041 = arith.extui %sign3A_3040 : i1 to i32
    %sign3A_3042 = arith.subi %sign3A_3038, %sign3A_3041 : i32
    %sign3A_3043 = arith.constant 0 : i32
    %sign3A_3044 = arith.cmpi sgt, %jit3A_3034, %sign3A_3043 : i32
    %sign3A_3045 = arith.extui %sign3A_3044 : i1 to i32
    %sign3A_3046 = arith.constant 0 : i32
    %sign3A_3047 = arith.cmpi slt, %jit3A_3034, %sign3A_3046 : i32
    %sign3A_3048 = arith.extui %sign3A_3047 : i1 to i32
    %sign3A_3049 = arith.subi %sign3A_3045, %sign3A_3048 : i32
    %ne3A_3050 = arith.cmpi ne, %sign3A_3042, %sign3A_3049 : i32
    %rem3A_3051 = arith.remsi %add3A_3033, %jit3A_3034 : i32
    %ne3A_3052 = arith.constant 0 : i32
    %ne3A_3053 = arith.cmpi ne, %rem3A_3051, %ne3A_3052 : i32
    %and3A_3054 = arith.andi %ne3A_3050, %ne3A_3053 : i1
    %sub3A_3055 = arith.constant 1 : i32
    %sub3A_3056 = arith.subi %div3A_3035, %sub3A_3055 : i32
    %select_n3A_3057 = arith.select %and3A_3054, %sub3A_3056, %div3A_3035 : i32
    %jit3A_3058 = arith.constant 8 : i32
    %eq3A_3059 = arith.constant 0 : i32
    %eq3A_3060 = arith.cmpi eq, %jit3A_3058, %eq3A_3059 : i32
    %jit3A_3061 = arith.constant 1 : i32
    %select_n3A_3062 = arith.select %eq3A_3060, %jit3A_3061, %jit3A_3058 : i32
    %rem3A_3063 = arith.remsi %add3A_3033, %select_n3A_3062 : i32
    %ne3A_3064 = arith.constant 0 : i32
    %ne3A_3065 = arith.cmpi ne, %rem3A_3063, %ne3A_3064 : i32
    %lt3A_3066 = arith.constant 0 : i32
    %lt3A_3067 = arith.cmpi slt, %rem3A_3063, %lt3A_3066 : i32
    %lt3A_3068 = arith.constant 0 : i32
    %lt3A_3069 = arith.cmpi slt, %select_n3A_3062, %lt3A_3068 : i32
    %ne3A_3070 = arith.xori %lt3A_3067, %lt3A_3069 : i1
    %and3A_3071 = arith.andi %ne3A_3070, %ne3A_3065 : i1
    %add3A_3072 = arith.addi %rem3A_3063, %select_n3A_3062 : i32
    %select_n3A_3073 = arith.select %and3A_3071, %add3A_3072, %rem3A_3063 : i32
    %dma_start3A_3074 = arith.constant 1 : i32
    %dma_start3A_3075 = arith.constant 0 : i32
    %dma_start3A_3076 = arith.constant 0 : i32
    %dma_start3A_3077 = tpu.memref_slice %arg6[%dma_start3A_3074, %dma_start3A_3075, %dma_start3A_3076] : memref<2x1024x32xf32, #tpu.memory_space<vmem>> -> memref<1x1024x32xf32, #tpu.memory_space<vmem>>
    %dma_start3A_3078 = tpu.memref_squeeze %dma_start3A_3077 : memref<1x1024x32xf32, #tpu.memory_space<vmem>> -> memref<1024x32xf32, #tpu.memory_space<vmem>>
    %dma_start3A_3079 = arith.constant 1024 : i32
    %dma_start3A_3080 = arith.constant 0 : i32
    %dma_start3A_3081 = tpu.memref_slice %arg4[%dma_start3A_3079, %select_n3A_3057, %select_n3A_3073, %dma_start3A_3080] : memref<4096x20x8x32xf32, #tpu.memory_space<hbm>> -> memref<1024x1x1x32xf32, #tpu.memory_space<hbm>>
    %dma_start3A_3082 = tpu.memref_squeeze %dma_start3A_3081 : memref<1024x1x1x32xf32, #tpu.memory_space<hbm>> -> memref<1024x32xf32, #tpu.memory_space<hbm>>
    %dma_start3A_3083 = arith.constant 1024 : i32
    %dma_start3A_3084 = arith.constant 0 : i32
    %dma_start3A_3085 = tpu.memref_slice %arg4[%dma_start3A_3083, %select_n3A_3057, %select_n3A_3073, %dma_start3A_3084] : memref<4096x20x8x32xf32, #tpu.memory_space<hbm>> -> memref<1024x1x1x32xf32, #tpu.memory_space<hbm>>
    %dma_start3A_3086 = tpu.memref_squeeze %dma_start3A_3085 : memref<1024x1x1x32xf32, #tpu.memory_space<hbm>> -> memref<1024x32xf32, #tpu.memory_space<hbm>>
    %dma_start3A_3087 = arith.constant 0 : i32
    %dma_start3A_3088 = arith.constant 0 : i32
    %dma_start3A_3089 = tpu.memref_slice %arg6[%dma_start3A_3074, %dma_start3A_3087, %dma_start3A_3088] : memref<2x1024x32xf32, #tpu.memory_space<vmem>> -> memref<1x1024x32xf32, #tpu.memory_space<vmem>>
    %dma_start3A_3090 = tpu.memref_squeeze %dma_start3A_3089 : memref<1x1024x32xf32, #tpu.memory_space<vmem>> -> memref<1024x32xf32, #tpu.memory_space<vmem>>
    tpu.enqueue_dma source(%dma_start3A_3090 : memref<1024x32xf32, #tpu.memory_space<vmem>>) target(%dma_start3A_3086 : memref<1024x32xf32, #tpu.memory_space<hbm>>) target_semaphore(%arg12 : memref<!tpu.dma_semaphore, #tpu.memory_space<semaphore_mem>>)
    %dma_wait3A_3091 = arith.constant 0 : i32
    %dma_wait3A_3092 = arith.constant 0 : i32
    %dma_wait3A_3093 = arith.constant 0 : i32
    %dma_wait3A_3094 = tpu.memref_slice %arg6[%dma_wait3A_3091, %dma_wait3A_3092, %dma_wait3A_3093] : memref<2x1024x32xf32, #tpu.memory_space<vmem>> -> memref<1x1024x32xf32, #tpu.memory_space<vmem>>
    %dma_wait3A_3095 = tpu.memref_squeeze %dma_wait3A_3094 : memref<1x1024x32xf32, #tpu.memory_space<vmem>> -> memref<1024x32xf32, #tpu.memory_space<vmem>>
    %dma_wait3A_3096 = arith.constant 0 : i32
    %dma_wait3A_3097 = arith.constant 0 : i32
    %dma_wait3A_3098 = tpu.memref_slice %arg4[%dma_wait3A_3096, %select_n3A_2889, %select_n3A_2905, %dma_wait3A_3097] : memref<4096x20x8x32xf32, #tpu.memory_space<hbm>> -> memref<1024x1x1x32xf32, #tpu.memory_space<hbm>>
    %dma_wait3A_3099 = tpu.memref_squeeze %dma_wait3A_3098 : memref<1024x1x1x32xf32, #tpu.memory_space<hbm>> -> memref<1024x32xf32, #tpu.memory_space<hbm>>
    %dma_wait3A_3100 = arith.constant 0 : i32
    %dma_wait3A_3101 = arith.constant 0 : i32
    %dma_wait3A_3102 = tpu.memref_slice %arg4[%dma_wait3A_3100, %select_n3A_2889, %select_n3A_2905, %dma_wait3A_3101] : memref<4096x20x8x32xf32, #tpu.memory_space<hbm>> -> memref<1024x1x1x32xf32, #tpu.memory_space<hbm>>
    %dma_wait3A_3103 = tpu.memref_squeeze %dma_wait3A_3102 : memref<1024x1x1x32xf32, #tpu.memory_space<hbm>> -> memref<1024x32xf32, #tpu.memory_space<hbm>>
    %dma_wait3A_3104 = arith.constant 0 : i32
    %dma_wait3A_3105 = arith.constant 0 : i32
    %dma_wait3A_3106 = tpu.memref_slice %arg6[%dma_wait3A_3091, %dma_wait3A_3104, %dma_wait3A_3105] : memref<2x1024x32xf32, #tpu.memory_space<vmem>> -> memref<1x1024x32xf32, #tpu.memory_space<vmem>>
    %dma_wait3A_3107 = tpu.memref_squeeze %dma_wait3A_3106 : memref<1x1024x32xf32, #tpu.memory_space<vmem>> -> memref<1024x32xf32, #tpu.memory_space<vmem>>
    tpu.wait_dma2 semaphore(%arg11 : memref<!tpu.dma_semaphore, #tpu.memory_space<semaphore_mem>>) src(%dma_wait3A_3107 : memref<1024x32xf32, #tpu.memory_space<vmem>>) dst(%dma_wait3A_3103 : memref<1024x32xf32, #tpu.memory_space<hbm>>)
    %dma_wait3A_3108 = arith.constant 0 : i32
    %dma_wait3A_3109 = arith.constant 0 : i32
    %dma_wait3A_3110 = tpu.memref_slice %arg5[%dma_wait3A_3108, %dma_wait3A_3109] : memref<2x1024xi32, #tpu.memory_space<vmem>> -> memref<1x1024xi32, #tpu.memory_space<vmem>>
    %dma_wait3A_3111 = tpu.memref_squeeze %dma_wait3A_3110 : memref<1x1024xi32, #tpu.memory_space<vmem>> -> memref<1024xi32, #tpu.memory_space<vmem>>
    %dma_wait3A_3112 = arith.constant 2048 : i32
    %dma_wait3A_3113 = tpu.memref_slice %arg2[%select_n3A_2834, %select_n3A_2850, %dma_wait3A_3112] : memref<20x8x4096xi32, #tpu.memory_space<hbm>> -> memref<1x1x1024xi32, #tpu.memory_space<hbm>>
    %dma_wait3A_3114 = tpu.memref_squeeze %dma_wait3A_3113 : memref<1x1x1024xi32, #tpu.memory_space<hbm>> -> memref<1024xi32, #tpu.memory_space<hbm>>
    %dma_wait3A_3115 = arith.constant 0 : i32
    %dma_wait3A_3116 = tpu.memref_slice %arg5[%dma_wait3A_3108, %dma_wait3A_3115] : memref<2x1024xi32, #tpu.memory_space<vmem>> -> memref<1x1024xi32, #tpu.memory_space<vmem>>
    %dma_wait3A_3117 = tpu.memref_squeeze %dma_wait3A_3116 : memref<1x1024xi32, #tpu.memory_space<vmem>> -> memref<1024xi32, #tpu.memory_space<vmem>>
    %dma_wait3A_3118 = arith.constant 2048 : i32
    %dma_wait3A_3119 = tpu.memref_slice %arg2[%select_n3A_2834, %select_n3A_2850, %dma_wait3A_3118] : memref<20x8x4096xi32, #tpu.memory_space<hbm>> -> memref<1x1x1024xi32, #tpu.memory_space<hbm>>
    %dma_wait3A_3120 = tpu.memref_squeeze %dma_wait3A_3119 : memref<1x1x1024xi32, #tpu.memory_space<hbm>> -> memref<1024xi32, #tpu.memory_space<hbm>>
    tpu.wait_dma2 semaphore(%arg7 : memref<!tpu.dma_semaphore, #tpu.memory_space<semaphore_mem>>) src(%dma_wait3A_3120 : memref<1024xi32, #tpu.memory_space<hbm>>) dst(%dma_wait3A_3117 : memref<1024xi32, #tpu.memory_space<vmem>>)
    %dma_start3A_3121 = arith.constant 0 : i32
    %dma_start3A_3122 = arith.constant 0 : i32
    %dma_start3A_3123 = arith.constant 0 : i32
    %dma_start3A_3124 = arith.constant 0 : i32
    %dma_start3A_3125 = tpu.memref_slice %arg6[%dma_start3A_3122, %dma_start3A_3123, %dma_start3A_3124] : memref<2x1024x32xf32, #tpu.memory_space<vmem>> -> memref<1x1024x32xf32, #tpu.memory_space<vmem>>
    %dma_start3A_3126 = tpu.memref_squeeze %dma_start3A_3125 : memref<1x1024x32xf32, #tpu.memory_space<vmem>> -> memref<1024x32xf32, #tpu.memory_space<vmem>>
    %dma_start3A_3127 = arith.constant 0 : i32
    %dma_start3A_3128 = tpu.memref_slice %arg5[%dma_start3A_3121, %dma_start3A_3127] : memref<2x1024xi32, #tpu.memory_space<vmem>> -> memref<1x1024xi32, #tpu.memory_space<vmem>>
    %dma_start3A_3129 = tpu.memref_squeeze %dma_start3A_3128 : memref<1x1024xi32, #tpu.memory_space<vmem>> -> memref<1024xi32, #tpu.memory_space<vmem>>
    %dma_start3A_3130 = arith.constant 0 : i32
    %dma_start3A_3131 = arith.constant 0 : i32
    %dma_start3A_3132 = tpu.memref_slice %arg3[%dma_start3A_3130, %dma_start3A_3131] : memref<1000000x32xf32, #tpu.memory_space<hbm>> -> memref<1000000x32xf32, #tpu.memory_space<hbm>>
    tpu.enqueue_indirect_dma source(%dma_start3A_3132 : memref<1000000x32xf32, #tpu.memory_space<hbm>>) target(%dma_start3A_3126 : memref<1024x32xf32, #tpu.memory_space<vmem>>) offsets(%dma_start3A_3129 : memref<1024xi32, #tpu.memory_space<vmem>>) semaphore(%arg9 : memref<!tpu.dma_semaphore, #tpu.memory_space<semaphore_mem>>)
    %dma_wait3A_3133 = arith.constant 0 : i32
    %dma_wait3A_3134 = arith.constant 0 : i32
    %dma_wait3A_3135 = arith.constant 0 : i32
    %dma_wait3A_3136 = arith.constant 0 : i32
    %dma_wait3A_3137 = tpu.memref_slice %arg6[%dma_wait3A_3134, %dma_wait3A_3135, %dma_wait3A_3136] : memref<2x1024x32xf32, #tpu.memory_space<vmem>> -> memref<1x1024x32xf32, #tpu.memory_space<vmem>>
    %dma_wait3A_3138 = tpu.memref_squeeze %dma_wait3A_3137 : memref<1x1024x32xf32, #tpu.memory_space<vmem>> -> memref<1024x32xf32, #tpu.memory_space<vmem>>
    %dma_wait3A_3139 = arith.constant 0 : i32
    %dma_wait3A_3140 = tpu.memref_slice %arg5[%dma_wait3A_3133, %dma_wait3A_3139] : memref<2x1024xi32, #tpu.memory_space<vmem>> -> memref<1x1024xi32, #tpu.memory_space<vmem>>
    %dma_wait3A_3141 = tpu.memref_squeeze %dma_wait3A_3140 : memref<1x1024xi32, #tpu.memory_space<vmem>> -> memref<1024xi32, #tpu.memory_space<vmem>>
    %dma_wait3A_3142 = arith.constant 0 : i32
    %dma_wait3A_3143 = arith.constant 0 : i32
    %dma_wait3A_3144 = tpu.memref_slice %arg3[%dma_wait3A_3142, %dma_wait3A_3143] : memref<1000000x32xf32, #tpu.memory_space<hbm>> -> memref<1000000x32xf32, #tpu.memory_space<hbm>>
    tpu.wait_indirect_dma semaphore(%arg9 : memref<!tpu.dma_semaphore, #tpu.memory_space<semaphore_mem>>) src(%dma_wait3A_3144 : memref<1000000x32xf32, #tpu.memory_space<hbm>>) dst(%dma_wait3A_3138 : memref<1024x32xf32, #tpu.memory_space<vmem>>)
    %add3A_3145 = arith.constant 4 : i32
    %add3A_3146 = arith.addi %mul3A_2, %add3A_3145 : i32
    %jit3A_3147 = arith.constant 8 : i32
    %div3A_3148 = arith.divsi %add3A_3146, %jit3A_3147 : i32
    %sign3A_3149 = arith.constant 0 : i32
    %sign3A_3150 = arith.cmpi sgt, %add3A_3146, %sign3A_3149 : i32
    %sign3A_3151 = arith.extui %sign3A_3150 : i1 to i32
    %sign3A_3152 = arith.constant 0 : i32
    %sign3A_3153 = arith.cmpi slt, %add3A_3146, %sign3A_3152 : i32
    %sign3A_3154 = arith.extui %sign3A_3153 : i1 to i32
    %sign3A_3155 = arith.subi %sign3A_3151, %sign3A_3154 : i32
    %sign3A_3156 = arith.constant 0 : i32
    %sign3A_3157 = arith.cmpi sgt, %jit3A_3147, %sign3A_3156 : i32
    %sign3A_3158 = arith.extui %sign3A_3157 : i1 to i32
    %sign3A_3159 = arith.constant 0 : i32
    %sign3A_3160 = arith.cmpi slt, %jit3A_3147, %sign3A_3159 : i32
    %sign3A_3161 = arith.extui %sign3A_3160 : i1 to i32
    %sign3A_3162 = arith.subi %sign3A_3158, %sign3A_3161 : i32
    %ne3A_3163 = arith.cmpi ne, %sign3A_3155, %sign3A_3162 : i32
    %rem3A_3164 = arith.remsi %add3A_3146, %jit3A_3147 : i32
    %ne3A_3165 = arith.constant 0 : i32
    %ne3A_3166 = arith.cmpi ne, %rem3A_3164, %ne3A_3165 : i32
    %and3A_3167 = arith.andi %ne3A_3163, %ne3A_3166 : i1
    %sub3A_3168 = arith.constant 1 : i32
    %sub3A_3169 = arith.subi %div3A_3148, %sub3A_3168 : i32
    %select_n3A_3170 = arith.select %and3A_3167, %sub3A_3169, %div3A_3148 : i32
    %jit3A_3171 = arith.constant 8 : i32
    %eq3A_3172 = arith.constant 0 : i32
    %eq3A_3173 = arith.cmpi eq, %jit3A_3171, %eq3A_3172 : i32
    %jit3A_3174 = arith.constant 1 : i32
    %select_n3A_3175 = arith.select %eq3A_3173, %jit3A_3174, %jit3A_3171 : i32
    %rem3A_3176 = arith.remsi %add3A_3146, %select_n3A_3175 : i32
    %ne3A_3177 = arith.constant 0 : i32
    %ne3A_3178 = arith.cmpi ne, %rem3A_3176, %ne3A_3177 : i32
    %lt3A_3179 = arith.constant 0 : i32
    %lt3A_3180 = arith.cmpi slt, %rem3A_3176, %lt3A_3179 : i32
    %lt3A_3181 = arith.constant 0 : i32
    %lt3A_3182 = arith.cmpi slt, %select_n3A_3175, %lt3A_3181 : i32
    %ne3A_3183 = arith.xori %lt3A_3180, %lt3A_3182 : i1
    %and3A_3184 = arith.andi %ne3A_3183, %ne3A_3178 : i1
    %add3A_3185 = arith.addi %rem3A_3176, %select_n3A_3175 : i32
    %select_n3A_3186 = arith.select %and3A_3184, %add3A_3185, %rem3A_3176 : i32
    %dma_start3A_3187 = arith.constant 0 : i32
    %dma_start3A_3188 = arith.constant 0 : i32
    %dma_start3A_3189 = arith.constant 0 : i32
    %dma_start3A_3190 = tpu.memref_slice %arg6[%dma_start3A_3187, %dma_start3A_3188, %dma_start3A_3189] : memref<2x1024x32xf32, #tpu.memory_space<vmem>> -> memref<1x1024x32xf32, #tpu.memory_space<vmem>>
    %dma_start3A_3191 = tpu.memref_squeeze %dma_start3A_3190 : memref<1x1024x32xf32, #tpu.memory_space<vmem>> -> memref<1024x32xf32, #tpu.memory_space<vmem>>
    %dma_start3A_3192 = arith.constant 2048 : i32
    %dma_start3A_3193 = arith.constant 0 : i32
    %dma_start3A_3194 = tpu.memref_slice %arg4[%dma_start3A_3192, %select_n3A_3170, %select_n3A_3186, %dma_start3A_3193] : memref<4096x20x8x32xf32, #tpu.memory_space<hbm>> -> memref<1024x1x1x32xf32, #tpu.memory_space<hbm>>
    %dma_start3A_3195 = tpu.memref_squeeze %dma_start3A_3194 : memref<1024x1x1x32xf32, #tpu.memory_space<hbm>> -> memref<1024x32xf32, #tpu.memory_space<hbm>>
    %dma_start3A_3196 = arith.constant 2048 : i32
    %dma_start3A_3197 = arith.constant 0 : i32
    %dma_start3A_3198 = tpu.memref_slice %arg4[%dma_start3A_3196, %select_n3A_3170, %select_n3A_3186, %dma_start3A_3197] : memref<4096x20x8x32xf32, #tpu.memory_space<hbm>> -> memref<1024x1x1x32xf32, #tpu.memory_space<hbm>>
    %dma_start3A_3199 = tpu.memref_squeeze %dma_start3A_3198 : memref<1024x1x1x32xf32, #tpu.memory_space<hbm>> -> memref<1024x32xf32, #tpu.memory_space<hbm>>
    %dma_start3A_3200 = arith.constant 0 : i32
    %dma_start3A_3201 = arith.constant 0 : i32
    %dma_start3A_3202 = tpu.memref_slice %arg6[%dma_start3A_3187, %dma_start3A_3200, %dma_start3A_3201] : memref<2x1024x32xf32, #tpu.memory_space<vmem>> -> memref<1x1024x32xf32, #tpu.memory_space<vmem>>
    %dma_start3A_3203 = tpu.memref_squeeze %dma_start3A_3202 : memref<1x1024x32xf32, #tpu.memory_space<vmem>> -> memref<1024x32xf32, #tpu.memory_space<vmem>>
    tpu.enqueue_dma source(%dma_start3A_3203 : memref<1024x32xf32, #tpu.memory_space<vmem>>) target(%dma_start3A_3199 : memref<1024x32xf32, #tpu.memory_space<hbm>>) target_semaphore(%arg11 : memref<!tpu.dma_semaphore, #tpu.memory_space<semaphore_mem>>)
    %dma_wait3A_3204 = arith.constant 1 : i32
    %dma_wait3A_3205 = arith.constant 0 : i32
    %dma_wait3A_3206 = arith.constant 0 : i32
    %dma_wait3A_3207 = tpu.memref_slice %arg6[%dma_wait3A_3204, %dma_wait3A_3205, %dma_wait3A_3206] : memref<2x1024x32xf32, #tpu.memory_space<vmem>> -> memref<1x1024x32xf32, #tpu.memory_space<vmem>>
    %dma_wait3A_3208 = tpu.memref_squeeze %dma_wait3A_3207 : memref<1x1024x32xf32, #tpu.memory_space<vmem>> -> memref<1024x32xf32, #tpu.memory_space<vmem>>
    %dma_wait3A_3209 = arith.constant 1024 : i32
    %dma_wait3A_3210 = arith.constant 0 : i32
    %dma_wait3A_3211 = tpu.memref_slice %arg4[%dma_wait3A_3209, %select_n3A_3057, %select_n3A_3073, %dma_wait3A_3210] : memref<4096x20x8x32xf32, #tpu.memory_space<hbm>> -> memref<1024x1x1x32xf32, #tpu.memory_space<hbm>>
    %dma_wait3A_3212 = tpu.memref_squeeze %dma_wait3A_3211 : memref<1024x1x1x32xf32, #tpu.memory_space<hbm>> -> memref<1024x32xf32, #tpu.memory_space<hbm>>
    %dma_wait3A_3213 = arith.constant 1024 : i32
    %dma_wait3A_3214 = arith.constant 0 : i32
    %dma_wait3A_3215 = tpu.memref_slice %arg4[%dma_wait3A_3213, %select_n3A_3057, %select_n3A_3073, %dma_wait3A_3214] : memref<4096x20x8x32xf32, #tpu.memory_space<hbm>> -> memref<1024x1x1x32xf32, #tpu.memory_space<hbm>>
    %dma_wait3A_3216 = tpu.memref_squeeze %dma_wait3A_3215 : memref<1024x1x1x32xf32, #tpu.memory_space<hbm>> -> memref<1024x32xf32, #tpu.memory_space<hbm>>
    %dma_wait3A_3217 = arith.constant 0 : i32
    %dma_wait3A_3218 = arith.constant 0 : i32
    %dma_wait3A_3219 = tpu.memref_slice %arg6[%dma_wait3A_3204, %dma_wait3A_3217, %dma_wait3A_3218] : memref<2x1024x32xf32, #tpu.memory_space<vmem>> -> memref<1x1024x32xf32, #tpu.memory_space<vmem>>
    %dma_wait3A_3220 = tpu.memref_squeeze %dma_wait3A_3219 : memref<1x1024x32xf32, #tpu.memory_space<vmem>> -> memref<1024x32xf32, #tpu.memory_space<vmem>>
    tpu.wait_dma2 semaphore(%arg12 : memref<!tpu.dma_semaphore, #tpu.memory_space<semaphore_mem>>) src(%dma_wait3A_3220 : memref<1024x32xf32, #tpu.memory_space<vmem>>) dst(%dma_wait3A_3216 : memref<1024x32xf32, #tpu.memory_space<hbm>>)
    %dma_wait3A_3221 = arith.constant 1 : i32
    %dma_wait3A_3222 = arith.constant 0 : i32
    %dma_wait3A_3223 = tpu.memref_slice %arg5[%dma_wait3A_3221, %dma_wait3A_3222] : memref<2x1024xi32, #tpu.memory_space<vmem>> -> memref<1x1024xi32, #tpu.memory_space<vmem>>
    %dma_wait3A_3224 = tpu.memref_squeeze %dma_wait3A_3223 : memref<1x1024xi32, #tpu.memory_space<vmem>> -> memref<1024xi32, #tpu.memory_space<vmem>>
    %dma_wait3A_3225 = arith.constant 3072 : i32
    %dma_wait3A_3226 = tpu.memref_slice %arg2[%select_n3A_3002, %select_n3A_3018, %dma_wait3A_3225] : memref<20x8x4096xi32, #tpu.memory_space<hbm>> -> memref<1x1x1024xi32, #tpu.memory_space<hbm>>
    %dma_wait3A_3227 = tpu.memref_squeeze %dma_wait3A_3226 : memref<1x1x1024xi32, #tpu.memory_space<hbm>> -> memref<1024xi32, #tpu.memory_space<hbm>>
    %dma_wait3A_3228 = arith.constant 0 : i32
    %dma_wait3A_3229 = tpu.memref_slice %arg5[%dma_wait3A_3221, %dma_wait3A_3228] : memref<2x1024xi32, #tpu.memory_space<vmem>> -> memref<1x1024xi32, #tpu.memory_space<vmem>>
    %dma_wait3A_3230 = tpu.memref_squeeze %dma_wait3A_3229 : memref<1x1024xi32, #tpu.memory_space<vmem>> -> memref<1024xi32, #tpu.memory_space<vmem>>
    %dma_wait3A_3231 = arith.constant 3072 : i32
    %dma_wait3A_3232 = tpu.memref_slice %arg2[%select_n3A_3002, %select_n3A_3018, %dma_wait3A_3231] : memref<20x8x4096xi32, #tpu.memory_space<hbm>> -> memref<1x1x1024xi32, #tpu.memory_space<hbm>>
    %dma_wait3A_3233 = tpu.memref_squeeze %dma_wait3A_3232 : memref<1x1x1024xi32, #tpu.memory_space<hbm>> -> memref<1024xi32, #tpu.memory_space<hbm>>
    tpu.wait_dma2 semaphore(%arg8 : memref<!tpu.dma_semaphore, #tpu.memory_space<semaphore_mem>>) src(%dma_wait3A_3233 : memref<1024xi32, #tpu.memory_space<hbm>>) dst(%dma_wait3A_3230 : memref<1024xi32, #tpu.memory_space<vmem>>)
    %dma_start3A_3234 = arith.constant 1 : i32
    %dma_start3A_3235 = arith.constant 1 : i32
    %dma_start3A_3236 = arith.constant 0 : i32
    %dma_start3A_3237 = arith.constant 0 : i32
    %dma_start3A_3238 = tpu.memref_slice %arg6[%dma_start3A_3235, %dma_start3A_3236, %dma_start3A_3237] : memref<2x1024x32xf32, #tpu.memory_space<vmem>> -> memref<1x1024x32xf32, #tpu.memory_space<vmem>>
    %dma_start3A_3239 = tpu.memref_squeeze %dma_start3A_3238 : memref<1x1024x32xf32, #tpu.memory_space<vmem>> -> memref<1024x32xf32, #tpu.memory_space<vmem>>
    %dma_start3A_3240 = arith.constant 0 : i32
    %dma_start3A_3241 = tpu.memref_slice %arg5[%dma_start3A_3234, %dma_start3A_3240] : memref<2x1024xi32, #tpu.memory_space<vmem>> -> memref<1x1024xi32, #tpu.memory_space<vmem>>
    %dma_start3A_3242 = tpu.memref_squeeze %dma_start3A_3241 : memref<1x1024xi32, #tpu.memory_space<vmem>> -> memref<1024xi32, #tpu.memory_space<vmem>>
    %dma_start3A_3243 = arith.constant 0 : i32
    %dma_start3A_3244 = arith.constant 0 : i32
    %dma_start3A_3245 = tpu.memref_slice %arg3[%dma_start3A_3243, %dma_start3A_3244] : memref<1000000x32xf32, #tpu.memory_space<hbm>> -> memref<1000000x32xf32, #tpu.memory_space<hbm>>
    tpu.enqueue_indirect_dma source(%dma_start3A_3245 : memref<1000000x32xf32, #tpu.memory_space<hbm>>) target(%dma_start3A_3239 : memref<1024x32xf32, #tpu.memory_space<vmem>>) offsets(%dma_start3A_3242 : memref<1024xi32, #tpu.memory_space<vmem>>) semaphore(%arg10 : memref<!tpu.dma_semaphore, #tpu.memory_space<semaphore_mem>>)
    %dma_wait3A_3246 = arith.constant 1 : i32
    %dma_wait3A_3247 = arith.constant 1 : i32
    %dma_wait3A_3248 = arith.constant 0 : i32
    %dma_wait3A_3249 = arith.constant 0 : i32
    %dma_wait3A_3250 = tpu.memref_slice %arg6[%dma_wait3A_3247, %dma_wait3A_3248, %dma_wait3A_3249] : memref<2x1024x32xf32, #tpu.memory_space<vmem>> -> memref<1x1024x32xf32, #tpu.memory_space<vmem>>
    %dma_wait3A_3251 = tpu.memref_squeeze %dma_wait3A_3250 : memref<1x1024x32xf32, #tpu.memory_space<vmem>> -> memref<1024x32xf32, #tpu.memory_space<vmem>>
    %dma_wait3A_3252 = arith.constant 0 : i32
    %dma_wait3A_3253 = tpu.memref_slice %arg5[%dma_wait3A_3246, %dma_wait3A_3252] : memref<2x1024xi32, #tpu.memory_space<vmem>> -> memref<1x1024xi32, #tpu.memory_space<vmem>>
    %dma_wait3A_3254 = tpu.memref_squeeze %dma_wait3A_3253 : memref<1x1024xi32, #tpu.memory_space<vmem>> -> memref<1024xi32, #tpu.memory_space<vmem>>
    %dma_wait3A_3255 = arith.constant 0 : i32
    %dma_wait3A_3256 = arith.constant 0 : i32
    %dma_wait3A_3257 = tpu.memref_slice %arg3[%dma_wait3A_3255, %dma_wait3A_3256] : memref<1000000x32xf32, #tpu.memory_space<hbm>> -> memref<1000000x32xf32, #tpu.memory_space<hbm>>
    tpu.wait_indirect_dma semaphore(%arg10 : memref<!tpu.dma_semaphore, #tpu.memory_space<semaphore_mem>>) src(%dma_wait3A_3257 : memref<1000000x32xf32, #tpu.memory_space<hbm>>) dst(%dma_wait3A_3251 : memref<1024x32xf32, #tpu.memory_space<vmem>>)
    %add3A_3258 = arith.constant 4 : i32
    %add3A_3259 = arith.addi %mul3A_2, %add3A_3258 : i32
    %jit3A_3260 = arith.constant 8 : i32
    %div3A_3261 = arith.divsi %add3A_3259, %jit3A_3260 : i32
    %sign3A_3262 = arith.constant 0 : i32
    %sign3A_3263 = arith.cmpi sgt, %add3A_3259, %sign3A_3262 : i32
    %sign3A_3264 = arith.extui %sign3A_3263 : i1 to i32
    %sign3A_3265 = arith.constant 0 : i32
    %sign3A_3266 = arith.cmpi slt, %add3A_3259, %sign3A_3265 : i32
    %sign3A_3267 = arith.extui %sign3A_3266 : i1 to i32
    %sign3A_3268 = arith.subi %sign3A_3264, %sign3A_3267 : i32
    %sign3A_3269 = arith.constant 0 : i32
    %sign3A_3270 = arith.cmpi sgt, %jit3A_3260, %sign3A_3269 : i32
    %sign3A_3271 = arith.extui %sign3A_3270 : i1 to i32
    %sign3A_3272 = arith.constant 0 : i32
    %sign3A_3273 = arith.cmpi slt, %jit3A_3260, %sign3A_3272 : i32
    %sign3A_3274 = arith.extui %sign3A_3273 : i1 to i32
    %sign3A_3275 = arith.subi %sign3A_3271, %sign3A_3274 : i32
    %ne3A_3276 = arith.cmpi ne, %sign3A_3268, %sign3A_3275 : i32
    %rem3A_3277 = arith.remsi %add3A_3259, %jit3A_3260 : i32
    %ne3A_3278 = arith.constant 0 : i32
    %ne3A_3279 = arith.cmpi ne, %rem3A_3277, %ne3A_3278 : i32
    %and3A_3280 = arith.andi %ne3A_3276, %ne3A_3279 : i1
    %sub3A_3281 = arith.constant 1 : i32
    %sub3A_3282 = arith.subi %div3A_3261, %sub3A_3281 : i32
    %select_n3A_3283 = arith.select %and3A_3280, %sub3A_3282, %div3A_3261 : i32
    %jit3A_3284 = arith.constant 8 : i32
    %eq3A_3285 = arith.constant 0 : i32
    %eq3A_3286 = arith.cmpi eq, %jit3A_3284, %eq3A_3285 : i32
    %jit3A_3287 = arith.constant 1 : i32
    %select_n3A_3288 = arith.select %eq3A_3286, %jit3A_3287, %jit3A_3284 : i32
    %rem3A_3289 = arith.remsi %add3A_3259, %select_n3A_3288 : i32
    %ne3A_3290 = arith.constant 0 : i32
    %ne3A_3291 = arith.cmpi ne, %rem3A_3289, %ne3A_3290 : i32
    %lt3A_3292 = arith.constant 0 : i32
    %lt3A_3293 = arith.cmpi slt, %rem3A_3289, %lt3A_3292 : i32
    %lt3A_3294 = arith.constant 0 : i32
    %lt3A_3295 = arith.cmpi slt, %select_n3A_3288, %lt3A_3294 : i32
    %ne3A_3296 = arith.xori %lt3A_3293, %lt3A_3295 : i1
    %and3A_3297 = arith.andi %ne3A_3296, %ne3A_3291 : i1
    %add3A_3298 = arith.addi %rem3A_3289, %select_n3A_3288 : i32
    %select_n3A_3299 = arith.select %and3A_3297, %add3A_3298, %rem3A_3289 : i32
    %dma_start3A_3300 = arith.constant 1 : i32
    %dma_start3A_3301 = arith.constant 0 : i32
    %dma_start3A_3302 = arith.constant 0 : i32
    %dma_start3A_3303 = tpu.memref_slice %arg6[%dma_start3A_3300, %dma_start3A_3301, %dma_start3A_3302] : memref<2x1024x32xf32, #tpu.memory_space<vmem>> -> memref<1x1024x32xf32, #tpu.memory_space<vmem>>
    %dma_start3A_3304 = tpu.memref_squeeze %dma_start3A_3303 : memref<1x1024x32xf32, #tpu.memory_space<vmem>> -> memref<1024x32xf32, #tpu.memory_space<vmem>>
    %dma_start3A_3305 = arith.constant 3072 : i32
    %dma_start3A_3306 = arith.constant 0 : i32
    %dma_start3A_3307 = tpu.memref_slice %arg4[%dma_start3A_3305, %select_n3A_3283, %select_n3A_3299, %dma_start3A_3306] : memref<4096x20x8x32xf32, #tpu.memory_space<hbm>> -> memref<1024x1x1x32xf32, #tpu.memory_space<hbm>>
    %dma_start3A_3308 = tpu.memref_squeeze %dma_start3A_3307 : memref<1024x1x1x32xf32, #tpu.memory_space<hbm>> -> memref<1024x32xf32, #tpu.memory_space<hbm>>
    %dma_start3A_3309 = arith.constant 3072 : i32
    %dma_start3A_3310 = arith.constant 0 : i32
    %dma_start3A_3311 = tpu.memref_slice %arg4[%dma_start3A_3309, %select_n3A_3283, %select_n3A_3299, %dma_start3A_3310] : memref<4096x20x8x32xf32, #tpu.memory_space<hbm>> -> memref<1024x1x1x32xf32, #tpu.memory_space<hbm>>
    %dma_start3A_3312 = tpu.memref_squeeze %dma_start3A_3311 : memref<1024x1x1x32xf32, #tpu.memory_space<hbm>> -> memref<1024x32xf32, #tpu.memory_space<hbm>>
    %dma_start3A_3313 = arith.constant 0 : i32
    %dma_start3A_3314 = arith.constant 0 : i32
    %dma_start3A_3315 = tpu.memref_slice %arg6[%dma_start3A_3300, %dma_start3A_3313, %dma_start3A_3314] : memref<2x1024x32xf32, #tpu.memory_space<vmem>> -> memref<1x1024x32xf32, #tpu.memory_space<vmem>>
    %dma_start3A_3316 = tpu.memref_squeeze %dma_start3A_3315 : memref<1x1024x32xf32, #tpu.memory_space<vmem>> -> memref<1024x32xf32, #tpu.memory_space<vmem>>
    tpu.enqueue_dma source(%dma_start3A_3316 : memref<1024x32xf32, #tpu.memory_space<vmem>>) target(%dma_start3A_3312 : memref<1024x32xf32, #tpu.memory_space<hbm>>) target_semaphore(%arg12 : memref<!tpu.dma_semaphore, #tpu.memory_space<semaphore_mem>>)
    %dma_wait3A_3317 = arith.constant 0 : i32
    %dma_wait3A_3318 = arith.constant 0 : i32
    %dma_wait3A_3319 = arith.constant 0 : i32
    %dma_wait3A_3320 = tpu.memref_slice %arg6[%dma_wait3A_3317, %dma_wait3A_3318, %dma_wait3A_3319] : memref<2x1024x32xf32, #tpu.memory_space<vmem>> -> memref<1x1024x32xf32, #tpu.memory_space<vmem>>
    %dma_wait3A_3321 = tpu.memref_squeeze %dma_wait3A_3320 : memref<1x1024x32xf32, #tpu.memory_space<vmem>> -> memref<1024x32xf32, #tpu.memory_space<vmem>>
    %dma_wait3A_3322 = arith.constant 2048 : i32
    %dma_wait3A_3323 = arith.constant 0 : i32
    %dma_wait3A_3324 = tpu.memref_slice %arg4[%dma_wait3A_3322, %select_n3A_3170, %select_n3A_3186, %dma_wait3A_3323] : memref<4096x20x8x32xf32, #tpu.memory_space<hbm>> -> memref<1024x1x1x32xf32, #tpu.memory_space<hbm>>
    %dma_wait3A_3325 = tpu.memref_squeeze %dma_wait3A_3324 : memref<1024x1x1x32xf32, #tpu.memory_space<hbm>> -> memref<1024x32xf32, #tpu.memory_space<hbm>>
    %dma_wait3A_3326 = arith.constant 2048 : i32
    %dma_wait3A_3327 = arith.constant 0 : i32
    %dma_wait3A_3328 = tpu.memref_slice %arg4[%dma_wait3A_3326, %select_n3A_3170, %select_n3A_3186, %dma_wait3A_3327] : memref<4096x20x8x32xf32, #tpu.memory_space<hbm>> -> memref<1024x1x1x32xf32, #tpu.memory_space<hbm>>
    %dma_wait3A_3329 = tpu.memref_squeeze %dma_wait3A_3328 : memref<1024x1x1x32xf32, #tpu.memory_space<hbm>> -> memref<1024x32xf32, #tpu.memory_space<hbm>>
    %dma_wait3A_3330 = arith.constant 0 : i32
    %dma_wait3A_3331 = arith.constant 0 : i32
    %dma_wait3A_3332 = tpu.memref_slice %arg6[%dma_wait3A_3317, %dma_wait3A_3330, %dma_wait3A_3331] : memref<2x1024x32xf32, #tpu.memory_space<vmem>> -> memref<1x1024x32xf32, #tpu.memory_space<vmem>>
    %dma_wait3A_3333 = tpu.memref_squeeze %dma_wait3A_3332 : memref<1x1024x32xf32, #tpu.memory_space<vmem>> -> memref<1024x32xf32, #tpu.memory_space<vmem>>
    tpu.wait_dma2 semaphore(%arg11 : memref<!tpu.dma_semaphore, #tpu.memory_space<semaphore_mem>>) src(%dma_wait3A_3333 : memref<1024x32xf32, #tpu.memory_space<vmem>>) dst(%dma_wait3A_3329 : memref<1024x32xf32, #tpu.memory_space<hbm>>)
    %dma_wait3A_3334 = arith.constant 1 : i32
    %dma_wait3A_3335 = arith.constant 0 : i32
    %dma_wait3A_3336 = arith.constant 0 : i32
    %dma_wait3A_3337 = tpu.memref_slice %arg6[%dma_wait3A_3334, %dma_wait3A_3335, %dma_wait3A_3336] : memref<2x1024x32xf32, #tpu.memory_space<vmem>> -> memref<1x1024x32xf32, #tpu.memory_space<vmem>>
    %dma_wait3A_3338 = tpu.memref_squeeze %dma_wait3A_3337 : memref<1x1024x32xf32, #tpu.memory_space<vmem>> -> memref<1024x32xf32, #tpu.memory_space<vmem>>
    %dma_wait3A_3339 = arith.constant 3072 : i32
    %dma_wait3A_3340 = arith.constant 0 : i32
    %dma_wait3A_3341 = tpu.memref_slice %arg4[%dma_wait3A_3339, %select_n3A_3283, %select_n3A_3299, %dma_wait3A_3340] : memref<4096x20x8x32xf32, #tpu.memory_space<hbm>> -> memref<1024x1x1x32xf32, #tpu.memory_space<hbm>>
    %dma_wait3A_3342 = tpu.memref_squeeze %dma_wait3A_3341 : memref<1024x1x1x32xf32, #tpu.memory_space<hbm>> -> memref<1024x32xf32, #tpu.memory_space<hbm>>
    %dma_wait3A_3343 = arith.constant 3072 : i32
    %dma_wait3A_3344 = arith.constant 0 : i32
    %dma_wait3A_3345 = tpu.memref_slice %arg4[%dma_wait3A_3343, %select_n3A_3283, %select_n3A_3299, %dma_wait3A_3344] : memref<4096x20x8x32xf32, #tpu.memory_space<hbm>> -> memref<1024x1x1x32xf32, #tpu.memory_space<hbm>>
    %dma_wait3A_3346 = tpu.memref_squeeze %dma_wait3A_3345 : memref<1024x1x1x32xf32, #tpu.memory_space<hbm>> -> memref<1024x32xf32, #tpu.memory_space<hbm>>
    %dma_wait3A_3347 = arith.constant 0 : i32
    %dma_wait3A_3348 = arith.constant 0 : i32
    %dma_wait3A_3349 = tpu.memref_slice %arg6[%dma_wait3A_3334, %dma_wait3A_3347, %dma_wait3A_3348] : memref<2x1024x32xf32, #tpu.memory_space<vmem>> -> memref<1x1024x32xf32, #tpu.memory_space<vmem>>
    %dma_wait3A_3350 = tpu.memref_squeeze %dma_wait3A_3349 : memref<1x1024x32xf32, #tpu.memory_space<vmem>> -> memref<1024x32xf32, #tpu.memory_space<vmem>>
    tpu.wait_dma2 semaphore(%arg12 : memref<!tpu.dma_semaphore, #tpu.memory_space<semaphore_mem>>) src(%dma_wait3A_3350 : memref<1024x32xf32, #tpu.memory_space<vmem>>) dst(%dma_wait3A_3346 : memref<1024x32xf32, #tpu.memory_space<hbm>>)
    return
  }
}

</mosaic_0001>

<sc_bundles>
// kernel: _gather.3.cloned.1.call-start
scs
__scs_entry_jumppad:
0x0: {  	(pc) =	sbr.rel $0x88, $3  }
0x1: {  	(tag) =	ssettag $0x0;
	lr =	simm.s32 $0x1  }
0x2: {  	[smem:$0x3F9F] =	sst lr;
	_ =	strace $0xD0000000  }
0x3: {  	_ = 	snop  }
0x4: {  	_ = 	snop  }
0x5: {  	_ = 	snop  }
0x6: {  	_ = 	snop  }
0x7: {  	_ = 	snop  }
__scs_overlays_trampoline_lowered:
0x8: {  	[smem:$0x3FAE] =	sst s0  }
0x9: {  	[smem:$0x3FAF] =	sst s1  }
0xa: {  	[smem:$0x3FB0] =	sst s2  }
0xb: {  	[smem:$0x3FB1] =	sst s3  }
0xc: {  	[smem:$0x3FB2] =	sst s4  }
0xd: {  	[smem:$0x3FB3] =	sst s5  }
0xe: {  	[smem:$0x3FB4] =	sst s6  }
0xf: {  	[smem:$0x3FB5] =	sst s7  }
0x10: {  	[smem:$0x3FB6] =	sst s8  }
0x11: {  	[smem:$0x3FB7] =	sst s9;
	s0 =	simm.s32 @!p0 $0x0  }
0x12: {  	s1 =	sld [smem:$0x3F9D];
	s0 =	simm.s32 @p0 $0x1  }
0x13: {  	[smem:$0x3FB8] =	sst s0;
	s0 =	simm.s32 @!p1 $0x0  }
0x14: {  	s2 =	sld [smem:$0x3F9C];
	s0 =	simm.s32 @p1 $0x1  }
0x15: {  	[smem:$0x3FB9] =	sst s0;
	s0 =	simm.s32 @!p2 $0x0  }
0x16: {  	s3 =	sld [smem:$0x3FDB];
	s0 =	simm.s32 @p2 $0x1  }
0x17: {  	s4 =	simm.s32 $0x1BF5;
	[smem:$0x3FBB] =	sst s0  }
0x18: {  	s0 =	sld [smem:$0x3F9E];
	_ =	swait.ge [sflag:s4], $0x0  }
0x19: {  	s7 =	sld [smem:$0x3F9F]  }
0x1a: {  	s8 =	sadd.s32 $0xFFFFE003, lr  }
0x1b: {  	s9 =	sadd.s32 $0xFFFFFEF7, lr;
	s5 =	simm.s32 $0xFFFFFFFF;
	p2 =	slt.u32 s8, $0xFFFFF086  }
0x1c: {  	p1 =	slt.u32 s9, $0xF7A;
	s5 =	simm.s32 @!p2 $0x0  }
0x1d: {  	s5 =	simm.s32 @p1 $0x1;
	p0 =	seq.s32 s7, s2  }
0x1e: {  	s7 =	smul.u32 @!p0 $0xF7A, s2;
	p2 =	seq.s32 @!p0 s5, $0x0  }
0x1f: {  	s9 =	smul.u32 $0xF7A, s1;
	s8 =	simm.s32 @!p0 $0x1BF5;
	p2 =	por !p2, p0  }
0x20: {  	[sflag:s8] =	ssyncset.s32 @!p0 $0xFFFFF086;
	s6 =	sadd.s32 @!p0 s3, s7;
	s7 =	simm.s32 @!p0 $0x108  }
0x21: {  	s3 =	sadd.s32 s3, s9;
	s6 =	sadd.s32 @!p0 $0x88, s6;
	s7 =	simm.s32 @p2 $0x1082  }
0x22: {  	[simem:s7], [sflag:s8] =	dma.local @!p0 [hbm:s6], $0xF7A  }
0x23: {  	s9 =	sor.u32 $0xD0000000, s2;
	s6 =	simm.s32 $0x108;
	_ =	swait.ge @!p0 [sflag:s8], $0x0  }
0x24: {  	s3 =	sadd.s32 $0x88, s3;
	s6 =	simm.s32 @!p1 $0x1082;
	[sflag:s4] =	ssyncset.s32 $0xFFFFF086  }
0x25: {  	[simem:s6], [sflag:s4] =	dma.local [hbm:s3], $0xF7A  }
0x26: {  	[smem:$0x3F9F] =	sst s1;
	(tag) =	ssettag s2;
	_ =	strace s9  }
0x27: {  	s1 =	sld [smem:$0x3FAF]  }
0x28: {  	s2 =	sld [smem:$0x3FB0]  }
0x29: {  	s4 =	sld [smem:$0x3FB2]  }
0x2a: {  	p0 =	seq.s32 s5, $0x0;
	s5 =	sld [smem:$0x3FB3]  }
0x2b: {  	s6 =	sld [smem:$0x3FB4]  }
0x2c: {  	s7 =	sld [smem:$0x3FB5]  }
0x2d: {  	s3 =	simm.s32 $0x108;
	s8 =	sld [smem:$0x3FB6]  }
0x2e: {  	s3 =	simm.s32 @!p0 $0x1082;
	s9 =	sld [smem:$0x3FB7]  }
0x2f: {  	lr =	sadd.s32 s0, s3;
	s0 =	sld [smem:$0x3FAE]  }
0x30: {  	s3 =	sld [smem:$0x3FB1]  }
0x31: {  	[smem:$0x3FBA] =	sst s10  }
0x32: {  	s10 =	sld [smem:$0x3FB8];
	_ =	sdelay $0x3  }
0x33: {  	p0 =	seq.s32 s10, $0x1;
	s10 =	sld [smem:$0x3FBA];
	_ =	sdelay $0x3  }
0x34: {  	[smem:$0x3FBA] =	sst s10  }
0x35: {  	s10 =	sld [smem:$0x3FB9];
	_ =	sdelay $0x3  }
0x36: {  	p1 =	seq.s32 s10, $0x1;
	s10 =	sld [smem:$0x3FBA];
	_ =	sdelay $0x3  }
0x37: {  	[smem:$0x3FBA] =	sst s10  }
0x38: {  	s10 =	sld [smem:$0x3FBB]  }
0x39: {  	_ = 	snop;
	(pc) =	sbr.ind lr, $3  }
0x3a: {  	_ = 	snop  }
0x3b: {  	_ = 	snop  }
0x3c: {  	p2 =	seq.s32 s10, $0x1;
	s10 =	sld [smem:$0x3FBA]  }
0x3d: {  	_ =	shalt  }
0x3e: {  	_ =	shalt  }
0x3f: {  	_ =	shalt  }
0x40: {  	_ =	shalt  }
0x41: {  	_ =	shalt  }
0x42: {  	_ =	shalt  }
0x43: {  	_ =	shalt  }
0x44: {  	_ =	shalt  }
0x45: {  	_ =	shalt  }
0x46: {  	_ =	shalt  }
0x47: {  	_ =	shalt  }
0x48: {  	_ =	shalt  }
0x49: {  	_ =	shalt  }
0x4a: {  	_ =	shalt  }
0x4b: {  	_ =	shalt  }
0x4c: {  	_ =	shalt  }
0x4d: {  	_ =	shalt  }
0x4e: {  	_ =	shalt  }
0x4f: {  	_ =	shalt  }
0x50: {  	_ =	shalt  }
0x51: {  	_ =	shalt  }
0x52: {  	_ =	shalt  }
0x53: {  	_ =	shalt  }
0x54: {  	_ =	shalt  }
0x55: {  	_ =	shalt  }
0x56: {  	_ =	shalt  }
0x57: {  	_ =	shalt  }
0x58: {  	_ =	shalt  }
0x59: {  	_ =	shalt  }
0x5a: {  	_ =	shalt  }
0x5b: {  	_ =	shalt  }
0x5c: {  	_ =	shalt  }
0x5d: {  	_ =	shalt  }
0x5e: {  	_ =	shalt  }
0x5f: {  	_ =	shalt  }
0x60: {  	_ =	shalt  }
0x61: {  	_ =	shalt  }
0x62: {  	_ =	shalt  }
0x63: {  	_ =	shalt  }
0x64: {  	_ =	shalt  }
0x65: {  	_ =	shalt  }
0x66: {  	_ =	shalt  }
0x67: {  	_ =	shalt  }
0x68: {  	_ =	shalt  }
0x69: {  	_ =	shalt  }
0x6a: {  	_ =	shalt  }
0x6b: {  	_ =	shalt  }
0x6c: {  	_ =	shalt  }
0x6d: {  	_ =	shalt  }
0x6e: {  	_ =	shalt  }
0x6f: {  	_ =	shalt  }
0x70: {  	_ =	shalt  }
0x71: {  	_ =	shalt  }
0x72: {  	_ =	shalt  }
0x73: {  	_ =	shalt  }
0x74: {  	_ =	shalt  }
0x75: {  	_ =	shalt  }
0x76: {  	_ =	shalt  }
0x77: {  	_ =	shalt  }
0x78: {  	_ =	shalt  }
0x79: {  	_ =	shalt  }
0x7a: {  	_ =	shalt  }
0x7b: {  	_ =	shalt  }
0x7c: {  	_ =	shalt  }
0x7d: {  	_ =	shalt  }
0x7e: {  	_ =	shalt  }
0x7f: {  	_ =	shalt  }
0x80: {  	_ =	shalt  }
0x81: {  	_ =	shalt  }
0x82: {  	_ =	shalt  }
0x83: {  	_ =	shalt  }
0x84: {  	_ =	shalt  }
0x85: {  	_ =	shalt  }
0x86: {  	_ =	shalt  }
0x87: {  	_ =	shalt  }
.Lfunc_end0:
.L_simem_size_0:
called_computation.1_lowered:
.L_overlay_start_0:
0x88: {  	s2 =	sld [smem:$0x3FD9]  }
0x89: {  	s3 =	sld [smem:$0x3FFE];
	_ =	sdelay $0x1  }
0x8a: {  	s1 =	srdreg.scid  }
0x8b: {  	s0 =	sand.u32 $0x1, s1  }
0x8c: {  	s17 =	sshll.u32 s0, $0xA;
	s2 =	sadd.s32 s3, s2  }
0x8d: {  	s2 =	sadd.s32 s2, s17  }
0x8e: {  	[smem:$0x3FC6] =	sst s2  }
0x8f: {  	_ = 	snop  }
0x90: {  	s2 =	sld [smem:$0x3FD0];
	(tm) =	ssettm $0x1  }
0x91: {  	s18 =	sld [smem:$0x3FFB];
	_ =	sdelay $0x3  }
0x92: {  	_ =	strace s18  }
0x93: {  	s3 =	sld [smem:$0x3FFC];
	_ =	sdelay $0x3  }
0x94: {  	_ =	strace s3  }
0x95: {  	s3 =	sld [smem:$0x3FFD];
	_ =	sdelay $0x3  }
0x96: {  	_ =	strace s3  }
0x97: {  	_ =	strace $0x8FFFFFFF  }
0x98: {  	s19 =	sld [smem:$0x3FDB];
	_ =	sdelay $0x1  }
0x99: {  	s4 =	simm.s32 $_scs_section_size  }
0x9a: {  	s5 =	simm.s32 $_size__tile_overlayer_lowered;
	s6 =	simm.s32 $_tile_overlayer_lowered  }
0x9b: {  	s22 =	simm.s32 $0x1BFF;
	s21 =	sshll.u32 s6, $0x1;
	s3 =	sadd.s32 s4, s19  }
0x9c: {  	s7 =	simm.s32 $0x0;
	s20 =	sshll.u32 s5, $0x1;
	s5 =	sadd.s32 s21, s3  }
0x9d: {  	[timem:s7], [sflag:s22] =	dma.local [hbm:s5], s20  }
0x9e: {  	_ =	swait.ge [sflag:s22], s20  }
0x9f: {  	s4 =	ssub.s32 $0x0, s20;
	[sflag:s22] =	ssyncset.done $0x0  }
0xa0: {  	[sflag:s22] =	ssyncadd.s32 s4;
	_ =	sdelay $0x1  }
0xa1: {  	s23 =	simm.s32 $0x1B8B  }
0xa2: {  	_ =	swait.ge [sflag:s23], $0x1  }
0xa3: {  	[sflag:s23] =	ssyncset.done $0x0  }
0xa4: {  	s25 =	simm.s32 $0x1B8E;
	s24 =	sld [smem:$0x3FFE];
	[sflag:s23] =	ssyncadd.s32 $0xFFFFFFFF  }
0xa5: {  	s26 =	simm.s32 $execute0_lowered;
	[smem:$0x3FD2] =	sst s25  }
0xa6: {  	s5 =	sshll.u32 s26, $0x1;
	_ =	strace $0x80000046;
	[dreg:$0x1] =	wrdreg $0xFFFFFFFF  }
0xa7: {  	s28 =	simm.s32 $_size_execute0_lowered;
	s3 =	sadd.s32 s3, s5;
	[dreg:$0x0] =	wrdreg $0x0  }
0xa8: {  	s5 =	sshll.u32 s28, $0x1;
	[dreg:$0x2] =	wrdreg s3  }
0xa9: {  	[dreg:$0x3] =	wrdreg s5  }
0xaa: {  	[dreg:$0x4] =	wrdreg $0xC0  }
0xab: {  	_ =	task [dreg:s7], $0x5FFFF  }
0xac: {  	[dreg:$0x1] =	wrdreg $0xFFFFFFFF  }
0xad: {  	[dreg:$0x0] =	wrdreg $0x60  }
0xae: {  	[dreg:$0x2] =	wrdreg s24  }
0xaf: {  	[dreg:$0x3] =	wrdreg s2  }
0xb0: {  	[dreg:$0x4] =	wrdreg $0x9  }
0xb1: {  	_ =	task.clear_ibuf [dreg:s7], $0x5FFFF;
	_ =	strace $0x90000046  }
0xb2: {  	s29 =	simm.s32 $0x9;
	_ =	strace $0x80000048  }
0xb3: {  	_ =	swait.ge [sflag:s29], $0x1  }
0xb4: {  	[sflag:s29] =	ssyncadd.s32 $0xFFFFFFFF  }
0xb5: {  	_ =	strace $0x90000048  }
0xb6: {  	_ =	sfence  }
0xb7: {  	s30 =	sld [smem:$0x0];
	_ =	sdelay $0x2  }
0xb8: {  	s31 =	sshll.u32 s1, $0xD;
	s1 =	sshrl.u32 s1, $0x2  }
0xb9: {  	s3 =	sand.u32 $0x4000, s31;
	s1 =	sadd.s32 s1, s30  }
0xba: {  	s0 =	sor.u32 s3, s0;
	s1 =	sshll.u32 s1, $0x11  }
0xbb: {  	s0 =	sor.u32 s1, s0  }
0xbc: {  	s0 =	sadd.s32 $0x8F2B, s0  }
0xbd: {  	[sflag:s0] =	ssyncadd.remote.s32 $0x1  }
0xbe: {  	_ =	sfence.sel $0xFFFF  }
0xbf: {  	[dreg:$0x0] =	wrdreg $0xFFFFFFFF;
	(pc) =	sbr.abs _section_cstart, $3  }
0xc0: {  	[dreg:$0x1] =	wrdreg $0xFFFFFFFF  }
0xc1: {  	_ =	task.clear_ibuf [dreg:s7], $0x2FFFF;
	_ =	strace $0x9FFFFFFF  }
0xc2: {  	(tm) =	ssettm $0x7FFFFFFF  }
0xc3: {  	_ =	shalt  }
tec
execute0_lowered:
.L_overlay_start_1:
0x0: {  	(tag) =	ssettag $0x1  }
0x1: {  	s0 =	srdreg.scid;
	s1 =	stileid.u32  }
0x2: {  	s3 =	rddreg [dreg:$0x0];
	s9 =	sand.u32 $0x1, s0;
	s21 =	sshll.u32 s1, $0x1  }
0x3: {  	s2 =	simm.s32 $0x0;
	s1 =	rddreg [dreg:$0x1];
	s0 =	sor.u32 s9, s21  }
0x4: {  	p0 =	por $0x0, $0x0;
	[smem:$0x7FF] =	sst s2;
	s7 =	smul.u32 $0x5, s0  }
0x5: {  	s4 =	sadd.s32 $0xA00, s3;
	_ =	strace $0x80000047;
	s9 =	ssub.s32 $0x2, s9  }
0x6: {  	s0 =	sshrl.u32 s7, $0x3;
	s6 =	sand.u32 $0x7, s7;
	s24 =	sadd.s32 $0x1, s7  }
0x7: {  	s18 =	sadd.s32 $0x2, s7;
	s5 =	sshll.u32 s0, $0xC;
	s8 =	sshll.u32 s6, $0x9  }
0x8: {  	s0 =	sshll.u32 s0, $0x8;
	s22 =	sshll.u32 s6, $0x5;
	s6 =	sadd.s32 $0xB00, s3  }
0x9: {  	s25 =	sshrl.u32 s24, $0x3;
	s19 =	sshrl.u32 s18, $0x3;
	s10 =	sor.u32 s8, s5  }
0xa: {  	s0 =	sor.u32 s22, s0;
	s8 =	sadd.s32 $0xB80, s3;
	s12 =	sshll.u32 s25, $0xC  }
0xb: {  	s21 =	sshll.u32 s19, $0xC;
	s5 =	sadd.s32 s4, s10;
	s23 =	sadd.s32 s10, s6  }
0xc: {  	s0 =	sshrl.u32 s0, $0x3;
	[dreg:$0x3] =	wrdreg s5;
	s5 =	sadd.s32 $0xA80, s3  }
0xd: {  	[dreg:$0x5] =	wrdreg s23;
	s29 =	sadd.s32 s1, s0;
	s11 =	sadd.s32 s10, s5  }
0xe: {  	s0 =	sand.u32 $0x7, s24;
	s10 =	sadd.s32 s10, s8;
	[dreg:$0x4] =	wrdreg s11  }
0xf: {  	s3 =	sadd.s32 $0xF42E00, s3;
	s26 =	sadd.s32 $0xA0000, s29;
	[dreg:$0x6] =	wrdreg s10  }
0x10: {  	s13 =	sshll.u32 s0, $0x9;
	s14 =	sadd.s32 $0x140000, s29;
	[dreg:$0x7] =	wrdreg s26  }
0x11: {  	s16 =	sadd.s32 $0x1E0000, s29;
	s0 =	sshll.u32 s0, $0x5;
	[dreg:$0x9] =	wrdreg s14  }
0x12: {  	s12 =	sor.u32 s13, s12;
	s11 =	sshll.u32 s25, $0x8;
	[dreg:$0xb] =	wrdreg s16  }
0x13: {  	s10 =	sand.u32 $0x7, s18;
	s13 =	sadd.s32 s4, s12;
	s15 =	sadd.s32 s12, s5  }
0x14: {  	s17 =	sadd.s32 s12, s6;
	s0 =	sor.u32 s0, s11;
	[dreg:$0x8] =	wrdreg s13  }
0x15: {  	s20 =	sadd.s32 s12, s8;
	s22 =	sshll.u32 s10, $0x9;
	[dreg:$0xa] =	wrdreg s15  }
0x16: {  	s10 =	sshll.u32 s10, $0x5;
	[dreg:$0xc] =	wrdreg s17;
	s0 =	sshrl.u32 s0, $0x3  }
0x17: {  	[dreg:$0xd] =	wrdreg s20;
	s12 =	sor.u32 s22, s21;
	s15 =	sadd.s32 $0x3, s7  }
0x18: {  	s7 =	sadd.s32 $0x4, s7;
	s31 =	sadd.s32 s1, s0;
	s24 =	sadd.s32 s4, s12  }
0x19: {  	s26 =	sadd.s32 s12, s5;
	s0 =	sshll.u32 s19, $0x8;
	s14 =	sadd.s32 s12, s6  }
0x1a: {  	s16 =	sshrl.u32 s15, $0x3;
	s17 =	sadd.s32 s12, s8;
	[dreg:$0xf] =	wrdreg s24  }
0x1b: {  	s11 =	sshrl.u32 s7, $0x3;
	s7 =	sand.u32 $0x7, s7;
	[dreg:$0x11] =	wrdreg s26  }
0x1c: {  	s23 =	sadd.s32 $0xA0000, s31;
	s25 =	sadd.s32 $0x140000, s31;
	[dreg:$0x13] =	wrdreg s14  }
0x1d: {  	s13 =	sadd.s32 $0x1E0000, s31;
	s0 =	sor.u32 s10, s0;
	[dreg:$0x14] =	wrdreg s17  }
0x1e: {  	s10 =	sand.u32 $0x7, s15;
	s18 =	sshll.u32 s16, $0xC;
	[dreg:$0xe] =	wrdreg s23  }
0x1f: {  	s24 =	sshrl.u32 s9, $0x1;
	s15 =	simm.s32 $0x3;
	[dreg:$0x10] =	wrdreg s25  }
0x20: {  	[dreg:$0x12] =	wrdreg s13;
	s0 =	sshrl.u32 s0, $0x3;
	s19 =	sshll.u32 s10, $0x9  }
0x21: {  	s10 =	sshll.u32 s10, $0x5;
	s9 =	ssub.s32 s9, s24;
	s13 =	sshll.u32 s7, $0x9  }
0x22: {  	s7 =	sshll.u32 s7, $0x5;
	s30 =	sadd.s32 s1, s0;
	s12 =	sor.u32 s19, s18  }
0x23: {  	s0 =	sshll.u32 s16, $0x8;
	s14 =	smax.u32 s9, $0x1;
	s20 =	sadd.s32 $0xA0000, s30  }
0x24: {  	s16 =	simm.s32 $0x1;
	s21 =	sadd.s32 s4, s12;
	[dreg:$0x15] =	wrdreg s20  }
0x25: {  	s9 =	simm.s32 $0x1400;
	s22 =	sadd.s32 $0x140000, s30;
	[dreg:$0x16] =	wrdreg s21  }
0x26: {  	s23 =	sadd.s32 s12, s5;
	s25 =	sadd.s32 $0x1E0000, s30;
	[dreg:$0x17] =	wrdreg s22  }
0x27: {  	s0 =	sor.u32 s10, s0;
	s26 =	sadd.s32 s12, s6;
	[dreg:$0x18] =	wrdreg s23  }
0x28: {  	p1 =	sne.s32 s14, $0x1;
	[dreg:$0x19] =	wrdreg s25;
	s0 =	sshrl.u32 s0, $0x3  }
0x29: {  	[dreg:$0x1a] =	wrdreg s26;
	s25 =	sadd.s32 s12, s8;
	s12 =	sshll.u32 s11, $0xC  }
0x2a: {  	s28 =	sadd.s32 s1, s0;
	s0 =	sshll.u32 s11, $0x8;
	s10 =	sor.u32 s13, s12  }
0x2b: {  	s13 =	simm.s32 $0x800;
	s11 =	simm.s32 $0x8800;
	s12 =	simm.s32 $0x4  }
0x2c: {  	s26 =	sadd.s32 $0xA0000, s28;
	s0 =	sor.u32 s7, s0;
	s23 =	sadd.s32 s4, s10  }
0x2d: {  	s24 =	sadd.s32 $0x140000, s28;
	s21 =	sadd.s32 s10, s5;
	s22 =	sadd.s32 $0x1E0000, s28  }
.Ltmp0:
0x2e: {  	s20 =	sadd.s32 s10, s6;
	s17 =	sadd.s32 s10, s8;
	(pc) =	sbr.rel @!p1 .LBB2_5-.Ltmp0, $4  }
0x2f: {  	s5 =	simm.s32 $0x400;
	s6 =	simm.s32 $0x20;
	s0 =	sshrl.u32 s0, $0x3  }
0x30: {  	s10 =	simm.s32 $0x5;
	s7 =	simm.s32 $0x6;
	s19 =	sadd.s32 s1, s0  }
0x31: {  	s1 =	sadd.s32 $0xFFFFFFFF, s14;
	s14 =	simm.s32 $0x2;
	s0 =	rddreg [dreg:$0x3]  }
0x32: {  	s18 =	sadd.s32 $0xA0000, s19;
	s8 =	sadd.s32 $0x140000, s19;
	s4 =	sadd.s32 $0x1E0000, s19  }
0x33: {  	[dreg:$0x1c] =	wrdreg s1  }
0x34: {  	[tilespmem:s2], [sflag:$0x1] =	stream.linear.gather [hbm4b:s0+s2], $0x400, $0x38;
	[tilespmem:$0x10800] =	vst v63  }
0x35: {  	s1 =	rddreg [dreg:$0x4]  }
0x36: {  	[tilespmem:s5], [sflag:$0x2] =	stream.linear.gather [hbm4b:s1+s2], $0x400, $0x38;
	[tilespmem:$0x10800] =	vst v63  }
0x37: {  	_ =	swait.ge [sflag:s16], $0x400  }
0x38: {  	[sflag:s16] =	ssyncset.done $0x0  }
0x39: {  	[sflag:s16] =	ssyncadd.s32 $0xFFFFFC00  }
0x3a: {  	[tilespmem:s13], [sflag:$0x3] =	stream.indirect.gather [hbm4b:s3+s5], $0x20, s2, s5, $0xb8;
	[tilespmem:$0x10800] =	vst v63  }
0x3b: {  	_ =	swait.ge [sflag:s15], $0x8000  }
0x3c: {  	[sflag:s15] =	ssyncset.done $0x0  }
0x3d: {  	s1 =	rddreg [dreg:$0x5];
	[sflag:s15] =	ssyncadd.s32 $0xFFFF8000  }
0x3e: {  	[tilespmem:s2], [sflag:$0x1] =	stream.linear.gather [hbm4b:s1+s2], $0x400, $0x38;
	[tilespmem:$0x10800] =	vst v63  }
0x3f: {  	_ = 	snop  }
0x40: {  	[hbm4b:s29+s6] =	stream.strided.scatter [tilespmem:s13], [sflag:$0x5], $0x8000, s9, s6, $0x38;
	[tilespmem:$0x10800] =	vst v63  }
0x41: {  	_ =	swait.ge [sflag:s14], $0x400  }
0x42: {  	[sflag:s14] =	ssyncset.done $0x0  }
0x43: {  	[sflag:s14] =	ssyncadd.s32 $0xFFFFFC00  }
0x44: {  	[tilespmem:s11], [sflag:$0x4] =	stream.indirect.gather [hbm4b:s3+s5], $0x20, s5, s5, $0xb8;
	[tilespmem:$0x10800] =	vst v63  }
0x45: {  	_ =	swait.ge [sflag:s12], $0x8000  }
0x46: {  	[sflag:s12] =	ssyncset.done $0x0  }
0x47: {  	s0 =	rddreg [dreg:$0x6];
	[sflag:s12] =	ssyncadd.s32 $0xFFFF8000  }
0x48: {  	[tilespmem:s5], [sflag:$0x2] =	stream.linear.gather [hbm4b:s0+s2], $0x400, $0x38;
	[tilespmem:$0x10800] =	vst v63  }
0x49: {  	s1 =	rddreg [dreg:$0x7]  }
0x4a: {  	[hbm4b:s1+s6] =	stream.strided.scatter [tilespmem:s11], [sflag:$0x6], $0x8000, s9, s6, $0x38;
	[tilespmem:$0x10800] =	vst v63  }
0x4b: {  	_ =	swait.ge [sflag:s10], $0x8000  }
0x4c: {  	[sflag:s10] =	ssyncset.done $0x0  }
0x4d: {  	[sflag:s10] =	ssyncadd.s32 $0xFFFF8000  }
0x4e: {  	_ =	swait.ge [sflag:s16], $0x400  }
0x4f: {  	[sflag:s16] =	ssyncset.done $0x0  }
0x50: {  	[sflag:s16] =	ssyncadd.s32 $0xFFFFFC00  }
0x51: {  	[tilespmem:s13], [sflag:$0x3] =	stream.indirect.gather [hbm4b:s3+s5], $0x20, s2, s5, $0xb8;
	[tilespmem:$0x10800] =	vst v63  }
0x52: {  	_ =	swait.ge [sflag:s15], $0x8000  }
0x53: {  	[sflag:s15] =	ssyncset.done $0x0  }
0x54: {  	s0 =	rddreg [dreg:$0x8];
	[sflag:s15] =	ssyncadd.s32 $0xFFFF8000  }
0x55: {  	[tilespmem:s2], [sflag:$0x1] =	stream.linear.gather [hbm4b:s0+s2], $0x400, $0x38;
	[tilespmem:$0x10800] =	vst v63  }
0x56: {  	s1 =	rddreg [dreg:$0x9]  }
0x57: {  	[hbm4b:s1+s6] =	stream.strided.scatter [tilespmem:s13], [sflag:$0x5], $0x8000, s9, s6, $0x38;
	[tilespmem:$0x10800] =	vst v63  }
0x58: {  	_ =	swait.ge [sflag:s7], $0x8000  }
0x59: {  	[sflag:s7] =	ssyncset.done $0x0  }
0x5a: {  	[sflag:s7] =	ssyncadd.s32 $0xFFFF8000  }
0x5b: {  	_ =	swait.ge [sflag:s14], $0x400  }
0x5c: {  	[sflag:s14] =	ssyncset.done $0x0  }
0x5d: {  	[sflag:s14] =	ssyncadd.s32 $0xFFFFFC00  }
0x5e: {  	[tilespmem:s11], [sflag:$0x4] =	stream.indirect.gather [hbm4b:s3+s5], $0x20, s5, s5, $0xb8;
	[tilespmem:$0x10800] =	vst v63  }
0x5f: {  	_ =	swait.ge [sflag:s12], $0x8000  }
0x60: {  	[sflag:s12] =	ssyncset.done $0x0  }
0x61: {  	s0 =	rddreg [dreg:$0xa];
	[sflag:s12] =	ssyncadd.s32 $0xFFFF8000  }
0x62: {  	[tilespmem:s5], [sflag:$0x2] =	stream.linear.gather [hbm4b:s0+s2], $0x400, $0x38;
	[tilespmem:$0x10800] =	vst v63  }
0x63: {  	s1 =	rddreg [dreg:$0xb]  }
0x64: {  	[hbm4b:s1+s6] =	stream.strided.scatter [tilespmem:s11], [sflag:$0x6], $0x8000, s9, s6, $0x38;
	[tilespmem:$0x10800] =	vst v63  }
0x65: {  	_ =	swait.ge [sflag:s10], $0x8000  }
0x66: {  	[sflag:s10] =	ssyncset.done $0x0  }
0x67: {  	[sflag:s10] =	ssyncadd.s32 $0xFFFF8000  }
0x68: {  	_ =	swait.ge [sflag:s16], $0x400  }
0x69: {  	[sflag:s16] =	ssyncset.done $0x0  }
0x6a: {  	[sflag:s16] =	ssyncadd.s32 $0xFFFFFC00  }
0x6b: {  	[tilespmem:s13], [sflag:$0x3] =	stream.indirect.gather [hbm4b:s3+s5], $0x20, s2, s5, $0xb8;
	[tilespmem:$0x10800] =	vst v63  }
0x6c: {  	_ =	swait.ge [sflag:s15], $0x8000  }
0x6d: {  	[sflag:s15] =	ssyncset.done $0x0  }
0x6e: {  	s1 =	rddreg [dreg:$0xc];
	[sflag:s15] =	ssyncadd.s32 $0xFFFF8000  }
0x6f: {  	[tilespmem:s2], [sflag:$0x1] =	stream.linear.gather [hbm4b:s1+s2], $0x400, $0x38;
	[tilespmem:$0x10800] =	vst v63  }
0x70: {  	_ = 	snop  }
0x71: {  	[hbm4b:s31+s6] =	stream.strided.scatter [tilespmem:s13], [sflag:$0x5], $0x8000, s9, s6, $0x38;
	[tilespmem:$0x10800] =	vst v63  }
0x72: {  	_ =	swait.ge [sflag:s7], $0x8000  }
0x73: {  	[sflag:s7] =	ssyncset.done $0x0  }
0x74: {  	[sflag:s7] =	ssyncadd.s32 $0xFFFF8000  }
0x75: {  	_ =	swait.ge [sflag:s14], $0x400  }
0x76: {  	[sflag:s14] =	ssyncset.done $0x0  }
0x77: {  	[sflag:s14] =	ssyncadd.s32 $0xFFFFFC00  }
0x78: {  	[tilespmem:s11], [sflag:$0x4] =	stream.indirect.gather [hbm4b:s3+s5], $0x20, s5, s5, $0xb8;
	[tilespmem:$0x10800] =	vst v63  }
0x79: {  	_ =	swait.ge [sflag:s12], $0x8000  }
0x7a: {  	[sflag:s12] =	ssyncset.done $0x0  }
0x7b: {  	s0 =	rddreg [dreg:$0xd];
	[sflag:s12] =	ssyncadd.s32 $0xFFFF8000  }
0x7c: {  	[tilespmem:s5], [sflag:$0x2] =	stream.linear.gather [hbm4b:s0+s2], $0x400, $0x38;
	[tilespmem:$0x10800] =	vst v63  }
0x7d: {  	s1 =	rddreg [dreg:$0xe]  }
0x7e: {  	[hbm4b:s1+s6] =	stream.strided.scatter [tilespmem:s11], [sflag:$0x6], $0x8000, s9, s6, $0x38;
	[tilespmem:$0x10800] =	vst v63  }
0x7f: {  	_ =	swait.ge [sflag:s10], $0x8000  }
0x80: {  	[sflag:s10] =	ssyncset.done $0x0  }
0x81: {  	[sflag:s10] =	ssyncadd.s32 $0xFFFF8000  }
0x82: {  	_ =	swait.ge [sflag:s16], $0x400  }
0x83: {  	[sflag:s16] =	ssyncset.done $0x0  }
0x84: {  	[sflag:s16] =	ssyncadd.s32 $0xFFFFFC00  }
0x85: {  	[tilespmem:s13], [sflag:$0x3] =	stream.indirect.gather [hbm4b:s3+s5], $0x20, s2, s5, $0xb8;
	[tilespmem:$0x10800] =	vst v63  }
0x86: {  	_ =	swait.ge [sflag:s15], $0x8000  }
0x87: {  	[sflag:s15] =	ssyncset.done $0x0  }
0x88: {  	s0 =	rddreg [dreg:$0xf];
	[sflag:s15] =	ssyncadd.s32 $0xFFFF8000  }
0x89: {  	[tilespmem:s2], [sflag:$0x1] =	stream.linear.gather [hbm4b:s0+s2], $0x400, $0x38;
	[tilespmem:$0x10800] =	vst v63  }
0x8a: {  	s1 =	rddreg [dreg:$0x10]  }
0x8b: {  	[hbm4b:s1+s6] =	stream.strided.scatter [tilespmem:s13], [sflag:$0x5], $0x8000, s9, s6, $0x38;
	[tilespmem:$0x10800] =	vst v63  }
0x8c: {  	_ =	swait.ge [sflag:s7], $0x8000  }
0x8d: {  	[sflag:s7] =	ssyncset.done $0x0  }
0x8e: {  	[sflag:s7] =	ssyncadd.s32 $0xFFFF8000  }
0x8f: {  	_ =	swait.ge [sflag:s14], $0x400  }
0x90: {  	[sflag:s14] =	ssyncset.done $0x0  }
0x91: {  	[sflag:s14] =	ssyncadd.s32 $0xFFFFFC00  }
0x92: {  	[tilespmem:s11], [sflag:$0x4] =	stream.indirect.gather [hbm4b:s3+s5], $0x20, s5, s5, $0xb8;
	[tilespmem:$0x10800] =	vst v63  }
0x93: {  	_ =	swait.ge [sflag:s12], $0x8000  }
0x94: {  	[sflag:s12] =	ssyncset.done $0x0  }
0x95: {  	s0 =	rddreg [dreg:$0x11];
	[sflag:s12] =	ssyncadd.s32 $0xFFFF8000  }
0x96: {  	[tilespmem:s5], [sflag:$0x2] =	stream.linear.gather [hbm4b:s0+s2], $0x400, $0x38;
	[tilespmem:$0x10800] =	vst v63  }
0x97: {  	s1 =	rddreg [dreg:$0x12]  }
0x98: {  	[hbm4b:s1+s6] =	stream.strided.scatter [tilespmem:s11], [sflag:$0x6], $0x8000, s9, s6, $0x38;
	[tilespmem:$0x10800] =	vst v63  }
0x99: {  	_ =	swait.ge [sflag:s10], $0x8000  }
0x9a: {  	[sflag:s10] =	ssyncset.done $0x0  }
0x9b: {  	[sflag:s10] =	ssyncadd.s32 $0xFFFF8000  }
0x9c: {  	_ =	swait.ge [sflag:s16], $0x400  }
0x9d: {  	[sflag:s16] =	ssyncset.done $0x0  }
0x9e: {  	[sflag:s16] =	ssyncadd.s32 $0xFFFFFC00  }
0x9f: {  	[tilespmem:s13], [sflag:$0x3] =	stream.indirect.gather [hbm4b:s3+s5], $0x20, s2, s5, $0xb8;
	[tilespmem:$0x10800] =	vst v63  }
0xa0: {  	_ =	swait.ge [sflag:s15], $0x8000  }
0xa1: {  	[sflag:s15] =	ssyncset.done $0x0  }
0xa2: {  	s1 =	rddreg [dreg:$0x13];
	[sflag:s15] =	ssyncadd.s32 $0xFFFF8000  }
0xa3: {  	[tilespmem:s2], [sflag:$0x1] =	stream.linear.gather [hbm4b:s1+s2], $0x400, $0x38;
	[tilespmem:$0x10800] =	vst v63  }
0xa4: {  	_ = 	snop  }
0xa5: {  	[hbm4b:s30+s6] =	stream.strided.scatter [tilespmem:s13], [sflag:$0x5], $0x8000, s9, s6, $0x38;
	[tilespmem:$0x10800] =	vst v63  }
0xa6: {  	_ =	swait.ge [sflag:s7], $0x8000  }
0xa7: {  	[sflag:s7] =	ssyncset.done $0x0  }
0xa8: {  	[sflag:s7] =	ssyncadd.s32 $0xFFFF8000  }
0xa9: {  	_ =	swait.ge [sflag:s14], $0x400  }
0xaa: {  	[sflag:s14] =	ssyncset.done $0x0  }
0xab: {  	[sflag:s14] =	ssyncadd.s32 $0xFFFFFC00  }
0xac: {  	[tilespmem:s11], [sflag:$0x4] =	stream.indirect.gather [hbm4b:s3+s5], $0x20, s5, s5, $0xb8;
	[tilespmem:$0x10800] =	vst v63  }
0xad: {  	_ =	swait.ge [sflag:s12], $0x8000  }
0xae: {  	[sflag:s12] =	ssyncset.done $0x0  }
0xaf: {  	s0 =	rddreg [dreg:$0x14];
	[sflag:s12] =	ssyncadd.s32 $0xFFFF8000  }
0xb0: {  	[tilespmem:s5], [sflag:$0x2] =	stream.linear.gather [hbm4b:s0+s2], $0x400, $0x38;
	[tilespmem:$0x10800] =	vst v63  }
0xb1: {  	s1 =	rddreg [dreg:$0x15]  }
0xb2: {  	[hbm4b:s1+s6] =	stream.strided.scatter [tilespmem:s11], [sflag:$0x6], $0x8000, s9, s6, $0x38;
	[tilespmem:$0x10800] =	vst v63  }
0xb3: {  	_ =	swait.ge [sflag:s10], $0x8000  }
0xb4: {  	[sflag:s10] =	ssyncset.done $0x0  }
0xb5: {  	[sflag:s10] =	ssyncadd.s32 $0xFFFF8000  }
0xb6: {  	_ =	swait.ge [sflag:s16], $0x400  }
0xb7: {  	[sflag:s16] =	ssyncset.done $0x0  }
0xb8: {  	[sflag:s16] =	ssyncadd.s32 $0xFFFFFC00  }
0xb9: {  	[tilespmem:s13], [sflag:$0x3] =	stream.indirect.gather [hbm4b:s3+s5], $0x20, s2, s5, $0xb8;
	[tilespmem:$0x10800] =	vst v63  }
0xba: {  	_ =	swait.ge [sflag:s15], $0x8000  }
0xbb: {  	[sflag:s15] =	ssyncset.done $0x0  }
0xbc: {  	s0 =	rddreg [dreg:$0x16];
	[sflag:s15] =	ssyncadd.s32 $0xFFFF8000  }
0xbd: {  	[tilespmem:s2], [sflag:$0x1] =	stream.linear.gather [hbm4b:s0+s2], $0x400, $0x38;
	[tilespmem:$0x10800] =	vst v63  }
0xbe: {  	s1 =	rddreg [dreg:$0x17]  }
0xbf: {  	[hbm4b:s1+s6] =	stream.strided.scatter [tilespmem:s13], [sflag:$0x5], $0x8000, s9, s6, $0x38;
	[tilespmem:$0x10800] =	vst v63  }
0xc0: {  	_ =	swait.ge [sflag:s7], $0x8000  }
0xc1: {  	[sflag:s7] =	ssyncset.done $0x0  }
0xc2: {  	[sflag:s7] =	ssyncadd.s32 $0xFFFF8000  }
0xc3: {  	_ =	swait.ge [sflag:s14], $0x400  }
0xc4: {  	[sflag:s14] =	ssyncset.done $0x0  }
0xc5: {  	[sflag:s14] =	ssyncadd.s32 $0xFFFFFC00  }
0xc6: {  	[tilespmem:s11], [sflag:$0x4] =	stream.indirect.gather [hbm4b:s3+s5], $0x20, s5, s5, $0xb8;
	[tilespmem:$0x10800] =	vst v63  }
0xc7: {  	_ =	swait.ge [sflag:s12], $0x8000  }
0xc8: {  	[sflag:s12] =	ssyncset.done $0x0  }
0xc9: {  	s0 =	rddreg [dreg:$0x18];
	[sflag:s12] =	ssyncadd.s32 $0xFFFF8000  }
0xca: {  	[tilespmem:s5], [sflag:$0x2] =	stream.linear.gather [hbm4b:s0+s2], $0x400, $0x38;
	[tilespmem:$0x10800] =	vst v63  }
0xcb: {  	s1 =	rddreg [dreg:$0x19]  }
0xcc: {  	[hbm4b:s1+s6] =	stream.strided.scatter [tilespmem:s11], [sflag:$0x6], $0x8000, s9, s6, $0x38;
	[tilespmem:$0x10800] =	vst v63  }
0xcd: {  	_ =	swait.ge [sflag:s10], $0x8000  }
0xce: {  	[sflag:s10] =	ssyncset.done $0x0  }
0xcf: {  	[sflag:s10] =	ssyncadd.s32 $0xFFFF8000  }
0xd0: {  	_ =	swait.ge [sflag:s16], $0x400  }
0xd1: {  	[sflag:s16] =	ssyncset.done $0x0  }
0xd2: {  	[sflag:s16] =	ssyncadd.s32 $0xFFFFFC00  }
0xd3: {  	[tilespmem:s13], [sflag:$0x3] =	stream.indirect.gather [hbm4b:s3+s5], $0x20, s2, s5, $0xb8;
	[tilespmem:$0x10800] =	vst v63  }
0xd4: {  	_ =	swait.ge [sflag:s15], $0x8000  }
0xd5: {  	[sflag:s15] =	ssyncset.done $0x0  }
0xd6: {  	s1 =	rddreg [dreg:$0x1a];
	[sflag:s15] =	ssyncadd.s32 $0xFFFF8000  }
0xd7: {  	[tilespmem:s2], [sflag:$0x1] =	stream.linear.gather [hbm4b:s1+s2], $0x400, $0x38;
	[tilespmem:$0x10800] =	vst v63  }
0xd8: {  	_ = 	snop  }
0xd9: {  	[hbm4b:s28+s6] =	stream.strided.scatter [tilespmem:s13], [sflag:$0x5], $0x8000, s9, s6, $0x38;
	[tilespmem:$0x10800] =	vst v63  }
0xda: {  	_ =	swait.ge [sflag:s7], $0x8000  }
0xdb: {  	[sflag:s7] =	ssyncset.done $0x0  }
0xdc: {  	[sflag:s7] =	ssyncadd.s32 $0xFFFF8000  }
0xdd: {  	_ =	swait.ge [sflag:s14], $0x400  }
0xde: {  	[sflag:s14] =	ssyncset.done $0x0  }
0xdf: {  	[sflag:s14] =	ssyncadd.s32 $0xFFFFFC00  }
0xe0: {  	[tilespmem:s11], [sflag:$0x4] =	stream.indirect.gather [hbm4b:s3+s5], $0x20, s5, s5, $0xb8;
	[tilespmem:$0x10800] =	vst v63  }
0xe1: {  	_ =	swait.ge [sflag:s12], $0x8000  }
0xe2: {  	[sflag:s12] =	ssyncset.done $0x0  }
0xe3: {  	[sflag:s12] =	ssyncadd.s32 $0xFFFF8000  }
0xe4: {  	[tilespmem:s5], [sflag:$0x2] =	stream.linear.gather [hbm4b:s25+s2], $0x400, $0x38;
	[tilespmem:$0x10800] =	vst v63  }
0xe5: {  	_ = 	snop  }
0xe6: {  	[hbm4b:s26+s6] =	stream.strided.scatter [tilespmem:s11], [sflag:$0x6], $0x8000, s9, s6, $0x38;
	[tilespmem:$0x10800] =	vst v63  }
0xe7: {  	_ =	swait.ge [sflag:s10], $0x8000  }
0xe8: {  	[sflag:s10] =	ssyncset.done $0x0  }
0xe9: {  	[sflag:s10] =	ssyncadd.s32 $0xFFFF8000  }
0xea: {  	_ =	swait.ge [sflag:s16], $0x400  }
0xeb: {  	[sflag:s16] =	ssyncset.done $0x0  }
0xec: {  	[sflag:s16] =	ssyncadd.s32 $0xFFFFFC00  }
0xed: {  	[tilespmem:s13], [sflag:$0x3] =	stream.indirect.gather [hbm4b:s3+s5], $0x20, s2, s5, $0xb8;
	[tilespmem:$0x10800] =	vst v63  }
0xee: {  	_ =	swait.ge [sflag:s15], $0x8000  }
0xef: {  	[sflag:s15] =	ssyncset.done $0x0  }
0xf0: {  	[sflag:s15] =	ssyncadd.s32 $0xFFFF8000  }
0xf1: {  	[tilespmem:s2], [sflag:$0x1] =	stream.linear.gather [hbm4b:s23+s2], $0x400, $0x38;
	[tilespmem:$0x10800] =	vst v63  }
0xf2: {  	_ = 	snop  }
0xf3: {  	[hbm4b:s24+s6] =	stream.strided.scatter [tilespmem:s13], [sflag:$0x5], $0x8000, s9, s6, $0x38;
	[tilespmem:$0x10800] =	vst v63  }
0xf4: {  	_ =	swait.ge [sflag:s7], $0x8000  }
0xf5: {  	[sflag:s7] =	ssyncset.done $0x0  }
0xf6: {  	[sflag:s7] =	ssyncadd.s32 $0xFFFF8000  }
0xf7: {  	_ =	swait.ge [sflag:s14], $0x400  }
0xf8: {  	[sflag:s14] =	ssyncset.done $0x0  }
0xf9: {  	[sflag:s14] =	ssyncadd.s32 $0xFFFFFC00  }
0xfa: {  	[tilespmem:s11], [sflag:$0x4] =	stream.indirect.gather [hbm4b:s3+s5], $0x20, s5, s5, $0xb8;
	[tilespmem:$0x10800] =	vst v63  }
0xfb: {  	_ =	swait.ge [sflag:s12], $0x8000  }
0xfc: {  	[sflag:s12] =	ssyncset.done $0x0  }
0xfd: {  	[sflag:s12] =	ssyncadd.s32 $0xFFFF8000  }
0xfe: {  	[tilespmem:s5], [sflag:$0x2] =	stream.linear.gather [hbm4b:s21+s2], $0x400, $0x38;
	[tilespmem:$0x10800] =	vst v63  }
0xff: {  	_ = 	snop  }
0x100: {  	[hbm4b:s22+s6] =	stream.strided.scatter [tilespmem:s11], [sflag:$0x6], $0x8000, s9, s6, $0x38;
	[tilespmem:$0x10800] =	vst v63  }
0x101: {  	_ =	swait.ge [sflag:s10], $0x8000  }
0x102: {  	[sflag:s10] =	ssyncset.done $0x0  }
0x103: {  	[sflag:s10] =	ssyncadd.s32 $0xFFFF8000  }
0x104: {  	_ =	swait.ge [sflag:s16], $0x400  }
0x105: {  	[sflag:s16] =	ssyncset.done $0x0  }
0x106: {  	[sflag:s16] =	ssyncadd.s32 $0xFFFFFC00  }
0x107: {  	[tilespmem:s13], [sflag:$0x3] =	stream.indirect.gather [hbm4b:s3+s5], $0x20, s2, s5, $0xb8;
	[tilespmem:$0x10800] =	vst v63  }
0x108: {  	_ =	swait.ge [sflag:s15], $0x8000  }
0x109: {  	[sflag:s15] =	ssyncset.done $0x0  }
0x10a: {  	[sflag:s15] =	ssyncadd.s32 $0xFFFF8000  }
0x10b: {  	[tilespmem:s2], [sflag:$0x1] =	stream.linear.gather [hbm4b:s20+s2], $0x400, $0x38;
	[tilespmem:$0x10800] =	vst v63  }
0x10c: {  	_ = 	snop  }
0x10d: {  	[hbm4b:s19+s6] =	stream.strided.scatter [tilespmem:s13], [sflag:$0x5], $0x8000, s9, s6, $0x38;
	[tilespmem:$0x10800] =	vst v63  }
0x10e: {  	_ =	swait.ge [sflag:s7], $0x8000  }
0x10f: {  	[sflag:s7] =	ssyncset.done $0x0  }
0x110: {  	[sflag:s7] =	ssyncadd.s32 $0xFFFF8000  }
0x111: {  	_ =	swait.ge [sflag:s14], $0x400  }
0x112: {  	[sflag:s14] =	ssyncset.done $0x0  }
0x113: {  	[sflag:s14] =	ssyncadd.s32 $0xFFFFFC00  }
0x114: {  	[tilespmem:s11], [sflag:$0x4] =	stream.indirect.gather [hbm4b:s3+s5], $0x20, s5, s5, $0xb8;
	[tilespmem:$0x10800] =	vst v63  }
0x115: {  	_ =	swait.ge [sflag:s12], $0x8000  }
0x116: {  	[sflag:s12] =	ssyncset.done $0x0  }
0x117: {  	[sflag:s12] =	ssyncadd.s32 $0xFFFF8000  }
0x118: {  	[tilespmem:s5], [sflag:$0x2] =	stream.linear.gather [hbm4b:s17+s2], $0x400, $0x38;
	[tilespmem:$0x10800] =	vst v63  }
0x119: {  	_ = 	snop  }
0x11a: {  	[hbm4b:s18+s6] =	stream.strided.scatter [tilespmem:s11], [sflag:$0x6], $0x8000, s9, s6, $0x38;
	[tilespmem:$0x10800] =	vst v63  }
0x11b: {  	_ =	swait.ge [sflag:s10], $0x8000  }
0x11c: {  	[sflag:s10] =	ssyncset.done $0x0  }
0x11d: {  	[sflag:s10] =	ssyncadd.s32 $0xFFFF8000  }
0x11e: {  	_ =	swait.ge [sflag:s16], $0x400  }
0x11f: {  	[sflag:s16] =	ssyncset.done $0x0  }
0x120: {  	[sflag:s16] =	ssyncadd.s32 $0xFFFFFC00  }
0x121: {  	[tilespmem:s13], [sflag:$0x3] =	stream.indirect.gather [hbm4b:s3+s5], $0x20, s2, s5, $0xb8;
	[tilespmem:$0x10800] =	vst v63  }
0x122: {  	_ =	swait.ge [sflag:s15], $0x8000  }
0x123: {  	[sflag:s15] =	ssyncset.done $0x0  }
0x124: {  	[sflag:s15] =	ssyncadd.s32 $0xFFFF8000  }
0x125: {  	[hbm4b:s8+s6] =	stream.strided.scatter [tilespmem:s13], [sflag:$0x5], $0x8000, s9, s6, $0x38;
	[tilespmem:$0x10800] =	vst v63  }
0x126: {  	_ =	swait.ge [sflag:s7], $0x8000  }
0x127: {  	[sflag:s7] =	ssyncset.done $0x0  }
0x128: {  	[sflag:s7] =	ssyncadd.s32 $0xFFFF8000  }
0x129: {  	_ =	swait.ge [sflag:s14], $0x400  }
0x12a: {  	[sflag:s14] =	ssyncset.done $0x0  }
0x12b: {  	[sflag:s14] =	ssyncadd.s32 $0xFFFFFC00  }
0x12c: {  	[tilespmem:s11], [sflag:$0x4] =	stream.indirect.gather [hbm4b:s3+s5], $0x20, s5, s5, $0xb8;
	[tilespmem:$0x10800] =	vst v63  }
0x12d: {  	_ =	swait.ge [sflag:s12], $0x8000  }
0x12e: {  	[sflag:s12] =	ssyncset.done $0x0  }
0x12f: {  	[sflag:s12] =	ssyncadd.s32 $0xFFFF8000  }
0x130: {  	[hbm4b:s4+s6] =	stream.strided.scatter [tilespmem:s11], [sflag:$0x6], $0x8000, s9, s6, $0x38;
	[tilespmem:$0x10800] =	vst v63  }
0x131: {  	_ =	swait.ge [sflag:s10], $0x8000  }
0x132: {  	s1 =	rddreg [dreg:$0x1c]  }
0x133: {  	p1 =	sne.s32 s1, $0x1  }
.Ltmp1:
0x134: {  	_ = 	snop;
	(pc) =	sbr.rel @!p1 .LBB2_2-.Ltmp1, $4  }
0x135: {  	[sflag:s10] =	ssyncset.done $0x0  }
0x136: {  	[sflag:s10] =	ssyncadd.s32 $0xFFFF8000  }
0x137: {  	p0 =	por $0x1, $0x1;
	_ =	swait.ge [sflag:s7], $0x8000;
	[dreg:$0x1b] =	wrdreg s29  }
0x138: {  	s1 =	sadd.s32 $0xFFFFFFFF, s1;
	s0 =	rddreg [dreg:$0x3];
	[sflag:s7] =	ssyncset.done $0x0  }
.LBB2_3:
0x139: {  	[sflag:s7] =	ssyncadd.s32 $0xFFFF8000;
	s29 =	smov.u32 s28;
	s28 =	smov.u32 s26  }
0x13a: {  	s26 =	smov.u32 s25;
	s25 =	smov.u32 s24;
	s24 =	smov.u32 s23  }
0x13b: {  	s23 =	smov.u32 s22;
	s22 =	smov.u32 s21;
	s21 =	smov.u32 s19  }
0x13c: {  	s19 =	smov.u32 s20;
	s20 =	smov.u32 s18;
	s18 =	smov.u32 s17  }
0x13d: {  	[tilespmem:s2], [sflag:$0x1] =	stream.linear.gather [hbm4b:s0+s2], $0x400, $0x38;
	[tilespmem:$0x10800] =	vst v63  }
0x13e: {  	s17 =	smov.u32 s8;
	s8 =	smov.u32 s4;
	s4 =	rddreg [dreg:$0x4]  }
0x13f: {  	[tilespmem:s5], [sflag:$0x2] =	stream.linear.gather [hbm4b:s4+s2], $0x400, $0x38;
	[tilespmem:$0x10800] =	vst v63  }
0x140: {  	_ =	swait.ge [sflag:s16], $0x400  }
0x141: {  	[sflag:s16] =	ssyncset.done $0x0  }
0x142: {  	[sflag:s16] =	ssyncadd.s32 $0xFFFFFC00  }
0x143: {  	[tilespmem:s13], [sflag:$0x3] =	stream.indirect.gather [hbm4b:s3+s5], $0x20, s2, s5, $0xb8;
	[tilespmem:$0x10800] =	vst v63  }
0x144: {  	_ =	swait.ge [sflag:s15], $0x8000  }
0x145: {  	[sflag:s15] =	ssyncset.done $0x0  }
0x146: {  	s4 =	rddreg [dreg:$0x5];
	[sflag:s15] =	ssyncadd.s32 $0xFFFF8000  }
0x147: {  	[tilespmem:s2], [sflag:$0x1] =	stream.linear.gather [hbm4b:s4+s2], $0x400, $0x38;
	[tilespmem:$0x10800] =	vst v63  }
0x148: {  	s4 =	rddreg [dreg:$0x1b]  }
0x149: {  	[hbm4b:s4+s6] =	stream.strided.scatter [tilespmem:s13], [sflag:$0x5], $0x8000, s9, s6, $0x38;
	[tilespmem:$0x10800] =	vst v63  }
0x14a: {  	_ =	swait.ge [sflag:s14], $0x400  }
0x14b: {  	[sflag:s14] =	ssyncset.done $0x0  }
0x14c: {  	[sflag:s14] =	ssyncadd.s32 $0xFFFFFC00  }
0x14d: {  	[tilespmem:s11], [sflag:$0x4] =	stream.indirect.gather [hbm4b:s3+s5], $0x20, s5, s5, $0xb8;
	[tilespmem:$0x10800] =	vst v63  }
0x14e: {  	_ =	swait.ge [sflag:s12], $0x8000  }
0x14f: {  	[sflag:s12] =	ssyncset.done $0x0  }
0x150: {  	s0 =	rddreg [dreg:$0x6];
	[sflag:s12] =	ssyncadd.s32 $0xFFFF8000  }
0x151: {  	[tilespmem:s5], [sflag:$0x2] =	stream.linear.gather [hbm4b:s0+s2], $0x400, $0x38;
	[tilespmem:$0x10800] =	vst v63  }
0x152: {  	s4 =	rddreg [dreg:$0x7]  }
0x153: {  	[hbm4b:s4+s6] =	stream.strided.scatter [tilespmem:s11], [sflag:$0x6], $0x8000, s9, s6, $0x38;
	[tilespmem:$0x10800] =	vst v63  }
0x154: {  	_ =	swait.ge [sflag:s10], $0x8000  }
0x155: {  	[sflag:s10] =	ssyncset.done $0x0  }
0x156: {  	[sflag:s10] =	ssyncadd.s32 $0xFFFF8000  }
0x157: {  	_ =	swait.ge [sflag:s16], $0x400  }
0x158: {  	[sflag:s16] =	ssyncset.done $0x0  }
0x159: {  	[sflag:s16] =	ssyncadd.s32 $0xFFFFFC00  }
0x15a: {  	[tilespmem:s13], [sflag:$0x3] =	stream.indirect.gather [hbm4b:s3+s5], $0x20, s2, s5, $0xb8;
	[tilespmem:$0x10800] =	vst v63  }
0x15b: {  	_ =	swait.ge [sflag:s15], $0x8000  }
0x15c: {  	[sflag:s15] =	ssyncset.done $0x0  }
0x15d: {  	s0 =	rddreg [dreg:$0x8];
	[sflag:s15] =	ssyncadd.s32 $0xFFFF8000  }
0x15e: {  	[tilespmem:s2], [sflag:$0x1] =	stream.linear.gather [hbm4b:s0+s2], $0x400, $0x38;
	[tilespmem:$0x10800] =	vst v63  }
0x15f: {  	s4 =	rddreg [dreg:$0x9]  }
0x160: {  	[hbm4b:s4+s6] =	stream.strided.scatter [tilespmem:s13], [sflag:$0x5], $0x8000, s9, s6, $0x38;
	[tilespmem:$0x10800] =	vst v63  }
0x161: {  	_ =	swait.ge [sflag:s7], $0x8000  }
0x162: {  	[sflag:s7] =	ssyncset.done $0x0  }
0x163: {  	[sflag:s7] =	ssyncadd.s32 $0xFFFF8000  }
0x164: {  	_ =	swait.ge [sflag:s14], $0x400  }
0x165: {  	[sflag:s14] =	ssyncset.done $0x0  }
0x166: {  	[sflag:s14] =	ssyncadd.s32 $0xFFFFFC00  }
0x167: {  	[tilespmem:s11], [sflag:$0x4] =	stream.indirect.gather [hbm4b:s3+s5], $0x20, s5, s5, $0xb8;
	[tilespmem:$0x10800] =	vst v63  }
0x168: {  	_ =	swait.ge [sflag:s12], $0x8000  }
0x169: {  	[sflag:s12] =	ssyncset.done $0x0  }
0x16a: {  	s0 =	rddreg [dreg:$0xa];
	[sflag:s12] =	ssyncadd.s32 $0xFFFF8000  }
0x16b: {  	[tilespmem:s5], [sflag:$0x2] =	stream.linear.gather [hbm4b:s0+s2], $0x400, $0x38;
	[tilespmem:$0x10800] =	vst v63  }
0x16c: {  	s4 =	rddreg [dreg:$0xb]  }
0x16d: {  	[hbm4b:s4+s6] =	stream.strided.scatter [tilespmem:s11], [sflag:$0x6], $0x8000, s9, s6, $0x38;
	[tilespmem:$0x10800] =	vst v63  }
0x16e: {  	_ =	swait.ge [sflag:s10], $0x8000  }
0x16f: {  	[sflag:s10] =	ssyncset.done $0x0  }
0x170: {  	[sflag:s10] =	ssyncadd.s32 $0xFFFF8000  }
0x171: {  	_ =	swait.ge [sflag:s16], $0x400  }
0x172: {  	[sflag:s16] =	ssyncset.done $0x0  }
0x173: {  	[sflag:s16] =	ssyncadd.s32 $0xFFFFFC00  }
0x174: {  	[tilespmem:s13], [sflag:$0x3] =	stream.indirect.gather [hbm4b:s3+s5], $0x20, s2, s5, $0xb8;
	[tilespmem:$0x10800] =	vst v63  }
0x175: {  	_ =	swait.ge [sflag:s15], $0x8000  }
0x176: {  	[sflag:s15] =	ssyncset.done $0x0  }
0x177: {  	s4 =	rddreg [dreg:$0xc];
	[sflag:s15] =	ssyncadd.s32 $0xFFFF8000  }
0x178: {  	[tilespmem:s2], [sflag:$0x1] =	stream.linear.gather [hbm4b:s4+s2], $0x400, $0x38;
	[tilespmem:$0x10800] =	vst v63  }
0x179: {  	_ = 	snop  }
0x17a: {  	[hbm4b:s31+s6] =	stream.strided.scatter [tilespmem:s13], [sflag:$0x5], $0x8000, s9, s6, $0x38;
	[tilespmem:$0x10800] =	vst v63  }
0x17b: {  	_ =	swait.ge [sflag:s7], $0x8000  }
0x17c: {  	[sflag:s7] =	ssyncset.done $0x0  }
0x17d: {  	[sflag:s7] =	ssyncadd.s32 $0xFFFF8000  }
0x17e: {  	_ =	swait.ge [sflag:s14], $0x400  }
0x17f: {  	[sflag:s14] =	ssyncset.done $0x0  }
0x180: {  	[sflag:s14] =	ssyncadd.s32 $0xFFFFFC00  }
0x181: {  	[tilespmem:s11], [sflag:$0x4] =	stream.indirect.gather [hbm4b:s3+s5], $0x20, s5, s5, $0xb8;
	[tilespmem:$0x10800] =	vst v63  }
0x182: {  	_ =	swait.ge [sflag:s12], $0x8000  }
0x183: {  	[sflag:s12] =	ssyncset.done $0x0  }
0x184: {  	s0 =	rddreg [dreg:$0xd];
	[sflag:s12] =	ssyncadd.s32 $0xFFFF8000  }
0x185: {  	[tilespmem:s5], [sflag:$0x2] =	stream.linear.gather [hbm4b:s0+s2], $0x400, $0x38;
	[tilespmem:$0x10800] =	vst v63  }
0x186: {  	s4 =	rddreg [dreg:$0xe]  }
0x187: {  	[hbm4b:s4+s6] =	stream.strided.scatter [tilespmem:s11], [sflag:$0x6], $0x8000, s9, s6, $0x38;
	[tilespmem:$0x10800] =	vst v63  }
0x188: {  	_ =	swait.ge [sflag:s10], $0x8000  }
0x189: {  	[sflag:s10] =	ssyncset.done $0x0  }
0x18a: {  	[sflag:s10] =	ssyncadd.s32 $0xFFFF8000  }
0x18b: {  	_ =	swait.ge [sflag:s16], $0x400  }
0x18c: {  	[sflag:s16] =	ssyncset.done $0x0  }
0x18d: {  	[sflag:s16] =	ssyncadd.s32 $0xFFFFFC00  }
0x18e: {  	[tilespmem:s13], [sflag:$0x3] =	stream.indirect.gather [hbm4b:s3+s5], $0x20, s2, s5, $0xb8;
	[tilespmem:$0x10800] =	vst v63  }
0x18f: {  	_ =	swait.ge [sflag:s15], $0x8000  }
0x190: {  	[sflag:s15] =	ssyncset.done $0x0  }
0x191: {  	s0 =	rddreg [dreg:$0xf];
	[sflag:s15] =	ssyncadd.s32 $0xFFFF8000  }
0x192: {  	[tilespmem:s2], [sflag:$0x1] =	stream.linear.gather [hbm4b:s0+s2], $0x400, $0x38;
	[tilespmem:$0x10800] =	vst v63  }
0x193: {  	s4 =	rddreg [dreg:$0x10]  }
0x194: {  	[hbm4b:s4+s6] =	stream.strided.scatter [tilespmem:s13], [sflag:$0x5], $0x8000, s9, s6, $0x38;
	[tilespmem:$0x10800] =	vst v63  }
0x195: {  	_ =	swait.ge [sflag:s7], $0x8000  }
0x196: {  	[sflag:s7] =	ssyncset.done $0x0  }
0x197: {  	[sflag:s7] =	ssyncadd.s32 $0xFFFF8000  }
0x198: {  	_ =	swait.ge [sflag:s14], $0x400  }
0x199: {  	[sflag:s14] =	ssyncset.done $0x0  }
0x19a: {  	[sflag:s14] =	ssyncadd.s32 $0xFFFFFC00  }
0x19b: {  	[tilespmem:s11], [sflag:$0x4] =	stream.indirect.gather [hbm4b:s3+s5], $0x20, s5, s5, $0xb8;
	[tilespmem:$0x10800] =	vst v63  }
0x19c: {  	_ =	swait.ge [sflag:s12], $0x8000  }
0x19d: {  	[sflag:s12] =	ssyncset.done $0x0  }
0x19e: {  	s0 =	rddreg [dreg:$0x11];
	[sflag:s12] =	ssyncadd.s32 $0xFFFF8000  }
0x19f: {  	[tilespmem:s5], [sflag:$0x2] =	stream.linear.gather [hbm4b:s0+s2], $0x400, $0x38;
	[tilespmem:$0x10800] =	vst v63  }
0x1a0: {  	s4 =	rddreg [dreg:$0x12]  }
0x1a1: {  	[hbm4b:s4+s6] =	stream.strided.scatter [tilespmem:s11], [sflag:$0x6], $0x8000, s9, s6, $0x38;
	[tilespmem:$0x10800] =	vst v63  }
0x1a2: {  	_ =	swait.ge [sflag:s10], $0x8000  }
0x1a3: {  	[sflag:s10] =	ssyncset.done $0x0  }
0x1a4: {  	[sflag:s10] =	ssyncadd.s32 $0xFFFF8000  }
0x1a5: {  	_ =	swait.ge [sflag:s16], $0x400  }
0x1a6: {  	[sflag:s16] =	ssyncset.done $0x0  }
0x1a7: {  	[sflag:s16] =	ssyncadd.s32 $0xFFFFFC00  }
0x1a8: {  	[tilespmem:s13], [sflag:$0x3] =	stream.indirect.gather [hbm4b:s3+s5], $0x20, s2, s5, $0xb8;
	[tilespmem:$0x10800] =	vst v63  }
0x1a9: {  	_ =	swait.ge [sflag:s15], $0x8000  }
0x1aa: {  	[sflag:s15] =	ssyncset.done $0x0  }
0x1ab: {  	s4 =	rddreg [dreg:$0x13];
	[sflag:s15] =	ssyncadd.s32 $0xFFFF8000  }
0x1ac: {  	[tilespmem:s2], [sflag:$0x1] =	stream.linear.gather [hbm4b:s4+s2], $0x400, $0x38;
	[tilespmem:$0x10800] =	vst v63  }
0x1ad: {  	_ = 	snop  }
0x1ae: {  	[hbm4b:s30+s6] =	stream.strided.scatter [tilespmem:s13], [sflag:$0x5], $0x8000, s9, s6, $0x38;
	[tilespmem:$0x10800] =	vst v63  }
0x1af: {  	_ =	swait.ge [sflag:s7], $0x8000  }
0x1b0: {  	[sflag:s7] =	ssyncset.done $0x0  }
0x1b1: {  	[sflag:s7] =	ssyncadd.s32 $0xFFFF8000  }
0x1b2: {  	_ =	swait.ge [sflag:s14], $0x400  }
0x1b3: {  	[sflag:s14] =	ssyncset.done $0x0  }
0x1b4: {  	[sflag:s14] =	ssyncadd.s32 $0xFFFFFC00  }
0x1b5: {  	[tilespmem:s11], [sflag:$0x4] =	stream.indirect.gather [hbm4b:s3+s5], $0x20, s5, s5, $0xb8;
	[tilespmem:$0x10800] =	vst v63  }
0x1b6: {  	_ =	swait.ge [sflag:s12], $0x8000  }
0x1b7: {  	[sflag:s12] =	ssyncset.done $0x0  }
0x1b8: {  	s0 =	rddreg [dreg:$0x14];
	[sflag:s12] =	ssyncadd.s32 $0xFFFF8000  }
0x1b9: {  	[tilespmem:s5], [sflag:$0x2] =	stream.linear.gather [hbm4b:s0+s2], $0x400, $0x38;
	[tilespmem:$0x10800] =	vst v63  }
0x1ba: {  	s4 =	rddreg [dreg:$0x15]  }
0x1bb: {  	[hbm4b:s4+s6] =	stream.strided.scatter [tilespmem:s11], [sflag:$0x6], $0x8000, s9, s6, $0x38;
	[tilespmem:$0x10800] =	vst v63  }
0x1bc: {  	_ =	swait.ge [sflag:s10], $0x8000  }
0x1bd: {  	[sflag:s10] =	ssyncset.done $0x0  }
0x1be: {  	[sflag:s10] =	ssyncadd.s32 $0xFFFF8000  }
0x1bf: {  	_ =	swait.ge [sflag:s16], $0x400  }
0x1c0: {  	[sflag:s16] =	ssyncset.done $0x0  }
0x1c1: {  	[sflag:s16] =	ssyncadd.s32 $0xFFFFFC00  }
0x1c2: {  	[tilespmem:s13], [sflag:$0x3] =	stream.indirect.gather [hbm4b:s3+s5], $0x20, s2, s5, $0xb8;
	[tilespmem:$0x10800] =	vst v63  }
0x1c3: {  	_ =	swait.ge [sflag:s15], $0x8000  }
0x1c4: {  	[sflag:s15] =	ssyncset.done $0x0  }
0x1c5: {  	s0 =	rddreg [dreg:$0x16];
	[sflag:s15] =	ssyncadd.s32 $0xFFFF8000  }
0x1c6: {  	[tilespmem:s2], [sflag:$0x1] =	stream.linear.gather [hbm4b:s0+s2], $0x400, $0x38;
	[tilespmem:$0x10800] =	vst v63  }
0x1c7: {  	s4 =	rddreg [dreg:$0x17]  }
0x1c8: {  	[hbm4b:s4+s6] =	stream.strided.scatter [tilespmem:s13], [sflag:$0x5], $0x8000, s9, s6, $0x38;
	[tilespmem:$0x10800] =	vst v63  }
0x1c9: {  	_ =	swait.ge [sflag:s7], $0x8000  }
0x1ca: {  	[sflag:s7] =	ssyncset.done $0x0  }
0x1cb: {  	[sflag:s7] =	ssyncadd.s32 $0xFFFF8000  }
0x1cc: {  	_ =	swait.ge [sflag:s14], $0x400  }
0x1cd: {  	[sflag:s14] =	ssyncset.done $0x0  }
0x1ce: {  	[sflag:s14] =	ssyncadd.s32 $0xFFFFFC00  }
0x1cf: {  	[tilespmem:s11], [sflag:$0x4] =	stream.indirect.gather [hbm4b:s3+s5], $0x20, s5, s5, $0xb8;
	[tilespmem:$0x10800] =	vst v63  }
0x1d0: {  	_ =	swait.ge [sflag:s12], $0x8000  }
0x1d1: {  	[sflag:s12] =	ssyncset.done $0x0  }
0x1d2: {  	s0 =	rddreg [dreg:$0x18];
	[sflag:s12] =	ssyncadd.s32 $0xFFFF8000  }
0x1d3: {  	[tilespmem:s5], [sflag:$0x2] =	stream.linear.gather [hbm4b:s0+s2], $0x400, $0x38;
	[tilespmem:$0x10800] =	vst v63  }
0x1d4: {  	s4 =	rddreg [dreg:$0x19]  }
0x1d5: {  	[hbm4b:s4+s6] =	stream.strided.scatter [tilespmem:s11], [sflag:$0x6], $0x8000, s9, s6, $0x38;
	[tilespmem:$0x10800] =	vst v63  }
0x1d6: {  	_ =	swait.ge [sflag:s10], $0x8000  }
0x1d7: {  	[sflag:s10] =	ssyncset.done $0x0  }
0x1d8: {  	[sflag:s10] =	ssyncadd.s32 $0xFFFF8000  }
0x1d9: {  	_ =	swait.ge [sflag:s16], $0x400  }
0x1da: {  	[sflag:s16] =	ssyncset.done $0x0  }
0x1db: {  	[sflag:s16] =	ssyncadd.s32 $0xFFFFFC00  }
0x1dc: {  	[tilespmem:s13], [sflag:$0x3] =	stream.indirect.gather [hbm4b:s3+s5], $0x20, s2, s5, $0xb8;
	[tilespmem:$0x10800] =	vst v63  }
0x1dd: {  	_ =	swait.ge [sflag:s15], $0x8000  }
0x1de: {  	[sflag:s15] =	ssyncset.done $0x0  }
0x1df: {  	s0 =	rddreg [dreg:$0x1a];
	[sflag:s15] =	ssyncadd.s32 $0xFFFF8000  }
0x1e0: {  	[tilespmem:s2], [sflag:$0x1] =	stream.linear.gather [hbm4b:s0+s2], $0x400, $0x38;
	[tilespmem:$0x10800] =	vst v63  }
0x1e1: {  	_ = 	snop  }
0x1e2: {  	[hbm4b:s29+s6] =	stream.strided.scatter [tilespmem:s13], [sflag:$0x5], $0x8000, s9, s6, $0x38;
	[tilespmem:$0x10800] =	vst v63  }
0x1e3: {  	_ =	swait.ge [sflag:s7], $0x8000  }
0x1e4: {  	[sflag:s7] =	ssyncset.done $0x0  }
0x1e5: {  	[sflag:s7] =	ssyncadd.s32 $0xFFFF8000  }
0x1e6: {  	s4 =	smov.u32 s8;
	_ =	swait.ge [sflag:s14], $0x400  }
0x1e7: {  	s8 =	smov.u32 s17;
	s17 =	smov.u32 s18;
	[sflag:s14] =	ssyncset.done $0x0  }
0x1e8: {  	s18 =	smov.u32 s20;
	s20 =	smov.u32 s19;
	[sflag:s14] =	ssyncadd.s32 $0xFFFFFC00  }
0x1e9: {  	[tilespmem:s11], [sflag:$0x4] =	stream.indirect.gather [hbm4b:s3+s5], $0x20, s5, s5, $0xb8;
	[tilespmem:$0x10800] =	vst v63  }
0x1ea: {  	s19 =	smov.u32 s21;
	s21 =	smov.u32 s22;
	_ =	swait.ge [sflag:s12], $0x8000  }
0x1eb: {  	s22 =	smov.u32 s23;
	s23 =	smov.u32 s24;
	[sflag:s12] =	ssyncset.done $0x0  }
0x1ec: {  	s24 =	smov.u32 s25;
	s25 =	smov.u32 s26;
	[sflag:s12] =	ssyncadd.s32 $0xFFFF8000  }
0x1ed: {  	[tilespmem:s5], [sflag:$0x2] =	stream.linear.gather [hbm4b:s25+s2], $0x400, $0x38;
	[tilespmem:$0x10800] =	vst v63  }
0x1ee: {  	s26 =	smov.u32 s28  }
0x1ef: {  	[hbm4b:s26+s6] =	stream.strided.scatter [tilespmem:s11], [sflag:$0x6], $0x8000, s9, s6, $0x38;
	[tilespmem:$0x10800] =	vst v63  }
0x1f0: {  	_ =	swait.ge [sflag:s10], $0x8000  }
0x1f1: {  	[sflag:s10] =	ssyncset.done $0x0  }
0x1f2: {  	[sflag:s10] =	ssyncadd.s32 $0xFFFF8000  }
0x1f3: {  	_ =	swait.ge [sflag:s16], $0x400  }
0x1f4: {  	[sflag:s16] =	ssyncset.done $0x0  }
0x1f5: {  	[sflag:s16] =	ssyncadd.s32 $0xFFFFFC00  }
0x1f6: {  	[tilespmem:s13], [sflag:$0x3] =	stream.indirect.gather [hbm4b:s3+s5], $0x20, s2, s5, $0xb8;
	[tilespmem:$0x10800] =	vst v63  }
0x1f7: {  	_ =	swait.ge [sflag:s15], $0x8000  }
0x1f8: {  	[sflag:s15] =	ssyncset.done $0x0  }
0x1f9: {  	[sflag:s15] =	ssyncadd.s32 $0xFFFF8000  }
0x1fa: {  	[tilespmem:s2], [sflag:$0x1] =	stream.linear.gather [hbm4b:s23+s2], $0x400, $0x38;
	[tilespmem:$0x10800] =	vst v63  }
0x1fb: {  	_ = 	snop  }
0x1fc: {  	[hbm4b:s24+s6] =	stream.strided.scatter [tilespmem:s13], [sflag:$0x5], $0x8000, s9, s6, $0x38;
	[tilespmem:$0x10800] =	vst v63  }
0x1fd: {  	_ =	swait.ge [sflag:s7], $0x8000  }
0x1fe: {  	[sflag:s7] =	ssyncset.done $0x0  }
0x1ff: {  	[sflag:s7] =	ssyncadd.s32 $0xFFFF8000  }
0x200: {  	_ =	swait.ge [sflag:s14], $0x400  }
0x201: {  	[sflag:s14] =	ssyncset.done $0x0  }
0x202: {  	[sflag:s14] =	ssyncadd.s32 $0xFFFFFC00  }
0x203: {  	[tilespmem:s11], [sflag:$0x4] =	stream.indirect.gather [hbm4b:s3+s5], $0x20, s5, s5, $0xb8;
	[tilespmem:$0x10800] =	vst v63  }
0x204: {  	_ =	swait.ge [sflag:s12], $0x8000  }
0x205: {  	[sflag:s12] =	ssyncset.done $0x0  }
0x206: {  	[sflag:s12] =	ssyncadd.s32 $0xFFFF8000  }
0x207: {  	[tilespmem:s5], [sflag:$0x2] =	stream.linear.gather [hbm4b:s21+s2], $0x400, $0x38;
	[tilespmem:$0x10800] =	vst v63  }
0x208: {  	_ = 	snop  }
0x209: {  	[hbm4b:s22+s6] =	stream.strided.scatter [tilespmem:s11], [sflag:$0x6], $0x8000, s9, s6, $0x38;
	[tilespmem:$0x10800] =	vst v63  }
0x20a: {  	_ =	swait.ge [sflag:s10], $0x8000  }
0x20b: {  	[sflag:s10] =	ssyncset.done $0x0  }
0x20c: {  	[sflag:s10] =	ssyncadd.s32 $0xFFFF8000  }
0x20d: {  	_ =	swait.ge [sflag:s16], $0x400  }
0x20e: {  	[sflag:s16] =	ssyncset.done $0x0  }
0x20f: {  	[sflag:s16] =	ssyncadd.s32 $0xFFFFFC00  }
0x210: {  	[tilespmem:s13], [sflag:$0x3] =	stream.indirect.gather [hbm4b:s3+s5], $0x20, s2, s5, $0xb8;
	[tilespmem:$0x10800] =	vst v63  }
0x211: {  	_ =	swait.ge [sflag:s15], $0x8000  }
0x212: {  	[sflag:s15] =	ssyncset.done $0x0  }
0x213: {  	[sflag:s15] =	ssyncadd.s32 $0xFFFF8000  }
0x214: {  	[tilespmem:s2], [sflag:$0x1] =	stream.linear.gather [hbm4b:s20+s2], $0x400, $0x38;
	[tilespmem:$0x10800] =	vst v63  }
0x215: {  	_ = 	snop  }
0x216: {  	[hbm4b:s19+s6] =	stream.strided.scatter [tilespmem:s13], [sflag:$0x5], $0x8000, s9, s6, $0x38;
	[tilespmem:$0x10800] =	vst v63  }
0x217: {  	_ =	swait.ge [sflag:s7], $0x8000  }
0x218: {  	[sflag:s7] =	ssyncset.done $0x0  }
0x219: {  	[sflag:s7] =	ssyncadd.s32 $0xFFFF8000  }
0x21a: {  	_ =	swait.ge [sflag:s14], $0x400  }
0x21b: {  	[sflag:s14] =	ssyncset.done $0x0  }
0x21c: {  	[sflag:s14] =	ssyncadd.s32 $0xFFFFFC00  }
0x21d: {  	[tilespmem:s11], [sflag:$0x4] =	stream.indirect.gather [hbm4b:s3+s5], $0x20, s5, s5, $0xb8;
	[tilespmem:$0x10800] =	vst v63  }
0x21e: {  	_ =	swait.ge [sflag:s12], $0x8000  }
0x21f: {  	[sflag:s12] =	ssyncset.done $0x0  }
0x220: {  	[sflag:s12] =	ssyncadd.s32 $0xFFFF8000  }
0x221: {  	[tilespmem:s5], [sflag:$0x2] =	stream.linear.gather [hbm4b:s17+s2], $0x400, $0x38;
	[tilespmem:$0x10800] =	vst v63  }
0x222: {  	_ = 	snop  }
0x223: {  	[hbm4b:s18+s6] =	stream.strided.scatter [tilespmem:s11], [sflag:$0x6], $0x8000, s9, s6, $0x38;
	[tilespmem:$0x10800] =	vst v63  }
0x224: {  	_ =	swait.ge [sflag:s10], $0x8000  }
0x225: {  	[sflag:s10] =	ssyncset.done $0x0  }
0x226: {  	[sflag:s10] =	ssyncadd.s32 $0xFFFF8000  }
0x227: {  	_ =	swait.ge [sflag:s16], $0x400  }
0x228: {  	[sflag:s16] =	ssyncset.done $0x0  }
0x229: {  	[sflag:s16] =	ssyncadd.s32 $0xFFFFFC00  }
0x22a: {  	[tilespmem:s13], [sflag:$0x3] =	stream.indirect.gather [hbm4b:s3+s5], $0x20, s2, s5, $0xb8;
	[tilespmem:$0x10800] =	vst v63  }
0x22b: {  	_ =	swait.ge [sflag:s15], $0x8000  }
0x22c: {  	[sflag:s15] =	ssyncset.done $0x0  }
0x22d: {  	[sflag:s15] =	ssyncadd.s32 $0xFFFF8000  }
0x22e: {  	[hbm4b:s8+s6] =	stream.strided.scatter [tilespmem:s13], [sflag:$0x5], $0x8000, s9, s6, $0x38;
	[tilespmem:$0x10800] =	vst v63  }
0x22f: {  	_ =	swait.ge [sflag:s7], $0x8000  }
0x230: {  	[sflag:s7] =	ssyncset.done $0x0  }
0x231: {  	[sflag:s7] =	ssyncadd.s32 $0xFFFF8000  }
0x232: {  	_ =	swait.ge [sflag:s14], $0x400  }
0x233: {  	[sflag:s14] =	ssyncset.done $0x0  }
0x234: {  	[sflag:s14] =	ssyncadd.s32 $0xFFFFFC00  }
0x235: {  	[tilespmem:s11], [sflag:$0x4] =	stream.indirect.gather [hbm4b:s3+s5], $0x20, s5, s5, $0xb8;
	[tilespmem:$0x10800] =	vst v63  }
0x236: {  	_ =	swait.ge [sflag:s12], $0x8000  }
0x237: {  	[sflag:s12] =	ssyncset.done $0x0  }
0x238: {  	p1 =	sne.s32 s1, $0x1;
	[sflag:s12] =	ssyncadd.s32 $0xFFFF8000  }
0x239: {  	[hbm4b:s4+s6] =	stream.strided.scatter [tilespmem:s11], [sflag:$0x6], $0x8000, s9, s6, $0x38;
	[tilespmem:$0x10800] =	vst v63  }
.Ltmp2:
0x23a: {  	_ =	swait.ge [sflag:s10], $0x8000;
	(pc) =	sbr.rel @p1 .LBB2_3-.Ltmp2, $4  }
0x23b: {  	[sflag:s10] =	ssyncset.done $0x0  }
0x23c: {  	[sflag:s10] =	ssyncadd.s32 $0xFFFF8000  }
0x23d: {  	s1 =	sadd.s32 $0xFFFFFFFF, s1;
	_ =	swait.ge [sflag:s7], $0x8000  }
0x23e: {  	s28 =	smov.u32 s29;
	s0 =	rddreg [dreg:$0x3];
	[sflag:s7] =	ssyncset.done $0x0  }
0x23f: {  	s29 =	rddreg [dreg:$0x1b]  }
.LBB2_5:
0x240: {  	[sflag:s7] =	ssyncadd.s32 @p0 $0xFFFF8000  }
0x241: {  	[tilespmem:s2], [sflag:$0x1] =	stream.linear.gather [hbm4b:s0+s2], $0x400, $0x38;
	[tilespmem:$0x10800] =	vst v63  }
0x242: {  	s1 =	rddreg [dreg:$0x4]  }
0x243: {  	[tilespmem:s5], [sflag:$0x2] =	stream.linear.gather [hbm4b:s1+s2], $0x400, $0x38;
	[tilespmem:$0x10800] =	vst v63  }
0x244: {  	_ =	swait.ge [sflag:s16], $0x400  }
0x245: {  	[sflag:s16] =	ssyncset.done $0x0  }
0x246: {  	[sflag:s16] =	ssyncadd.s32 $0xFFFFFC00  }
0x247: {  	[tilespmem:s13], [sflag:$0x3] =	stream.indirect.gather [hbm4b:s3+s5], $0x20, s2, s5, $0xb8;
	[tilespmem:$0x10800] =	vst v63  }
0x248: {  	_ =	swait.ge [sflag:s15], $0x8000  }
0x249: {  	[sflag:s15] =	ssyncset.done $0x0  }
0x24a: {  	s1 =	rddreg [dreg:$0x5];
	[sflag:s15] =	ssyncadd.s32 $0xFFFF8000  }
0x24b: {  	[tilespmem:s2], [sflag:$0x1] =	stream.linear.gather [hbm4b:s1+s2], $0x400, $0x38;
	[tilespmem:$0x10800] =	vst v63  }
0x24c: {  	_ = 	snop  }
0x24d: {  	[hbm4b:s29+s6] =	stream.strided.scatter [tilespmem:s13], [sflag:$0x5], $0x8000, s9, s6, $0x38;
	[tilespmem:$0x10800] =	vst v63  }
0x24e: {  	_ =	swait.ge [sflag:s14], $0x400  }
0x24f: {  	[sflag:s14] =	ssyncset.done $0x0  }
0x250: {  	[sflag:s14] =	ssyncadd.s32 $0xFFFFFC00  }
0x251: {  	[tilespmem:s11], [sflag:$0x4] =	stream.indirect.gather [hbm4b:s3+s5], $0x20, s5, s5, $0xb8;
	[tilespmem:$0x10800] =	vst v63  }
0x252: {  	_ =	swait.ge [sflag:s12], $0x8000  }
0x253: {  	[sflag:s12] =	ssyncset.done $0x0  }
0x254: {  	s1 =	rddreg [dreg:$0x6];
	[sflag:s12] =	ssyncadd.s32 $0xFFFF8000  }
0x255: {  	[tilespmem:s5], [sflag:$0x2] =	stream.linear.gather [hbm4b:s1+s2], $0x400, $0x38;
	[tilespmem:$0x10800] =	vst v63  }
0x256: {  	s29 =	rddreg [dreg:$0x7]  }
0x257: {  	[hbm4b:s29+s6] =	stream.strided.scatter [tilespmem:s11], [sflag:$0x6], $0x8000, s9, s6, $0x38;
	[tilespmem:$0x10800] =	vst v63  }
0x258: {  	_ =	swait.ge [sflag:s10], $0x8000  }
0x259: {  	[sflag:s10] =	ssyncset.done $0x0  }
0x25a: {  	[sflag:s10] =	ssyncadd.s32 $0xFFFF8000  }
0x25b: {  	_ =	swait.ge [sflag:s16], $0x400  }
0x25c: {  	[sflag:s16] =	ssyncset.done $0x0  }
0x25d: {  	[sflag:s16] =	ssyncadd.s32 $0xFFFFFC00  }
0x25e: {  	[tilespmem:s13], [sflag:$0x3] =	stream.indirect.gather [hbm4b:s3+s5], $0x20, s2, s5, $0xb8;
	[tilespmem:$0x10800] =	vst v63  }
0x25f: {  	_ =	swait.ge [sflag:s15], $0x8000  }
0x260: {  	[sflag:s15] =	ssyncset.done $0x0  }
0x261: {  	s1 =	rddreg [dreg:$0x8];
	[sflag:s15] =	ssyncadd.s32 $0xFFFF8000  }
0x262: {  	[tilespmem:s2], [sflag:$0x1] =	stream.linear.gather [hbm4b:s1+s2], $0x400, $0x38;
	[tilespmem:$0x10800] =	vst v63  }
0x263: {  	s29 =	rddreg [dreg:$0x9]  }
0x264: {  	[hbm4b:s29+s6] =	stream.strided.scatter [tilespmem:s13], [sflag:$0x5], $0x8000, s9, s6, $0x38;
	[tilespmem:$0x10800] =	vst v63  }
0x265: {  	_ =	swait.ge [sflag:s7], $0x8000  }
0x266: {  	[sflag:s7] =	ssyncset.done $0x0  }
0x267: {  	[sflag:s7] =	ssyncadd.s32 $0xFFFF8000  }
0x268: {  	_ =	swait.ge [sflag:s14], $0x400  }
0x269: {  	[sflag:s14] =	ssyncset.done $0x0  }
0x26a: {  	[sflag:s14] =	ssyncadd.s32 $0xFFFFFC00  }
0x26b: {  	[tilespmem:s11], [sflag:$0x4] =	stream.indirect.gather [hbm4b:s3+s5], $0x20, s5, s5, $0xb8;
	[tilespmem:$0x10800] =	vst v63  }
0x26c: {  	_ =	swait.ge [sflag:s12], $0x8000  }
0x26d: {  	[sflag:s12] =	ssyncset.done $0x0  }
0x26e: {  	s1 =	rddreg [dreg:$0xa];
	[sflag:s12] =	ssyncadd.s32 $0xFFFF8000  }
0x26f: {  	[tilespmem:s5], [sflag:$0x2] =	stream.linear.gather [hbm4b:s1+s2], $0x400, $0x38;
	[tilespmem:$0x10800] =	vst v63  }
0x270: {  	s29 =	rddreg [dreg:$0xb]  }
0x271: {  	[hbm4b:s29+s6] =	stream.strided.scatter [tilespmem:s11], [sflag:$0x6], $0x8000, s9, s6, $0x38;
	[tilespmem:$0x10800] =	vst v63  }
0x272: {  	_ =	swait.ge [sflag:s10], $0x8000  }
0x273: {  	[sflag:s10] =	ssyncset.done $0x0  }
0x274: {  	[sflag:s10] =	ssyncadd.s32 $0xFFFF8000  }
0x275: {  	_ =	swait.ge [sflag:s16], $0x400  }
0x276: {  	[sflag:s16] =	ssyncset.done $0x0  }
0x277: {  	[sflag:s16] =	ssyncadd.s32 $0xFFFFFC00  }
0x278: {  	[tilespmem:s13], [sflag:$0x3] =	stream.indirect.gather [hbm4b:s3+s5], $0x20, s2, s5, $0xb8;
	[tilespmem:$0x10800] =	vst v63  }
0x279: {  	_ =	swait.ge [sflag:s15], $0x8000  }
0x27a: {  	[sflag:s15] =	ssyncset.done $0x0  }
0x27b: {  	s1 =	rddreg [dreg:$0xc];
	[sflag:s15] =	ssyncadd.s32 $0xFFFF8000  }
0x27c: {  	[tilespmem:s2], [sflag:$0x1] =	stream.linear.gather [hbm4b:s1+s2], $0x400, $0x38;
	[tilespmem:$0x10800] =	vst v63  }
0x27d: {  	_ = 	snop  }
0x27e: {  	[hbm4b:s31+s6] =	stream.strided.scatter [tilespmem:s13], [sflag:$0x5], $0x8000, s9, s6, $0x38;
	[tilespmem:$0x10800] =	vst v63  }
0x27f: {  	_ =	swait.ge [sflag:s7], $0x8000  }
0x280: {  	[sflag:s7] =	ssyncset.done $0x0  }
0x281: {  	[sflag:s7] =	ssyncadd.s32 $0xFFFF8000  }
0x282: {  	_ =	swait.ge [sflag:s14], $0x400  }
0x283: {  	[sflag:s14] =	ssyncset.done $0x0  }
0x284: {  	[sflag:s14] =	ssyncadd.s32 $0xFFFFFC00  }
0x285: {  	[tilespmem:s11], [sflag:$0x4] =	stream.indirect.gather [hbm4b:s3+s5], $0x20, s5, s5, $0xb8;
	[tilespmem:$0x10800] =	vst v63  }
0x286: {  	_ =	swait.ge [sflag:s12], $0x8000  }
0x287: {  	[sflag:s12] =	ssyncset.done $0x0  }
0x288: {  	s29 =	rddreg [dreg:$0xd];
	[sflag:s12] =	ssyncadd.s32 $0xFFFF8000  }
0x289: {  	[tilespmem:s5], [sflag:$0x2] =	stream.linear.gather [hbm4b:s29+s2], $0x400, $0x38;
	[tilespmem:$0x10800] =	vst v63  }
0x28a: {  	s31 =	rddreg [dreg:$0xe]  }
0x28b: {  	[hbm4b:s31+s6] =	stream.strided.scatter [tilespmem:s11], [sflag:$0x6], $0x8000, s9, s6, $0x38;
	[tilespmem:$0x10800] =	vst v63  }
0x28c: {  	_ =	swait.ge [sflag:s10], $0x8000  }
0x28d: {  	[sflag:s10] =	ssyncset.done $0x0  }
0x28e: {  	[sflag:s10] =	ssyncadd.s32 $0xFFFF8000  }
0x28f: {  	_ =	swait.ge [sflag:s16], $0x400  }
0x290: {  	[sflag:s16] =	ssyncset.done $0x0  }
0x291: {  	[sflag:s16] =	ssyncadd.s32 $0xFFFFFC00  }
0x292: {  	[tilespmem:s13], [sflag:$0x3] =	stream.indirect.gather [hbm4b:s3+s5], $0x20, s2, s5, $0xb8;
	[tilespmem:$0x10800] =	vst v63  }
0x293: {  	_ =	swait.ge [sflag:s15], $0x8000  }
0x294: {  	[sflag:s15] =	ssyncset.done $0x0  }
0x295: {  	s29 =	rddreg [dreg:$0xf];
	[sflag:s15] =	ssyncadd.s32 $0xFFFF8000  }
0x296: {  	[tilespmem:s2], [sflag:$0x1] =	stream.linear.gather [hbm4b:s29+s2], $0x400, $0x38;
	[tilespmem:$0x10800] =	vst v63  }
0x297: {  	s31 =	rddreg [dreg:$0x10]  }
0x298: {  	[hbm4b:s31+s6] =	stream.strided.scatter [tilespmem:s13], [sflag:$0x5], $0x8000, s9, s6, $0x38;
	[tilespmem:$0x10800] =	vst v63  }
0x299: {  	_ =	swait.ge [sflag:s7], $0x8000  }
0x29a: {  	[sflag:s7] =	ssyncset.done $0x0  }
0x29b: {  	[sflag:s7] =	ssyncadd.s32 $0xFFFF8000  }
0x29c: {  	_ =	swait.ge [sflag:s14], $0x400  }
0x29d: {  	[sflag:s14] =	ssyncset.done $0x0  }
0x29e: {  	[sflag:s14] =	ssyncadd.s32 $0xFFFFFC00  }
0x29f: {  	[tilespmem:s11], [sflag:$0x4] =	stream.indirect.gather [hbm4b:s3+s5], $0x20, s5, s5, $0xb8;
	[tilespmem:$0x10800] =	vst v63  }
0x2a0: {  	_ =	swait.ge [sflag:s12], $0x8000  }
0x2a1: {  	[sflag:s12] =	ssyncset.done $0x0  }
0x2a2: {  	s1 =	rddreg [dreg:$0x11];
	[sflag:s12] =	ssyncadd.s32 $0xFFFF8000  }
0x2a3: {  	[tilespmem:s5], [sflag:$0x2] =	stream.linear.gather [hbm4b:s1+s2], $0x400, $0x38;
	[tilespmem:$0x10800] =	vst v63  }
0x2a4: {  	s29 =	rddreg [dreg:$0x12]  }
0x2a5: {  	[hbm4b:s29+s6] =	stream.strided.scatter [tilespmem:s11], [sflag:$0x6], $0x8000, s9, s6, $0x38;
	[tilespmem:$0x10800] =	vst v63  }
0x2a6: {  	_ =	swait.ge [sflag:s10], $0x8000  }
0x2a7: {  	[sflag:s10] =	ssyncset.done $0x0  }
0x2a8: {  	[sflag:s10] =	ssyncadd.s32 $0xFFFF8000  }
0x2a9: {  	_ =	swait.ge [sflag:s16], $0x400  }
0x2aa: {  	[sflag:s16] =	ssyncset.done $0x0  }
0x2ab: {  	[sflag:s16] =	ssyncadd.s32 $0xFFFFFC00  }
0x2ac: {  	[tilespmem:s13], [sflag:$0x3] =	stream.indirect.gather [hbm4b:s3+s5], $0x20, s2, s5, $0xb8;
	[tilespmem:$0x10800] =	vst v63  }
0x2ad: {  	_ =	swait.ge [sflag:s15], $0x8000  }
0x2ae: {  	[sflag:s15] =	ssyncset.done $0x0  }
0x2af: {  	s31 =	rddreg [dreg:$0x13];
	[sflag:s15] =	ssyncadd.s32 $0xFFFF8000  }
0x2b0: {  	[tilespmem:s2], [sflag:$0x1] =	stream.linear.gather [hbm4b:s31+s2], $0x400, $0x38;
	[tilespmem:$0x10800] =	vst v63  }
0x2b1: {  	_ = 	snop  }
0x2b2: {  	[hbm4b:s30+s6] =	stream.strided.scatter [tilespmem:s13], [sflag:$0x5], $0x8000, s9, s6, $0x38;
	[tilespmem:$0x10800] =	vst v63  }
0x2b3: {  	_ =	swait.ge [sflag:s7], $0x8000  }
0x2b4: {  	[sflag:s7] =	ssyncset.done $0x0  }
0x2b5: {  	[sflag:s7] =	ssyncadd.s32 $0xFFFF8000  }
0x2b6: {  	_ =	swait.ge [sflag:s14], $0x400  }
0x2b7: {  	[sflag:s14] =	ssyncset.done $0x0  }
0x2b8: {  	[sflag:s14] =	ssyncadd.s32 $0xFFFFFC00  }
0x2b9: {  	[tilespmem:s11], [sflag:$0x4] =	stream.indirect.gather [hbm4b:s3+s5], $0x20, s5, s5, $0xb8;
	[tilespmem:$0x10800] =	vst v63  }
0x2ba: {  	_ =	swait.ge [sflag:s12], $0x8000  }
0x2bb: {  	[sflag:s12] =	ssyncset.done $0x0  }
0x2bc: {  	s1 =	rddreg [dreg:$0x14];
	[sflag:s12] =	ssyncadd.s32 $0xFFFF8000  }
0x2bd: {  	[tilespmem:s5], [sflag:$0x2] =	stream.linear.gather [hbm4b:s1+s2], $0x400, $0x38;
	[tilespmem:$0x10800] =	vst v63  }
0x2be: {  	s29 =	rddreg [dreg:$0x15]  }
0x2bf: {  	[hbm4b:s29+s6] =	stream.strided.scatter [tilespmem:s11], [sflag:$0x6], $0x8000, s9, s6, $0x38;
	[tilespmem:$0x10800] =	vst v63  }
0x2c0: {  	_ =	swait.ge [sflag:s10], $0x8000  }
0x2c1: {  	[sflag:s10] =	ssyncset.done $0x0  }
0x2c2: {  	[sflag:s10] =	ssyncadd.s32 $0xFFFF8000  }
0x2c3: {  	_ =	swait.ge [sflag:s16], $0x400  }
0x2c4: {  	[sflag:s16] =	ssyncset.done $0x0  }
0x2c5: {  	[sflag:s16] =	ssyncadd.s32 $0xFFFFFC00  }
0x2c6: {  	[tilespmem:s13], [sflag:$0x3] =	stream.indirect.gather [hbm4b:s3+s5], $0x20, s2, s5, $0xb8;
	[tilespmem:$0x10800] =	vst v63  }
0x2c7: {  	_ =	swait.ge [sflag:s15], $0x8000  }
0x2c8: {  	[sflag:s15] =	ssyncset.done $0x0  }
0x2c9: {  	s30 =	rddreg [dreg:$0x16];
	[sflag:s15] =	ssyncadd.s32 $0xFFFF8000  }
0x2ca: {  	[tilespmem:s2], [sflag:$0x1] =	stream.linear.gather [hbm4b:s30+s2], $0x400, $0x38;
	[tilespmem:$0x10800] =	vst v63  }
0x2cb: {  	s31 =	rddreg [dreg:$0x17]  }
0x2cc: {  	[hbm4b:s31+s6] =	stream.strided.scatter [tilespmem:s13], [sflag:$0x5], $0x8000, s9, s6, $0x38;
	[tilespmem:$0x10800] =	vst v63  }
0x2cd: {  	_ =	swait.ge [sflag:s7], $0x8000  }
0x2ce: {  	[sflag:s7] =	ssyncset.done $0x0  }
0x2cf: {  	[sflag:s7] =	ssyncadd.s32 $0xFFFF8000  }
0x2d0: {  	_ =	swait.ge [sflag:s14], $0x400  }
0x2d1: {  	[sflag:s14] =	ssyncset.done $0x0  }
0x2d2: {  	[sflag:s14] =	ssyncadd.s32 $0xFFFFFC00  }
0x2d3: {  	[tilespmem:s11], [sflag:$0x4] =	stream.indirect.gather [hbm4b:s3+s5], $0x20, s5, s5, $0xb8;
	[tilespmem:$0x10800] =	vst v63  }
0x2d4: {  	_ =	swait.ge [sflag:s12], $0x8000  }
0x2d5: {  	[sflag:s12] =	ssyncset.done $0x0  }
0x2d6: {  	s1 =	rddreg [dreg:$0x18];
	[sflag:s12] =	ssyncadd.s32 $0xFFFF8000  }
0x2d7: {  	[tilespmem:s5], [sflag:$0x2] =	stream.linear.gather [hbm4b:s1+s2], $0x400, $0x38;
	[tilespmem:$0x10800] =	vst v63  }
0x2d8: {  	s29 =	rddreg [dreg:$0x19]  }
0x2d9: {  	[hbm4b:s29+s6] =	stream.strided.scatter [tilespmem:s11], [sflag:$0x6], $0x8000, s9, s6, $0x38;
	[tilespmem:$0x10800] =	vst v63  }
0x2da: {  	_ =	swait.ge [sflag:s10], $0x8000  }
0x2db: {  	[sflag:s10] =	ssyncset.done $0x0  }
0x2dc: {  	[sflag:s10] =	ssyncadd.s32 $0xFFFF8000  }
0x2dd: {  	_ =	swait.ge [sflag:s16], $0x400  }
0x2de: {  	[sflag:s16] =	ssyncset.done $0x0  }
0x2df: {  	[sflag:s16] =	ssyncadd.s32 $0xFFFFFC00  }
0x2e0: {  	[tilespmem:s13], [sflag:$0x3] =	stream.indirect.gather [hbm4b:s3+s5], $0x20, s2, s5, $0xb8;
	[tilespmem:$0x10800] =	vst v63  }
0x2e1: {  	_ =	swait.ge [sflag:s15], $0x8000  }
0x2e2: {  	[sflag:s15] =	ssyncset.done $0x0  }
0x2e3: {  	s30 =	rddreg [dreg:$0x1a];
	[sflag:s15] =	ssyncadd.s32 $0xFFFF8000  }
0x2e4: {  	[tilespmem:s2], [sflag:$0x1] =	stream.linear.gather [hbm4b:s30+s2], $0x400, $0x38;
	[tilespmem:$0x10800] =	vst v63  }
0x2e5: {  	_ = 	snop  }
0x2e6: {  	[hbm4b:s28+s6] =	stream.strided.scatter [tilespmem:s13], [sflag:$0x5], $0x8000, s9, s6, $0x38;
	[tilespmem:$0x10800] =	vst v63  }
0x2e7: {  	_ =	swait.ge [sflag:s7], $0x8000  }
0x2e8: {  	[sflag:s7] =	ssyncset.done $0x0  }
0x2e9: {  	[sflag:s7] =	ssyncadd.s32 $0xFFFF8000  }
0x2ea: {  	_ =	swait.ge [sflag:s14], $0x400  }
0x2eb: {  	[sflag:s14] =	ssyncset.done $0x0  }
0x2ec: {  	[sflag:s14] =	ssyncadd.s32 $0xFFFFFC00  }
0x2ed: {  	[tilespmem:s11], [sflag:$0x4] =	stream.indirect.gather [hbm4b:s3+s5], $0x20, s5, s5, $0xb8;
	[tilespmem:$0x10800] =	vst v63  }
0x2ee: {  	_ =	swait.ge [sflag:s12], $0x8000  }
0x2ef: {  	[sflag:s12] =	ssyncset.done $0x0  }
0x2f0: {  	[sflag:s12] =	ssyncadd.s32 $0xFFFF8000  }
0x2f1: {  	[tilespmem:s5], [sflag:$0x2] =	stream.linear.gather [hbm4b:s25+s2], $0x400, $0x38;
	[tilespmem:$0x10800] =	vst v63  }
0x2f2: {  	_ = 	snop  }
0x2f3: {  	[hbm4b:s26+s6] =	stream.strided.scatter [tilespmem:s11], [sflag:$0x6], $0x8000, s9, s6, $0x38;
	[tilespmem:$0x10800] =	vst v63  }
0x2f4: {  	_ =	swait.ge [sflag:s10], $0x8000  }
0x2f5: {  	[sflag:s10] =	ssyncset.done $0x0  }
0x2f6: {  	[sflag:s10] =	ssyncadd.s32 $0xFFFF8000  }
0x2f7: {  	_ =	swait.ge [sflag:s16], $0x400  }
0x2f8: {  	[sflag:s16] =	ssyncset.done $0x0  }
0x2f9: {  	[sflag:s16] =	ssyncadd.s32 $0xFFFFFC00  }
0x2fa: {  	[tilespmem:s13], [sflag:$0x3] =	stream.indirect.gather [hbm4b:s3+s5], $0x20, s2, s5, $0xb8;
	[tilespmem:$0x10800] =	vst v63  }
0x2fb: {  	_ =	swait.ge [sflag:s15], $0x8000  }
0x2fc: {  	[sflag:s15] =	ssyncset.done $0x0  }
0x2fd: {  	[sflag:s15] =	ssyncadd.s32 $0xFFFF8000  }
0x2fe: {  	[tilespmem:s2], [sflag:$0x1] =	stream.linear.gather [hbm4b:s23+s2], $0x400, $0x38;
	[tilespmem:$0x10800] =	vst v63  }
0x2ff: {  	_ = 	snop  }
0x300: {  	[hbm4b:s24+s6] =	stream.strided.scatter [tilespmem:s13], [sflag:$0x5], $0x8000, s9, s6, $0x38;
	[tilespmem:$0x10800] =	vst v63  }
0x301: {  	_ =	swait.ge [sflag:s7], $0x8000  }
0x302: {  	[sflag:s7] =	ssyncset.done $0x0  }
0x303: {  	[sflag:s7] =	ssyncadd.s32 $0xFFFF8000  }
0x304: {  	_ =	swait.ge [sflag:s14], $0x400  }
0x305: {  	[sflag:s14] =	ssyncset.done $0x0  }
0x306: {  	[sflag:s14] =	ssyncadd.s32 $0xFFFFFC00  }
0x307: {  	[tilespmem:s11], [sflag:$0x4] =	stream.indirect.gather [hbm4b:s3+s5], $0x20, s5, s5, $0xb8;
	[tilespmem:$0x10800] =	vst v63  }
0x308: {  	_ =	swait.ge [sflag:s12], $0x8000  }
0x309: {  	[sflag:s12] =	ssyncset.done $0x0  }
0x30a: {  	[sflag:s12] =	ssyncadd.s32 $0xFFFF8000  }
0x30b: {  	[tilespmem:s5], [sflag:$0x2] =	stream.linear.gather [hbm4b:s21+s2], $0x400, $0x38;
	[tilespmem:$0x10800] =	vst v63  }
0x30c: {  	_ = 	snop  }
0x30d: {  	[hbm4b:s22+s6] =	stream.strided.scatter [tilespmem:s11], [sflag:$0x6], $0x8000, s9, s6, $0x38;
	[tilespmem:$0x10800] =	vst v63  }
0x30e: {  	_ =	swait.ge [sflag:s10], $0x8000  }
0x30f: {  	[sflag:s10] =	ssyncset.done $0x0  }
0x310: {  	[sflag:s10] =	ssyncadd.s32 $0xFFFF8000  }
0x311: {  	_ =	swait.ge [sflag:s16], $0x400  }
0x312: {  	[sflag:s16] =	ssyncset.done $0x0  }
0x313: {  	[sflag:s16] =	ssyncadd.s32 $0xFFFFFC00  }
0x314: {  	[tilespmem:s13], [sflag:$0x3] =	stream.indirect.gather [hbm4b:s3+s5], $0x20, s2, s5, $0xb8;
	[tilespmem:$0x10800] =	vst v63  }
0x315: {  	_ =	swait.ge [sflag:s15], $0x8000  }
0x316: {  	[sflag:s15] =	ssyncset.done $0x0  }
0x317: {  	[sflag:s15] =	ssyncadd.s32 $0xFFFF8000  }
0x318: {  	[tilespmem:s2], [sflag:$0x1] =	stream.linear.gather [hbm4b:s20+s2], $0x400, $0x38;
	[tilespmem:$0x10800] =	vst v63  }
0x319: {  	_ = 	snop  }
0x31a: {  	[hbm4b:s19+s6] =	stream.strided.scatter [tilespmem:s13], [sflag:$0x5], $0x8000, s9, s6, $0x38;
	[tilespmem:$0x10800] =	vst v63  }
0x31b: {  	_ =	swait.ge [sflag:s7], $0x8000  }
0x31c: {  	[sflag:s7] =	ssyncset.done $0x0  }
0x31d: {  	[sflag:s7] =	ssyncadd.s32 $0xFFFF8000  }
0x31e: {  	_ =	swait.ge [sflag:s14], $0x400  }
0x31f: {  	[sflag:s14] =	ssyncset.done $0x0  }
0x320: {  	[sflag:s14] =	ssyncadd.s32 $0xFFFFFC00  }
0x321: {  	[tilespmem:s11], [sflag:$0x4] =	stream.indirect.gather [hbm4b:s3+s5], $0x20, s5, s5, $0xb8;
	[tilespmem:$0x10800] =	vst v63  }
0x322: {  	_ =	swait.ge [sflag:s12], $0x8000  }
0x323: {  	[sflag:s12] =	ssyncset.done $0x0  }
0x324: {  	[sflag:s12] =	ssyncadd.s32 $0xFFFF8000  }
0x325: {  	[tilespmem:s5], [sflag:$0x2] =	stream.linear.gather [hbm4b:s17+s2], $0x400, $0x38;
	[tilespmem:$0x10800] =	vst v63  }
0x326: {  	_ = 	snop  }
0x327: {  	[hbm4b:s18+s6] =	stream.strided.scatter [tilespmem:s11], [sflag:$0x6], $0x8000, s9, s6, $0x38;
	[tilespmem:$0x10800] =	vst v63  }
0x328: {  	_ =	swait.ge [sflag:s10], $0x8000  }
0x329: {  	[sflag:s10] =	ssyncset.done $0x0  }
0x32a: {  	[sflag:s10] =	ssyncadd.s32 $0xFFFF8000  }
0x32b: {  	_ =	swait.ge [sflag:s16], $0x400  }
0x32c: {  	[sflag:s16] =	ssyncset.done $0x0  }
0x32d: {  	[sflag:s16] =	ssyncadd.s32 $0xFFFFFC00  }
0x32e: {  	[tilespmem:s13], [sflag:$0x3] =	stream.indirect.gather [hbm4b:s3+s5], $0x20, s2, s5, $0xb8;
	[tilespmem:$0x10800] =	vst v63  }
0x32f: {  	_ =	swait.ge [sflag:s15], $0x8000  }
0x330: {  	[sflag:s15] =	ssyncset.done $0x0  }
0x331: {  	[sflag:s15] =	ssyncadd.s32 $0xFFFF8000  }
0x332: {  	[hbm4b:s8+s6] =	stream.strided.scatter [tilespmem:s13], [sflag:$0x5], $0x8000, s9, s6, $0x38;
	[tilespmem:$0x10800] =	vst v63  }
0x333: {  	_ =	swait.ge [sflag:s7], $0x8000  }
0x334: {  	[sflag:s7] =	ssyncset.done $0x0  }
0x335: {  	[sflag:s7] =	ssyncadd.s32 $0xFFFF8000  }
0x336: {  	_ =	swait.ge [sflag:s14], $0x400  }
0x337: {  	[sflag:s14] =	ssyncset.done $0x0  }
0x338: {  	[sflag:s14] =	ssyncadd.s32 $0xFFFFFC00  }
0x339: {  	[tilespmem:s11], [sflag:$0x4] =	stream.indirect.gather [hbm4b:s3+s5], $0x20, s5, s5, $0xb8;
	[tilespmem:$0x10800] =	vst v63  }
0x33a: {  	_ =	swait.ge [sflag:s12], $0x8000  }
0x33b: {  	[sflag:s12] =	ssyncset.done $0x0  }
0x33c: {  	[sflag:s12] =	ssyncadd.s32 $0xFFFF8000  }
0x33d: {  	[hbm4b:s4+s6] =	stream.strided.scatter [tilespmem:s11], [sflag:$0x6], $0x8000, s9, s6, $0x38;
	[tilespmem:$0x10800] =	vst v63  }
0x33e: {  	_ =	swait.ge [sflag:s10], $0x8000  }
0x33f: {  	[sflag:s10] =	ssyncset.done $0x0  }
0x340: {  	[sflag:s10] =	ssyncadd.s32 $0xFFFF8000  }
0x341: {  	_ =	swait.ge [sflag:s7], $0x8000  }
0x342: {  	[sflag:s7] =	ssyncset.done $0x0  }
0x343: {  	[sflag:s7] =	ssyncadd.s32 $0xFFFF8000  }
0x344: {  	_ =	sfence.sel $0x180000  }
0x345: {  	[bflag:$0x0] =	sbarrier.arrive $0xFFFF  }
0x346: {  	_ =	strace $0x90000047  }
0x347: {  	s31 =	stileid.u32;
	[bflag:$0x2] =	sbarrier.arrive $0xFFFF  }
0x348: {  	p0 =	sne.s32 s31, $0x0;
	s0 =	rddreg [dreg:$0x2]  }
0x349: {  	s0 =	sadd.s32 @!p0 $0x100000, s0  }
0x34a: {  	[sflag:s0] =	ssyncadd.tile.s32 @!p0 $0x1;
	_ =	shalt  }
.LBB2_2:
.Ltmp3:
0x34b: {  	(pc) =	sbr.rel .LBB2_5-.Ltmp3, $2  }
0x34c: {  	_ =	sdelay $0x2  }
0x34d: {  	s29 =	rddreg [dreg:$0x1b]  }
.Lfunc_end2:
_tile_overlayer_lowered:
.L_overlay_start_2:
0x34e: {  	(tag) =	ssettag $0x2  }
0x34f: {  	s0 =	rddreg [dreg:$0x0];
	s2 =	stileid.u32  }
0x350: {  	s1 =	rddreg [dreg:$0x1];
	p0 =	sne.s32 s2, $0x0  }
0x351: {  	s3 =	rddreg [dreg:$0x2];
	[bflag:$0x3] =	sbarrier.arrive $0xFFFF;
	s2 =	simm.s32 @!p0 $0x1C07  }
0x352: {  	[timem:s3], [sflag:s2] =	dma.local @!p0 [hbm:s0], s1  }
0x353: {  	s0 =	simm.s32 @!p0 $0x7  }
0x354: {  	_ =	swait.ge @!p0 [sflag:s0], s1  }
0x355: {  	s1 =	ssub.s32 @!p0 $0x0, s1;
	[sflag:s0] =	ssyncset.done @!p0 $0x0  }
0x356: {  	[sflag:s0] =	ssyncadd.s32 @!p0 s1  }
0x357: {  	[bflag:$0x3] =	sbarrier.arrive $0xFFFF  }
0x358: {  	_ =	shalt  }

// kernel: sparse-core-data-format-call.cloned.1.call-start
scs
called_computation_lowered:
.L_overlay_start_0:
0x0: {  	s2 =	sld [smem:$0x3FD9]  }
0x1: {  	s3 =	sld [smem:$0x3FFE];
	_ =	sdelay $0x1  }
0x2: {  	s1 =	srdreg.scid  }
0x3: {  	s0 =	sand.u32 $0x1, s1  }
0x4: {  	s18 =	sshll.u32 s0, $0xA;
	s2 =	sadd.s32 s3, s2  }
0x5: {  	s2 =	sadd.s32 s2, s18  }
0x6: {  	[smem:$0x3FC6] =	sst s2  }
0x7: {  	_ = 	snop  }
0x8: {  	s2 =	sld [smem:$0x3FD0];
	(tm) =	ssettm $0x1  }
0x9: {  	s19 =	sld [smem:$0x3FFB];
	_ =	sdelay $0x3  }
0xa: {  	_ =	strace s19  }
0xb: {  	s3 =	sld [smem:$0x3FFC];
	_ =	sdelay $0x3  }
0xc: {  	_ =	strace s3  }
0xd: {  	s3 =	sld [smem:$0x3FFD];
	_ =	sdelay $0x3  }
0xe: {  	_ =	strace s3  }
0xf: {  	_ =	strace $0x8FFFFFFF  }
0x10: {  	s20 =	sld [smem:$0x3FDB];
	_ =	sdelay $0x1  }
0x11: {  	s4 =	simm.s32 $_scs_section_size  }
0x12: {  	s5 =	simm.s32 $_size__tile_overlayer_lowered;
	s6 =	simm.s32 $_tile_overlayer_lowered  }
0x13: {  	s23 =	simm.s32 $0x1BFF;
	s22 =	sshll.u32 s6, $0x1;
	s3 =	sadd.s32 s4, s20  }
0x14: {  	s7 =	simm.s32 $0x0;
	s21 =	sshll.u32 s5, $0x1;
	s5 =	sadd.s32 s22, s3  }
0x15: {  	[timem:s7], [sflag:s23] =	dma.local [hbm:s5], s21  }
0x16: {  	_ =	swait.ge [sflag:s23], s21  }
0x17: {  	s4 =	ssub.s32 $0x0, s21;
	[sflag:s23] =	ssyncset.done $0x0  }
0x18: {  	[sflag:s23] =	ssyncadd.s32 s4;
	_ =	sdelay $0x1  }
0x19: {  	s24 =	simm.s32 $0x1B8B  }
0x1a: {  	_ =	swait.ge [sflag:s24], $0x1  }
0x1b: {  	[sflag:s24] =	ssyncset.done $0x0  }
0x1c: {  	s26 =	simm.s32 $0x1B8E;
	s25 =	sld [smem:$0x3FFE];
	[sflag:s24] =	ssyncadd.s32 $0xFFFFFFFF  }
0x1d: {  	s27 =	simm.s32 $execute0_lowered;
	[smem:$0x3FD2] =	sst s26  }
0x1e: {  	s5 =	sshll.u32 s27, $0x1;
	_ =	strace $0x80000049;
	[dreg:$0x1] =	wrdreg $0xFFFFFFFF  }
0x1f: {  	s28 =	simm.s32 $_size_execute0_lowered;
	s3 =	sadd.s32 s3, s5;
	[dreg:$0x0] =	wrdreg $0x0  }
0x20: {  	s5 =	sshll.u32 s28, $0x1;
	[dreg:$0x2] =	wrdreg s3  }
0x21: {  	[dreg:$0x3] =	wrdreg s5  }
0x22: {  	[dreg:$0x4] =	wrdreg $0xC0  }
0x23: {  	_ =	task [dreg:s7], $0x5FFFF  }
0x24: {  	[dreg:$0x1] =	wrdreg $0xFFFFFFFF  }
0x25: {  	[dreg:$0x0] =	wrdreg $0x60  }
0x26: {  	[dreg:$0x2] =	wrdreg s25  }
0x27: {  	[dreg:$0x3] =	wrdreg s2  }
0x28: {  	[dreg:$0x4] =	wrdreg $0x9  }
0x29: {  	_ =	task.clear_ibuf [dreg:s7], $0x5FFFF;
	_ =	strace $0x90000049  }
0x2a: {  	s29 =	simm.s32 $0x9;
	_ =	strace $0x8000004B  }
0x2b: {  	_ =	swait.ge [sflag:s29], $0x1  }
0x2c: {  	[sflag:s29] =	ssyncadd.s32 $0xFFFFFFFF  }
0x2d: {  	_ =	strace $0x9000004B  }
0x2e: {  	_ =	sfence  }
0x2f: {  	s30 =	sld [smem:$0x0];
	_ =	sdelay $0x2  }
0x30: {  	s31 =	sshll.u32 s1, $0xD;
	s1 =	sshrl.u32 s1, $0x2  }
0x31: {  	s3 =	sand.u32 $0x4000, s31;
	s1 =	sadd.s32 s1, s30  }
0x32: {  	s0 =	sor.u32 s3, s0;
	s1 =	sshll.u32 s1, $0x11  }
0x33: {  	s0 =	sor.u32 s1, s0  }
0x34: {  	s0 =	sadd.s32 $0x8F2B, s0  }
0x35: {  	[sflag:s0] =	ssyncadd.remote.s32 $0x1  }
0x36: {  	_ =	sfence.sel $0xFFFF  }
0x37: {  	[dreg:$0x0] =	wrdreg $0xFFFFFFFF;
	(pc) =	sbr.abs _section_cstart, $3  }
0x38: {  	[dreg:$0x1] =	wrdreg $0xFFFFFFFF  }
0x39: {  	_ =	task.clear_ibuf [dreg:s7], $0x2FFFF;
	_ =	strace $0x9FFFFFFF  }
0x3a: {  	(tm) =	ssettm $0x7FFFFFFF  }
0x3b: {  	_ =	shalt  }
tec
execute0_lowered:
.L_overlay_start_1:
0x0: {  	(tag) =	ssettag $0x1  }
0x1: {  	s0 =	srdreg.scid  }
0x2: {  	s1 =	sshll.u32 s0, $0x4  }
0x3: {  	s6 =	rddreg [dreg:$0x0];
	s0 =	stileid.u32;
	s1 =	sand.u32 $0x10, s1  }
0x4: {  	s3 =	rddreg [dreg:$0x1];
	s1 =	sor.u32 s0, s1  }
0x5: {  	s5 =	simm.s32 $0x1;
	s31 =	simm.s32 $0x2;
	s2 =	sshll.u32 s1, $0x7  }
0x6: {  	s13 =	simm.s32 $0x0;
	s8 =	simm.s32 $0x8000;
	s4 =	ssub.s32 $0x1000, s2  }
0x7: {  	s15 =	simm.s32 $0x0;
	s14 =	simm.s32 $0x0;
	s30 =	sand.u32 $0xF80, s4  }
0x8: {  	s9 =	simm.s32 $0x0;
	s10 =	simm.s32 $0x0;
	p0 =	sne.s32 s30, $0x0  }
.Ltmp0:
0x9: {  	s7 =	sshrl.u32 s4, $0xC;
	s5 =	simm.s32 @!p0 $0x0;
	(pc) =	sbr.rel .LBB1_1-.Ltmp0, $4  }
0xa: {  	s12 =	simm.s32 $0x0;
	s1 =	rddreg [dreg:$0x2];
	s5 =	sadd.s32 s5, s7  }
0xb: {  	_ =	strace $0x8000004A;
	s4 =	simm.s32 $0x1;
	s5 =	smul.u32 $0xA0, s5  }
0xc: {  	s6 =	sadd.s32 $0xA00, s6;
	s11 =	smov.u32 s2;
	[sflag:s4] =	ssyncpa.u1 $0x0  }
0xd: {  	[sflag:s31] =	ssyncpa.u1 $0x0;
	p0 =	por $0x0, $0x0;
	s7 =	sor.u32 $0x1, s5  }
.LBB1_4:
0xe: {  	s18 =	sshll.u32 s14, $0x3  }
0xf: {  	s19 =	sand.u32 $0x78, s14;
	s20 =	sand.u32 $0x3E00, s14;
	s15 =	sshll.u32 s15, $0x11  }
0x10: {  	s13 =	sshll.u32 s13, $0xE;
	s18 =	sand.u32 $0xC00, s18;
	s30 =	sadd.s32 s3, s20  }
0x11: {  	s31 =	sand.u32 $0x7, s14;
	s18 =	sor.u32 s19, s18;
	s15 =	sadd.s32 s15, s30  }
0x12: {  	s14 =	sshll.u32 s31, $0x12;
	s18 =	sshrl.u32 s18, $0x3;
	s13 =	sadd.s32 s13, s15  }
0x13: {  	[tilespmem:s17+$0x0 ss:$0x81] =	vst.msk $0xffff, v0;
	s14 =	sor.u32 $0x400, s14;
	s13 =	sadd.s32 s18, s13  }
0x14: {  	[hbm4b:s13+s14] =	stream.strided.scatter [tilespmem:s16], [sflag:$0x2], $0x1000, s8, s14, $0x20;
	[tilespmem:$0x4040] =	vst v63  }
.LBB1_5:
0x15: {  	s16 =	sadd.s32 $0x1, s9  }
0x16: {  	s13 =	simm.s32 $0x1;
	p2 =	sgt.s32 s16, $0x7  }
0x17: {  	s13 =	simm.s32 @!p2 $0x0  }
0x18: {  	s17 =	sadd.s32 s13, s10  }
0x19: {  	s19 =	smov.u32 s11;
	s13 =	sadd.s32 $0x1000, s11;
	p3 =	sgt.s32 s17, $0x13  }
0x1a: {  	s19 =	smov.u32 @p3 s13  }
0x1b: {  	p1 =	slt.u32 s12, $0x2;
	s16 =	simm.s32 @p2 $0x0;
	p2 =	sgt.s32 s19, $0xFFF  }
0x1c: {  	s18 =	simm.s32 @!p1 $0x2;
	s19 =	smov.u32 @p2 s2;
	p2 =	sne.s32 s12, s7  }
.Ltmp1:
0x1d: {  	_ =	swait.ge @!p1 [sflag:s18], $0x1000;
	(pc) =	sbr.rel @!p2 .LBB1_6-.Ltmp1, $4  }
0x1e: {  	s15 =	smov.u32 s10;
	[sflag:s18] =	ssyncset.done @!p1 $0x0  }
0x1f: {  	s14 =	smov.u32 s11;
	p0 =	por !p0, !p0;
	[sflag:s18] =	ssyncadd.s32 @!p1 $0xFFFFF000  }
0x20: {  	s17 =	simm.s32 @p3 $0x0;
	s13 =	smov.u32 s9;
	s9 =	smov.u32 s16  }
0x21: {  	s10 =	smov.u32 s17;
	s12 =	sadd.s32 $0x1, s12;
	s11 =	smov.u32 s19  }
.LBB1_1:
0x22: {  	p1 =	sge.u32 s12, s5  }
0x23: {  	s17 =	smul.u32 @!p1 $0xA00, s11  }
0x24: {  	s31 =	sadd.s32 $0xFFFFFFFF, s12;
	s16 =	sxor.u32 @!p1 $0xFFFFFFFF, s12;
	s18 =	sshll.u32 @!p1 s10, $0x7  }
0x25: {  	s19 =	sshll.u32 @!p1 s9, $0x4;
	s16 =	sshll.u32 @!p1 s16, $0xC;
	s17 =	sadd.s32 @!p1 s6, s17  }
0x26: {  	s19 =	sand.u32 @!p1 $0x70, s19;
	s16 =	sand.u32 @!p1 $0x1000, s16;
	s17 =	sadd.s32 @!p1 s18, s17  }
0x27: {  	s18 =	simm.s32 @!p1 $0x20;
	s17 =	sadd.s32 @!p1 s19, s17;
	s19 =	simm.s32 @!p1 $0x5000  }
0x28: {  	[tilespmem:s16], [sflag:$0x1] =	stream.strided.gather @!p1 [hbm4b:s17+s18], $0x1000, s19, s18, $0x38;
	[tilespmem:$0x4040] =	vst v63  }
0x29: {  	p1 =	sge.u32 s31, s5  }
.Ltmp2:
0x2a: {  	_ = 	snop;
	(pc) =	sbr.rel @p1 .LBB1_5-.Ltmp2, $1  }
0x2b: {  	_ =	sdelay $0x3  }
0x2c: {  	s16 =	simm.s32 $0x1  }
0x2d: {  	_ =	swait.ge [sflag:s4], $0x1000;
	s16 =	simm.s32 @!p0 $0x0  }
0x2e: {  	[sflag:s4] =	ssyncset.done $0x0;
	s17 =	sshll.u32 s16, $0xC  }
0x2f: {  	[sflag:s4] =	ssyncadd.s32 $0xFFFFF000;
	s20 =	sor.u32 $0x10, s17  }
0x30: {  	s16 =	smul.u32 $0x4080, s16;
	v1 =	vld [tilespmem:s20+$0x0]  }
0x31: {  	s30 =	sand.u32 $0x1, s12;
	v0 =	vld [tilespmem:s20+$0xFFFFFFF0]  }
0x32: {  	s17 =	smul.u32 $0x4080, s30;
	s16 =	sshrl.u32 s16, $0x2  }
0x33: {  	s18 =	sor.u32 $0x2000, s16  }
0x34: {  	s31 =	sshrl.u32 s17, $0x2;
	s17 =	sadd.s32 $0x0, s18  }
0x35: {  	s19 =	simm.s32 $0x4;
	s20 =	sadd.s32 $0x20, s20;
	s16 =	sor.u32 $0x2000, s31;
	[tilespmem:s17+$0x810 ss:$0x81] =	vst.msk $0xffff, v1  }
.LBB1_3:
0x36: {  	v1 =	vld [tilespmem:s20+$0x0];
	p1 =	sne.s32 s19, $0x1FC;
	[tilespmem:s17+$0x0 ss:$0x81] =	vst.msk $0xffff, v0;
	s17 =	smov.u32 s19;
	s19 =	sadd.s32 $0x4, s19  }
.Ltmp3:
0x37: {  	v0 =	vld [tilespmem:s20+$0xFFFFFFF0];
	(pc) =	sbr.rel @p1 .LBB1_3-.Ltmp3, $4  }
0x38: {  	_ = 	snop  }
0x39: {  	s17 =	sshra.s32 s17, $0x2  }
0x3a: {  	s17 =	sadd.s32 s17, s18  }
0x3b: {  	s20 =	sadd.s32 $0x20, s20;
	[tilespmem:s17+$0x810 ss:$0x81] =	vst.msk $0xffff, v1  }
.Ltmp4:
0x3c: {  	_ = 	snop;
	(pc) =	sbr.rel .LBB1_4-.Ltmp4, $1  }
0x3d: {  	_ =	sdelay $0x3  }
.LBB1_6:
0x3e: {  	_ =	sfence.sel $0x180000  }
0x3f: {  	s2 =	simm.s32 $0x1;
	[bflag:$0x0] =	sbarrier.arrive $0xFFFF  }
0x40: {  	s31 =	simm.s32 $0x2;
	[sflag:s2] =	ssyncpa.u1 $0x1  }
0x41: {  	[sflag:s31] =	ssyncpa.u1 $0x1  }
0x42: {  	p0 =	sne.s32 s0, $0x0;
	_ =	strace $0x9000004A  }
0x43: {  	s0 =	sadd.s32 @!p0 $0x100000, s1;
	[bflag:$0x2] =	sbarrier.arrive $0xFFFF  }
0x44: {  	[sflag:s0] =	ssyncadd.tile.s32 @!p0 $0x1;
	_ =	shalt  }
.Lfunc_end1:
_tile_overlayer_lowered:
.L_overlay_start_2:
0x45: {  	(tag) =	ssettag $0x2  }
0x46: {  	s0 =	rddreg [dreg:$0x0];
	s2 =	stileid.u32  }
0x47: {  	s1 =	rddreg [dreg:$0x1];
	p0 =	sne.s32 s2, $0x0  }
0x48: {  	s3 =	rddreg [dreg:$0x2];
	[bflag:$0x3] =	sbarrier.arrive $0xFFFF;
	s2 =	simm.s32 @!p0 $0x1C01  }
0x49: {  	[timem:s3], [sflag:s2] =	dma.local @!p0 [hbm:s0], s1  }
0x4a: {  	s0 =	simm.s32 @!p0 $0x1  }
0x4b: {  	_ =	swait.ge @!p0 [sflag:s0], s1  }
0x4c: {  	s1 =	ssub.s32 @!p0 $0x0, s1;
	[sflag:s0] =	ssyncset.done @!p0 $0x0  }
0x4d: {  	[sflag:s0] =	ssyncadd.s32 @!p0 s1  }
0x4e: {  	[bflag:$0x3] =	sbarrier.arrive $0xFFFF  }
0x4f: {  	_ =	shalt  }

</sc_bundles>
